<compile_context>
chip_gen: v7x
topology: tpu7x:2x2x1
jax: 0.10.2.dev20260603
libtpu: 0.0.44.dev20260713+nightly
codegen_flags: <defaults>
</compile_context>

<pallas_src>
import functools

import jax
import jax.numpy as jnp
from jax import lax
from jax.experimental import pallas as pl
from jax.experimental.pallas import tpu as pltpu
from jax.experimental.pallas import tpu_sc as plsc

_LANES = 16
_CHUNK = 400
_GROUPS = _CHUNK // _LANES


def _make_kernel(n_edges, n_rel, n_pairs, nc, ns):
    nw = nc * ns
    per_w = n_edges // nw
    n_chunks = per_w // _CHUNK
    n_iters = (n_chunks - 1) // 2
    mesh = plsc.VectorSubcoreMesh(core_axis_name="c", subcore_axis_name="s")

    @functools.partial(
        pl.kernel,
        out_type=jax.ShapeDtypeStruct((n_edges,), jnp.float32),
        mesh=mesh,
        compiler_params=pltpu.CompilerParams(
            needs_layout_passes=False, use_tc_tiling_on_sc=False),
        scratch_types=[
            pltpu.VMEM((_CHUNK,), jnp.int32),
            pltpu.VMEM((_CHUNK,), jnp.int32),
            pltpu.VMEM((_CHUNK,), jnp.int32),
            pltpu.VMEM((_CHUNK,), jnp.int32),
            pltpu.VMEM((_CHUNK,), jnp.int32),
            pltpu.VMEM((_CHUNK,), jnp.int32),
            pltpu.VMEM((_CHUNK, n_pairs), jnp.int32),
            pltpu.VMEM((_CHUNK, n_pairs), jnp.int32),
            pltpu.VMEM((_CHUNK, n_pairs), jnp.int32),
            pltpu.VMEM((_CHUNK, n_pairs), jnp.int32),
            pltpu.VMEM((n_rel, n_pairs), jnp.int32),
            pltpu.VMEM((_CHUNK,), jnp.float32),
            pltpu.VMEM((_CHUNK,), jnp.float32),
            pltpu.SemaphoreType.DMA,
            pltpu.SemaphoreType.DMA,
            pltpu.SemaphoreType.DMA,
            pltpu.SemaphoreType.DMA,
            pltpu.SemaphoreType.DMA,
            pltpu.SemaphoreType.DMA,
            pltpu.SemaphoreType.DMA,
            pltpu.SemaphoreType.DMA,
        ],
    )
    def scores_kernel(heads, tails, types, table, rel, out,
                      hidx0, hidx1, tidx0, tidx1, ty0, ty1,
                      hrows0, hrows1, trows0, trows1, rel_v,
                      out0, out1,
                      sem_i0, sem_i1, sem_t0, sem_t1,
                      sem_r0, sem_r1, sem_o0, sem_o1):
        hidx = (hidx0, hidx1)
        tidx = (tidx0, tidx1)
        ty = (ty0, ty1)
        hrows = (hrows0, hrows1)
        trows = (trows0, trows1)
        outb = (out0, out1)
        sem_i = (sem_i0, sem_i1)
        sem_t = (sem_t0, sem_t1)
        sem_r = (sem_r0, sem_r1)
        sem_o = (sem_o0, sem_o1)

        wid = lax.axis_index("s") * nc + lax.axis_index("c")
        base0 = wid * per_w

        def stage_idx(p, ci):
            base = base0 + ci * _CHUNK
            pltpu.async_copy(heads.at[pl.ds(base, _CHUNK)], hidx[p], sem_i[p])
            pltpu.async_copy(tails.at[pl.ds(base, _CHUNK)], tidx[p], sem_i[p])

        def wait_idx(p):
            pltpu.make_async_copy(
                heads.at[pl.ds(0, _CHUNK)], hidx[p], sem_i[p]).wait()
            pltpu.make_async_copy(
                tails.at[pl.ds(0, _CHUNK)], tidx[p], sem_i[p]).wait()

        def stage_ty(p, ci):
            base = base0 + ci * _CHUNK
            pltpu.async_copy(types.at[pl.ds(base, _CHUNK)], ty[p], sem_t[p])

        def wait_ty(p):
            pltpu.make_async_copy(
                types.at[pl.ds(0, _CHUNK)], ty[p], sem_t[p]).wait()

        def stage_rows(p):
            pltpu.async_copy(table.at[hidx[p]], hrows[p], sem_r[p])
            pltpu.async_copy(table.at[tidx[p]], trows[p], sem_r[p])

        def wait_rows(p):
            pltpu.make_async_copy(
                table.at[hidx[p]], hrows[p], sem_r[p]).wait()
            pltpu.make_async_copy(
                table.at[tidx[p]], trows[p], sem_r[p]).wait()

        def store_out(p, ci):
            base = base0 + ci * _CHUNK
            pltpu.async_copy(outb[p], out.at[pl.ds(base, _CHUNK)], sem_o[p])

        def wait_out(p):
            pltpu.make_async_copy(
                outb[p], out.at[pl.ds(0, _CHUNK)], sem_o[p]).wait()

        def compute(p):
            def group_body(g, _):
                eid = lax.iota(jnp.int32, _LANES) + g * _LANES
                tyv = ty[p][pl.ds(g * _LANES, _LANES)]
                cidx = jnp.zeros((_LANES,), jnp.int32)
                accs = [jnp.zeros((_LANES,), jnp.float32) for _ in range(4)]
                for cp in range(n_pairs):
                    hw = plsc.load_gather(hrows[p], [eid, cidx])
                    tw = plsc.load_gather(trows[p], [eid, cidx])
                    rw = plsc.load_gather(rel_v, [tyv, cidx])
                    hb = plsc.bitcast(hw, jnp.bfloat16)
                    tb = plsc.bitcast(tw, jnp.bfloat16)
                    rb = plsc.bitcast(rw, jnp.bfloat16)
                    prod = hb * tb * rb
                    p0, p1 = plsc.unpack(
                        prod, format=plsc.PackFormat.INTERLEAVED)
                    j = 2 * (cp % 2)
                    accs[j] = accs[j] + p0
                    accs[j + 1] = accs[j + 1] + p1
                    cidx = cidx + 1
                outb[p][pl.ds(g * _LANES, _LANES)] = (
                    (accs[0] + accs[1]) + (accs[2] + accs[3]))
                return 0

            lax.fori_loop(0, _GROUPS, group_body, 0)

        pltpu.sync_copy(rel, rel_v)
        stage_idx(0, 0)
        stage_ty(0, 0)
        stage_idx(1, 1)
        stage_ty(1, 1)
        wait_idx(0)
        stage_rows(0)

        def pair_body(i2, _):
            a = 2 * i2

            wait_idx(1)
            stage_rows(1)
            wait_rows(0)
            stage_idx(0, a + 2)

            @pl.when(a >= 2)
            def _():
                wait_out(0)
            wait_ty(0)
            compute(0)
            store_out(0, a)
            stage_ty(0, a + 2)

            wait_idx(0)
            stage_rows(0)
            wait_rows(1)

            @pl.when(a + 3 <= n_chunks - 1)
            def _():
                stage_idx(1, a + 3)

            @pl.when(a + 1 >= 2)
            def _():
                wait_out(1)
            wait_ty(1)
            compute(1)
            store_out(1, a + 1)

            @pl.when(a + 3 <= n_chunks - 1)
            def _():
                stage_ty(1, a + 3)

            return 0

        lax.fori_loop(0, n_iters, pair_body, 0)

        wait_rows(0)
        wait_out(0)
        wait_ty(0)
        compute(0)
        store_out(0, n_chunks - 1)
        wait_out(0)
        wait_out(1)

    return scores_kernel


def kernel(edge_index, edge_type, initializations, rel_weights):
    n_edges = edge_index.shape[1]
    n_rel, n_ch = rel_weights.shape
    n_pairs = n_ch // 2
    table_p = lax.bitcast_convert_type(
        initializations.astype(jnp.bfloat16).reshape(-1, n_pairs, 2),
        jnp.int32)
    rel_p = lax.bitcast_convert_type(
        rel_weights.astype(jnp.bfloat16).reshape(n_rel, n_pairs, 2),
        jnp.int32)
    info = plsc.get_sparse_core_info()
    k = _make_kernel(n_edges, n_rel, n_pairs, info.num_cores,
                     info.num_subcores)
    return k(edge_index[0], edge_index[1], edge_type, table_p, rel_p)

# --- scband reference (transcript-rebuilt; emitter-appended) ---
"""Pipeline reference for scband-generic-model-61804579390074 (READ-ONLY COPY).

The authoritative reference and input builder live on the scoring server;
editing this copy changes nothing except your own understanding.
"""

import jax, jax.numpy as jnp
import numpy as np

N_NODES = 10000
N_REL = 237
N_CH = 128
N_EDGES = 320000


def setup_inputs(seed: int = 0) -> dict:
    key = jax.random.key(seed)
    k1, k2, k3, k4 = jax.random.split(key, 4)
    edge_index = jax.random.randint(k1, (2, N_EDGES), 0, N_NODES, dtype=jnp.int32)
    edge_type = jax.random.randint(k2, (N_EDGES,), 0, N_REL, dtype=jnp.int32)
    # GenericModel.initializations: jax.nn.initializers.normal() -> stddev 1e-2
    initializations = jax.random.normal(k3, (N_NODES, N_CH), dtype=jnp.float32) * 0.01
    # DistMult decoder relation weights [n_relations, n_channels]
    rel_weights = jax.random.normal(k4, (N_REL, N_CH), dtype=jnp.float32) * 0.01
    return {
        "edge_index": edge_index,
        "edge_type": edge_type,
        "initializations": initializations,
        "rel_weights": rel_weights,
    }


def reference(edge_index, edge_type, initializations, rel_weights):
    # GenericModel.__call__: self.decoder(self.initializations, edge_index, edge_type)
    # DistMult decoder: score(h, r, t) = sum_c h_c * r_c * t_c
    heads = jnp.take(initializations, edge_index[0], axis=0)   # [E, C] gather
    tails = jnp.take(initializations, edge_index[1], axis=0)   # [E, C] gather
    rels = jnp.take(rel_weights, edge_type, axis=0)            # [E, C] gather
    scores = jnp.sum(heads * rels * tails, axis=-1)            # [E]
    return scores

if __name__ == "__main__":
    import jax
    _d = setup_inputs()
    print(jax.jit(kernel)(*tuple(_d.values())))

</pallas_src>

<mosaic_0001>
#map = affine_map<(d0, d1) -> (0)>
#map1 = affine_map<(d0, d1) -> (0, 0)>
module attributes {stable_mosaic.version = 14 : i64} {
  func.func @scores_kernel(%arg0: i32, %arg1: i32, %arg2: memref<320000xi32, #tpu.memory_space<hbm>>, %arg3: memref<320000xi32, #tpu.memory_space<hbm>>, %arg4: memref<320000xi32, #tpu.memory_space<hbm>>, %arg5: memref<10000x64xi32, #tpu.memory_space<hbm>>, %arg6: memref<237x64xi32, #tpu.memory_space<hbm>>, %arg7: memref<320000xf32, #tpu.memory_space<hbm>>, %arg8: memref<400xi32, #tpu.memory_space<vmem>>, %arg9: memref<400xi32, #tpu.memory_space<vmem>>, %arg10: memref<400xi32, #tpu.memory_space<vmem>>, %arg11: memref<400xi32, #tpu.memory_space<vmem>>, %arg12: memref<400xi32, #tpu.memory_space<vmem>>, %arg13: memref<400xi32, #tpu.memory_space<vmem>>, %arg14: memref<400x64xi32, #tpu.memory_space<vmem>>, %arg15: memref<400x64xi32, #tpu.memory_space<vmem>>, %arg16: memref<400x64xi32, #tpu.memory_space<vmem>>, %arg17: memref<400x64xi32, #tpu.memory_space<vmem>>, %arg18: memref<237x64xi32, #tpu.memory_space<vmem>>, %arg19: memref<400xf32, #tpu.memory_space<vmem>>, %arg20: memref<400xf32, #tpu.memory_space<vmem>>, %arg21: memref<!tpu.dma_semaphore, #tpu.memory_space<semaphore_mem>>, %arg22: memref<!tpu.dma_semaphore, #tpu.memory_space<semaphore_mem>>, %arg23: memref<!tpu.dma_semaphore, #tpu.memory_space<semaphore_mem>>, %arg24: memref<!tpu.dma_semaphore, #tpu.memory_space<semaphore_mem>>, %arg25: memref<!tpu.dma_semaphore, #tpu.memory_space<semaphore_mem>>, %arg26: memref<!tpu.dma_semaphore, #tpu.memory_space<semaphore_mem>>, %arg27: memref<!tpu.dma_semaphore, #tpu.memory_space<semaphore_mem>>, %arg28: memref<!tpu.dma_semaphore, #tpu.memory_space<semaphore_mem>>) attributes {dimension_semantics = [#tpu.dimension_semantics<core_parallel>, #tpu.dimension_semantics<subcore_parallel>], iteration_bounds = array<i64: 2, 16>, scalar_prefetch = 0 : i64, scratch_operands = 21 : i64, tpu.core_type = #tpu.core_type<sc_vector_subcore>, window_params = [{transform_indices = #map}, {transform_indices = #map}, {transform_indices = #map}, {transform_indices = #map1}, {transform_indices = #map1}, {transform_indices = #map}]} {
    %mul3A = arith.constant 2 : i32
    %mul3A_0 = arith.muli %arg1, %mul3A : i32
    %add3A = arith.addi %mul3A_0, %arg0 : i32
    %mul3A_1 = arith.constant 10000 : i32
    %mul3A_2 = arith.muli %add3A, %mul3A_1 : i32
    "tpu.region"() ({
      %run_scoped3A = tpu.sem_alloc : memref<!tpu.dma_semaphore, #tpu.memory_space<semaphore_mem>>
      tpu.enqueue_dma source(%arg6 : memref<237x64xi32, #tpu.memory_space<hbm>>) target(%arg18 : memref<237x64xi32, #tpu.memory_space<vmem>>) target_semaphore(%run_scoped3A : memref<!tpu.dma_semaphore, #tpu.memory_space<semaphore_mem>>)
      tpu.wait_dma2 semaphore(%run_scoped3A : memref<!tpu.dma_semaphore, #tpu.memory_space<semaphore_mem>>) src(%arg6 : memref<237x64xi32, #tpu.memory_space<hbm>>) dst(%arg18 : memref<237x64xi32, #tpu.memory_space<vmem>>)
      tpu.yield
    }) : () -> ()
    %add3A_3 = arith.constant 0 : i32
    %add3A_4 = arith.addi %mul3A_2, %add3A_3 : i32
    %dma_start3A = tpu.memref_slice %arg2[%add3A_4] : memref<320000xi32, #tpu.memory_space<hbm>> -> memref<400xi32, #tpu.memory_space<hbm>>
    %dma_start3A_5 = tpu.memref_slice %arg2[%add3A_4] : memref<320000xi32, #tpu.memory_space<hbm>> -> memref<400xi32, #tpu.memory_space<hbm>>
    tpu.enqueue_dma source(%dma_start3A_5 : memref<400xi32, #tpu.memory_space<hbm>>) target(%arg8 : memref<400xi32, #tpu.memory_space<vmem>>) target_semaphore(%arg21 : memref<!tpu.dma_semaphore, #tpu.memory_space<semaphore_mem>>)
    %dma_start3A_6 = tpu.memref_slice %arg3[%add3A_4] : memref<320000xi32, #tpu.memory_space<hbm>> -> memref<400xi32, #tpu.memory_space<hbm>>
    %dma_start3A_7 = tpu.memref_slice %arg3[%add3A_4] : memref<320000xi32, #tpu.memory_space<hbm>> -> memref<400xi32, #tpu.memory_space<hbm>>
    tpu.enqueue_dma source(%dma_start3A_7 : memref<400xi32, #tpu.memory_space<hbm>>) target(%arg10 : memref<400xi32, #tpu.memory_space<vmem>>) target_semaphore(%arg21 : memref<!tpu.dma_semaphore, #tpu.memory_space<semaphore_mem>>)
    %add3A_8 = arith.constant 0 : i32
    %add3A_9 = arith.addi %mul3A_2, %add3A_8 : i32
    %dma_start3A_10 = tpu.memref_slice %arg4[%add3A_9] : memref<320000xi32, #tpu.memory_space<hbm>> -> memref<400xi32, #tpu.memory_space<hbm>>
    %dma_start3A_11 = tpu.memref_slice %arg4[%add3A_9] : memref<320000xi32, #tpu.memory_space<hbm>> -> memref<400xi32, #tpu.memory_space<hbm>>
    tpu.enqueue_dma source(%dma_start3A_11 : memref<400xi32, #tpu.memory_space<hbm>>) target(%arg12 : memref<400xi32, #tpu.memory_space<vmem>>) target_semaphore(%arg23 : memref<!tpu.dma_semaphore, #tpu.memory_space<semaphore_mem>>)
    %add3A_12 = arith.constant 400 : i32
    %add3A_13 = arith.addi %mul3A_2, %add3A_12 : i32
    %dma_start3A_14 = tpu.memref_slice %arg2[%add3A_13] : memref<320000xi32, #tpu.memory_space<hbm>> -> memref<400xi32, #tpu.memory_space<hbm>>
    %dma_start3A_15 = tpu.memref_slice %arg2[%add3A_13] : memref<320000xi32, #tpu.memory_space<hbm>> -> memref<400xi32, #tpu.memory_space<hbm>>
    tpu.enqueue_dma source(%dma_start3A_15 : memref<400xi32, #tpu.memory_space<hbm>>) target(%arg9 : memref<400xi32, #tpu.memory_space<vmem>>) target_semaphore(%arg22 : memref<!tpu.dma_semaphore, #tpu.memory_space<semaphore_mem>>)
    %dma_start3A_16 = tpu.memref_slice %arg3[%add3A_13] : memref<320000xi32, #tpu.memory_space<hbm>> -> memref<400xi32, #tpu.memory_space<hbm>>
    %dma_start3A_17 = tpu.memref_slice %arg3[%add3A_13] : memref<320000xi32, #tpu.memory_space<hbm>> -> memref<400xi32, #tpu.memory_space<hbm>>
    tpu.enqueue_dma source(%dma_start3A_17 : memref<400xi32, #tpu.memory_space<hbm>>) target(%arg11 : memref<400xi32, #tpu.memory_space<vmem>>) target_semaphore(%arg22 : memref<!tpu.dma_semaphore, #tpu.memory_space<semaphore_mem>>)
    %add3A_18 = arith.constant 400 : i32
    %add3A_19 = arith.addi %mul3A_2, %add3A_18 : i32
    %dma_start3A_20 = tpu.memref_slice %arg4[%add3A_19] : memref<320000xi32, #tpu.memory_space<hbm>> -> memref<400xi32, #tpu.memory_space<hbm>>
    %dma_start3A_21 = tpu.memref_slice %arg4[%add3A_19] : memref<320000xi32, #tpu.memory_space<hbm>> -> memref<400xi32, #tpu.memory_space<hbm>>
    tpu.enqueue_dma source(%dma_start3A_21 : memref<400xi32, #tpu.memory_space<hbm>>) target(%arg13 : memref<400xi32, #tpu.memory_space<vmem>>) target_semaphore(%arg24 : memref<!tpu.dma_semaphore, #tpu.memory_space<semaphore_mem>>)
    %dma_wait3A = arith.constant 0 : i32
    %dma_wait3A_22 = tpu.memref_slice %arg2[%dma_wait3A] : memref<320000xi32, #tpu.memory_space<hbm>> -> memref<400xi32, #tpu.memory_space<hbm>>
    %dma_wait3A_23 = arith.constant 0 : i32
    %dma_wait3A_24 = tpu.memref_slice %arg2[%dma_wait3A_23] : memref<320000xi32, #tpu.memory_space<hbm>> -> memref<400xi32, #tpu.memory_space<hbm>>
    tpu.wait_dma2 semaphore(%arg21 : memref<!tpu.dma_semaphore, #tpu.memory_space<semaphore_mem>>) src(%dma_wait3A_24 : memref<400xi32, #tpu.memory_space<hbm>>) dst(%arg8 : memref<400xi32, #tpu.memory_space<vmem>>)
    %dma_wait3A_25 = arith.constant 0 : i32
    %dma_wait3A_26 = tpu.memref_slice %arg3[%dma_wait3A_25] : memref<320000xi32, #tpu.memory_space<hbm>> -> memref<400xi32, #tpu.memory_space<hbm>>
    %dma_wait3A_27 = arith.constant 0 : i32
    %dma_wait3A_28 = tpu.memref_slice %arg3[%dma_wait3A_27] : memref<320000xi32, #tpu.memory_space<hbm>> -> memref<400xi32, #tpu.memory_space<hbm>>
    tpu.wait_dma2 semaphore(%arg21 : memref<!tpu.dma_semaphore, #tpu.memory_space<semaphore_mem>>) src(%dma_wait3A_28 : memref<400xi32, #tpu.memory_space<hbm>>) dst(%arg10 : memref<400xi32, #tpu.memory_space<vmem>>)
    %dma_start3A_29 = arith.constant 0 : i32
    %dma_start3A_30 = arith.constant 0 : i32
    %dma_start3A_31 = tpu.memref_slice %arg5[%dma_start3A_29, %dma_start3A_30] : memref<10000x64xi32, #tpu.memory_space<hbm>> -> memref<10000x64xi32, #tpu.memory_space<hbm>>
    tpu.enqueue_indirect_dma source(%dma_start3A_31 : memref<10000x64xi32, #tpu.memory_space<hbm>>) target(%arg14 : memref<400x64xi32, #tpu.memory_space<vmem>>) offsets(%arg8 : memref<400xi32, #tpu.memory_space<vmem>>) semaphore(%arg25 : memref<!tpu.dma_semaphore, #tpu.memory_space<semaphore_mem>>)
    %dma_start3A_32 = arith.constant 0 : i32
    %dma_start3A_33 = arith.constant 0 : i32
    %dma_start3A_34 = tpu.memref_slice %arg5[%dma_start3A_32, %dma_start3A_33] : memref<10000x64xi32, #tpu.memory_space<hbm>> -> memref<10000x64xi32, #tpu.memory_space<hbm>>
    tpu.enqueue_indirect_dma source(%dma_start3A_34 : memref<10000x64xi32, #tpu.memory_space<hbm>>) target(%arg16 : memref<400x64xi32, #tpu.memory_space<vmem>>) offsets(%arg10 : memref<400xi32, #tpu.memory_space<vmem>>) semaphore(%arg25 : memref<!tpu.dma_semaphore, #tpu.memory_space<semaphore_mem>>)
    %scan3A = arith.constant 0 : i32
    %scan3A_35 = arith.constant 0 : i32
    %scan3A_36 = arith.constant 12 : i32
    %scan3A_37 = arith.addi %scan3A_35, %scan3A_36 : i32
    %scan3A_38 = arith.constant 1 : i32
    %scan3A_39 = scf.for %scan3A_74 = %scan3A_35 to %scan3A_37 step %scan3A_38 iter_args(%scan3A_75 = %scan3A) -> (i32)  : i32 {
      %mul3A_76 = arith.constant 2 : i32
      %mul3A_77 = arith.muli %mul3A_76, %scan3A_74 : i32
      %dma_wait3A_78 = arith.constant 0 : i32
      %dma_wait3A_79 = tpu.memref_slice %arg2[%dma_wait3A_78] : memref<320000xi32, #tpu.memory_space<hbm>> -> memref<400xi32, #tpu.memory_space<hbm>>
      %dma_wait3A_80 = arith.constant 0 : i32
      %dma_wait3A_81 = tpu.memref_slice %arg2[%dma_wait3A_80] : memref<320000xi32, #tpu.memory_space<hbm>> -> memref<400xi32, #tpu.memory_space<hbm>>
      tpu.wait_dma2 semaphore(%arg22 : memref<!tpu.dma_semaphore, #tpu.memory_space<semaphore_mem>>) src(%dma_wait3A_81 : memref<400xi32, #tpu.memory_space<hbm>>) dst(%arg9 : memref<400xi32, #tpu.memory_space<vmem>>)
      %dma_wait3A_82 = arith.constant 0 : i32
      %dma_wait3A_83 = tpu.memref_slice %arg3[%dma_wait3A_82] : memref<320000xi32, #tpu.memory_space<hbm>> -> memref<400xi32, #tpu.memory_space<hbm>>
      %dma_wait3A_84 = arith.constant 0 : i32
      %dma_wait3A_85 = tpu.memref_slice %arg3[%dma_wait3A_84] : memref<320000xi32, #tpu.memory_space<hbm>> -> memref<400xi32, #tpu.memory_space<hbm>>
      tpu.wait_dma2 semaphore(%arg22 : memref<!tpu.dma_semaphore, #tpu.memory_space<semaphore_mem>>) src(%dma_wait3A_85 : memref<400xi32, #tpu.memory_space<hbm>>) dst(%arg11 : memref<400xi32, #tpu.memory_space<vmem>>)
      %dma_start3A_86 = arith.constant 0 : i32
      %dma_start3A_87 = arith.constant 0 : i32
      %dma_start3A_88 = tpu.memref_slice %arg5[%dma_start3A_86, %dma_start3A_87] : memref<10000x64xi32, #tpu.memory_space<hbm>> -> memref<10000x64xi32, #tpu.memory_space<hbm>>
      tpu.enqueue_indirect_dma source(%dma_start3A_88 : memref<10000x64xi32, #tpu.memory_space<hbm>>) target(%arg15 : memref<400x64xi32, #tpu.memory_space<vmem>>) offsets(%arg9 : memref<400xi32, #tpu.memory_space<vmem>>) semaphore(%arg26 : memref<!tpu.dma_semaphore, #tpu.memory_space<semaphore_mem>>)
      %dma_start3A_89 = arith.constant 0 : i32
      %dma_start3A_90 = arith.constant 0 : i32
      %dma_start3A_91 = tpu.memref_slice %arg5[%dma_start3A_89, %dma_start3A_90] : memref<10000x64xi32, #tpu.memory_space<hbm>> -> memref<10000x64xi32, #tpu.memory_space<hbm>>
      tpu.enqueue_indirect_dma source(%dma_start3A_91 : memref<10000x64xi32, #tpu.memory_space<hbm>>) target(%arg17 : memref<400x64xi32, #tpu.memory_space<vmem>>) offsets(%arg11 : memref<400xi32, #tpu.memory_space<vmem>>) semaphore(%arg26 : memref<!tpu.dma_semaphore, #tpu.memory_space<semaphore_mem>>)
      %dma_wait3A_92 = arith.constant 0 : i32
      %dma_wait3A_93 = arith.constant 0 : i32
      %dma_wait3A_94 = tpu.memref_slice %arg5[%dma_wait3A_92, %dma_wait3A_93] : memref<10000x64xi32, #tpu.memory_space<hbm>> -> memref<10000x64xi32, #tpu.memory_space<hbm>>
      tpu.wait_indirect_dma semaphore(%arg25 : memref<!tpu.dma_semaphore, #tpu.memory_space<semaphore_mem>>) src(%dma_wait3A_94 : memref<10000x64xi32, #tpu.memory_space<hbm>>) dst(%arg14 : memref<400x64xi32, #tpu.memory_space<vmem>>)
      %dma_wait3A_95 = arith.constant 0 : i32
      %dma_wait3A_96 = arith.constant 0 : i32
      %dma_wait3A_97 = tpu.memref_slice %arg5[%dma_wait3A_95, %dma_wait3A_96] : memref<10000x64xi32, #tpu.memory_space<hbm>> -> memref<10000x64xi32, #tpu.memory_space<hbm>>
      tpu.wait_indirect_dma semaphore(%arg25 : memref<!tpu.dma_semaphore, #tpu.memory_space<semaphore_mem>>) src(%dma_wait3A_97 : memref<10000x64xi32, #tpu.memory_space<hbm>>) dst(%arg16 : memref<400x64xi32, #tpu.memory_space<vmem>>)
      %add3A_98 = arith.constant 2 : i32
      %add3A_99 = arith.addi %mul3A_77, %add3A_98 : i32
      %mul3A_100 = arith.constant 400 : i32
      %mul3A_101 = arith.muli %add3A_99, %mul3A_100 : i32
      %add3A_102 = arith.addi %mul3A_2, %mul3A_101 : i32
      %dma_start3A_103 = tpu.memref_slice %arg2[%add3A_102] : memref<320000xi32, #tpu.memory_space<hbm>> -> memref<400xi32, #tpu.memory_space<hbm>>
      %dma_start3A_104 = tpu.memref_slice %arg2[%add3A_102] : memref<320000xi32, #tpu.memory_space<hbm>> -> memref<400xi32, #tpu.memory_space<hbm>>
      tpu.enqueue_dma source(%dma_start3A_104 : memref<400xi32, #tpu.memory_space<hbm>>) target(%arg8 : memref<400xi32, #tpu.memory_space<vmem>>) target_semaphore(%arg21 : memref<!tpu.dma_semaphore, #tpu.memory_space<semaphore_mem>>)
      %dma_start3A_105 = tpu.memref_slice %arg3[%add3A_102] : memref<320000xi32, #tpu.memory_space<hbm>> -> memref<400xi32, #tpu.memory_space<hbm>>
      %dma_start3A_106 = tpu.memref_slice %arg3[%add3A_102] : memref<320000xi32, #tpu.memory_space<hbm>> -> memref<400xi32, #tpu.memory_space<hbm>>
      tpu.enqueue_dma source(%dma_start3A_106 : memref<400xi32, #tpu.memory_space<hbm>>) target(%arg10 : memref<400xi32, #tpu.memory_space<vmem>>) target_semaphore(%arg21 : memref<!tpu.dma_semaphore, #tpu.memory_space<semaphore_mem>>)
      %ge3A = arith.constant 2 : i32
      %ge3A_107 = arith.cmpi sge, %mul3A_77, %ge3A : i32
      %convert_element_type3A = arith.extui %ge3A_107 : i1 to i32
      %cond3A = arith.constant 0 : i32
      %cond3A_108 = arith.cmpi ne, %convert_element_type3A, %cond3A : i32
      scf.if %cond3A_108 {
        %dma_wait3A_191 = arith.constant 0 : i32
        %dma_wait3A_192 = tpu.memref_slice %arg7[%dma_wait3A_191] : memref<320000xf32, #tpu.memory_space<hbm>> -> memref<400xf32, #tpu.memory_space<hbm>>
        %dma_wait3A_193 = arith.constant 0 : i32
        %dma_wait3A_194 = tpu.memref_slice %arg7[%dma_wait3A_193] : memref<320000xf32, #tpu.memory_space<hbm>> -> memref<400xf32, #tpu.memory_space<hbm>>
        tpu.wait_dma2 semaphore(%arg27 : memref<!tpu.dma_semaphore, #tpu.memory_space<semaphore_mem>>) src(%arg19 : memref<400xf32, #tpu.memory_space<vmem>>) dst(%dma_wait3A_194 : memref<400xf32, #tpu.memory_space<hbm>>)
      } else {
      }
      %dma_wait3A_109 = arith.constant 0 : i32
      %dma_wait3A_110 = tpu.memref_slice %arg4[%dma_wait3A_109] : memref<320000xi32, #tpu.memory_space<hbm>> -> memref<400xi32, #tpu.memory_space<hbm>>
      %dma_wait3A_111 = arith.constant 0 : i32
      %dma_wait3A_112 = tpu.memref_slice %arg4[%dma_wait3A_111] : memref<320000xi32, #tpu.memory_space<hbm>> -> memref<400xi32, #tpu.memory_space<hbm>>
      tpu.wait_dma2 semaphore(%arg23 : memref<!tpu.dma_semaphore, #tpu.memory_space<semaphore_mem>>) src(%dma_wait3A_112 : memref<400xi32, #tpu.memory_space<hbm>>) dst(%arg12 : memref<400xi32, #tpu.memory_space<vmem>>)
      %scan3A_113 = arith.constant 0 : i32
      %scan3A_114 = arith.constant 0 : i32
      %scan3A_115 = arith.constant 25 : i32
      %scan3A_116 = arith.addi %scan3A_114, %scan3A_115 : i32
      %scan3A_117 = arith.constant 1 : i32
      %scan3A_118 = scf.for %scan3A_191 = %scan3A_114 to %scan3A_116 step %scan3A_117 iter_args(%scan3A_192 = %scan3A_113) -> (i32)  : i32 {
        %iota3A = tpu.iota {dimensions = array<i32: 0>} : vector<16xi32>
        %mul3A_193 = arith.constant 16 : i32
        %mul3A_194 = arith.muli %scan3A_191, %mul3A_193 : i32
        %add3A_195 = vector.broadcast %mul3A_194 : i32 to vector<16xi32>
        %add3A_196 = arith.addi %iota3A, %add3A_195 : vector<16xi32>
        %mul3A_197 = arith.constant 16 : i32
        %mul3A_198 = arith.muli %scan3A_191, %mul3A_197 : i32
        %get3A = arith.index_cast %mul3A_198 : i32 to index
        %get3A_199 = tpu.vector_load %arg12[%get3A] {strides = array<i32>} : memref<400xi32, #tpu.memory_space<vmem>>, vector<16xi32>,
        %broadcast_in_dim3A = arith.constant 0 : i32
        %broadcast_in_dim3A_200 = vector.broadcast %broadcast_in_dim3A : i32 to vector<16xi32>
        %broadcast_in_dim3A_201 = arith.constant 0.000000e+00 : f32
        %broadcast_in_dim3A_202 = vector.broadcast %broadcast_in_dim3A_201 : f32 to vector<16xf32>
        %broadcast_in_dim3A_203 = arith.constant 0.000000e+00 : f32
        %broadcast_in_dim3A_204 = vector.broadcast %broadcast_in_dim3A_203 : f32 to vector<16xf32>
        %broadcast_in_dim3A_205 = arith.constant 0.000000e+00 : f32
        %broadcast_in_dim3A_206 = vector.broadcast %broadcast_in_dim3A_205 : f32 to vector<16xf32>
        %broadcast_in_dim3A_207 = arith.constant 0.000000e+00 : f32
        %broadcast_in_dim3A_208 = vector.broadcast %broadcast_in_dim3A_207 : f32 to vector<16xf32>
        %gather3A = tpu.vector_load_idx %arg14[%add3A_196, %broadcast_in_dim3A_200] : memref<400x64xi32, #tpu.memory_space<vmem>>[vector<16xi32>, vector<16xi32>], vector<16xi32>,
        %gather3A_209 = tpu.vector_load_idx %arg16[%add3A_196, %broadcast_in_dim3A_200] : memref<400x64xi32, #tpu.memory_space<vmem>>[vector<16xi32>, vector<16xi32>], vector<16xi32>,
        %gather3A_210 = tpu.vector_load_idx %arg18[%get3A_199, %broadcast_in_dim3A_200] : memref<237x64xi32, #tpu.memory_space<vmem>>[vector<16xi32>, vector<16xi32>], vector<16xi32>,
        %bitcast3A = vector.bitcast %gather3A : vector<16xi32> to vector<32xbf16>
        %bitcast3A_211 = vector.bitcast %gather3A_209 : vector<16xi32> to vector<32xbf16>
        %bitcast3A_212 = vector.bitcast %gather3A_210 : vector<16xi32> to vector<32xbf16>
        %mul3A_213 = arith.mulf %bitcast3A, %bitcast3A_211 : vector<32xbf16>
        %mul3A_214 = arith.mulf %mul3A_213, %bitcast3A_212 : vector<32xbf16>
        %unpack3A = tpu.unpack_subelements %mul3A_214, 0 {pack_format = #tpu.pack_format<interleaved>} : vector<32xbf16> -> vector<16xf32>
        %unpack3A_215 = tpu.unpack_subelements %mul3A_214, 1 {pack_format = #tpu.pack_format<interleaved>} : vector<32xbf16> -> vector<16xf32>
        %add3A_216 = arith.addf %broadcast_in_dim3A_202, %unpack3A : vector<16xf32>
        %add3A_217 = arith.addf %broadcast_in_dim3A_204, %unpack3A_215 : vector<16xf32>
        %add3A_218 = arith.constant 1 : i32
        %add3A_219 = vector.broadcast %add3A_218 : i32 to vector<16xi32>
        %add3A_220 = arith.addi %broadcast_in_dim3A_200, %add3A_219 : vector<16xi32>
        %gather3A_221 = tpu.vector_load_idx %arg14[%add3A_196, %add3A_220] : memref<400x64xi32, #tpu.memory_space<vmem>>[vector<16xi32>, vector<16xi32>], vector<16xi32>,
        %gather3A_222 = tpu.vector_load_idx %arg16[%add3A_196, %add3A_220] : memref<400x64xi32, #tpu.memory_space<vmem>>[vector<16xi32>, vector<16xi32>], vector<16xi32>,
        %gather3A_223 = tpu.vector_load_idx %arg18[%get3A_199, %add3A_220] : memref<237x64xi32, #tpu.memory_space<vmem>>[vector<16xi32>, vector<16xi32>], vector<16xi32>,
        %bitcast3A_224 = vector.bitcast %gather3A_221 : vector<16xi32> to vector<32xbf16>
        %bitcast3A_225 = vector.bitcast %gather3A_222 : vector<16xi32> to vector<32xbf16>
        %bitcast3A_226 = vector.bitcast %gather3A_223 : vector<16xi32> to vector<32xbf16>
        %mul3A_227 = arith.mulf %bitcast3A_224, %bitcast3A_225 : vector<32xbf16>
        %mul3A_228 = arith.mulf %mul3A_227, %bitcast3A_226 : vector<32xbf16>
        %unpack3A_229 = tpu.unpack_subelements %mul3A_228, 0 {pack_format = #tpu.pack_format<interleaved>} : vector<32xbf16> -> vector<16xf32>
        %unpack3A_230 = tpu.unpack_subelements %mul3A_228, 1 {pack_format = #tpu.pack_format<interleaved>} : vector<32xbf16> -> vector<16xf32>
        %add3A_231 = arith.addf %broadcast_in_dim3A_206, %unpack3A_229 : vector<16xf32>
        %add3A_232 = arith.addf %broadcast_in_dim3A_208, %unpack3A_230 : vector<16xf32>
        %add3A_233 = arith.constant 1 : i32
        %add3A_234 = vector.broadcast %add3A_233 : i32 to vector<16xi32>
        %add3A_235 = arith.addi %add3A_220, %add3A_234 : vector<16xi32>
        %gather3A_236 = tpu.vector_load_idx %arg14[%add3A_196, %add3A_235] : memref<400x64xi32, #tpu.memory_space<vmem>>[vector<16xi32>, vector<16xi32>], vector<16xi32>,
        %gather3A_237 = tpu.vector_load_idx %arg16[%add3A_196, %add3A_235] : memref<400x64xi32, #tpu.memory_space<vmem>>[vector<16xi32>, vector<16xi32>], vector<16xi32>,
        %gather3A_238 = tpu.vector_load_idx %arg18[%get3A_199, %add3A_235] : memref<237x64xi32, #tpu.memory_space<vmem>>[vector<16xi32>, vector<16xi32>], vector<16xi32>,
        %bitcast3A_239 = vector.bitcast %gather3A_236 : vector<16xi32> to vector<32xbf16>
        %bitcast3A_240 = vector.bitcast %gather3A_237 : vector<16xi32> to vector<32xbf16>
        %bitcast3A_241 = vector.bitcast %gather3A_238 : vector<16xi32> to vector<32xbf16>
        %mul3A_242 = arith.mulf %bitcast3A_239, %bitcast3A_240 : vector<32xbf16>
        %mul3A_243 = arith.mulf %mul3A_242, %bitcast3A_241 : vector<32xbf16>
        %unpack3A_244 = tpu.unpack_subelements %mul3A_243, 0 {pack_format = #tpu.pack_format<interleaved>} : vector<32xbf16> -> vector<16xf32>
        %unpack3A_245 = tpu.unpack_subelements %mul3A_243, 1 {pack_format = #tpu.pack_format<interleaved>} : vector<32xbf16> -> vector<16xf32>
        %add3A_246 = arith.addf %add3A_216, %unpack3A_244 : vector<16xf32>
        %add3A_247 = arith.addf %add3A_217, %unpack3A_245 : vector<16xf32>
        %add3A_248 = arith.constant 1 : i32
        %add3A_249 = vector.broadcast %add3A_248 : i32 to vector<16xi32>
        %add3A_250 = arith.addi %add3A_235, %add3A_249 : vector<16xi32>
        %gather3A_251 = tpu.vector_load_idx %arg14[%add3A_196, %add3A_250] : memref<400x64xi32, #tpu.memory_space<vmem>>[vector<16xi32>, vector<16xi32>], vector<16xi32>,
        %gather3A_252 = tpu.vector_load_idx %arg16[%add3A_196, %add3A_250] : memref<400x64xi32, #tpu.memory_space<vmem>>[vector<16xi32>, vector<16xi32>], vector<16xi32>,
        %gather3A_253 = tpu.vector_load_idx %arg18[%get3A_199, %add3A_250] : memref<237x64xi32, #tpu.memory_space<vmem>>[vector<16xi32>, vector<16xi32>], vector<16xi32>,
        %bitcast3A_254 = vector.bitcast %gather3A_251 : vector<16xi32> to vector<32xbf16>
        %bitcast3A_255 = vector.bitcast %gather3A_252 : vector<16xi32> to vector<32xbf16>
        %bitcast3A_256 = vector.bitcast %gather3A_253 : vector<16xi32> to vector<32xbf16>
        %mul3A_257 = arith.mulf %bitcast3A_254, %bitcast3A_255 : vector<32xbf16>
        %mul3A_258 = arith.mulf %mul3A_257, %bitcast3A_256 : vector<32xbf16>
        %unpack3A_259 = tpu.unpack_subelements %mul3A_258, 0 {pack_format = #tpu.pack_format<interleaved>} : vector<32xbf16> -> vector<16xf32>
        %unpack3A_260 = tpu.unpack_subelements %mul3A_258, 1 {pack_format = #tpu.pack_format<interleaved>} : vector<32xbf16> -> vector<16xf32>
        %add3A_261 = arith.addf %add3A_231, %unpack3A_259 : vector<16xf32>
        %add3A_262 = arith.addf %add3A_232, %unpack3A_260 : vector<16xf32>
        %add3A_263 = arith.constant 1 : i32
        %add3A_264 = vector.broadcast %add3A_263 : i32 to vector<16xi32>
        %add3A_265 = arith.addi %add3A_250, %add3A_264 : vector<16xi32>
        %gather3A_266 = tpu.vector_load_idx %arg14[%add3A_196, %add3A_265] : memref<400x64xi32, #tpu.memory_space<vmem>>[vector<16xi32>, vector<16xi32>], vector<16xi32>,
        %gather3A_267 = tpu.vector_load_idx %arg16[%add3A_196, %add3A_265] : memref<400x64xi32, #tpu.memory_space<vmem>>[vector<16xi32>, vector<16xi32>], vector<16xi32>,
        %gather3A_268 = tpu.vector_load_idx %arg18[%get3A_199, %add3A_265] : memref<237x64xi32, #tpu.memory_space<vmem>>[vector<16xi32>, vector<16xi32>], vector<16xi32>,
        %bitcast3A_269 = vector.bitcast %gather3A_266 : vector<16xi32> to vector<32xbf16>
        %bitcast3A_270 = vector.bitcast %gather3A_267 : vector<16xi32> to vector<32xbf16>
        %bitcast3A_271 = vector.bitcast %gather3A_268 : vector<16xi32> to vector<32xbf16>
        %mul3A_272 = arith.mulf %bitcast3A_269, %bitcast3A_270 : vector<32xbf16>
        %mul3A_273 = arith.mulf %mul3A_272, %bitcast3A_271 : vector<32xbf16>
        %unpack3A_274 = tpu.unpack_subelements %mul3A_273, 0 {pack_format = #tpu.pack_format<interleaved>} : vector<32xbf16> -> vector<16xf32>
        %unpack3A_275 = tpu.unpack_subelements %mul3A_273, 1 {pack_format = #tpu.pack_format<interleaved>} : vector<32xbf16> -> vector<16xf32>
        %add3A_276 = arith.addf %add3A_246, %unpack3A_274 : vector<16xf32>
        %add3A_277 = arith.addf %add3A_247, %unpack3A_275 : vector<16xf32>
        %add3A_278 = arith.constant 1 : i32
        %add3A_279 = vector.broadcast %add3A_278 : i32 to vector<16xi32>
        %add3A_280 = arith.addi %add3A_265, %add3A_279 : vector<16xi32>
        %gather3A_281 = tpu.vector_load_idx %arg14[%add3A_196, %add3A_280] : memref<400x64xi32, #tpu.memory_space<vmem>>[vector<16xi32>, vector<16xi32>], vector<16xi32>,
        %gather3A_282 = tpu.vector_load_idx %arg16[%add3A_196, %add3A_280] : memref<400x64xi32, #tpu.memory_space<vmem>>[vector<16xi32>, vector<16xi32>], vector<16xi32>,
        %gather3A_283 = tpu.vector_load_idx %arg18[%get3A_199, %add3A_280] : memref<237x64xi32, #tpu.memory_space<vmem>>[vector<16xi32>, vector<16xi32>], vector<16xi32>,
        %bitcast3A_284 = vector.bitcast %gather3A_281 : vector<16xi32> to vector<32xbf16>
        %bitcast3A_285 = vector.bitcast %gather3A_282 : vector<16xi32> to vector<32xbf16>
        %bitcast3A_286 = vector.bitcast %gather3A_283 : vector<16xi32> to vector<32xbf16>
        %mul3A_287 = arith.mulf %bitcast3A_284, %bitcast3A_285 : vector<32xbf16>
        %mul3A_288 = arith.mulf %mul3A_287, %bitcast3A_286 : vector<32xbf16>
        %unpack3A_289 = tpu.unpack_subelements %mul3A_288, 0 {pack_format = #tpu.pack_format<interleaved>} : vector<32xbf16> -> vector<16xf32>
        %unpack3A_290 = tpu.unpack_subelements %mul3A_288, 1 {pack_format = #tpu.pack_format<interleaved>} : vector<32xbf16> -> vector<16xf32>
        %add3A_291 = arith.addf %add3A_261, %unpack3A_289 : vector<16xf32>
        %add3A_292 = arith.addf %add3A_262, %unpack3A_290 : vector<16xf32>
        %add3A_293 = arith.constant 1 : i32
        %add3A_294 = vector.broadcast %add3A_293 : i32 to vector<16xi32>
        %add3A_295 = arith.addi %add3A_280, %add3A_294 : vector<16xi32>
        %gather3A_296 = tpu.vector_load_idx %arg14[%add3A_196, %add3A_295] : memref<400x64xi32, #tpu.memory_space<vmem>>[vector<16xi32>, vector<16xi32>], vector<16xi32>,
        %gather3A_297 = tpu.vector_load_idx %arg16[%add3A_196, %add3A_295] : memref<400x64xi32, #tpu.memory_space<vmem>>[vector<16xi32>, vector<16xi32>], vector<16xi32>,
        %gather3A_298 = tpu.vector_load_idx %arg18[%get3A_199, %add3A_295] : memref<237x64xi32, #tpu.memory_space<vmem>>[vector<16xi32>, vector<16xi32>], vector<16xi32>,
        %bitcast3A_299 = vector.bitcast %gather3A_296 : vector<16xi32> to vector<32xbf16>
        %bitcast3A_300 = vector.bitcast %gather3A_297 : vector<16xi32> to vector<32xbf16>
        %bitcast3A_301 = vector.bitcast %gather3A_298 : vector<16xi32> to vector<32xbf16>
        %mul3A_302 = arith.mulf %bitcast3A_299, %bitcast3A_300 : vector<32xbf16>
        %mul3A_303 = arith.mulf %mul3A_302, %bitcast3A_301 : vector<32xbf16>
        %unpack3A_304 = tpu.unpack_subelements %mul3A_303, 0 {pack_format = #tpu.pack_format<interleaved>} : vector<32xbf16> -> vector<16xf32>
        %unpack3A_305 = tpu.unpack_subelements %mul3A_303, 1 {pack_format = #tpu.pack_format<interleaved>} : vector<32xbf16> -> vector<16xf32>
        %add3A_306 = arith.addf %add3A_276, %unpack3A_304 : vector<16xf32>
        %add3A_307 = arith.addf %add3A_277, %unpack3A_305 : vector<16xf32>
        %add3A_308 = arith.constant 1 : i32
        %add3A_309 = vector.broadcast %add3A_308 : i32 to vector<16xi32>
        %add3A_310 = arith.addi %add3A_295, %add3A_309 : vector<16xi32>
        %gather3A_311 = tpu.vector_load_idx %arg14[%add3A_196, %add3A_310] : memref<400x64xi32, #tpu.memory_space<vmem>>[vector<16xi32>, vector<16xi32>], vector<16xi32>,
        %gather3A_312 = tpu.vector_load_idx %arg16[%add3A_196, %add3A_310] : memref<400x64xi32, #tpu.memory_space<vmem>>[vector<16xi32>, vector<16xi32>], vector<16xi32>,
        %gather3A_313 = tpu.vector_load_idx %arg18[%get3A_199, %add3A_310] : memref<237x64xi32, #tpu.memory_space<vmem>>[vector<16xi32>, vector<16xi32>], vector<16xi32>,
        %bitcast3A_314 = vector.bitcast %gather3A_311 : vector<16xi32> to vector<32xbf16>
        %bitcast3A_315 = vector.bitcast %gather3A_312 : vector<16xi32> to vector<32xbf16>
        %bitcast3A_316 = vector.bitcast %gather3A_313 : vector<16xi32> to vector<32xbf16>
        %mul3A_317 = arith.mulf %bitcast3A_314, %bitcast3A_315 : vector<32xbf16>
        %mul3A_318 = arith.mulf %mul3A_317, %bitcast3A_316 : vector<32xbf16>
        %unpack3A_319 = tpu.unpack_subelements %mul3A_318, 0 {pack_format = #tpu.pack_format<interleaved>} : vector<32xbf16> -> vector<16xf32>
        %unpack3A_320 = tpu.unpack_subelements %mul3A_318, 1 {pack_format = #tpu.pack_format<interleaved>} : vector<32xbf16> -> vector<16xf32>
        %add3A_321 = arith.addf %add3A_291, %unpack3A_319 : vector<16xf32>
        %add3A_322 = arith.addf %add3A_292, %unpack3A_320 : vector<16xf32>
        %add3A_323 = arith.constant 1 : i32
        %add3A_324 = vector.broadcast %add3A_323 : i32 to vector<16xi32>
        %add3A_325 = arith.addi %add3A_310, %add3A_324 : vector<16xi32>
        %gather3A_326 = tpu.vector_load_idx %arg14[%add3A_196, %add3A_325] : memref<400x64xi32, #tpu.memory_space<vmem>>[vector<16xi32>, vector<16xi32>], vector<16xi32>,
        %gather3A_327 = tpu.vector_load_idx %arg16[%add3A_196, %add3A_325] : memref<400x64xi32, #tpu.memory_space<vmem>>[vector<16xi32>, vector<16xi32>], vector<16xi32>,
        %gather3A_328 = tpu.vector_load_idx %arg18[%get3A_199, %add3A_325] : memref<237x64xi32, #tpu.memory_space<vmem>>[vector<16xi32>, vector<16xi32>], vector<16xi32>,
        %bitcast3A_329 = vector.bitcast %gather3A_326 : vector<16xi32> to vector<32xbf16>
        %bitcast3A_330 = vector.bitcast %gather3A_327 : vector<16xi32> to vector<32xbf16>
        %bitcast3A_331 = vector.bitcast %gather3A_328 : vector<16xi32> to vector<32xbf16>
        %mul3A_332 = arith.mulf %bitcast3A_329, %bitcast3A_330 : vector<32xbf16>
        %mul3A_333 = arith.mulf %mul3A_332, %bitcast3A_331 : vector<32xbf16>
        %unpack3A_334 = tpu.unpack_subelements %mul3A_333, 0 {pack_format = #tpu.pack_format<interleaved>} : vector<32xbf16> -> vector<16xf32>
        %unpack3A_335 = tpu.unpack_subelements %mul3A_333, 1 {pack_format = #tpu.pack_format<interleaved>} : vector<32xbf16> -> vector<16xf32>
        %add3A_336 = arith.addf %add3A_306, %unpack3A_334 : vector<16xf32>
        %add3A_337 = arith.addf %add3A_307, %unpack3A_335 : vector<16xf32>
        %add3A_338 = arith.constant 1 : i32
        %add3A_339 = vector.broadcast %add3A_338 : i32 to vector<16xi32>
        %add3A_340 = arith.addi %add3A_325, %add3A_339 : vector<16xi32>
        %gather3A_341 = tpu.vector_load_idx %arg14[%add3A_196, %add3A_340] : memref<400x64xi32, #tpu.memory_space<vmem>>[vector<16xi32>, vector<16xi32>], vector<16xi32>,
        %gather3A_342 = tpu.vector_load_idx %arg16[%add3A_196, %add3A_340] : memref<400x64xi32, #tpu.memory_space<vmem>>[vector<16xi32>, vector<16xi32>], vector<16xi32>,
        %gather3A_343 = tpu.vector_load_idx %arg18[%get3A_199, %add3A_340] : memref<237x64xi32, #tpu.memory_space<vmem>>[vector<16xi32>, vector<16xi32>], vector<16xi32>,
        %bitcast3A_344 = vector.bitcast %gather3A_341 : vector<16xi32> to vector<32xbf16>
        %bitcast3A_345 = vector.bitcast %gather3A_342 : vector<16xi32> to vector<32xbf16>
        %bitcast3A_346 = vector.bitcast %gather3A_343 : vector<16xi32> to vector<32xbf16>
        %mul3A_347 = arith.mulf %bitcast3A_344, %bitcast3A_345 : vector<32xbf16>
        %mul3A_348 = arith.mulf %mul3A_347, %bitcast3A_346 : vector<32xbf16>
        %unpack3A_349 = tpu.unpack_subelements %mul3A_348, 0 {pack_format = #tpu.pack_format<interleaved>} : vector<32xbf16> -> vector<16xf32>
        %unpack3A_350 = tpu.unpack_subelements %mul3A_348, 1 {pack_format = #tpu.pack_format<interleaved>} : vector<32xbf16> -> vector<16xf32>
        %add3A_351 = arith.addf %add3A_321, %unpack3A_349 : vector<16xf32>
        %add3A_352 = arith.addf %add3A_322, %unpack3A_350 : vector<16xf32>
        %add3A_353 = arith.constant 1 : i32
        %add3A_354 = vector.broadcast %add3A_353 : i32 to vector<16xi32>
        %add3A_355 = arith.addi %add3A_340, %add3A_354 : vector<16xi32>
        %gather3A_356 = tpu.vector_load_idx %arg14[%add3A_196, %add3A_355] : memref<400x64xi32, #tpu.memory_space<vmem>>[vector<16xi32>, vector<16xi32>], vector<16xi32>,
        %gather3A_357 = tpu.vector_load_idx %arg16[%add3A_196, %add3A_355] : memref<400x64xi32, #tpu.memory_space<vmem>>[vector<16xi32>, vector<16xi32>], vector<16xi32>,
        %gather3A_358 = tpu.vector_load_idx %arg18[%get3A_199, %add3A_355] : memref<237x64xi32, #tpu.memory_space<vmem>>[vector<16xi32>, vector<16xi32>], vector<16xi32>,
        %bitcast3A_359 = vector.bitcast %gather3A_356 : vector<16xi32> to vector<32xbf16>
        %bitcast3A_360 = vector.bitcast %gather3A_357 : vector<16xi32> to vector<32xbf16>
        %bitcast3A_361 = vector.bitcast %gather3A_358 : vector<16xi32> to vector<32xbf16>
        %mul3A_362 = arith.mulf %bitcast3A_359, %bitcast3A_360 : vector<32xbf16>
        %mul3A_363 = arith.mulf %mul3A_362, %bitcast3A_361 : vector<32xbf16>
        %unpack3A_364 = tpu.unpack_subelements %mul3A_363, 0 {pack_format = #tpu.pack_format<interleaved>} : vector<32xbf16> -> vector<16xf32>
        %unpack3A_365 = tpu.unpack_subelements %mul3A_363, 1 {pack_format = #tpu.pack_format<interleaved>} : vector<32xbf16> -> vector<16xf32>
        %add3A_366 = arith.addf %add3A_336, %unpack3A_364 : vector<16xf32>
        %add3A_367 = arith.addf %add3A_337, %unpack3A_365 : vector<16xf32>
        %add3A_368 = arith.constant 1 : i32
        %add3A_369 = vector.broadcast %add3A_368 : i32 to vector<16xi32>
        %add3A_370 = arith.addi %add3A_355, %add3A_369 : vector<16xi32>
        %gather3A_371 = tpu.vector_load_idx %arg14[%add3A_196, %add3A_370] : memref<400x64xi32, #tpu.memory_space<vmem>>[vector<16xi32>, vector<16xi32>], vector<16xi32>,
        %gather3A_372 = tpu.vector_load_idx %arg16[%add3A_196, %add3A_370] : memref<400x64xi32, #tpu.memory_space<vmem>>[vector<16xi32>, vector<16xi32>], vector<16xi32>,
        %gather3A_373 = tpu.vector_load_idx %arg18[%get3A_199, %add3A_370] : memref<237x64xi32, #tpu.memory_space<vmem>>[vector<16xi32>, vector<16xi32>], vector<16xi32>,
        %bitcast3A_374 = vector.bitcast %gather3A_371 : vector<16xi32> to vector<32xbf16>
        %bitcast3A_375 = vector.bitcast %gather3A_372 : vector<16xi32> to vector<32xbf16>
        %bitcast3A_376 = vector.bitcast %gather3A_373 : vector<16xi32> to vector<32xbf16>
        %mul3A_377 = arith.mulf %bitcast3A_374, %bitcast3A_375 : vector<32xbf16>
        %mul3A_378 = arith.mulf %mul3A_377, %bitcast3A_376 : vector<32xbf16>
        %unpack3A_379 = tpu.unpack_subelements %mul3A_378, 0 {pack_format = #tpu.pack_format<interleaved>} : vector<32xbf16> -> vector<16xf32>
        %unpack3A_380 = tpu.unpack_subelements %mul3A_378, 1 {pack_format = #tpu.pack_format<interleaved>} : vector<32xbf16> -> vector<16xf32>
        %add3A_381 = arith.addf %add3A_351, %unpack3A_379 : vector<16xf32>
        %add3A_382 = arith.addf %add3A_352, %unpack3A_380 : vector<16xf32>
        %add3A_383 = arith.constant 1 : i32
        %add3A_384 = vector.broadcast %add3A_383 : i32 to vector<16xi32>
        %add3A_385 = arith.addi %add3A_370, %add3A_384 : vector<16xi32>
        %gather3A_386 = tpu.vector_load_idx %arg14[%add3A_196, %add3A_385] : memref<400x64xi32, #tpu.memory_space<vmem>>[vector<16xi32>, vector<16xi32>], vector<16xi32>,
        %gather3A_387 = tpu.vector_load_idx %arg16[%add3A_196, %add3A_385] : memref<400x64xi32, #tpu.memory_space<vmem>>[vector<16xi32>, vector<16xi32>], vector<16xi32>,
        %gather3A_388 = tpu.vector_load_idx %arg18[%get3A_199, %add3A_385] : memref<237x64xi32, #tpu.memory_space<vmem>>[vector<16xi32>, vector<16xi32>], vector<16xi32>,
        %bitcast3A_389 = vector.bitcast %gather3A_386 : vector<16xi32> to vector<32xbf16>
        %bitcast3A_390 = vector.bitcast %gather3A_387 : vector<16xi32> to vector<32xbf16>
        %bitcast3A_391 = vector.bitcast %gather3A_388 : vector<16xi32> to vector<32xbf16>
        %mul3A_392 = arith.mulf %bitcast3A_389, %bitcast3A_390 : vector<32xbf16>
        %mul3A_393 = arith.mulf %mul3A_392, %bitcast3A_391 : vector<32xbf16>
        %unpack3A_394 = tpu.unpack_subelements %mul3A_393, 0 {pack_format = #tpu.pack_format<interleaved>} : vector<32xbf16> -> vector<16xf32>
        %unpack3A_395 = tpu.unpack_subelements %mul3A_393, 1 {pack_format = #tpu.pack_format<interleaved>} : vector<32xbf16> -> vector<16xf32>
        %add3A_396 = arith.addf %add3A_366, %unpack3A_394 : vector<16xf32>
        %add3A_397 = arith.addf %add3A_367, %unpack3A_395 : vector<16xf32>
        %add3A_398 = arith.constant 1 : i32
        %add3A_399 = vector.broadcast %add3A_398 : i32 to vector<16xi32>
        %add3A_400 = arith.addi %add3A_385, %add3A_399 : vector<16xi32>
        %gather3A_401 = tpu.vector_load_idx %arg14[%add3A_196, %add3A_400] : memref<400x64xi32, #tpu.memory_space<vmem>>[vector<16xi32>, vector<16xi32>], vector<16xi32>,
        %gather3A_402 = tpu.vector_load_idx %arg16[%add3A_196, %add3A_400] : memref<400x64xi32, #tpu.memory_space<vmem>>[vector<16xi32>, vector<16xi32>], vector<16xi32>,
        %gather3A_403 = tpu.vector_load_idx %arg18[%get3A_199, %add3A_400] : memref<237x64xi32, #tpu.memory_space<vmem>>[vector<16xi32>, vector<16xi32>], vector<16xi32>,
        %bitcast3A_404 = vector.bitcast %gather3A_401 : vector<16xi32> to vector<32xbf16>
        %bitcast3A_405 = vector.bitcast %gather3A_402 : vector<16xi32> to vector<32xbf16>
        %bitcast3A_406 = vector.bitcast %gather3A_403 : vector<16xi32> to vector<32xbf16>
        %mul3A_407 = arith.mulf %bitcast3A_404, %bitcast3A_405 : vector<32xbf16>
        %mul3A_408 = arith.mulf %mul3A_407, %bitcast3A_406 : vector<32xbf16>
        %unpack3A_409 = tpu.unpack_subelements %mul3A_408, 0 {pack_format = #tpu.pack_format<interleaved>} : vector<32xbf16> -> vector<16xf32>
        %unpack3A_410 = tpu.unpack_subelements %mul3A_408, 1 {pack_format = #tpu.pack_format<interleaved>} : vector<32xbf16> -> vector<16xf32>
        %add3A_411 = arith.addf %add3A_381, %unpack3A_409 : vector<16xf32>
        %add3A_412 = arith.addf %add3A_382, %unpack3A_410 : vector<16xf32>
        %add3A_413 = arith.constant 1 : i32
        %add3A_414 = vector.broadcast %add3A_413 : i32 to vector<16xi32>
        %add3A_415 = arith.addi %add3A_400, %add3A_414 : vector<16xi32>
        %gather3A_416 = tpu.vector_load_idx %arg14[%add3A_196, %add3A_415] : memref<400x64xi32, #tpu.memory_space<vmem>>[vector<16xi32>, vector<16xi32>], vector<16xi32>,
        %gather3A_417 = tpu.vector_load_idx %arg16[%add3A_196, %add3A_415] : memref<400x64xi32, #tpu.memory_space<vmem>>[vector<16xi32>, vector<16xi32>], vector<16xi32>,
        %gather3A_418 = tpu.vector_load_idx %arg18[%get3A_199, %add3A_415] : memref<237x64xi32, #tpu.memory_space<vmem>>[vector<16xi32>, vector<16xi32>], vector<16xi32>,
        %bitcast3A_419 = vector.bitcast %gather3A_416 : vector<16xi32> to vector<32xbf16>
        %bitcast3A_420 = vector.bitcast %gather3A_417 : vector<16xi32> to vector<32xbf16>
        %bitcast3A_421 = vector.bitcast %gather3A_418 : vector<16xi32> to vector<32xbf16>
        %mul3A_422 = arith.mulf %bitcast3A_419, %bitcast3A_420 : vector<32xbf16>
        %mul3A_423 = arith.mulf %mul3A_422, %bitcast3A_421 : vector<32xbf16>
        %unpack3A_424 = tpu.unpack_subelements %mul3A_423, 0 {pack_format = #tpu.pack_format<interleaved>} : vector<32xbf16> -> vector<16xf32>
        %unpack3A_425 = tpu.unpack_subelements %mul3A_423, 1 {pack_format = #tpu.pack_format<interleaved>} : vector<32xbf16> -> vector<16xf32>
        %add3A_426 = arith.addf %add3A_396, %unpack3A_424 : vector<16xf32>
        %add3A_427 = arith.addf %add3A_397, %unpack3A_425 : vector<16xf32>
        %add3A_428 = arith.constant 1 : i32
        %add3A_429 = vector.broadcast %add3A_428 : i32 to vector<16xi32>
        %add3A_430 = arith.addi %add3A_415, %add3A_429 : vector<16xi32>
        %gather3A_431 = tpu.vector_load_idx %arg14[%add3A_196, %add3A_430] : memref<400x64xi32, #tpu.memory_space<vmem>>[vector<16xi32>, vector<16xi32>], vector<16xi32>,
        %gather3A_432 = tpu.vector_load_idx %arg16[%add3A_196, %add3A_430] : memref<400x64xi32, #tpu.memory_space<vmem>>[vector<16xi32>, vector<16xi32>], vector<16xi32>,
        %gather3A_433 = tpu.vector_load_idx %arg18[%get3A_199, %add3A_430] : memref<237x64xi32, #tpu.memory_space<vmem>>[vector<16xi32>, vector<16xi32>], vector<16xi32>,
        %bitcast3A_434 = vector.bitcast %gather3A_431 : vector<16xi32> to vector<32xbf16>
        %bitcast3A_435 = vector.bitcast %gather3A_432 : vector<16xi32> to vector<32xbf16>
        %bitcast3A_436 = vector.bitcast %gather3A_433 : vector<16xi32> to vector<32xbf16>
        %mul3A_437 = arith.mulf %bitcast3A_434, %bitcast3A_435 : vector<32xbf16>
        %mul3A_438 = arith.mulf %mul3A_437, %bitcast3A_436 : vector<32xbf16>
        %unpack3A_439 = tpu.unpack_subelements %mul3A_438, 0 {pack_format = #tpu.pack_format<interleaved>} : vector<32xbf16> -> vector<16xf32>
        %unpack3A_440 = tpu.unpack_subelements %mul3A_438, 1 {pack_format = #tpu.pack_format<interleaved>} : vector<32xbf16> -> vector<16xf32>
        %add3A_441 = arith.addf %add3A_411, %unpack3A_439 : vector<16xf32>
        %add3A_442 = arith.addf %add3A_412, %unpack3A_440 : vector<16xf32>
        %add3A_443 = arith.constant 1 : i32
        %add3A_444 = vector.broadcast %add3A_443 : i32 to vector<16xi32>
        %add3A_445 = arith.addi %add3A_430, %add3A_444 : vector<16xi32>
        %gather3A_446 = tpu.vector_load_idx %arg14[%add3A_196, %add3A_445] : memref<400x64xi32, #tpu.memory_space<vmem>>[vector<16xi32>, vector<16xi32>], vector<16xi32>,
        %gather3A_447 = tpu.vector_load_idx %arg16[%add3A_196, %add3A_445] : memref<400x64xi32, #tpu.memory_space<vmem>>[vector<16xi32>, vector<16xi32>], vector<16xi32>,
        %gather3A_448 = tpu.vector_load_idx %arg18[%get3A_199, %add3A_445] : memref<237x64xi32, #tpu.memory_space<vmem>>[vector<16xi32>, vector<16xi32>], vector<16xi32>,
        %bitcast3A_449 = vector.bitcast %gather3A_446 : vector<16xi32> to vector<32xbf16>
        %bitcast3A_450 = vector.bitcast %gather3A_447 : vector<16xi32> to vector<32xbf16>
        %bitcast3A_451 = vector.bitcast %gather3A_448 : vector<16xi32> to vector<32xbf16>
        %mul3A_452 = arith.mulf %bitcast3A_449, %bitcast3A_450 : vector<32xbf16>
        %mul3A_453 = arith.mulf %mul3A_452, %bitcast3A_451 : vector<32xbf16>
        %unpack3A_454 = tpu.unpack_subelements %mul3A_453, 0 {pack_format = #tpu.pack_format<interleaved>} : vector<32xbf16> -> vector<16xf32>
        %unpack3A_455 = tpu.unpack_subelements %mul3A_453, 1 {pack_format = #tpu.pack_format<interleaved>} : vector<32xbf16> -> vector<16xf32>
        %add3A_456 = arith.addf %add3A_426, %unpack3A_454 : vector<16xf32>
        %add3A_457 = arith.addf %add3A_427, %unpack3A_455 : vector<16xf32>
        %add3A_458 = arith.constant 1 : i32
        %add3A_459 = vector.broadcast %add3A_458 : i32 to vector<16xi32>
        %add3A_460 = arith.addi %add3A_445, %add3A_459 : vector<16xi32>
        %gather3A_461 = tpu.vector_load_idx %arg14[%add3A_196, %add3A_460] : memref<400x64xi32, #tpu.memory_space<vmem>>[vector<16xi32>, vector<16xi32>], vector<16xi32>,
        %gather3A_462 = tpu.vector_load_idx %arg16[%add3A_196, %add3A_460] : memref<400x64xi32, #tpu.memory_space<vmem>>[vector<16xi32>, vector<16xi32>], vector<16xi32>,
        %gather3A_463 = tpu.vector_load_idx %arg18[%get3A_199, %add3A_460] : memref<237x64xi32, #tpu.memory_space<vmem>>[vector<16xi32>, vector<16xi32>], vector<16xi32>,
        %bitcast3A_464 = vector.bitcast %gather3A_461 : vector<16xi32> to vector<32xbf16>
        %bitcast3A_465 = vector.bitcast %gather3A_462 : vector<16xi32> to vector<32xbf16>
        %bitcast3A_466 = vector.bitcast %gather3A_463 : vector<16xi32> to vector<32xbf16>
        %mul3A_467 = arith.mulf %bitcast3A_464, %bitcast3A_465 : vector<32xbf16>
        %mul3A_468 = arith.mulf %mul3A_467, %bitcast3A_466 : vector<32xbf16>
        %unpack3A_469 = tpu.unpack_subelements %mul3A_468, 0 {pack_format = #tpu.pack_format<interleaved>} : vector<32xbf16> -> vector<16xf32>
        %unpack3A_470 = tpu.unpack_subelements %mul3A_468, 1 {pack_format = #tpu.pack_format<interleaved>} : vector<32xbf16> -> vector<16xf32>
        %add3A_471 = arith.addf %add3A_441, %unpack3A_469 : vector<16xf32>
        %add3A_472 = arith.addf %add3A_442, %unpack3A_470 : vector<16xf32>
        %add3A_473 = arith.constant 1 : i32
        %add3A_474 = vector.broadcast %add3A_473 : i32 to vector<16xi32>
        %add3A_475 = arith.addi %add3A_460, %add3A_474 : vector<16xi32>
        %gather3A_476 = tpu.vector_load_idx %arg14[%add3A_196, %add3A_475] : memref<400x64xi32, #tpu.memory_space<vmem>>[vector<16xi32>, vector<16xi32>], vector<16xi32>,
        %gather3A_477 = tpu.vector_load_idx %arg16[%add3A_196, %add3A_475] : memref<400x64xi32, #tpu.memory_space<vmem>>[vector<16xi32>, vector<16xi32>], vector<16xi32>,
        %gather3A_478 = tpu.vector_load_idx %arg18[%get3A_199, %add3A_475] : memref<237x64xi32, #tpu.memory_space<vmem>>[vector<16xi32>, vector<16xi32>], vector<16xi32>,
        %bitcast3A_479 = vector.bitcast %gather3A_476 : vector<16xi32> to vector<32xbf16>
        %bitcast3A_480 = vector.bitcast %gather3A_477 : vector<16xi32> to vector<32xbf16>
        %bitcast3A_481 = vector.bitcast %gather3A_478 : vector<16xi32> to vector<32xbf16>
        %mul3A_482 = arith.mulf %bitcast3A_479, %bitcast3A_480 : vector<32xbf16>
        %mul3A_483 = arith.mulf %mul3A_482, %bitcast3A_481 : vector<32xbf16>
        %unpack3A_484 = tpu.unpack_subelements %mul3A_483, 0 {pack_format = #tpu.pack_format<interleaved>} : vector<32xbf16> -> vector<16xf32>
        %unpack3A_485 = tpu.unpack_subelements %mul3A_483, 1 {pack_format = #tpu.pack_format<interleaved>} : vector<32xbf16> -> vector<16xf32>
        %add3A_486 = arith.addf %add3A_456, %unpack3A_484 : vector<16xf32>
        %add3A_487 = arith.addf %add3A_457, %unpack3A_485 : vector<16xf32>
        %add3A_488 = arith.constant 1 : i32
        %add3A_489 = vector.broadcast %add3A_488 : i32 to vector<16xi32>
        %add3A_490 = arith.addi %add3A_475, %add3A_489 : vector<16xi32>
        %gather3A_491 = tpu.vector_load_idx %arg14[%add3A_196, %add3A_490] : memref<400x64xi32, #tpu.memory_space<vmem>>[vector<16xi32>, vector<16xi32>], vector<16xi32>,
        %gather3A_492 = tpu.vector_load_idx %arg16[%add3A_196, %add3A_490] : memref<400x64xi32, #tpu.memory_space<vmem>>[vector<16xi32>, vector<16xi32>], vector<16xi32>,
        %gather3A_493 = tpu.vector_load_idx %arg18[%get3A_199, %add3A_490] : memref<237x64xi32, #tpu.memory_space<vmem>>[vector<16xi32>, vector<16xi32>], vector<16xi32>,
        %bitcast3A_494 = vector.bitcast %gather3A_491 : vector<16xi32> to vector<32xbf16>
        %bitcast3A_495 = vector.bitcast %gather3A_492 : vector<16xi32> to vector<32xbf16>
        %bitcast3A_496 = vector.bitcast %gather3A_493 : vector<16xi32> to vector<32xbf16>
        %mul3A_497 = arith.mulf %bitcast3A_494, %bitcast3A_495 : vector<32xbf16>
        %mul3A_498 = arith.mulf %mul3A_497, %bitcast3A_496 : vector<32xbf16>
        %unpack3A_499 = tpu.unpack_subelements %mul3A_498, 0 {pack_format = #tpu.pack_format<interleaved>} : vector<32xbf16> -> vector<16xf32>
        %unpack3A_500 = tpu.unpack_subelements %mul3A_498, 1 {pack_format = #tpu.pack_format<interleaved>} : vector<32xbf16> -> vector<16xf32>
        %add3A_501 = arith.addf %add3A_471, %unpack3A_499 : vector<16xf32>
        %add3A_502 = arith.addf %add3A_472, %unpack3A_500 : vector<16xf32>
        %add3A_503 = arith.constant 1 : i32
        %add3A_504 = vector.broadcast %add3A_503 : i32 to vector<16xi32>
        %add3A_505 = arith.addi %add3A_490, %add3A_504 : vector<16xi32>
        %gather3A_506 = tpu.vector_load_idx %arg14[%add3A_196, %add3A_505] : memref<400x64xi32, #tpu.memory_space<vmem>>[vector<16xi32>, vector<16xi32>], vector<16xi32>,
        %gather3A_507 = tpu.vector_load_idx %arg16[%add3A_196, %add3A_505] : memref<400x64xi32, #tpu.memory_space<vmem>>[vector<16xi32>, vector<16xi32>], vector<16xi32>,
        %gather3A_508 = tpu.vector_load_idx %arg18[%get3A_199, %add3A_505] : memref<237x64xi32, #tpu.memory_space<vmem>>[vector<16xi32>, vector<16xi32>], vector<16xi32>,
        %bitcast3A_509 = vector.bitcast %gather3A_506 : vector<16xi32> to vector<32xbf16>
        %bitcast3A_510 = vector.bitcast %gather3A_507 : vector<16xi32> to vector<32xbf16>
        %bitcast3A_511 = vector.bitcast %gather3A_508 : vector<16xi32> to vector<32xbf16>
        %mul3A_512 = arith.mulf %bitcast3A_509, %bitcast3A_510 : vector<32xbf16>
        %mul3A_513 = arith.mulf %mul3A_512, %bitcast3A_511 : vector<32xbf16>
        %unpack3A_514 = tpu.unpack_subelements %mul3A_513, 0 {pack_format = #tpu.pack_format<interleaved>} : vector<32xbf16> -> vector<16xf32>
        %unpack3A_515 = tpu.unpack_subelements %mul3A_513, 1 {pack_format = #tpu.pack_format<interleaved>} : vector<32xbf16> -> vector<16xf32>
        %add3A_516 = arith.addf %add3A_486, %unpack3A_514 : vector<16xf32>
        %add3A_517 = arith.addf %add3A_487, %unpack3A_515 : vector<16xf32>
        %add3A_518 = arith.constant 1 : i32
        %add3A_519 = vector.broadcast %add3A_518 : i32 to vector<16xi32>
        %add3A_520 = arith.addi %add3A_505, %add3A_519 : vector<16xi32>
        %gather3A_521 = tpu.vector_load_idx %arg14[%add3A_196, %add3A_520] : memref<400x64xi32, #tpu.memory_space<vmem>>[vector<16xi32>, vector<16xi32>], vector<16xi32>,
        %gather3A_522 = tpu.vector_load_idx %arg16[%add3A_196, %add3A_520] : memref<400x64xi32, #tpu.memory_space<vmem>>[vector<16xi32>, vector<16xi32>], vector<16xi32>,
        %gather3A_523 = tpu.vector_load_idx %arg18[%get3A_199, %add3A_520] : memref<237x64xi32, #tpu.memory_space<vmem>>[vector<16xi32>, vector<16xi32>], vector<16xi32>,
        %bitcast3A_524 = vector.bitcast %gather3A_521 : vector<16xi32> to vector<32xbf16>
        %bitcast3A_525 = vector.bitcast %gather3A_522 : vector<16xi32> to vector<32xbf16>
        %bitcast3A_526 = vector.bitcast %gather3A_523 : vector<16xi32> to vector<32xbf16>
        %mul3A_527 = arith.mulf %bitcast3A_524, %bitcast3A_525 : vector<32xbf16>
        %mul3A_528 = arith.mulf %mul3A_527, %bitcast3A_526 : vector<32xbf16>
        %unpack3A_529 = tpu.unpack_subelements %mul3A_528, 0 {pack_format = #tpu.pack_format<interleaved>} : vector<32xbf16> -> vector<16xf32>
        %unpack3A_530 = tpu.unpack_subelements %mul3A_528, 1 {pack_format = #tpu.pack_format<interleaved>} : vector<32xbf16> -> vector<16xf32>
        %add3A_531 = arith.addf %add3A_501, %unpack3A_529 : vector<16xf32>
        %add3A_532 = arith.addf %add3A_502, %unpack3A_530 : vector<16xf32>
        %add3A_533 = arith.constant 1 : i32
        %add3A_534 = vector.broadcast %add3A_533 : i32 to vector<16xi32>
        %add3A_535 = arith.addi %add3A_520, %add3A_534 : vector<16xi32>
        %gather3A_536 = tpu.vector_load_idx %arg14[%add3A_196, %add3A_535] : memref<400x64xi32, #tpu.memory_space<vmem>>[vector<16xi32>, vector<16xi32>], vector<16xi32>,
        %gather3A_537 = tpu.vector_load_idx %arg16[%add3A_196, %add3A_535] : memref<400x64xi32, #tpu.memory_space<vmem>>[vector<16xi32>, vector<16xi32>], vector<16xi32>,
        %gather3A_538 = tpu.vector_load_idx %arg18[%get3A_199, %add3A_535] : memref<237x64xi32, #tpu.memory_space<vmem>>[vector<16xi32>, vector<16xi32>], vector<16xi32>,
        %bitcast3A_539 = vector.bitcast %gather3A_536 : vector<16xi32> to vector<32xbf16>
        %bitcast3A_540 = vector.bitcast %gather3A_537 : vector<16xi32> to vector<32xbf16>
        %bitcast3A_541 = vector.bitcast %gather3A_538 : vector<16xi32> to vector<32xbf16>
        %mul3A_542 = arith.mulf %bitcast3A_539, %bitcast3A_540 : vector<32xbf16>
        %mul3A_543 = arith.mulf %mul3A_542, %bitcast3A_541 : vector<32xbf16>
        %unpack3A_544 = tpu.unpack_subelements %mul3A_543, 0 {pack_format = #tpu.pack_format<interleaved>} : vector<32xbf16> -> vector<16xf32>
        %unpack3A_545 = tpu.unpack_subelements %mul3A_543, 1 {pack_format = #tpu.pack_format<interleaved>} : vector<32xbf16> -> vector<16xf32>
        %add3A_546 = arith.addf %add3A_516, %unpack3A_544 : vector<16xf32>
        %add3A_547 = arith.addf %add3A_517, %unpack3A_545 : vector<16xf32>
        %add3A_548 = arith.constant 1 : i32
        %add3A_549 = vector.broadcast %add3A_548 : i32 to vector<16xi32>
        %add3A_550 = arith.addi %add3A_535, %add3A_549 : vector<16xi32>
        %gather3A_551 = tpu.vector_load_idx %arg14[%add3A_196, %add3A_550] : memref<400x64xi32, #tpu.memory_space<vmem>>[vector<16xi32>, vector<16xi32>], vector<16xi32>,
        %gather3A_552 = tpu.vector_load_idx %arg16[%add3A_196, %add3A_550] : memref<400x64xi32, #tpu.memory_space<vmem>>[vector<16xi32>, vector<16xi32>], vector<16xi32>,
        %gather3A_553 = tpu.vector_load_idx %arg18[%get3A_199, %add3A_550] : memref<237x64xi32, #tpu.memory_space<vmem>>[vector<16xi32>, vector<16xi32>], vector<16xi32>,
        %bitcast3A_554 = vector.bitcast %gather3A_551 : vector<16xi32> to vector<32xbf16>
        %bitcast3A_555 = vector.bitcast %gather3A_552 : vector<16xi32> to vector<32xbf16>
        %bitcast3A_556 = vector.bitcast %gather3A_553 : vector<16xi32> to vector<32xbf16>
        %mul3A_557 = arith.mulf %bitcast3A_554, %bitcast3A_555 : vector<32xbf16>
        %mul3A_558 = arith.mulf %mul3A_557, %bitcast3A_556 : vector<32xbf16>
        %unpack3A_559 = tpu.unpack_subelements %mul3A_558, 0 {pack_format = #tpu.pack_format<interleaved>} : vector<32xbf16> -> vector<16xf32>
        %unpack3A_560 = tpu.unpack_subelements %mul3A_558, 1 {pack_format = #tpu.pack_format<interleaved>} : vector<32xbf16> -> vector<16xf32>
        %add3A_561 = arith.addf %add3A_531, %unpack3A_559 : vector<16xf32>
        %add3A_562 = arith.addf %add3A_532, %unpack3A_560 : vector<16xf32>
        %add3A_563 = arith.constant 1 : i32
        %add3A_564 = vector.broadcast %add3A_563 : i32 to vector<16xi32>
        %add3A_565 = arith.addi %add3A_550, %add3A_564 : vector<16xi32>
        %gather3A_566 = tpu.vector_load_idx %arg14[%add3A_196, %add3A_565] : memref<400x64xi32, #tpu.memory_space<vmem>>[vector<16xi32>, vector<16xi32>], vector<16xi32>,
        %gather3A_567 = tpu.vector_load_idx %arg16[%add3A_196, %add3A_565] : memref<400x64xi32, #tpu.memory_space<vmem>>[vector<16xi32>, vector<16xi32>], vector<16xi32>,
        %gather3A_568 = tpu.vector_load_idx %arg18[%get3A_199, %add3A_565] : memref<237x64xi32, #tpu.memory_space<vmem>>[vector<16xi32>, vector<16xi32>], vector<16xi32>,
        %bitcast3A_569 = vector.bitcast %gather3A_566 : vector<16xi32> to vector<32xbf16>
        %bitcast3A_570 = vector.bitcast %gather3A_567 : vector<16xi32> to vector<32xbf16>
        %bitcast3A_571 = vector.bitcast %gather3A_568 : vector<16xi32> to vector<32xbf16>
        %mul3A_572 = arith.mulf %bitcast3A_569, %bitcast3A_570 : vector<32xbf16>
        %mul3A_573 = arith.mulf %mul3A_572, %bitcast3A_571 : vector<32xbf16>
        %unpack3A_574 = tpu.unpack_subelements %mul3A_573, 0 {pack_format = #tpu.pack_format<interleaved>} : vector<32xbf16> -> vector<16xf32>
        %unpack3A_575 = tpu.unpack_subelements %mul3A_573, 1 {pack_format = #tpu.pack_format<interleaved>} : vector<32xbf16> -> vector<16xf32>
        %add3A_576 = arith.addf %add3A_546, %unpack3A_574 : vector<16xf32>
        %add3A_577 = arith.addf %add3A_547, %unpack3A_575 : vector<16xf32>
        %add3A_578 = arith.constant 1 : i32
        %add3A_579 = vector.broadcast %add3A_578 : i32 to vector<16xi32>
        %add3A_580 = arith.addi %add3A_565, %add3A_579 : vector<16xi32>
        %gather3A_581 = tpu.vector_load_idx %arg14[%add3A_196, %add3A_580] : memref<400x64xi32, #tpu.memory_space<vmem>>[vector<16xi32>, vector<16xi32>], vector<16xi32>,
        %gather3A_582 = tpu.vector_load_idx %arg16[%add3A_196, %add3A_580] : memref<400x64xi32, #tpu.memory_space<vmem>>[vector<16xi32>, vector<16xi32>], vector<16xi32>,
        %gather3A_583 = tpu.vector_load_idx %arg18[%get3A_199, %add3A_580] : memref<237x64xi32, #tpu.memory_space<vmem>>[vector<16xi32>, vector<16xi32>], vector<16xi32>,
        %bitcast3A_584 = vector.bitcast %gather3A_581 : vector<16xi32> to vector<32xbf16>
        %bitcast3A_585 = vector.bitcast %gather3A_582 : vector<16xi32> to vector<32xbf16>
        %bitcast3A_586 = vector.bitcast %gather3A_583 : vector<16xi32> to vector<32xbf16>
        %mul3A_587 = arith.mulf %bitcast3A_584, %bitcast3A_585 : vector<32xbf16>
        %mul3A_588 = arith.mulf %mul3A_587, %bitcast3A_586 : vector<32xbf16>
        %unpack3A_589 = tpu.unpack_subelements %mul3A_588, 0 {pack_format = #tpu.pack_format<interleaved>} : vector<32xbf16> -> vector<16xf32>
        %unpack3A_590 = tpu.unpack_subelements %mul3A_588, 1 {pack_format = #tpu.pack_format<interleaved>} : vector<32xbf16> -> vector<16xf32>
        %add3A_591 = arith.addf %add3A_561, %unpack3A_589 : vector<16xf32>
        %add3A_592 = arith.addf %add3A_562, %unpack3A_590 : vector<16xf32>
        %add3A_593 = arith.constant 1 : i32
        %add3A_594 = vector.broadcast %add3A_593 : i32 to vector<16xi32>
        %add3A_595 = arith.addi %add3A_580, %add3A_594 : vector<16xi32>
        %gather3A_596 = tpu.vector_load_idx %arg14[%add3A_196, %add3A_595] : memref<400x64xi32, #tpu.memory_space<vmem>>[vector<16xi32>, vector<16xi32>], vector<16xi32>,
        %gather3A_597 = tpu.vector_load_idx %arg16[%add3A_196, %add3A_595] : memref<400x64xi32, #tpu.memory_space<vmem>>[vector<16xi32>, vector<16xi32>], vector<16xi32>,
        %gather3A_598 = tpu.vector_load_idx %arg18[%get3A_199, %add3A_595] : memref<237x64xi32, #tpu.memory_space<vmem>>[vector<16xi32>, vector<16xi32>], vector<16xi32>,
        %bitcast3A_599 = vector.bitcast %gather3A_596 : vector<16xi32> to vector<32xbf16>
        %bitcast3A_600 = vector.bitcast %gather3A_597 : vector<16xi32> to vector<32xbf16>
        %bitcast3A_601 = vector.bitcast %gather3A_598 : vector<16xi32> to vector<32xbf16>
        %mul3A_602 = arith.mulf %bitcast3A_599, %bitcast3A_600 : vector<32xbf16>
        %mul3A_603 = arith.mulf %mul3A_602, %bitcast3A_601 : vector<32xbf16>
        %unpack3A_604 = tpu.unpack_subelements %mul3A_603, 0 {pack_format = #tpu.pack_format<interleaved>} : vector<32xbf16> -> vector<16xf32>
        %unpack3A_605 = tpu.unpack_subelements %mul3A_603, 1 {pack_format = #tpu.pack_format<interleaved>} : vector<32xbf16> -> vector<16xf32>
        %add3A_606 = arith.addf %add3A_576, %unpack3A_604 : vector<16xf32>
        %add3A_607 = arith.addf %add3A_577, %unpack3A_605 : vector<16xf32>
        %add3A_608 = arith.constant 1 : i32
        %add3A_609 = vector.broadcast %add3A_608 : i32 to vector<16xi32>
        %add3A_610 = arith.addi %add3A_595, %add3A_609 : vector<16xi32>
        %gather3A_611 = tpu.vector_load_idx %arg14[%add3A_196, %add3A_610] : memref<400x64xi32, #tpu.memory_space<vmem>>[vector<16xi32>, vector<16xi32>], vector<16xi32>,
        %gather3A_612 = tpu.vector_load_idx %arg16[%add3A_196, %add3A_610] : memref<400x64xi32, #tpu.memory_space<vmem>>[vector<16xi32>, vector<16xi32>], vector<16xi32>,
        %gather3A_613 = tpu.vector_load_idx %arg18[%get3A_199, %add3A_610] : memref<237x64xi32, #tpu.memory_space<vmem>>[vector<16xi32>, vector<16xi32>], vector<16xi32>,
        %bitcast3A_614 = vector.bitcast %gather3A_611 : vector<16xi32> to vector<32xbf16>
        %bitcast3A_615 = vector.bitcast %gather3A_612 : vector<16xi32> to vector<32xbf16>
        %bitcast3A_616 = vector.bitcast %gather3A_613 : vector<16xi32> to vector<32xbf16>
        %mul3A_617 = arith.mulf %bitcast3A_614, %bitcast3A_615 : vector<32xbf16>
        %mul3A_618 = arith.mulf %mul3A_617, %bitcast3A_616 : vector<32xbf16>
        %unpack3A_619 = tpu.unpack_subelements %mul3A_618, 0 {pack_format = #tpu.pack_format<interleaved>} : vector<32xbf16> -> vector<16xf32>
        %unpack3A_620 = tpu.unpack_subelements %mul3A_618, 1 {pack_format = #tpu.pack_format<interleaved>} : vector<32xbf16> -> vector<16xf32>
        %add3A_621 = arith.addf %add3A_591, %unpack3A_619 : vector<16xf32>
        %add3A_622 = arith.addf %add3A_592, %unpack3A_620 : vector<16xf32>
        %add3A_623 = arith.constant 1 : i32
        %add3A_624 = vector.broadcast %add3A_623 : i32 to vector<16xi32>
        %add3A_625 = arith.addi %add3A_610, %add3A_624 : vector<16xi32>
        %gather3A_626 = tpu.vector_load_idx %arg14[%add3A_196, %add3A_625] : memref<400x64xi32, #tpu.memory_space<vmem>>[vector<16xi32>, vector<16xi32>], vector<16xi32>,
        %gather3A_627 = tpu.vector_load_idx %arg16[%add3A_196, %add3A_625] : memref<400x64xi32, #tpu.memory_space<vmem>>[vector<16xi32>, vector<16xi32>], vector<16xi32>,
        %gather3A_628 = tpu.vector_load_idx %arg18[%get3A_199, %add3A_625] : memref<237x64xi32, #tpu.memory_space<vmem>>[vector<16xi32>, vector<16xi32>], vector<16xi32>,
        %bitcast3A_629 = vector.bitcast %gather3A_626 : vector<16xi32> to vector<32xbf16>
        %bitcast3A_630 = vector.bitcast %gather3A_627 : vector<16xi32> to vector<32xbf16>
        %bitcast3A_631 = vector.bitcast %gather3A_628 : vector<16xi32> to vector<32xbf16>
        %mul3A_632 = arith.mulf %bitcast3A_629, %bitcast3A_630 : vector<32xbf16>
        %mul3A_633 = arith.mulf %mul3A_632, %bitcast3A_631 : vector<32xbf16>
        %unpack3A_634 = tpu.unpack_subelements %mul3A_633, 0 {pack_format = #tpu.pack_format<interleaved>} : vector<32xbf16> -> vector<16xf32>
        %unpack3A_635 = tpu.unpack_subelements %mul3A_633, 1 {pack_format = #tpu.pack_format<interleaved>} : vector<32xbf16> -> vector<16xf32>
        %add3A_636 = arith.addf %add3A_606, %unpack3A_634 : vector<16xf32>
        %add3A_637 = arith.addf %add3A_607, %unpack3A_635 : vector<16xf32>
        %add3A_638 = arith.constant 1 : i32
        %add3A_639 = vector.broadcast %add3A_638 : i32 to vector<16xi32>
        %add3A_640 = arith.addi %add3A_625, %add3A_639 : vector<16xi32>
        %gather3A_641 = tpu.vector_load_idx %arg14[%add3A_196, %add3A_640] : memref<400x64xi32, #tpu.memory_space<vmem>>[vector<16xi32>, vector<16xi32>], vector<16xi32>,
        %gather3A_642 = tpu.vector_load_idx %arg16[%add3A_196, %add3A_640] : memref<400x64xi32, #tpu.memory_space<vmem>>[vector<16xi32>, vector<16xi32>], vector<16xi32>,
        %gather3A_643 = tpu.vector_load_idx %arg18[%get3A_199, %add3A_640] : memref<237x64xi32, #tpu.memory_space<vmem>>[vector<16xi32>, vector<16xi32>], vector<16xi32>,
        %bitcast3A_644 = vector.bitcast %gather3A_641 : vector<16xi32> to vector<32xbf16>
        %bitcast3A_645 = vector.bitcast %gather3A_642 : vector<16xi32> to vector<32xbf16>
        %bitcast3A_646 = vector.bitcast %gather3A_643 : vector<16xi32> to vector<32xbf16>
        %mul3A_647 = arith.mulf %bitcast3A_644, %bitcast3A_645 : vector<32xbf16>
        %mul3A_648 = arith.mulf %mul3A_647, %bitcast3A_646 : vector<32xbf16>
        %unpack3A_649 = tpu.unpack_subelements %mul3A_648, 0 {pack_format = #tpu.pack_format<interleaved>} : vector<32xbf16> -> vector<16xf32>
        %unpack3A_650 = tpu.unpack_subelements %mul3A_648, 1 {pack_format = #tpu.pack_format<interleaved>} : vector<32xbf16> -> vector<16xf32>
        %add3A_651 = arith.addf %add3A_621, %unpack3A_649 : vector<16xf32>
        %add3A_652 = arith.addf %add3A_622, %unpack3A_650 : vector<16xf32>
        %add3A_653 = arith.constant 1 : i32
        %add3A_654 = vector.broadcast %add3A_653 : i32 to vector<16xi32>
        %add3A_655 = arith.addi %add3A_640, %add3A_654 : vector<16xi32>
        %gather3A_656 = tpu.vector_load_idx %arg14[%add3A_196, %add3A_655] : memref<400x64xi32, #tpu.memory_space<vmem>>[vector<16xi32>, vector<16xi32>], vector<16xi32>,
        %gather3A_657 = tpu.vector_load_idx %arg16[%add3A_196, %add3A_655] : memref<400x64xi32, #tpu.memory_space<vmem>>[vector<16xi32>, vector<16xi32>], vector<16xi32>,
        %gather3A_658 = tpu.vector_load_idx %arg18[%get3A_199, %add3A_655] : memref<237x64xi32, #tpu.memory_space<vmem>>[vector<16xi32>, vector<16xi32>], vector<16xi32>,
        %bitcast3A_659 = vector.bitcast %gather3A_656 : vector<16xi32> to vector<32xbf16>
        %bitcast3A_660 = vector.bitcast %gather3A_657 : vector<16xi32> to vector<32xbf16>
        %bitcast3A_661 = vector.bitcast %gather3A_658 : vector<16xi32> to vector<32xbf16>
        %mul3A_662 = arith.mulf %bitcast3A_659, %bitcast3A_660 : vector<32xbf16>
        %mul3A_663 = arith.mulf %mul3A_662, %bitcast3A_661 : vector<32xbf16>
        %unpack3A_664 = tpu.unpack_subelements %mul3A_663, 0 {pack_format = #tpu.pack_format<interleaved>} : vector<32xbf16> -> vector<16xf32>
        %unpack3A_665 = tpu.unpack_subelements %mul3A_663, 1 {pack_format = #tpu.pack_format<interleaved>} : vector<32xbf16> -> vector<16xf32>
        %add3A_666 = arith.addf %add3A_636, %unpack3A_664 : vector<16xf32>
        %add3A_667 = arith.addf %add3A_637, %unpack3A_665 : vector<16xf32>
        %add3A_668 = arith.constant 1 : i32
        %add3A_669 = vector.broadcast %add3A_668 : i32 to vector<16xi32>
        %add3A_670 = arith.addi %add3A_655, %add3A_669 : vector<16xi32>
        %gather3A_671 = tpu.vector_load_idx %arg14[%add3A_196, %add3A_670] : memref<400x64xi32, #tpu.memory_space<vmem>>[vector<16xi32>, vector<16xi32>], vector<16xi32>,
        %gather3A_672 = tpu.vector_load_idx %arg16[%add3A_196, %add3A_670] : memref<400x64xi32, #tpu.memory_space<vmem>>[vector<16xi32>, vector<16xi32>], vector<16xi32>,
        %gather3A_673 = tpu.vector_load_idx %arg18[%get3A_199, %add3A_670] : memref<237x64xi32, #tpu.memory_space<vmem>>[vector<16xi32>, vector<16xi32>], vector<16xi32>,
        %bitcast3A_674 = vector.bitcast %gather3A_671 : vector<16xi32> to vector<32xbf16>
        %bitcast3A_675 = vector.bitcast %gather3A_672 : vector<16xi32> to vector<32xbf16>
        %bitcast3A_676 = vector.bitcast %gather3A_673 : vector<16xi32> to vector<32xbf16>
        %mul3A_677 = arith.mulf %bitcast3A_674, %bitcast3A_675 : vector<32xbf16>
        %mul3A_678 = arith.mulf %mul3A_677, %bitcast3A_676 : vector<32xbf16>
        %unpack3A_679 = tpu.unpack_subelements %mul3A_678, 0 {pack_format = #tpu.pack_format<interleaved>} : vector<32xbf16> -> vector<16xf32>
        %unpack3A_680 = tpu.unpack_subelements %mul3A_678, 1 {pack_format = #tpu.pack_format<interleaved>} : vector<32xbf16> -> vector<16xf32>
        %add3A_681 = arith.addf %add3A_651, %unpack3A_679 : vector<16xf32>
        %add3A_682 = arith.addf %add3A_652, %unpack3A_680 : vector<16xf32>
        %add3A_683 = arith.constant 1 : i32
        %add3A_684 = vector.broadcast %add3A_683 : i32 to vector<16xi32>
        %add3A_685 = arith.addi %add3A_670, %add3A_684 : vector<16xi32>
        %gather3A_686 = tpu.vector_load_idx %arg14[%add3A_196, %add3A_685] : memref<400x64xi32, #tpu.memory_space<vmem>>[vector<16xi32>, vector<16xi32>], vector<16xi32>,
        %gather3A_687 = tpu.vector_load_idx %arg16[%add3A_196, %add3A_685] : memref<400x64xi32, #tpu.memory_space<vmem>>[vector<16xi32>, vector<16xi32>], vector<16xi32>,
        %gather3A_688 = tpu.vector_load_idx %arg18[%get3A_199, %add3A_685] : memref<237x64xi32, #tpu.memory_space<vmem>>[vector<16xi32>, vector<16xi32>], vector<16xi32>,
        %bitcast3A_689 = vector.bitcast %gather3A_686 : vector<16xi32> to vector<32xbf16>
        %bitcast3A_690 = vector.bitcast %gather3A_687 : vector<16xi32> to vector<32xbf16>
        %bitcast3A_691 = vector.bitcast %gather3A_688 : vector<16xi32> to vector<32xbf16>
        %mul3A_692 = arith.mulf %bitcast3A_689, %bitcast3A_690 : vector<32xbf16>
        %mul3A_693 = arith.mulf %mul3A_692, %bitcast3A_691 : vector<32xbf16>
        %unpack3A_694 = tpu.unpack_subelements %mul3A_693, 0 {pack_format = #tpu.pack_format<interleaved>} : vector<32xbf16> -> vector<16xf32>
        %unpack3A_695 = tpu.unpack_subelements %mul3A_693, 1 {pack_format = #tpu.pack_format<interleaved>} : vector<32xbf16> -> vector<16xf32>
        %add3A_696 = arith.addf %add3A_666, %unpack3A_694 : vector<16xf32>
        %add3A_697 = arith.addf %add3A_667, %unpack3A_695 : vector<16xf32>
        %add3A_698 = arith.constant 1 : i32
        %add3A_699 = vector.broadcast %add3A_698 : i32 to vector<16xi32>
        %add3A_700 = arith.addi %add3A_685, %add3A_699 : vector<16xi32>
        %gather3A_701 = tpu.vector_load_idx %arg14[%add3A_196, %add3A_700] : memref<400x64xi32, #tpu.memory_space<vmem>>[vector<16xi32>, vector<16xi32>], vector<16xi32>,
        %gather3A_702 = tpu.vector_load_idx %arg16[%add3A_196, %add3A_700] : memref<400x64xi32, #tpu.memory_space<vmem>>[vector<16xi32>, vector<16xi32>], vector<16xi32>,
        %gather3A_703 = tpu.vector_load_idx %arg18[%get3A_199, %add3A_700] : memref<237x64xi32, #tpu.memory_space<vmem>>[vector<16xi32>, vector<16xi32>], vector<16xi32>,
        %bitcast3A_704 = vector.bitcast %gather3A_701 : vector<16xi32> to vector<32xbf16>
        %bitcast3A_705 = vector.bitcast %gather3A_702 : vector<16xi32> to vector<32xbf16>
        %bitcast3A_706 = vector.bitcast %gather3A_703 : vector<16xi32> to vector<32xbf16>
        %mul3A_707 = arith.mulf %bitcast3A_704, %bitcast3A_705 : vector<32xbf16>
        %mul3A_708 = arith.mulf %mul3A_707, %bitcast3A_706 : vector<32xbf16>
        %unpack3A_709 = tpu.unpack_subelements %mul3A_708, 0 {pack_format = #tpu.pack_format<interleaved>} : vector<32xbf16> -> vector<16xf32>
        %unpack3A_710 = tpu.unpack_subelements %mul3A_708, 1 {pack_format = #tpu.pack_format<interleaved>} : vector<32xbf16> -> vector<16xf32>
        %add3A_711 = arith.addf %add3A_681, %unpack3A_709 : vector<16xf32>
        %add3A_712 = arith.addf %add3A_682, %unpack3A_710 : vector<16xf32>
        %add3A_713 = arith.constant 1 : i32
        %add3A_714 = vector.broadcast %add3A_713 : i32 to vector<16xi32>
        %add3A_715 = arith.addi %add3A_700, %add3A_714 : vector<16xi32>
        %gather3A_716 = tpu.vector_load_idx %arg14[%add3A_196, %add3A_715] : memref<400x64xi32, #tpu.memory_space<vmem>>[vector<16xi32>, vector<16xi32>], vector<16xi32>,
        %gather3A_717 = tpu.vector_load_idx %arg16[%add3A_196, %add3A_715] : memref<400x64xi32, #tpu.memory_space<vmem>>[vector<16xi32>, vector<16xi32>], vector<16xi32>,
        %gather3A_718 = tpu.vector_load_idx %arg18[%get3A_199, %add3A_715] : memref<237x64xi32, #tpu.memory_space<vmem>>[vector<16xi32>, vector<16xi32>], vector<16xi32>,
        %bitcast3A_719 = vector.bitcast %gather3A_716 : vector<16xi32> to vector<32xbf16>
        %bitcast3A_720 = vector.bitcast %gather3A_717 : vector<16xi32> to vector<32xbf16>
        %bitcast3A_721 = vector.bitcast %gather3A_718 : vector<16xi32> to vector<32xbf16>
        %mul3A_722 = arith.mulf %bitcast3A_719, %bitcast3A_720 : vector<32xbf16>
        %mul3A_723 = arith.mulf %mul3A_722, %bitcast3A_721 : vector<32xbf16>
        %unpack3A_724 = tpu.unpack_subelements %mul3A_723, 0 {pack_format = #tpu.pack_format<interleaved>} : vector<32xbf16> -> vector<16xf32>
        %unpack3A_725 = tpu.unpack_subelements %mul3A_723, 1 {pack_format = #tpu.pack_format<interleaved>} : vector<32xbf16> -> vector<16xf32>
        %add3A_726 = arith.addf %add3A_696, %unpack3A_724 : vector<16xf32>
        %add3A_727 = arith.addf %add3A_697, %unpack3A_725 : vector<16xf32>
        %add3A_728 = arith.constant 1 : i32
        %add3A_729 = vector.broadcast %add3A_728 : i32 to vector<16xi32>
        %add3A_730 = arith.addi %add3A_715, %add3A_729 : vector<16xi32>
        %gather3A_731 = tpu.vector_load_idx %arg14[%add3A_196, %add3A_730] : memref<400x64xi32, #tpu.memory_space<vmem>>[vector<16xi32>, vector<16xi32>], vector<16xi32>,
        %gather3A_732 = tpu.vector_load_idx %arg16[%add3A_196, %add3A_730] : memref<400x64xi32, #tpu.memory_space<vmem>>[vector<16xi32>, vector<16xi32>], vector<16xi32>,
        %gather3A_733 = tpu.vector_load_idx %arg18[%get3A_199, %add3A_730] : memref<237x64xi32, #tpu.memory_space<vmem>>[vector<16xi32>, vector<16xi32>], vector<16xi32>,
        %bitcast3A_734 = vector.bitcast %gather3A_731 : vector<16xi32> to vector<32xbf16>
        %bitcast3A_735 = vector.bitcast %gather3A_732 : vector<16xi32> to vector<32xbf16>
        %bitcast3A_736 = vector.bitcast %gather3A_733 : vector<16xi32> to vector<32xbf16>
        %mul3A_737 = arith.mulf %bitcast3A_734, %bitcast3A_735 : vector<32xbf16>
        %mul3A_738 = arith.mulf %mul3A_737, %bitcast3A_736 : vector<32xbf16>
        %unpack3A_739 = tpu.unpack_subelements %mul3A_738, 0 {pack_format = #tpu.pack_format<interleaved>} : vector<32xbf16> -> vector<16xf32>
        %unpack3A_740 = tpu.unpack_subelements %mul3A_738, 1 {pack_format = #tpu.pack_format<interleaved>} : vector<32xbf16> -> vector<16xf32>
        %add3A_741 = arith.addf %add3A_711, %unpack3A_739 : vector<16xf32>
        %add3A_742 = arith.addf %add3A_712, %unpack3A_740 : vector<16xf32>
        %add3A_743 = arith.constant 1 : i32
        %add3A_744 = vector.broadcast %add3A_743 : i32 to vector<16xi32>
        %add3A_745 = arith.addi %add3A_730, %add3A_744 : vector<16xi32>
        %gather3A_746 = tpu.vector_load_idx %arg14[%add3A_196, %add3A_745] : memref<400x64xi32, #tpu.memory_space<vmem>>[vector<16xi32>, vector<16xi32>], vector<16xi32>,
        %gather3A_747 = tpu.vector_load_idx %arg16[%add3A_196, %add3A_745] : memref<400x64xi32, #tpu.memory_space<vmem>>[vector<16xi32>, vector<16xi32>], vector<16xi32>,
        %gather3A_748 = tpu.vector_load_idx %arg18[%get3A_199, %add3A_745] : memref<237x64xi32, #tpu.memory_space<vmem>>[vector<16xi32>, vector<16xi32>], vector<16xi32>,
        %bitcast3A_749 = vector.bitcast %gather3A_746 : vector<16xi32> to vector<32xbf16>
        %bitcast3A_750 = vector.bitcast %gather3A_747 : vector<16xi32> to vector<32xbf16>
        %bitcast3A_751 = vector.bitcast %gather3A_748 : vector<16xi32> to vector<32xbf16>
        %mul3A_752 = arith.mulf %bitcast3A_749, %bitcast3A_750 : vector<32xbf16>
        %mul3A_753 = arith.mulf %mul3A_752, %bitcast3A_751 : vector<32xbf16>
        %unpack3A_754 = tpu.unpack_subelements %mul3A_753, 0 {pack_format = #tpu.pack_format<interleaved>} : vector<32xbf16> -> vector<16xf32>
        %unpack3A_755 = tpu.unpack_subelements %mul3A_753, 1 {pack_format = #tpu.pack_format<interleaved>} : vector<32xbf16> -> vector<16xf32>
        %add3A_756 = arith.addf %add3A_726, %unpack3A_754 : vector<16xf32>
        %add3A_757 = arith.addf %add3A_727, %unpack3A_755 : vector<16xf32>
        %add3A_758 = arith.constant 1 : i32
        %add3A_759 = vector.broadcast %add3A_758 : i32 to vector<16xi32>
        %add3A_760 = arith.addi %add3A_745, %add3A_759 : vector<16xi32>
        %gather3A_761 = tpu.vector_load_idx %arg14[%add3A_196, %add3A_760] : memref<400x64xi32, #tpu.memory_space<vmem>>[vector<16xi32>, vector<16xi32>], vector<16xi32>,
        %gather3A_762 = tpu.vector_load_idx %arg16[%add3A_196, %add3A_760] : memref<400x64xi32, #tpu.memory_space<vmem>>[vector<16xi32>, vector<16xi32>], vector<16xi32>,
        %gather3A_763 = tpu.vector_load_idx %arg18[%get3A_199, %add3A_760] : memref<237x64xi32, #tpu.memory_space<vmem>>[vector<16xi32>, vector<16xi32>], vector<16xi32>,
        %bitcast3A_764 = vector.bitcast %gather3A_761 : vector<16xi32> to vector<32xbf16>
        %bitcast3A_765 = vector.bitcast %gather3A_762 : vector<16xi32> to vector<32xbf16>
        %bitcast3A_766 = vector.bitcast %gather3A_763 : vector<16xi32> to vector<32xbf16>
        %mul3A_767 = arith.mulf %bitcast3A_764, %bitcast3A_765 : vector<32xbf16>
        %mul3A_768 = arith.mulf %mul3A_767, %bitcast3A_766 : vector<32xbf16>
        %unpack3A_769 = tpu.unpack_subelements %mul3A_768, 0 {pack_format = #tpu.pack_format<interleaved>} : vector<32xbf16> -> vector<16xf32>
        %unpack3A_770 = tpu.unpack_subelements %mul3A_768, 1 {pack_format = #tpu.pack_format<interleaved>} : vector<32xbf16> -> vector<16xf32>
        %add3A_771 = arith.addf %add3A_741, %unpack3A_769 : vector<16xf32>
        %add3A_772 = arith.addf %add3A_742, %unpack3A_770 : vector<16xf32>
        %add3A_773 = arith.constant 1 : i32
        %add3A_774 = vector.broadcast %add3A_773 : i32 to vector<16xi32>
        %add3A_775 = arith.addi %add3A_760, %add3A_774 : vector<16xi32>
        %gather3A_776 = tpu.vector_load_idx %arg14[%add3A_196, %add3A_775] : memref<400x64xi32, #tpu.memory_space<vmem>>[vector<16xi32>, vector<16xi32>], vector<16xi32>,
        %gather3A_777 = tpu.vector_load_idx %arg16[%add3A_196, %add3A_775] : memref<400x64xi32, #tpu.memory_space<vmem>>[vector<16xi32>, vector<16xi32>], vector<16xi32>,
        %gather3A_778 = tpu.vector_load_idx %arg18[%get3A_199, %add3A_775] : memref<237x64xi32, #tpu.memory_space<vmem>>[vector<16xi32>, vector<16xi32>], vector<16xi32>,
        %bitcast3A_779 = vector.bitcast %gather3A_776 : vector<16xi32> to vector<32xbf16>
        %bitcast3A_780 = vector.bitcast %gather3A_777 : vector<16xi32> to vector<32xbf16>
        %bitcast3A_781 = vector.bitcast %gather3A_778 : vector<16xi32> to vector<32xbf16>
        %mul3A_782 = arith.mulf %bitcast3A_779, %bitcast3A_780 : vector<32xbf16>
        %mul3A_783 = arith.mulf %mul3A_782, %bitcast3A_781 : vector<32xbf16>
        %unpack3A_784 = tpu.unpack_subelements %mul3A_783, 0 {pack_format = #tpu.pack_format<interleaved>} : vector<32xbf16> -> vector<16xf32>
        %unpack3A_785 = tpu.unpack_subelements %mul3A_783, 1 {pack_format = #tpu.pack_format<interleaved>} : vector<32xbf16> -> vector<16xf32>
        %add3A_786 = arith.addf %add3A_756, %unpack3A_784 : vector<16xf32>
        %add3A_787 = arith.addf %add3A_757, %unpack3A_785 : vector<16xf32>
        %add3A_788 = arith.constant 1 : i32
        %add3A_789 = vector.broadcast %add3A_788 : i32 to vector<16xi32>
        %add3A_790 = arith.addi %add3A_775, %add3A_789 : vector<16xi32>
        %gather3A_791 = tpu.vector_load_idx %arg14[%add3A_196, %add3A_790] : memref<400x64xi32, #tpu.memory_space<vmem>>[vector<16xi32>, vector<16xi32>], vector<16xi32>,
        %gather3A_792 = tpu.vector_load_idx %arg16[%add3A_196, %add3A_790] : memref<400x64xi32, #tpu.memory_space<vmem>>[vector<16xi32>, vector<16xi32>], vector<16xi32>,
        %gather3A_793 = tpu.vector_load_idx %arg18[%get3A_199, %add3A_790] : memref<237x64xi32, #tpu.memory_space<vmem>>[vector<16xi32>, vector<16xi32>], vector<16xi32>,
        %bitcast3A_794 = vector.bitcast %gather3A_791 : vector<16xi32> to vector<32xbf16>
        %bitcast3A_795 = vector.bitcast %gather3A_792 : vector<16xi32> to vector<32xbf16>
        %bitcast3A_796 = vector.bitcast %gather3A_793 : vector<16xi32> to vector<32xbf16>
        %mul3A_797 = arith.mulf %bitcast3A_794, %bitcast3A_795 : vector<32xbf16>
        %mul3A_798 = arith.mulf %mul3A_797, %bitcast3A_796 : vector<32xbf16>
        %unpack3A_799 = tpu.unpack_subelements %mul3A_798, 0 {pack_format = #tpu.pack_format<interleaved>} : vector<32xbf16> -> vector<16xf32>
        %unpack3A_800 = tpu.unpack_subelements %mul3A_798, 1 {pack_format = #tpu.pack_format<interleaved>} : vector<32xbf16> -> vector<16xf32>
        %add3A_801 = arith.addf %add3A_771, %unpack3A_799 : vector<16xf32>
        %add3A_802 = arith.addf %add3A_772, %unpack3A_800 : vector<16xf32>
        %add3A_803 = arith.constant 1 : i32
        %add3A_804 = vector.broadcast %add3A_803 : i32 to vector<16xi32>
        %add3A_805 = arith.addi %add3A_790, %add3A_804 : vector<16xi32>
        %gather3A_806 = tpu.vector_load_idx %arg14[%add3A_196, %add3A_805] : memref<400x64xi32, #tpu.memory_space<vmem>>[vector<16xi32>, vector<16xi32>], vector<16xi32>,
        %gather3A_807 = tpu.vector_load_idx %arg16[%add3A_196, %add3A_805] : memref<400x64xi32, #tpu.memory_space<vmem>>[vector<16xi32>, vector<16xi32>], vector<16xi32>,
        %gather3A_808 = tpu.vector_load_idx %arg18[%get3A_199, %add3A_805] : memref<237x64xi32, #tpu.memory_space<vmem>>[vector<16xi32>, vector<16xi32>], vector<16xi32>,
        %bitcast3A_809 = vector.bitcast %gather3A_806 : vector<16xi32> to vector<32xbf16>
        %bitcast3A_810 = vector.bitcast %gather3A_807 : vector<16xi32> to vector<32xbf16>
        %bitcast3A_811 = vector.bitcast %gather3A_808 : vector<16xi32> to vector<32xbf16>
        %mul3A_812 = arith.mulf %bitcast3A_809, %bitcast3A_810 : vector<32xbf16>
        %mul3A_813 = arith.mulf %mul3A_812, %bitcast3A_811 : vector<32xbf16>
        %unpack3A_814 = tpu.unpack_subelements %mul3A_813, 0 {pack_format = #tpu.pack_format<interleaved>} : vector<32xbf16> -> vector<16xf32>
        %unpack3A_815 = tpu.unpack_subelements %mul3A_813, 1 {pack_format = #tpu.pack_format<interleaved>} : vector<32xbf16> -> vector<16xf32>
        %add3A_816 = arith.addf %add3A_786, %unpack3A_814 : vector<16xf32>
        %add3A_817 = arith.addf %add3A_787, %unpack3A_815 : vector<16xf32>
        %add3A_818 = arith.constant 1 : i32
        %add3A_819 = vector.broadcast %add3A_818 : i32 to vector<16xi32>
        %add3A_820 = arith.addi %add3A_805, %add3A_819 : vector<16xi32>
        %gather3A_821 = tpu.vector_load_idx %arg14[%add3A_196, %add3A_820] : memref<400x64xi32, #tpu.memory_space<vmem>>[vector<16xi32>, vector<16xi32>], vector<16xi32>,
        %gather3A_822 = tpu.vector_load_idx %arg16[%add3A_196, %add3A_820] : memref<400x64xi32, #tpu.memory_space<vmem>>[vector<16xi32>, vector<16xi32>], vector<16xi32>,
        %gather3A_823 = tpu.vector_load_idx %arg18[%get3A_199, %add3A_820] : memref<237x64xi32, #tpu.memory_space<vmem>>[vector<16xi32>, vector<16xi32>], vector<16xi32>,
        %bitcast3A_824 = vector.bitcast %gather3A_821 : vector<16xi32> to vector<32xbf16>
        %bitcast3A_825 = vector.bitcast %gather3A_822 : vector<16xi32> to vector<32xbf16>
        %bitcast3A_826 = vector.bitcast %gather3A_823 : vector<16xi32> to vector<32xbf16>
        %mul3A_827 = arith.mulf %bitcast3A_824, %bitcast3A_825 : vector<32xbf16>
        %mul3A_828 = arith.mulf %mul3A_827, %bitcast3A_826 : vector<32xbf16>
        %unpack3A_829 = tpu.unpack_subelements %mul3A_828, 0 {pack_format = #tpu.pack_format<interleaved>} : vector<32xbf16> -> vector<16xf32>
        %unpack3A_830 = tpu.unpack_subelements %mul3A_828, 1 {pack_format = #tpu.pack_format<interleaved>} : vector<32xbf16> -> vector<16xf32>
        %add3A_831 = arith.addf %add3A_801, %unpack3A_829 : vector<16xf32>
        %add3A_832 = arith.addf %add3A_802, %unpack3A_830 : vector<16xf32>
        %add3A_833 = arith.constant 1 : i32
        %add3A_834 = vector.broadcast %add3A_833 : i32 to vector<16xi32>
        %add3A_835 = arith.addi %add3A_820, %add3A_834 : vector<16xi32>
        %gather3A_836 = tpu.vector_load_idx %arg14[%add3A_196, %add3A_835] : memref<400x64xi32, #tpu.memory_space<vmem>>[vector<16xi32>, vector<16xi32>], vector<16xi32>,
        %gather3A_837 = tpu.vector_load_idx %arg16[%add3A_196, %add3A_835] : memref<400x64xi32, #tpu.memory_space<vmem>>[vector<16xi32>, vector<16xi32>], vector<16xi32>,
        %gather3A_838 = tpu.vector_load_idx %arg18[%get3A_199, %add3A_835] : memref<237x64xi32, #tpu.memory_space<vmem>>[vector<16xi32>, vector<16xi32>], vector<16xi32>,
        %bitcast3A_839 = vector.bitcast %gather3A_836 : vector<16xi32> to vector<32xbf16>
        %bitcast3A_840 = vector.bitcast %gather3A_837 : vector<16xi32> to vector<32xbf16>
        %bitcast3A_841 = vector.bitcast %gather3A_838 : vector<16xi32> to vector<32xbf16>
        %mul3A_842 = arith.mulf %bitcast3A_839, %bitcast3A_840 : vector<32xbf16>
        %mul3A_843 = arith.mulf %mul3A_842, %bitcast3A_841 : vector<32xbf16>
        %unpack3A_844 = tpu.unpack_subelements %mul3A_843, 0 {pack_format = #tpu.pack_format<interleaved>} : vector<32xbf16> -> vector<16xf32>
        %unpack3A_845 = tpu.unpack_subelements %mul3A_843, 1 {pack_format = #tpu.pack_format<interleaved>} : vector<32xbf16> -> vector<16xf32>
        %add3A_846 = arith.addf %add3A_816, %unpack3A_844 : vector<16xf32>
        %add3A_847 = arith.addf %add3A_817, %unpack3A_845 : vector<16xf32>
        %add3A_848 = arith.constant 1 : i32
        %add3A_849 = vector.broadcast %add3A_848 : i32 to vector<16xi32>
        %add3A_850 = arith.addi %add3A_835, %add3A_849 : vector<16xi32>
        %gather3A_851 = tpu.vector_load_idx %arg14[%add3A_196, %add3A_850] : memref<400x64xi32, #tpu.memory_space<vmem>>[vector<16xi32>, vector<16xi32>], vector<16xi32>,
        %gather3A_852 = tpu.vector_load_idx %arg16[%add3A_196, %add3A_850] : memref<400x64xi32, #tpu.memory_space<vmem>>[vector<16xi32>, vector<16xi32>], vector<16xi32>,
        %gather3A_853 = tpu.vector_load_idx %arg18[%get3A_199, %add3A_850] : memref<237x64xi32, #tpu.memory_space<vmem>>[vector<16xi32>, vector<16xi32>], vector<16xi32>,
        %bitcast3A_854 = vector.bitcast %gather3A_851 : vector<16xi32> to vector<32xbf16>
        %bitcast3A_855 = vector.bitcast %gather3A_852 : vector<16xi32> to vector<32xbf16>
        %bitcast3A_856 = vector.bitcast %gather3A_853 : vector<16xi32> to vector<32xbf16>
        %mul3A_857 = arith.mulf %bitcast3A_854, %bitcast3A_855 : vector<32xbf16>
        %mul3A_858 = arith.mulf %mul3A_857, %bitcast3A_856 : vector<32xbf16>
        %unpack3A_859 = tpu.unpack_subelements %mul3A_858, 0 {pack_format = #tpu.pack_format<interleaved>} : vector<32xbf16> -> vector<16xf32>
        %unpack3A_860 = tpu.unpack_subelements %mul3A_858, 1 {pack_format = #tpu.pack_format<interleaved>} : vector<32xbf16> -> vector<16xf32>
        %add3A_861 = arith.addf %add3A_831, %unpack3A_859 : vector<16xf32>
        %add3A_862 = arith.addf %add3A_832, %unpack3A_860 : vector<16xf32>
        %add3A_863 = arith.constant 1 : i32
        %add3A_864 = vector.broadcast %add3A_863 : i32 to vector<16xi32>
        %add3A_865 = arith.addi %add3A_850, %add3A_864 : vector<16xi32>
        %gather3A_866 = tpu.vector_load_idx %arg14[%add3A_196, %add3A_865] : memref<400x64xi32, #tpu.memory_space<vmem>>[vector<16xi32>, vector<16xi32>], vector<16xi32>,
        %gather3A_867 = tpu.vector_load_idx %arg16[%add3A_196, %add3A_865] : memref<400x64xi32, #tpu.memory_space<vmem>>[vector<16xi32>, vector<16xi32>], vector<16xi32>,
        %gather3A_868 = tpu.vector_load_idx %arg18[%get3A_199, %add3A_865] : memref<237x64xi32, #tpu.memory_space<vmem>>[vector<16xi32>, vector<16xi32>], vector<16xi32>,
        %bitcast3A_869 = vector.bitcast %gather3A_866 : vector<16xi32> to vector<32xbf16>
        %bitcast3A_870 = vector.bitcast %gather3A_867 : vector<16xi32> to vector<32xbf16>
        %bitcast3A_871 = vector.bitcast %gather3A_868 : vector<16xi32> to vector<32xbf16>
        %mul3A_872 = arith.mulf %bitcast3A_869, %bitcast3A_870 : vector<32xbf16>
        %mul3A_873 = arith.mulf %mul3A_872, %bitcast3A_871 : vector<32xbf16>
        %unpack3A_874 = tpu.unpack_subelements %mul3A_873, 0 {pack_format = #tpu.pack_format<interleaved>} : vector<32xbf16> -> vector<16xf32>
        %unpack3A_875 = tpu.unpack_subelements %mul3A_873, 1 {pack_format = #tpu.pack_format<interleaved>} : vector<32xbf16> -> vector<16xf32>
        %add3A_876 = arith.addf %add3A_846, %unpack3A_874 : vector<16xf32>
        %add3A_877 = arith.addf %add3A_847, %unpack3A_875 : vector<16xf32>
        %add3A_878 = arith.constant 1 : i32
        %add3A_879 = vector.broadcast %add3A_878 : i32 to vector<16xi32>
        %add3A_880 = arith.addi %add3A_865, %add3A_879 : vector<16xi32>
        %gather3A_881 = tpu.vector_load_idx %arg14[%add3A_196, %add3A_880] : memref<400x64xi32, #tpu.memory_space<vmem>>[vector<16xi32>, vector<16xi32>], vector<16xi32>,
        %gather3A_882 = tpu.vector_load_idx %arg16[%add3A_196, %add3A_880] : memref<400x64xi32, #tpu.memory_space<vmem>>[vector<16xi32>, vector<16xi32>], vector<16xi32>,
        %gather3A_883 = tpu.vector_load_idx %arg18[%get3A_199, %add3A_880] : memref<237x64xi32, #tpu.memory_space<vmem>>[vector<16xi32>, vector<16xi32>], vector<16xi32>,
        %bitcast3A_884 = vector.bitcast %gather3A_881 : vector<16xi32> to vector<32xbf16>
        %bitcast3A_885 = vector.bitcast %gather3A_882 : vector<16xi32> to vector<32xbf16>
        %bitcast3A_886 = vector.bitcast %gather3A_883 : vector<16xi32> to vector<32xbf16>
        %mul3A_887 = arith.mulf %bitcast3A_884, %bitcast3A_885 : vector<32xbf16>
        %mul3A_888 = arith.mulf %mul3A_887, %bitcast3A_886 : vector<32xbf16>
        %unpack3A_889 = tpu.unpack_subelements %mul3A_888, 0 {pack_format = #tpu.pack_format<interleaved>} : vector<32xbf16> -> vector<16xf32>
        %unpack3A_890 = tpu.unpack_subelements %mul3A_888, 1 {pack_format = #tpu.pack_format<interleaved>} : vector<32xbf16> -> vector<16xf32>
        %add3A_891 = arith.addf %add3A_861, %unpack3A_889 : vector<16xf32>
        %add3A_892 = arith.addf %add3A_862, %unpack3A_890 : vector<16xf32>
        %add3A_893 = arith.constant 1 : i32
        %add3A_894 = vector.broadcast %add3A_893 : i32 to vector<16xi32>
        %add3A_895 = arith.addi %add3A_880, %add3A_894 : vector<16xi32>
        %gather3A_896 = tpu.vector_load_idx %arg14[%add3A_196, %add3A_895] : memref<400x64xi32, #tpu.memory_space<vmem>>[vector<16xi32>, vector<16xi32>], vector<16xi32>,
        %gather3A_897 = tpu.vector_load_idx %arg16[%add3A_196, %add3A_895] : memref<400x64xi32, #tpu.memory_space<vmem>>[vector<16xi32>, vector<16xi32>], vector<16xi32>,
        %gather3A_898 = tpu.vector_load_idx %arg18[%get3A_199, %add3A_895] : memref<237x64xi32, #tpu.memory_space<vmem>>[vector<16xi32>, vector<16xi32>], vector<16xi32>,
        %bitcast3A_899 = vector.bitcast %gather3A_896 : vector<16xi32> to vector<32xbf16>
        %bitcast3A_900 = vector.bitcast %gather3A_897 : vector<16xi32> to vector<32xbf16>
        %bitcast3A_901 = vector.bitcast %gather3A_898 : vector<16xi32> to vector<32xbf16>
        %mul3A_902 = arith.mulf %bitcast3A_899, %bitcast3A_900 : vector<32xbf16>
        %mul3A_903 = arith.mulf %mul3A_902, %bitcast3A_901 : vector<32xbf16>
        %unpack3A_904 = tpu.unpack_subelements %mul3A_903, 0 {pack_format = #tpu.pack_format<interleaved>} : vector<32xbf16> -> vector<16xf32>
        %unpack3A_905 = tpu.unpack_subelements %mul3A_903, 1 {pack_format = #tpu.pack_format<interleaved>} : vector<32xbf16> -> vector<16xf32>
        %add3A_906 = arith.addf %add3A_876, %unpack3A_904 : vector<16xf32>
        %add3A_907 = arith.addf %add3A_877, %unpack3A_905 : vector<16xf32>
        %add3A_908 = arith.constant 1 : i32
        %add3A_909 = vector.broadcast %add3A_908 : i32 to vector<16xi32>
        %add3A_910 = arith.addi %add3A_895, %add3A_909 : vector<16xi32>
        %gather3A_911 = tpu.vector_load_idx %arg14[%add3A_196, %add3A_910] : memref<400x64xi32, #tpu.memory_space<vmem>>[vector<16xi32>, vector<16xi32>], vector<16xi32>,
        %gather3A_912 = tpu.vector_load_idx %arg16[%add3A_196, %add3A_910] : memref<400x64xi32, #tpu.memory_space<vmem>>[vector<16xi32>, vector<16xi32>], vector<16xi32>,
        %gather3A_913 = tpu.vector_load_idx %arg18[%get3A_199, %add3A_910] : memref<237x64xi32, #tpu.memory_space<vmem>>[vector<16xi32>, vector<16xi32>], vector<16xi32>,
        %bitcast3A_914 = vector.bitcast %gather3A_911 : vector<16xi32> to vector<32xbf16>
        %bitcast3A_915 = vector.bitcast %gather3A_912 : vector<16xi32> to vector<32xbf16>
        %bitcast3A_916 = vector.bitcast %gather3A_913 : vector<16xi32> to vector<32xbf16>
        %mul3A_917 = arith.mulf %bitcast3A_914, %bitcast3A_915 : vector<32xbf16>
        %mul3A_918 = arith.mulf %mul3A_917, %bitcast3A_916 : vector<32xbf16>
        %unpack3A_919 = tpu.unpack_subelements %mul3A_918, 0 {pack_format = #tpu.pack_format<interleaved>} : vector<32xbf16> -> vector<16xf32>
        %unpack3A_920 = tpu.unpack_subelements %mul3A_918, 1 {pack_format = #tpu.pack_format<interleaved>} : vector<32xbf16> -> vector<16xf32>
        %add3A_921 = arith.addf %add3A_891, %unpack3A_919 : vector<16xf32>
        %add3A_922 = arith.addf %add3A_892, %unpack3A_920 : vector<16xf32>
        %add3A_923 = arith.constant 1 : i32
        %add3A_924 = vector.broadcast %add3A_923 : i32 to vector<16xi32>
        %add3A_925 = arith.addi %add3A_910, %add3A_924 : vector<16xi32>
        %gather3A_926 = tpu.vector_load_idx %arg14[%add3A_196, %add3A_925] : memref<400x64xi32, #tpu.memory_space<vmem>>[vector<16xi32>, vector<16xi32>], vector<16xi32>,
        %gather3A_927 = tpu.vector_load_idx %arg16[%add3A_196, %add3A_925] : memref<400x64xi32, #tpu.memory_space<vmem>>[vector<16xi32>, vector<16xi32>], vector<16xi32>,
        %gather3A_928 = tpu.vector_load_idx %arg18[%get3A_199, %add3A_925] : memref<237x64xi32, #tpu.memory_space<vmem>>[vector<16xi32>, vector<16xi32>], vector<16xi32>,
        %bitcast3A_929 = vector.bitcast %gather3A_926 : vector<16xi32> to vector<32xbf16>
        %bitcast3A_930 = vector.bitcast %gather3A_927 : vector<16xi32> to vector<32xbf16>
        %bitcast3A_931 = vector.bitcast %gather3A_928 : vector<16xi32> to vector<32xbf16>
        %mul3A_932 = arith.mulf %bitcast3A_929, %bitcast3A_930 : vector<32xbf16>
        %mul3A_933 = arith.mulf %mul3A_932, %bitcast3A_931 : vector<32xbf16>
        %unpack3A_934 = tpu.unpack_subelements %mul3A_933, 0 {pack_format = #tpu.pack_format<interleaved>} : vector<32xbf16> -> vector<16xf32>
        %unpack3A_935 = tpu.unpack_subelements %mul3A_933, 1 {pack_format = #tpu.pack_format<interleaved>} : vector<32xbf16> -> vector<16xf32>
        %add3A_936 = arith.addf %add3A_906, %unpack3A_934 : vector<16xf32>
        %add3A_937 = arith.addf %add3A_907, %unpack3A_935 : vector<16xf32>
        %add3A_938 = arith.constant 1 : i32
        %add3A_939 = vector.broadcast %add3A_938 : i32 to vector<16xi32>
        %add3A_940 = arith.addi %add3A_925, %add3A_939 : vector<16xi32>
        %gather3A_941 = tpu.vector_load_idx %arg14[%add3A_196, %add3A_940] : memref<400x64xi32, #tpu.memory_space<vmem>>[vector<16xi32>, vector<16xi32>], vector<16xi32>,
        %gather3A_942 = tpu.vector_load_idx %arg16[%add3A_196, %add3A_940] : memref<400x64xi32, #tpu.memory_space<vmem>>[vector<16xi32>, vector<16xi32>], vector<16xi32>,
        %gather3A_943 = tpu.vector_load_idx %arg18[%get3A_199, %add3A_940] : memref<237x64xi32, #tpu.memory_space<vmem>>[vector<16xi32>, vector<16xi32>], vector<16xi32>,
        %bitcast3A_944 = vector.bitcast %gather3A_941 : vector<16xi32> to vector<32xbf16>
        %bitcast3A_945 = vector.bitcast %gather3A_942 : vector<16xi32> to vector<32xbf16>
        %bitcast3A_946 = vector.bitcast %gather3A_943 : vector<16xi32> to vector<32xbf16>
        %mul3A_947 = arith.mulf %bitcast3A_944, %bitcast3A_945 : vector<32xbf16>
        %mul3A_948 = arith.mulf %mul3A_947, %bitcast3A_946 : vector<32xbf16>
        %unpack3A_949 = tpu.unpack_subelements %mul3A_948, 0 {pack_format = #tpu.pack_format<interleaved>} : vector<32xbf16> -> vector<16xf32>
        %unpack3A_950 = tpu.unpack_subelements %mul3A_948, 1 {pack_format = #tpu.pack_format<interleaved>} : vector<32xbf16> -> vector<16xf32>
        %add3A_951 = arith.addf %add3A_921, %unpack3A_949 : vector<16xf32>
        %add3A_952 = arith.addf %add3A_922, %unpack3A_950 : vector<16xf32>
        %add3A_953 = arith.constant 1 : i32
        %add3A_954 = vector.broadcast %add3A_953 : i32 to vector<16xi32>
        %add3A_955 = arith.addi %add3A_940, %add3A_954 : vector<16xi32>
        %gather3A_956 = tpu.vector_load_idx %arg14[%add3A_196, %add3A_955] : memref<400x64xi32, #tpu.memory_space<vmem>>[vector<16xi32>, vector<16xi32>], vector<16xi32>,
        %gather3A_957 = tpu.vector_load_idx %arg16[%add3A_196, %add3A_955] : memref<400x64xi32, #tpu.memory_space<vmem>>[vector<16xi32>, vector<16xi32>], vector<16xi32>,
        %gather3A_958 = tpu.vector_load_idx %arg18[%get3A_199, %add3A_955] : memref<237x64xi32, #tpu.memory_space<vmem>>[vector<16xi32>, vector<16xi32>], vector<16xi32>,
        %bitcast3A_959 = vector.bitcast %gather3A_956 : vector<16xi32> to vector<32xbf16>
        %bitcast3A_960 = vector.bitcast %gather3A_957 : vector<16xi32> to vector<32xbf16>
        %bitcast3A_961 = vector.bitcast %gather3A_958 : vector<16xi32> to vector<32xbf16>
        %mul3A_962 = arith.mulf %bitcast3A_959, %bitcast3A_960 : vector<32xbf16>
        %mul3A_963 = arith.mulf %mul3A_962, %bitcast3A_961 : vector<32xbf16>
        %unpack3A_964 = tpu.unpack_subelements %mul3A_963, 0 {pack_format = #tpu.pack_format<interleaved>} : vector<32xbf16> -> vector<16xf32>
        %unpack3A_965 = tpu.unpack_subelements %mul3A_963, 1 {pack_format = #tpu.pack_format<interleaved>} : vector<32xbf16> -> vector<16xf32>
        %add3A_966 = arith.addf %add3A_936, %unpack3A_964 : vector<16xf32>
        %add3A_967 = arith.addf %add3A_937, %unpack3A_965 : vector<16xf32>
        %add3A_968 = arith.constant 1 : i32
        %add3A_969 = vector.broadcast %add3A_968 : i32 to vector<16xi32>
        %add3A_970 = arith.addi %add3A_955, %add3A_969 : vector<16xi32>
        %gather3A_971 = tpu.vector_load_idx %arg14[%add3A_196, %add3A_970] : memref<400x64xi32, #tpu.memory_space<vmem>>[vector<16xi32>, vector<16xi32>], vector<16xi32>,
        %gather3A_972 = tpu.vector_load_idx %arg16[%add3A_196, %add3A_970] : memref<400x64xi32, #tpu.memory_space<vmem>>[vector<16xi32>, vector<16xi32>], vector<16xi32>,
        %gather3A_973 = tpu.vector_load_idx %arg18[%get3A_199, %add3A_970] : memref<237x64xi32, #tpu.memory_space<vmem>>[vector<16xi32>, vector<16xi32>], vector<16xi32>,
        %bitcast3A_974 = vector.bitcast %gather3A_971 : vector<16xi32> to vector<32xbf16>
        %bitcast3A_975 = vector.bitcast %gather3A_972 : vector<16xi32> to vector<32xbf16>
        %bitcast3A_976 = vector.bitcast %gather3A_973 : vector<16xi32> to vector<32xbf16>
        %mul3A_977 = arith.mulf %bitcast3A_974, %bitcast3A_975 : vector<32xbf16>
        %mul3A_978 = arith.mulf %mul3A_977, %bitcast3A_976 : vector<32xbf16>
        %unpack3A_979 = tpu.unpack_subelements %mul3A_978, 0 {pack_format = #tpu.pack_format<interleaved>} : vector<32xbf16> -> vector<16xf32>
        %unpack3A_980 = tpu.unpack_subelements %mul3A_978, 1 {pack_format = #tpu.pack_format<interleaved>} : vector<32xbf16> -> vector<16xf32>
        %add3A_981 = arith.addf %add3A_951, %unpack3A_979 : vector<16xf32>
        %add3A_982 = arith.addf %add3A_952, %unpack3A_980 : vector<16xf32>
        %add3A_983 = arith.constant 1 : i32
        %add3A_984 = vector.broadcast %add3A_983 : i32 to vector<16xi32>
        %add3A_985 = arith.addi %add3A_970, %add3A_984 : vector<16xi32>
        %gather3A_986 = tpu.vector_load_idx %arg14[%add3A_196, %add3A_985] : memref<400x64xi32, #tpu.memory_space<vmem>>[vector<16xi32>, vector<16xi32>], vector<16xi32>,
        %gather3A_987 = tpu.vector_load_idx %arg16[%add3A_196, %add3A_985] : memref<400x64xi32, #tpu.memory_space<vmem>>[vector<16xi32>, vector<16xi32>], vector<16xi32>,
        %gather3A_988 = tpu.vector_load_idx %arg18[%get3A_199, %add3A_985] : memref<237x64xi32, #tpu.memory_space<vmem>>[vector<16xi32>, vector<16xi32>], vector<16xi32>,
        %bitcast3A_989 = vector.bitcast %gather3A_986 : vector<16xi32> to vector<32xbf16>
        %bitcast3A_990 = vector.bitcast %gather3A_987 : vector<16xi32> to vector<32xbf16>
        %bitcast3A_991 = vector.bitcast %gather3A_988 : vector<16xi32> to vector<32xbf16>
        %mul3A_992 = arith.mulf %bitcast3A_989, %bitcast3A_990 : vector<32xbf16>
        %mul3A_993 = arith.mulf %mul3A_992, %bitcast3A_991 : vector<32xbf16>
        %unpack3A_994 = tpu.unpack_subelements %mul3A_993, 0 {pack_format = #tpu.pack_format<interleaved>} : vector<32xbf16> -> vector<16xf32>
        %unpack3A_995 = tpu.unpack_subelements %mul3A_993, 1 {pack_format = #tpu.pack_format<interleaved>} : vector<32xbf16> -> vector<16xf32>
        %add3A_996 = arith.addf %add3A_966, %unpack3A_994 : vector<16xf32>
        %add3A_997 = arith.addf %add3A_967, %unpack3A_995 : vector<16xf32>
        %add3A_998 = arith.constant 1 : i32
        %add3A_999 = vector.broadcast %add3A_998 : i32 to vector<16xi32>
        %add3A_1000 = arith.addi %add3A_985, %add3A_999 : vector<16xi32>
        %gather3A_1001 = tpu.vector_load_idx %arg14[%add3A_196, %add3A_1000] : memref<400x64xi32, #tpu.memory_space<vmem>>[vector<16xi32>, vector<16xi32>], vector<16xi32>,
        %gather3A_1002 = tpu.vector_load_idx %arg16[%add3A_196, %add3A_1000] : memref<400x64xi32, #tpu.memory_space<vmem>>[vector<16xi32>, vector<16xi32>], vector<16xi32>,
        %gather3A_1003 = tpu.vector_load_idx %arg18[%get3A_199, %add3A_1000] : memref<237x64xi32, #tpu.memory_space<vmem>>[vector<16xi32>, vector<16xi32>], vector<16xi32>,
        %bitcast3A_1004 = vector.bitcast %gather3A_1001 : vector<16xi32> to vector<32xbf16>
        %bitcast3A_1005 = vector.bitcast %gather3A_1002 : vector<16xi32> to vector<32xbf16>
        %bitcast3A_1006 = vector.bitcast %gather3A_1003 : vector<16xi32> to vector<32xbf16>
        %mul3A_1007 = arith.mulf %bitcast3A_1004, %bitcast3A_1005 : vector<32xbf16>
        %mul3A_1008 = arith.mulf %mul3A_1007, %bitcast3A_1006 : vector<32xbf16>
        %unpack3A_1009 = tpu.unpack_subelements %mul3A_1008, 0 {pack_format = #tpu.pack_format<interleaved>} : vector<32xbf16> -> vector<16xf32>
        %unpack3A_1010 = tpu.unpack_subelements %mul3A_1008, 1 {pack_format = #tpu.pack_format<interleaved>} : vector<32xbf16> -> vector<16xf32>
        %add3A_1011 = arith.addf %add3A_981, %unpack3A_1009 : vector<16xf32>
        %add3A_1012 = arith.addf %add3A_982, %unpack3A_1010 : vector<16xf32>
        %add3A_1013 = arith.constant 1 : i32
        %add3A_1014 = vector.broadcast %add3A_1013 : i32 to vector<16xi32>
        %add3A_1015 = arith.addi %add3A_1000, %add3A_1014 : vector<16xi32>
        %gather3A_1016 = tpu.vector_load_idx %arg14[%add3A_196, %add3A_1015] : memref<400x64xi32, #tpu.memory_space<vmem>>[vector<16xi32>, vector<16xi32>], vector<16xi32>,
        %gather3A_1017 = tpu.vector_load_idx %arg16[%add3A_196, %add3A_1015] : memref<400x64xi32, #tpu.memory_space<vmem>>[vector<16xi32>, vector<16xi32>], vector<16xi32>,
        %gather3A_1018 = tpu.vector_load_idx %arg18[%get3A_199, %add3A_1015] : memref<237x64xi32, #tpu.memory_space<vmem>>[vector<16xi32>, vector<16xi32>], vector<16xi32>,
        %bitcast3A_1019 = vector.bitcast %gather3A_1016 : vector<16xi32> to vector<32xbf16>
        %bitcast3A_1020 = vector.bitcast %gather3A_1017 : vector<16xi32> to vector<32xbf16>
        %bitcast3A_1021 = vector.bitcast %gather3A_1018 : vector<16xi32> to vector<32xbf16>
        %mul3A_1022 = arith.mulf %bitcast3A_1019, %bitcast3A_1020 : vector<32xbf16>
        %mul3A_1023 = arith.mulf %mul3A_1022, %bitcast3A_1021 : vector<32xbf16>
        %unpack3A_1024 = tpu.unpack_subelements %mul3A_1023, 0 {pack_format = #tpu.pack_format<interleaved>} : vector<32xbf16> -> vector<16xf32>
        %unpack3A_1025 = tpu.unpack_subelements %mul3A_1023, 1 {pack_format = #tpu.pack_format<interleaved>} : vector<32xbf16> -> vector<16xf32>
        %add3A_1026 = arith.addf %add3A_996, %unpack3A_1024 : vector<16xf32>
        %add3A_1027 = arith.addf %add3A_997, %unpack3A_1025 : vector<16xf32>
        %add3A_1028 = arith.constant 1 : i32
        %add3A_1029 = vector.broadcast %add3A_1028 : i32 to vector<16xi32>
        %add3A_1030 = arith.addi %add3A_1015, %add3A_1029 : vector<16xi32>
        %gather3A_1031 = tpu.vector_load_idx %arg14[%add3A_196, %add3A_1030] : memref<400x64xi32, #tpu.memory_space<vmem>>[vector<16xi32>, vector<16xi32>], vector<16xi32>,
        %gather3A_1032 = tpu.vector_load_idx %arg16[%add3A_196, %add3A_1030] : memref<400x64xi32, #tpu.memory_space<vmem>>[vector<16xi32>, vector<16xi32>], vector<16xi32>,
        %gather3A_1033 = tpu.vector_load_idx %arg18[%get3A_199, %add3A_1030] : memref<237x64xi32, #tpu.memory_space<vmem>>[vector<16xi32>, vector<16xi32>], vector<16xi32>,
        %bitcast3A_1034 = vector.bitcast %gather3A_1031 : vector<16xi32> to vector<32xbf16>
        %bitcast3A_1035 = vector.bitcast %gather3A_1032 : vector<16xi32> to vector<32xbf16>
        %bitcast3A_1036 = vector.bitcast %gather3A_1033 : vector<16xi32> to vector<32xbf16>
        %mul3A_1037 = arith.mulf %bitcast3A_1034, %bitcast3A_1035 : vector<32xbf16>
        %mul3A_1038 = arith.mulf %mul3A_1037, %bitcast3A_1036 : vector<32xbf16>
        %unpack3A_1039 = tpu.unpack_subelements %mul3A_1038, 0 {pack_format = #tpu.pack_format<interleaved>} : vector<32xbf16> -> vector<16xf32>
        %unpack3A_1040 = tpu.unpack_subelements %mul3A_1038, 1 {pack_format = #tpu.pack_format<interleaved>} : vector<32xbf16> -> vector<16xf32>
        %add3A_1041 = arith.addf %add3A_1011, %unpack3A_1039 : vector<16xf32>
        %add3A_1042 = arith.addf %add3A_1012, %unpack3A_1040 : vector<16xf32>
        %add3A_1043 = arith.constant 1 : i32
        %add3A_1044 = vector.broadcast %add3A_1043 : i32 to vector<16xi32>
        %add3A_1045 = arith.addi %add3A_1030, %add3A_1044 : vector<16xi32>
        %gather3A_1046 = tpu.vector_load_idx %arg14[%add3A_196, %add3A_1045] : memref<400x64xi32, #tpu.memory_space<vmem>>[vector<16xi32>, vector<16xi32>], vector<16xi32>,
        %gather3A_1047 = tpu.vector_load_idx %arg16[%add3A_196, %add3A_1045] : memref<400x64xi32, #tpu.memory_space<vmem>>[vector<16xi32>, vector<16xi32>], vector<16xi32>,
        %gather3A_1048 = tpu.vector_load_idx %arg18[%get3A_199, %add3A_1045] : memref<237x64xi32, #tpu.memory_space<vmem>>[vector<16xi32>, vector<16xi32>], vector<16xi32>,
        %bitcast3A_1049 = vector.bitcast %gather3A_1046 : vector<16xi32> to vector<32xbf16>
        %bitcast3A_1050 = vector.bitcast %gather3A_1047 : vector<16xi32> to vector<32xbf16>
        %bitcast3A_1051 = vector.bitcast %gather3A_1048 : vector<16xi32> to vector<32xbf16>
        %mul3A_1052 = arith.mulf %bitcast3A_1049, %bitcast3A_1050 : vector<32xbf16>
        %mul3A_1053 = arith.mulf %mul3A_1052, %bitcast3A_1051 : vector<32xbf16>
        %unpack3A_1054 = tpu.unpack_subelements %mul3A_1053, 0 {pack_format = #tpu.pack_format<interleaved>} : vector<32xbf16> -> vector<16xf32>
        %unpack3A_1055 = tpu.unpack_subelements %mul3A_1053, 1 {pack_format = #tpu.pack_format<interleaved>} : vector<32xbf16> -> vector<16xf32>
        %add3A_1056 = arith.addf %add3A_1026, %unpack3A_1054 : vector<16xf32>
        %add3A_1057 = arith.addf %add3A_1027, %unpack3A_1055 : vector<16xf32>
        %add3A_1058 = arith.constant 1 : i32
        %add3A_1059 = vector.broadcast %add3A_1058 : i32 to vector<16xi32>
        %add3A_1060 = arith.addi %add3A_1045, %add3A_1059 : vector<16xi32>
        %gather3A_1061 = tpu.vector_load_idx %arg14[%add3A_196, %add3A_1060] : memref<400x64xi32, #tpu.memory_space<vmem>>[vector<16xi32>, vector<16xi32>], vector<16xi32>,
        %gather3A_1062 = tpu.vector_load_idx %arg16[%add3A_196, %add3A_1060] : memref<400x64xi32, #tpu.memory_space<vmem>>[vector<16xi32>, vector<16xi32>], vector<16xi32>,
        %gather3A_1063 = tpu.vector_load_idx %arg18[%get3A_199, %add3A_1060] : memref<237x64xi32, #tpu.memory_space<vmem>>[vector<16xi32>, vector<16xi32>], vector<16xi32>,
        %bitcast3A_1064 = vector.bitcast %gather3A_1061 : vector<16xi32> to vector<32xbf16>
        %bitcast3A_1065 = vector.bitcast %gather3A_1062 : vector<16xi32> to vector<32xbf16>
        %bitcast3A_1066 = vector.bitcast %gather3A_1063 : vector<16xi32> to vector<32xbf16>
        %mul3A_1067 = arith.mulf %bitcast3A_1064, %bitcast3A_1065 : vector<32xbf16>
        %mul3A_1068 = arith.mulf %mul3A_1067, %bitcast3A_1066 : vector<32xbf16>
        %unpack3A_1069 = tpu.unpack_subelements %mul3A_1068, 0 {pack_format = #tpu.pack_format<interleaved>} : vector<32xbf16> -> vector<16xf32>
        %unpack3A_1070 = tpu.unpack_subelements %mul3A_1068, 1 {pack_format = #tpu.pack_format<interleaved>} : vector<32xbf16> -> vector<16xf32>
        %add3A_1071 = arith.addf %add3A_1041, %unpack3A_1069 : vector<16xf32>
        %add3A_1072 = arith.addf %add3A_1042, %unpack3A_1070 : vector<16xf32>
        %add3A_1073 = arith.constant 1 : i32
        %add3A_1074 = vector.broadcast %add3A_1073 : i32 to vector<16xi32>
        %add3A_1075 = arith.addi %add3A_1060, %add3A_1074 : vector<16xi32>
        %gather3A_1076 = tpu.vector_load_idx %arg14[%add3A_196, %add3A_1075] : memref<400x64xi32, #tpu.memory_space<vmem>>[vector<16xi32>, vector<16xi32>], vector<16xi32>,
        %gather3A_1077 = tpu.vector_load_idx %arg16[%add3A_196, %add3A_1075] : memref<400x64xi32, #tpu.memory_space<vmem>>[vector<16xi32>, vector<16xi32>], vector<16xi32>,
        %gather3A_1078 = tpu.vector_load_idx %arg18[%get3A_199, %add3A_1075] : memref<237x64xi32, #tpu.memory_space<vmem>>[vector<16xi32>, vector<16xi32>], vector<16xi32>,
        %bitcast3A_1079 = vector.bitcast %gather3A_1076 : vector<16xi32> to vector<32xbf16>
        %bitcast3A_1080 = vector.bitcast %gather3A_1077 : vector<16xi32> to vector<32xbf16>
        %bitcast3A_1081 = vector.bitcast %gather3A_1078 : vector<16xi32> to vector<32xbf16>
        %mul3A_1082 = arith.mulf %bitcast3A_1079, %bitcast3A_1080 : vector<32xbf16>
        %mul3A_1083 = arith.mulf %mul3A_1082, %bitcast3A_1081 : vector<32xbf16>
        %unpack3A_1084 = tpu.unpack_subelements %mul3A_1083, 0 {pack_format = #tpu.pack_format<interleaved>} : vector<32xbf16> -> vector<16xf32>
        %unpack3A_1085 = tpu.unpack_subelements %mul3A_1083, 1 {pack_format = #tpu.pack_format<interleaved>} : vector<32xbf16> -> vector<16xf32>
        %add3A_1086 = arith.addf %add3A_1056, %unpack3A_1084 : vector<16xf32>
        %add3A_1087 = arith.addf %add3A_1057, %unpack3A_1085 : vector<16xf32>
        %add3A_1088 = arith.constant 1 : i32
        %add3A_1089 = vector.broadcast %add3A_1088 : i32 to vector<16xi32>
        %add3A_1090 = arith.addi %add3A_1075, %add3A_1089 : vector<16xi32>
        %gather3A_1091 = tpu.vector_load_idx %arg14[%add3A_196, %add3A_1090] : memref<400x64xi32, #tpu.memory_space<vmem>>[vector<16xi32>, vector<16xi32>], vector<16xi32>,
        %gather3A_1092 = tpu.vector_load_idx %arg16[%add3A_196, %add3A_1090] : memref<400x64xi32, #tpu.memory_space<vmem>>[vector<16xi32>, vector<16xi32>], vector<16xi32>,
        %gather3A_1093 = tpu.vector_load_idx %arg18[%get3A_199, %add3A_1090] : memref<237x64xi32, #tpu.memory_space<vmem>>[vector<16xi32>, vector<16xi32>], vector<16xi32>,
        %bitcast3A_1094 = vector.bitcast %gather3A_1091 : vector<16xi32> to vector<32xbf16>
        %bitcast3A_1095 = vector.bitcast %gather3A_1092 : vector<16xi32> to vector<32xbf16>
        %bitcast3A_1096 = vector.bitcast %gather3A_1093 : vector<16xi32> to vector<32xbf16>
        %mul3A_1097 = arith.mulf %bitcast3A_1094, %bitcast3A_1095 : vector<32xbf16>
        %mul3A_1098 = arith.mulf %mul3A_1097, %bitcast3A_1096 : vector<32xbf16>
        %unpack3A_1099 = tpu.unpack_subelements %mul3A_1098, 0 {pack_format = #tpu.pack_format<interleaved>} : vector<32xbf16> -> vector<16xf32>
        %unpack3A_1100 = tpu.unpack_subelements %mul3A_1098, 1 {pack_format = #tpu.pack_format<interleaved>} : vector<32xbf16> -> vector<16xf32>
        %add3A_1101 = arith.addf %add3A_1071, %unpack3A_1099 : vector<16xf32>
        %add3A_1102 = arith.addf %add3A_1072, %unpack3A_1100 : vector<16xf32>
        %add3A_1103 = arith.constant 1 : i32
        %add3A_1104 = vector.broadcast %add3A_1103 : i32 to vector<16xi32>
        %add3A_1105 = arith.addi %add3A_1090, %add3A_1104 : vector<16xi32>
        %gather3A_1106 = tpu.vector_load_idx %arg14[%add3A_196, %add3A_1105] : memref<400x64xi32, #tpu.memory_space<vmem>>[vector<16xi32>, vector<16xi32>], vector<16xi32>,
        %gather3A_1107 = tpu.vector_load_idx %arg16[%add3A_196, %add3A_1105] : memref<400x64xi32, #tpu.memory_space<vmem>>[vector<16xi32>, vector<16xi32>], vector<16xi32>,
        %gather3A_1108 = tpu.vector_load_idx %arg18[%get3A_199, %add3A_1105] : memref<237x64xi32, #tpu.memory_space<vmem>>[vector<16xi32>, vector<16xi32>], vector<16xi32>,
        %bitcast3A_1109 = vector.bitcast %gather3A_1106 : vector<16xi32> to vector<32xbf16>
        %bitcast3A_1110 = vector.bitcast %gather3A_1107 : vector<16xi32> to vector<32xbf16>
        %bitcast3A_1111 = vector.bitcast %gather3A_1108 : vector<16xi32> to vector<32xbf16>
        %mul3A_1112 = arith.mulf %bitcast3A_1109, %bitcast3A_1110 : vector<32xbf16>
        %mul3A_1113 = arith.mulf %mul3A_1112, %bitcast3A_1111 : vector<32xbf16>
        %unpack3A_1114 = tpu.unpack_subelements %mul3A_1113, 0 {pack_format = #tpu.pack_format<interleaved>} : vector<32xbf16> -> vector<16xf32>
        %unpack3A_1115 = tpu.unpack_subelements %mul3A_1113, 1 {pack_format = #tpu.pack_format<interleaved>} : vector<32xbf16> -> vector<16xf32>
        %add3A_1116 = arith.addf %add3A_1086, %unpack3A_1114 : vector<16xf32>
        %add3A_1117 = arith.addf %add3A_1087, %unpack3A_1115 : vector<16xf32>
        %add3A_1118 = arith.constant 1 : i32
        %add3A_1119 = vector.broadcast %add3A_1118 : i32 to vector<16xi32>
        %add3A_1120 = arith.addi %add3A_1105, %add3A_1119 : vector<16xi32>
        %gather3A_1121 = tpu.vector_load_idx %arg14[%add3A_196, %add3A_1120] : memref<400x64xi32, #tpu.memory_space<vmem>>[vector<16xi32>, vector<16xi32>], vector<16xi32>,
        %gather3A_1122 = tpu.vector_load_idx %arg16[%add3A_196, %add3A_1120] : memref<400x64xi32, #tpu.memory_space<vmem>>[vector<16xi32>, vector<16xi32>], vector<16xi32>,
        %gather3A_1123 = tpu.vector_load_idx %arg18[%get3A_199, %add3A_1120] : memref<237x64xi32, #tpu.memory_space<vmem>>[vector<16xi32>, vector<16xi32>], vector<16xi32>,
        %bitcast3A_1124 = vector.bitcast %gather3A_1121 : vector<16xi32> to vector<32xbf16>
        %bitcast3A_1125 = vector.bitcast %gather3A_1122 : vector<16xi32> to vector<32xbf16>
        %bitcast3A_1126 = vector.bitcast %gather3A_1123 : vector<16xi32> to vector<32xbf16>
        %mul3A_1127 = arith.mulf %bitcast3A_1124, %bitcast3A_1125 : vector<32xbf16>
        %mul3A_1128 = arith.mulf %mul3A_1127, %bitcast3A_1126 : vector<32xbf16>
        %unpack3A_1129 = tpu.unpack_subelements %mul3A_1128, 0 {pack_format = #tpu.pack_format<interleaved>} : vector<32xbf16> -> vector<16xf32>
        %unpack3A_1130 = tpu.unpack_subelements %mul3A_1128, 1 {pack_format = #tpu.pack_format<interleaved>} : vector<32xbf16> -> vector<16xf32>
        %add3A_1131 = arith.addf %add3A_1101, %unpack3A_1129 : vector<16xf32>
        %add3A_1132 = arith.addf %add3A_1102, %unpack3A_1130 : vector<16xf32>
        %add3A_1133 = arith.constant 1 : i32
        %add3A_1134 = vector.broadcast %add3A_1133 : i32 to vector<16xi32>
        %add3A_1135 = arith.addi %add3A_1120, %add3A_1134 : vector<16xi32>
        %gather3A_1136 = tpu.vector_load_idx %arg14[%add3A_196, %add3A_1135] : memref<400x64xi32, #tpu.memory_space<vmem>>[vector<16xi32>, vector<16xi32>], vector<16xi32>,
        %gather3A_1137 = tpu.vector_load_idx %arg16[%add3A_196, %add3A_1135] : memref<400x64xi32, #tpu.memory_space<vmem>>[vector<16xi32>, vector<16xi32>], vector<16xi32>,
        %gather3A_1138 = tpu.vector_load_idx %arg18[%get3A_199, %add3A_1135] : memref<237x64xi32, #tpu.memory_space<vmem>>[vector<16xi32>, vector<16xi32>], vector<16xi32>,
        %bitcast3A_1139 = vector.bitcast %gather3A_1136 : vector<16xi32> to vector<32xbf16>
        %bitcast3A_1140 = vector.bitcast %gather3A_1137 : vector<16xi32> to vector<32xbf16>
        %bitcast3A_1141 = vector.bitcast %gather3A_1138 : vector<16xi32> to vector<32xbf16>
        %mul3A_1142 = arith.mulf %bitcast3A_1139, %bitcast3A_1140 : vector<32xbf16>
        %mul3A_1143 = arith.mulf %mul3A_1142, %bitcast3A_1141 : vector<32xbf16>
        %unpack3A_1144 = tpu.unpack_subelements %mul3A_1143, 0 {pack_format = #tpu.pack_format<interleaved>} : vector<32xbf16> -> vector<16xf32>
        %unpack3A_1145 = tpu.unpack_subelements %mul3A_1143, 1 {pack_format = #tpu.pack_format<interleaved>} : vector<32xbf16> -> vector<16xf32>
        %add3A_1146 = arith.addf %add3A_1116, %unpack3A_1144 : vector<16xf32>
        %add3A_1147 = arith.addf %add3A_1117, %unpack3A_1145 : vector<16xf32>
        %add3A_1148 = arith.constant 1 : i32
        %add3A_1149 = vector.broadcast %add3A_1148 : i32 to vector<16xi32>
        %add3A_1150 = arith.addi %add3A_1135, %add3A_1149 : vector<16xi32>
        %gather3A_1151 = tpu.vector_load_idx %arg14[%add3A_196, %add3A_1150] : memref<400x64xi32, #tpu.memory_space<vmem>>[vector<16xi32>, vector<16xi32>], vector<16xi32>,
        %gather3A_1152 = tpu.vector_load_idx %arg16[%add3A_196, %add3A_1150] : memref<400x64xi32, #tpu.memory_space<vmem>>[vector<16xi32>, vector<16xi32>], vector<16xi32>,
        %gather3A_1153 = tpu.vector_load_idx %arg18[%get3A_199, %add3A_1150] : memref<237x64xi32, #tpu.memory_space<vmem>>[vector<16xi32>, vector<16xi32>], vector<16xi32>,
        %bitcast3A_1154 = vector.bitcast %gather3A_1151 : vector<16xi32> to vector<32xbf16>
        %bitcast3A_1155 = vector.bitcast %gather3A_1152 : vector<16xi32> to vector<32xbf16>
        %bitcast3A_1156 = vector.bitcast %gather3A_1153 : vector<16xi32> to vector<32xbf16>
        %mul3A_1157 = arith.mulf %bitcast3A_1154, %bitcast3A_1155 : vector<32xbf16>
        %mul3A_1158 = arith.mulf %mul3A_1157, %bitcast3A_1156 : vector<32xbf16>
        %unpack3A_1159 = tpu.unpack_subelements %mul3A_1158, 0 {pack_format = #tpu.pack_format<interleaved>} : vector<32xbf16> -> vector<16xf32>
        %unpack3A_1160 = tpu.unpack_subelements %mul3A_1158, 1 {pack_format = #tpu.pack_format<interleaved>} : vector<32xbf16> -> vector<16xf32>
        %add3A_1161 = arith.addf %add3A_1131, %unpack3A_1159 : vector<16xf32>
        %add3A_1162 = arith.addf %add3A_1132, %unpack3A_1160 : vector<16xf32>
        %add3A_1163 = arith.constant 1 : i32
        %add3A_1164 = vector.broadcast %add3A_1163 : i32 to vector<16xi32>
        %add3A_1165 = arith.addi %add3A_1150, %add3A_1164 : vector<16xi32>
        %add3A_1166 = arith.addf %add3A_1146, %add3A_1147 : vector<16xf32>
        %add3A_1167 = arith.addf %add3A_1161, %add3A_1162 : vector<16xf32>
        %add3A_1168 = arith.addf %add3A_1166, %add3A_1167 : vector<16xf32>
        %mul3A_1169 = arith.constant 16 : i32
        %mul3A_1170 = arith.muli %scan3A_191, %mul3A_1169 : i32
        %swap3A = arith.index_cast %mul3A_1170 : i32 to index
        %swap3A_1171 = tpu.vector_load %arg19[%swap3A] {strides = array<i32>} : memref<400xf32, #tpu.memory_space<vmem>>, vector<16xf32>,
        tpu.vector_store %arg19[%swap3A], %add3A_1168 {strides = array<i32>} : memref<400xf32, #tpu.memory_space<vmem>>, vector<16xf32>,
        %scan3A_1172 = arith.constant 0 : i32
        scf.yield %scan3A_1172 : i32
      }
      %scan3A_119 = arith.constant 25 : i32
      %mul3A_120 = arith.constant 400 : i32
      %mul3A_121 = arith.muli %mul3A_77, %mul3A_120 : i32
      %add3A_122 = arith.addi %mul3A_2, %mul3A_121 : i32
      %dma_start3A_123 = tpu.memref_slice %arg7[%add3A_122] : memref<320000xf32, #tpu.memory_space<hbm>> -> memref<400xf32, #tpu.memory_space<hbm>>
      %dma_start3A_124 = tpu.memref_slice %arg7[%add3A_122] : memref<320000xf32, #tpu.memory_space<hbm>> -> memref<400xf32, #tpu.memory_space<hbm>>
      tpu.enqueue_dma source(%arg19 : memref<400xf32, #tpu.memory_space<vmem>>) target(%dma_start3A_124 : memref<400xf32, #tpu.memory_space<hbm>>) target_semaphore(%arg27 : memref<!tpu.dma_semaphore, #tpu.memory_space<semaphore_mem>>)
      %add3A_125 = arith.constant 2 : i32
      %add3A_126 = arith.addi %mul3A_77, %add3A_125 : i32
      %mul3A_127 = arith.constant 400 : i32
      %mul3A_128 = arith.muli %add3A_126, %mul3A_127 : i32
      %add3A_129 = arith.addi %mul3A_2, %mul3A_128 : i32
      %dma_start3A_130 = tpu.memref_slice %arg4[%add3A_129] : memref<320000xi32, #tpu.memory_space<hbm>> -> memref<400xi32, #tpu.memory_space<hbm>>
      %dma_start3A_131 = tpu.memref_slice %arg4[%add3A_129] : memref<320000xi32, #tpu.memory_space<hbm>> -> memref<400xi32, #tpu.memory_space<hbm>>
      tpu.enqueue_dma source(%dma_start3A_131 : memref<400xi32, #tpu.memory_space<hbm>>) target(%arg12 : memref<400xi32, #tpu.memory_space<vmem>>) target_semaphore(%arg23 : memref<!tpu.dma_semaphore, #tpu.memory_space<semaphore_mem>>)
      %dma_wait3A_132 = arith.constant 0 : i32
      %dma_wait3A_133 = tpu.memref_slice %arg2[%dma_wait3A_132] : memref<320000xi32, #tpu.memory_space<hbm>> -> memref<400xi32, #tpu.memory_space<hbm>>
      %dma_wait3A_134 = arith.constant 0 : i32
      %dma_wait3A_135 = tpu.memref_slice %arg2[%dma_wait3A_134] : memref<320000xi32, #tpu.memory_space<hbm>> -> memref<400xi32, #tpu.memory_space<hbm>>
      tpu.wait_dma2 semaphore(%arg21 : memref<!tpu.dma_semaphore, #tpu.memory_space<semaphore_mem>>) src(%dma_wait3A_135 : memref<400xi32, #tpu.memory_space<hbm>>) dst(%arg8 : memref<400xi32, #tpu.memory_space<vmem>>)
      %dma_wait3A_136 = arith.constant 0 : i32
      %dma_wait3A_137 = tpu.memref_slice %arg3[%dma_wait3A_136] : memref<320000xi32, #tpu.memory_space<hbm>> -> memref<400xi32, #tpu.memory_space<hbm>>
      %dma_wait3A_138 = arith.constant 0 : i32
      %dma_wait3A_139 = tpu.memref_slice %arg3[%dma_wait3A_138] : memref<320000xi32, #tpu.memory_space<hbm>> -> memref<400xi32, #tpu.memory_space<hbm>>
      tpu.wait_dma2 semaphore(%arg21 : memref<!tpu.dma_semaphore, #tpu.memory_space<semaphore_mem>>) src(%dma_wait3A_139 : memref<400xi32, #tpu.memory_space<hbm>>) dst(%arg10 : memref<400xi32, #tpu.memory_space<vmem>>)
      %dma_start3A_140 = arith.constant 0 : i32
      %dma_start3A_141 = arith.constant 0 : i32
      %dma_start3A_142 = tpu.memref_slice %arg5[%dma_start3A_140, %dma_start3A_141] : memref<10000x64xi32, #tpu.memory_space<hbm>> -> memref<10000x64xi32, #tpu.memory_space<hbm>>
      tpu.enqueue_indirect_dma source(%dma_start3A_142 : memref<10000x64xi32, #tpu.memory_space<hbm>>) target(%arg14 : memref<400x64xi32, #tpu.memory_space<vmem>>) offsets(%arg8 : memref<400xi32, #tpu.memory_space<vmem>>) semaphore(%arg25 : memref<!tpu.dma_semaphore, #tpu.memory_space<semaphore_mem>>)
      %dma_start3A_143 = arith.constant 0 : i32
      %dma_start3A_144 = arith.constant 0 : i32
      %dma_start3A_145 = tpu.memref_slice %arg5[%dma_start3A_143, %dma_start3A_144] : memref<10000x64xi32, #tpu.memory_space<hbm>> -> memref<10000x64xi32, #tpu.memory_space<hbm>>
      tpu.enqueue_indirect_dma source(%dma_start3A_145 : memref<10000x64xi32, #tpu.memory_space<hbm>>) target(%arg16 : memref<400x64xi32, #tpu.memory_space<vmem>>) offsets(%arg10 : memref<400xi32, #tpu.memory_space<vmem>>) semaphore(%arg25 : memref<!tpu.dma_semaphore, #tpu.memory_space<semaphore_mem>>)
      %dma_wait3A_146 = arith.constant 0 : i32
      %dma_wait3A_147 = arith.constant 0 : i32
      %dma_wait3A_148 = tpu.memref_slice %arg5[%dma_wait3A_146, %dma_wait3A_147] : memref<10000x64xi32, #tpu.memory_space<hbm>> -> memref<10000x64xi32, #tpu.memory_space<hbm>>
      tpu.wait_indirect_dma semaphore(%arg26 : memref<!tpu.dma_semaphore, #tpu.memory_space<semaphore_mem>>) src(%dma_wait3A_148 : memref<10000x64xi32, #tpu.memory_space<hbm>>) dst(%arg15 : memref<400x64xi32, #tpu.memory_space<vmem>>)
      %dma_wait3A_149 = arith.constant 0 : i32
      %dma_wait3A_150 = arith.constant 0 : i32
      %dma_wait3A_151 = tpu.memref_slice %arg5[%dma_wait3A_149, %dma_wait3A_150] : memref<10000x64xi32, #tpu.memory_space<hbm>> -> memref<10000x64xi32, #tpu.memory_space<hbm>>
      tpu.wait_indirect_dma semaphore(%arg26 : memref<!tpu.dma_semaphore, #tpu.memory_space<semaphore_mem>>) src(%dma_wait3A_151 : memref<10000x64xi32, #tpu.memory_space<hbm>>) dst(%arg17 : memref<400x64xi32, #tpu.memory_space<vmem>>)
      %add3A_152 = arith.constant 3 : i32
      %add3A_153 = arith.addi %mul3A_77, %add3A_152 : i32
      %le3A = arith.constant 24 : i32
      %le3A_154 = arith.cmpi sle, %add3A_153, %le3A : i32
      %convert_element_type3A_155 = arith.extui %le3A_154 : i1 to i32
      %cond3A_156 = arith.constant 0 : i32
      %cond3A_157 = arith.cmpi ne, %convert_element_type3A_155, %cond3A_156 : i32
      scf.if %cond3A_157 {
        %add3A_191 = arith.constant 3 : i32
        %add3A_192 = arith.addi %mul3A_77, %add3A_191 : i32
        %mul3A_193 = arith.constant 400 : i32
        %mul3A_194 = arith.muli %add3A_192, %mul3A_193 : i32
        %add3A_195 = arith.addi %mul3A_2, %mul3A_194 : i32
        %dma_start3A_196 = tpu.memref_slice %arg2[%add3A_195] : memref<320000xi32, #tpu.memory_space<hbm>> -> memref<400xi32, #tpu.memory_space<hbm>>
        %dma_start3A_197 = tpu.memref_slice %arg2[%add3A_195] : memref<320000xi32, #tpu.memory_space<hbm>> -> memref<400xi32, #tpu.memory_space<hbm>>
        tpu.enqueue_dma source(%dma_start3A_197 : memref<400xi32, #tpu.memory_space<hbm>>) target(%arg9 : memref<400xi32, #tpu.memory_space<vmem>>) target_semaphore(%arg22 : memref<!tpu.dma_semaphore, #tpu.memory_space<semaphore_mem>>)
        %dma_start3A_198 = tpu.memref_slice %arg3[%add3A_195] : memref<320000xi32, #tpu.memory_space<hbm>> -> memref<400xi32, #tpu.memory_space<hbm>>
        %dma_start3A_199 = tpu.memref_slice %arg3[%add3A_195] : memref<320000xi32, #tpu.memory_space<hbm>> -> memref<400xi32, #tpu.memory_space<hbm>>
        tpu.enqueue_dma source(%dma_start3A_199 : memref<400xi32, #tpu.memory_space<hbm>>) target(%arg11 : memref<400xi32, #tpu.memory_space<vmem>>) target_semaphore(%arg22 : memref<!tpu.dma_semaphore, #tpu.memory_space<semaphore_mem>>)
      } else {
      }
      %add3A_158 = arith.constant 1 : i32
      %add3A_159 = arith.addi %mul3A_77, %add3A_158 : i32
      %ge3A_160 = arith.constant 2 : i32
      %ge3A_161 = arith.cmpi sge, %add3A_159, %ge3A_160 : i32
      %convert_element_type3A_162 = arith.extui %ge3A_161 : i1 to i32
      %cond3A_163 = arith.constant 0 : i32
      %cond3A_164 = arith.cmpi ne, %convert_element_type3A_162, %cond3A_163 : i32
      scf.if %cond3A_164 {
        %dma_wait3A_191 = arith.constant 0 : i32
        %dma_wait3A_192 = tpu.memref_slice %arg7[%dma_wait3A_191] : memref<320000xf32, #tpu.memory_space<hbm>> -> memref<400xf32, #tpu.memory_space<hbm>>
        %dma_wait3A_193 = arith.constant 0 : i32
        %dma_wait3A_194 = tpu.memref_slice %arg7[%dma_wait3A_193] : memref<320000xf32, #tpu.memory_space<hbm>> -> memref<400xf32, #tpu.memory_space<hbm>>
        tpu.wait_dma2 semaphore(%arg28 : memref<!tpu.dma_semaphore, #tpu.memory_space<semaphore_mem>>) src(%arg20 : memref<400xf32, #tpu.memory_space<vmem>>) dst(%dma_wait3A_194 : memref<400xf32, #tpu.memory_space<hbm>>)
      } else {
      }
      %dma_wait3A_165 = arith.constant 0 : i32
      %dma_wait3A_166 = tpu.memref_slice %arg4[%dma_wait3A_165] : memref<320000xi32, #tpu.memory_space<hbm>> -> memref<400xi32, #tpu.memory_space<hbm>>
      %dma_wait3A_167 = arith.constant 0 : i32
      %dma_wait3A_168 = tpu.memref_slice %arg4[%dma_wait3A_167] : memref<320000xi32, #tpu.memory_space<hbm>> -> memref<400xi32, #tpu.memory_space<hbm>>
      tpu.wait_dma2 semaphore(%arg24 : memref<!tpu.dma_semaphore, #tpu.memory_space<semaphore_mem>>) src(%dma_wait3A_168 : memref<400xi32, #tpu.memory_space<hbm>>) dst(%arg13 : memref<400xi32, #tpu.memory_space<vmem>>)
      %scan3A_169 = arith.constant 0 : i32
      %scan3A_170 = arith.constant 0 : i32
      %scan3A_171 = arith.constant 25 : i32
      %scan3A_172 = arith.addi %scan3A_170, %scan3A_171 : i32
      %scan3A_173 = arith.constant 1 : i32
      %scan3A_174 = scf.for %scan3A_191 = %scan3A_170 to %scan3A_172 step %scan3A_173 iter_args(%scan3A_192 = %scan3A_169) -> (i32)  : i32 {
        %iota3A = tpu.iota {dimensions = array<i32: 0>} : vector<16xi32>
        %mul3A_193 = arith.constant 16 : i32
        %mul3A_194 = arith.muli %scan3A_191, %mul3A_193 : i32
        %add3A_195 = vector.broadcast %mul3A_194 : i32 to vector<16xi32>
        %add3A_196 = arith.addi %iota3A, %add3A_195 : vector<16xi32>
        %mul3A_197 = arith.constant 16 : i32
        %mul3A_198 = arith.muli %scan3A_191, %mul3A_197 : i32
        %get3A = arith.index_cast %mul3A_198 : i32 to index
        %get3A_199 = tpu.vector_load %arg13[%get3A] {strides = array<i32>} : memref<400xi32, #tpu.memory_space<vmem>>, vector<16xi32>,
        %broadcast_in_dim3A = arith.constant 0 : i32
        %broadcast_in_dim3A_200 = vector.broadcast %broadcast_in_dim3A : i32 to vector<16xi32>
        %broadcast_in_dim3A_201 = arith.constant 0.000000e+00 : f32
        %broadcast_in_dim3A_202 = vector.broadcast %broadcast_in_dim3A_201 : f32 to vector<16xf32>
        %broadcast_in_dim3A_203 = arith.constant 0.000000e+00 : f32
        %broadcast_in_dim3A_204 = vector.broadcast %broadcast_in_dim3A_203 : f32 to vector<16xf32>
        %broadcast_in_dim3A_205 = arith.constant 0.000000e+00 : f32
        %broadcast_in_dim3A_206 = vector.broadcast %broadcast_in_dim3A_205 : f32 to vector<16xf32>
        %broadcast_in_dim3A_207 = arith.constant 0.000000e+00 : f32
        %broadcast_in_dim3A_208 = vector.broadcast %broadcast_in_dim3A_207 : f32 to vector<16xf32>
        %gather3A = tpu.vector_load_idx %arg15[%add3A_196, %broadcast_in_dim3A_200] : memref<400x64xi32, #tpu.memory_space<vmem>>[vector<16xi32>, vector<16xi32>], vector<16xi32>,
        %gather3A_209 = tpu.vector_load_idx %arg17[%add3A_196, %broadcast_in_dim3A_200] : memref<400x64xi32, #tpu.memory_space<vmem>>[vector<16xi32>, vector<16xi32>], vector<16xi32>,
        %gather3A_210 = tpu.vector_load_idx %arg18[%get3A_199, %broadcast_in_dim3A_200] : memref<237x64xi32, #tpu.memory_space<vmem>>[vector<16xi32>, vector<16xi32>], vector<16xi32>,
        %bitcast3A = vector.bitcast %gather3A : vector<16xi32> to vector<32xbf16>
        %bitcast3A_211 = vector.bitcast %gather3A_209 : vector<16xi32> to vector<32xbf16>
        %bitcast3A_212 = vector.bitcast %gather3A_210 : vector<16xi32> to vector<32xbf16>
        %mul3A_213 = arith.mulf %bitcast3A, %bitcast3A_211 : vector<32xbf16>
        %mul3A_214 = arith.mulf %mul3A_213, %bitcast3A_212 : vector<32xbf16>
        %unpack3A = tpu.unpack_subelements %mul3A_214, 0 {pack_format = #tpu.pack_format<interleaved>} : vector<32xbf16> -> vector<16xf32>
        %unpack3A_215 = tpu.unpack_subelements %mul3A_214, 1 {pack_format = #tpu.pack_format<interleaved>} : vector<32xbf16> -> vector<16xf32>
        %add3A_216 = arith.addf %broadcast_in_dim3A_202, %unpack3A : vector<16xf32>
        %add3A_217 = arith.addf %broadcast_in_dim3A_204, %unpack3A_215 : vector<16xf32>
        %add3A_218 = arith.constant 1 : i32
        %add3A_219 = vector.broadcast %add3A_218 : i32 to vector<16xi32>
        %add3A_220 = arith.addi %broadcast_in_dim3A_200, %add3A_219 : vector<16xi32>
        %gather3A_221 = tpu.vector_load_idx %arg15[%add3A_196, %add3A_220] : memref<400x64xi32, #tpu.memory_space<vmem>>[vector<16xi32>, vector<16xi32>], vector<16xi32>,
        %gather3A_222 = tpu.vector_load_idx %arg17[%add3A_196, %add3A_220] : memref<400x64xi32, #tpu.memory_space<vmem>>[vector<16xi32>, vector<16xi32>], vector<16xi32>,
        %gather3A_223 = tpu.vector_load_idx %arg18[%get3A_199, %add3A_220] : memref<237x64xi32, #tpu.memory_space<vmem>>[vector<16xi32>, vector<16xi32>], vector<16xi32>,
        %bitcast3A_224 = vector.bitcast %gather3A_221 : vector<16xi32> to vector<32xbf16>
        %bitcast3A_225 = vector.bitcast %gather3A_222 : vector<16xi32> to vector<32xbf16>
        %bitcast3A_226 = vector.bitcast %gather3A_223 : vector<16xi32> to vector<32xbf16>
        %mul3A_227 = arith.mulf %bitcast3A_224, %bitcast3A_225 : vector<32xbf16>
        %mul3A_228 = arith.mulf %mul3A_227, %bitcast3A_226 : vector<32xbf16>
        %unpack3A_229 = tpu.unpack_subelements %mul3A_228, 0 {pack_format = #tpu.pack_format<interleaved>} : vector<32xbf16> -> vector<16xf32>
        %unpack3A_230 = tpu.unpack_subelements %mul3A_228, 1 {pack_format = #tpu.pack_format<interleaved>} : vector<32xbf16> -> vector<16xf32>
        %add3A_231 = arith.addf %broadcast_in_dim3A_206, %unpack3A_229 : vector<16xf32>
        %add3A_232 = arith.addf %broadcast_in_dim3A_208, %unpack3A_230 : vector<16xf32>
        %add3A_233 = arith.constant 1 : i32
        %add3A_234 = vector.broadcast %add3A_233 : i32 to vector<16xi32>
        %add3A_235 = arith.addi %add3A_220, %add3A_234 : vector<16xi32>
        %gather3A_236 = tpu.vector_load_idx %arg15[%add3A_196, %add3A_235] : memref<400x64xi32, #tpu.memory_space<vmem>>[vector<16xi32>, vector<16xi32>], vector<16xi32>,
        %gather3A_237 = tpu.vector_load_idx %arg17[%add3A_196, %add3A_235] : memref<400x64xi32, #tpu.memory_space<vmem>>[vector<16xi32>, vector<16xi32>], vector<16xi32>,
        %gather3A_238 = tpu.vector_load_idx %arg18[%get3A_199, %add3A_235] : memref<237x64xi32, #tpu.memory_space<vmem>>[vector<16xi32>, vector<16xi32>], vector<16xi32>,
        %bitcast3A_239 = vector.bitcast %gather3A_236 : vector<16xi32> to vector<32xbf16>
        %bitcast3A_240 = vector.bitcast %gather3A_237 : vector<16xi32> to vector<32xbf16>
        %bitcast3A_241 = vector.bitcast %gather3A_238 : vector<16xi32> to vector<32xbf16>
        %mul3A_242 = arith.mulf %bitcast3A_239, %bitcast3A_240 : vector<32xbf16>
        %mul3A_243 = arith.mulf %mul3A_242, %bitcast3A_241 : vector<32xbf16>
        %unpack3A_244 = tpu.unpack_subelements %mul3A_243, 0 {pack_format = #tpu.pack_format<interleaved>} : vector<32xbf16> -> vector<16xf32>
        %unpack3A_245 = tpu.unpack_subelements %mul3A_243, 1 {pack_format = #tpu.pack_format<interleaved>} : vector<32xbf16> -> vector<16xf32>
        %add3A_246 = arith.addf %add3A_216, %unpack3A_244 : vector<16xf32>
        %add3A_247 = arith.addf %add3A_217, %unpack3A_245 : vector<16xf32>
        %add3A_248 = arith.constant 1 : i32
        %add3A_249 = vector.broadcast %add3A_248 : i32 to vector<16xi32>
        %add3A_250 = arith.addi %add3A_235, %add3A_249 : vector<16xi32>
        %gather3A_251 = tpu.vector_load_idx %arg15[%add3A_196, %add3A_250] : memref<400x64xi32, #tpu.memory_space<vmem>>[vector<16xi32>, vector<16xi32>], vector<16xi32>,
        %gather3A_252 = tpu.vector_load_idx %arg17[%add3A_196, %add3A_250] : memref<400x64xi32, #tpu.memory_space<vmem>>[vector<16xi32>, vector<16xi32>], vector<16xi32>,
        %gather3A_253 = tpu.vector_load_idx %arg18[%get3A_199, %add3A_250] : memref<237x64xi32, #tpu.memory_space<vmem>>[vector<16xi32>, vector<16xi32>], vector<16xi32>,
        %bitcast3A_254 = vector.bitcast %gather3A_251 : vector<16xi32> to vector<32xbf16>
        %bitcast3A_255 = vector.bitcast %gather3A_252 : vector<16xi32> to vector<32xbf16>
        %bitcast3A_256 = vector.bitcast %gather3A_253 : vector<16xi32> to vector<32xbf16>
        %mul3A_257 = arith.mulf %bitcast3A_254, %bitcast3A_255 : vector<32xbf16>
        %mul3A_258 = arith.mulf %mul3A_257, %bitcast3A_256 : vector<32xbf16>
        %unpack3A_259 = tpu.unpack_subelements %mul3A_258, 0 {pack_format = #tpu.pack_format<interleaved>} : vector<32xbf16> -> vector<16xf32>
        %unpack3A_260 = tpu.unpack_subelements %mul3A_258, 1 {pack_format = #tpu.pack_format<interleaved>} : vector<32xbf16> -> vector<16xf32>
        %add3A_261 = arith.addf %add3A_231, %unpack3A_259 : vector<16xf32>
        %add3A_262 = arith.addf %add3A_232, %unpack3A_260 : vector<16xf32>
        %add3A_263 = arith.constant 1 : i32
        %add3A_264 = vector.broadcast %add3A_263 : i32 to vector<16xi32>
        %add3A_265 = arith.addi %add3A_250, %add3A_264 : vector<16xi32>
        %gather3A_266 = tpu.vector_load_idx %arg15[%add3A_196, %add3A_265] : memref<400x64xi32, #tpu.memory_space<vmem>>[vector<16xi32>, vector<16xi32>], vector<16xi32>,
        %gather3A_267 = tpu.vector_load_idx %arg17[%add3A_196, %add3A_265] : memref<400x64xi32, #tpu.memory_space<vmem>>[vector<16xi32>, vector<16xi32>], vector<16xi32>,
        %gather3A_268 = tpu.vector_load_idx %arg18[%get3A_199, %add3A_265] : memref<237x64xi32, #tpu.memory_space<vmem>>[vector<16xi32>, vector<16xi32>], vector<16xi32>,
        %bitcast3A_269 = vector.bitcast %gather3A_266 : vector<16xi32> to vector<32xbf16>
        %bitcast3A_270 = vector.bitcast %gather3A_267 : vector<16xi32> to vector<32xbf16>
        %bitcast3A_271 = vector.bitcast %gather3A_268 : vector<16xi32> to vector<32xbf16>
        %mul3A_272 = arith.mulf %bitcast3A_269, %bitcast3A_270 : vector<32xbf16>
        %mul3A_273 = arith.mulf %mul3A_272, %bitcast3A_271 : vector<32xbf16>
        %unpack3A_274 = tpu.unpack_subelements %mul3A_273, 0 {pack_format = #tpu.pack_format<interleaved>} : vector<32xbf16> -> vector<16xf32>
        %unpack3A_275 = tpu.unpack_subelements %mul3A_273, 1 {pack_format = #tpu.pack_format<interleaved>} : vector<32xbf16> -> vector<16xf32>
        %add3A_276 = arith.addf %add3A_246, %unpack3A_274 : vector<16xf32>
        %add3A_277 = arith.addf %add3A_247, %unpack3A_275 : vector<16xf32>
        %add3A_278 = arith.constant 1 : i32
        %add3A_279 = vector.broadcast %add3A_278 : i32 to vector<16xi32>
        %add3A_280 = arith.addi %add3A_265, %add3A_279 : vector<16xi32>
        %gather3A_281 = tpu.vector_load_idx %arg15[%add3A_196, %add3A_280] : memref<400x64xi32, #tpu.memory_space<vmem>>[vector<16xi32>, vector<16xi32>], vector<16xi32>,
        %gather3A_282 = tpu.vector_load_idx %arg17[%add3A_196, %add3A_280] : memref<400x64xi32, #tpu.memory_space<vmem>>[vector<16xi32>, vector<16xi32>], vector<16xi32>,
        %gather3A_283 = tpu.vector_load_idx %arg18[%get3A_199, %add3A_280] : memref<237x64xi32, #tpu.memory_space<vmem>>[vector<16xi32>, vector<16xi32>], vector<16xi32>,
        %bitcast3A_284 = vector.bitcast %gather3A_281 : vector<16xi32> to vector<32xbf16>
        %bitcast3A_285 = vector.bitcast %gather3A_282 : vector<16xi32> to vector<32xbf16>
        %bitcast3A_286 = vector.bitcast %gather3A_283 : vector<16xi32> to vector<32xbf16>
        %mul3A_287 = arith.mulf %bitcast3A_284, %bitcast3A_285 : vector<32xbf16>
        %mul3A_288 = arith.mulf %mul3A_287, %bitcast3A_286 : vector<32xbf16>
        %unpack3A_289 = tpu.unpack_subelements %mul3A_288, 0 {pack_format = #tpu.pack_format<interleaved>} : vector<32xbf16> -> vector<16xf32>
        %unpack3A_290 = tpu.unpack_subelements %mul3A_288, 1 {pack_format = #tpu.pack_format<interleaved>} : vector<32xbf16> -> vector<16xf32>
        %add3A_291 = arith.addf %add3A_261, %unpack3A_289 : vector<16xf32>
        %add3A_292 = arith.addf %add3A_262, %unpack3A_290 : vector<16xf32>
        %add3A_293 = arith.constant 1 : i32
        %add3A_294 = vector.broadcast %add3A_293 : i32 to vector<16xi32>
        %add3A_295 = arith.addi %add3A_280, %add3A_294 : vector<16xi32>
        %gather3A_296 = tpu.vector_load_idx %arg15[%add3A_196, %add3A_295] : memref<400x64xi32, #tpu.memory_space<vmem>>[vector<16xi32>, vector<16xi32>], vector<16xi32>,
        %gather3A_297 = tpu.vector_load_idx %arg17[%add3A_196, %add3A_295] : memref<400x64xi32, #tpu.memory_space<vmem>>[vector<16xi32>, vector<16xi32>], vector<16xi32>,
        %gather3A_298 = tpu.vector_load_idx %arg18[%get3A_199, %add3A_295] : memref<237x64xi32, #tpu.memory_space<vmem>>[vector<16xi32>, vector<16xi32>], vector<16xi32>,
        %bitcast3A_299 = vector.bitcast %gather3A_296 : vector<16xi32> to vector<32xbf16>
        %bitcast3A_300 = vector.bitcast %gather3A_297 : vector<16xi32> to vector<32xbf16>
        %bitcast3A_301 = vector.bitcast %gather3A_298 : vector<16xi32> to vector<32xbf16>
        %mul3A_302 = arith.mulf %bitcast3A_299, %bitcast3A_300 : vector<32xbf16>
        %mul3A_303 = arith.mulf %mul3A_302, %bitcast3A_301 : vector<32xbf16>
        %unpack3A_304 = tpu.unpack_subelements %mul3A_303, 0 {pack_format = #tpu.pack_format<interleaved>} : vector<32xbf16> -> vector<16xf32>
        %unpack3A_305 = tpu.unpack_subelements %mul3A_303, 1 {pack_format = #tpu.pack_format<interleaved>} : vector<32xbf16> -> vector<16xf32>
        %add3A_306 = arith.addf %add3A_276, %unpack3A_304 : vector<16xf32>
        %add3A_307 = arith.addf %add3A_277, %unpack3A_305 : vector<16xf32>
        %add3A_308 = arith.constant 1 : i32
        %add3A_309 = vector.broadcast %add3A_308 : i32 to vector<16xi32>
        %add3A_310 = arith.addi %add3A_295, %add3A_309 : vector<16xi32>
        %gather3A_311 = tpu.vector_load_idx %arg15[%add3A_196, %add3A_310] : memref<400x64xi32, #tpu.memory_space<vmem>>[vector<16xi32>, vector<16xi32>], vector<16xi32>,
        %gather3A_312 = tpu.vector_load_idx %arg17[%add3A_196, %add3A_310] : memref<400x64xi32, #tpu.memory_space<vmem>>[vector<16xi32>, vector<16xi32>], vector<16xi32>,
        %gather3A_313 = tpu.vector_load_idx %arg18[%get3A_199, %add3A_310] : memref<237x64xi32, #tpu.memory_space<vmem>>[vector<16xi32>, vector<16xi32>], vector<16xi32>,
        %bitcast3A_314 = vector.bitcast %gather3A_311 : vector<16xi32> to vector<32xbf16>
        %bitcast3A_315 = vector.bitcast %gather3A_312 : vector<16xi32> to vector<32xbf16>
        %bitcast3A_316 = vector.bitcast %gather3A_313 : vector<16xi32> to vector<32xbf16>
        %mul3A_317 = arith.mulf %bitcast3A_314, %bitcast3A_315 : vector<32xbf16>
        %mul3A_318 = arith.mulf %mul3A_317, %bitcast3A_316 : vector<32xbf16>
        %unpack3A_319 = tpu.unpack_subelements %mul3A_318, 0 {pack_format = #tpu.pack_format<interleaved>} : vector<32xbf16> -> vector<16xf32>
        %unpack3A_320 = tpu.unpack_subelements %mul3A_318, 1 {pack_format = #tpu.pack_format<interleaved>} : vector<32xbf16> -> vector<16xf32>
        %add3A_321 = arith.addf %add3A_291, %unpack3A_319 : vector<16xf32>
        %add3A_322 = arith.addf %add3A_292, %unpack3A_320 : vector<16xf32>
        %add3A_323 = arith.constant 1 : i32
        %add3A_324 = vector.broadcast %add3A_323 : i32 to vector<16xi32>
        %add3A_325 = arith.addi %add3A_310, %add3A_324 : vector<16xi32>
        %gather3A_326 = tpu.vector_load_idx %arg15[%add3A_196, %add3A_325] : memref<400x64xi32, #tpu.memory_space<vmem>>[vector<16xi32>, vector<16xi32>], vector<16xi32>,
        %gather3A_327 = tpu.vector_load_idx %arg17[%add3A_196, %add3A_325] : memref<400x64xi32, #tpu.memory_space<vmem>>[vector<16xi32>, vector<16xi32>], vector<16xi32>,
        %gather3A_328 = tpu.vector_load_idx %arg18[%get3A_199, %add3A_325] : memref<237x64xi32, #tpu.memory_space<vmem>>[vector<16xi32>, vector<16xi32>], vector<16xi32>,
        %bitcast3A_329 = vector.bitcast %gather3A_326 : vector<16xi32> to vector<32xbf16>
        %bitcast3A_330 = vector.bitcast %gather3A_327 : vector<16xi32> to vector<32xbf16>
        %bitcast3A_331 = vector.bitcast %gather3A_328 : vector<16xi32> to vector<32xbf16>
        %mul3A_332 = arith.mulf %bitcast3A_329, %bitcast3A_330 : vector<32xbf16>
        %mul3A_333 = arith.mulf %mul3A_332, %bitcast3A_331 : vector<32xbf16>
        %unpack3A_334 = tpu.unpack_subelements %mul3A_333, 0 {pack_format = #tpu.pack_format<interleaved>} : vector<32xbf16> -> vector<16xf32>
        %unpack3A_335 = tpu.unpack_subelements %mul3A_333, 1 {pack_format = #tpu.pack_format<interleaved>} : vector<32xbf16> -> vector<16xf32>
        %add3A_336 = arith.addf %add3A_306, %unpack3A_334 : vector<16xf32>
        %add3A_337 = arith.addf %add3A_307, %unpack3A_335 : vector<16xf32>
        %add3A_338 = arith.constant 1 : i32
        %add3A_339 = vector.broadcast %add3A_338 : i32 to vector<16xi32>
        %add3A_340 = arith.addi %add3A_325, %add3A_339 : vector<16xi32>
        %gather3A_341 = tpu.vector_load_idx %arg15[%add3A_196, %add3A_340] : memref<400x64xi32, #tpu.memory_space<vmem>>[vector<16xi32>, vector<16xi32>], vector<16xi32>,
        %gather3A_342 = tpu.vector_load_idx %arg17[%add3A_196, %add3A_340] : memref<400x64xi32, #tpu.memory_space<vmem>>[vector<16xi32>, vector<16xi32>], vector<16xi32>,
        %gather3A_343 = tpu.vector_load_idx %arg18[%get3A_199, %add3A_340] : memref<237x64xi32, #tpu.memory_space<vmem>>[vector<16xi32>, vector<16xi32>], vector<16xi32>,
        %bitcast3A_344 = vector.bitcast %gather3A_341 : vector<16xi32> to vector<32xbf16>
        %bitcast3A_345 = vector.bitcast %gather3A_342 : vector<16xi32> to vector<32xbf16>
        %bitcast3A_346 = vector.bitcast %gather3A_343 : vector<16xi32> to vector<32xbf16>
        %mul3A_347 = arith.mulf %bitcast3A_344, %bitcast3A_345 : vector<32xbf16>
        %mul3A_348 = arith.mulf %mul3A_347, %bitcast3A_346 : vector<32xbf16>
        %unpack3A_349 = tpu.unpack_subelements %mul3A_348, 0 {pack_format = #tpu.pack_format<interleaved>} : vector<32xbf16> -> vector<16xf32>
        %unpack3A_350 = tpu.unpack_subelements %mul3A_348, 1 {pack_format = #tpu.pack_format<interleaved>} : vector<32xbf16> -> vector<16xf32>
        %add3A_351 = arith.addf %add3A_321, %unpack3A_349 : vector<16xf32>
        %add3A_352 = arith.addf %add3A_322, %unpack3A_350 : vector<16xf32>
        %add3A_353 = arith.constant 1 : i32
        %add3A_354 = vector.broadcast %add3A_353 : i32 to vector<16xi32>
        %add3A_355 = arith.addi %add3A_340, %add3A_354 : vector<16xi32>
        %gather3A_356 = tpu.vector_load_idx %arg15[%add3A_196, %add3A_355] : memref<400x64xi32, #tpu.memory_space<vmem>>[vector<16xi32>, vector<16xi32>], vector<16xi32>,
        %gather3A_357 = tpu.vector_load_idx %arg17[%add3A_196, %add3A_355] : memref<400x64xi32, #tpu.memory_space<vmem>>[vector<16xi32>, vector<16xi32>], vector<16xi32>,
        %gather3A_358 = tpu.vector_load_idx %arg18[%get3A_199, %add3A_355] : memref<237x64xi32, #tpu.memory_space<vmem>>[vector<16xi32>, vector<16xi32>], vector<16xi32>,
        %bitcast3A_359 = vector.bitcast %gather3A_356 : vector<16xi32> to vector<32xbf16>
        %bitcast3A_360 = vector.bitcast %gather3A_357 : vector<16xi32> to vector<32xbf16>
        %bitcast3A_361 = vector.bitcast %gather3A_358 : vector<16xi32> to vector<32xbf16>
        %mul3A_362 = arith.mulf %bitcast3A_359, %bitcast3A_360 : vector<32xbf16>
        %mul3A_363 = arith.mulf %mul3A_362, %bitcast3A_361 : vector<32xbf16>
        %unpack3A_364 = tpu.unpack_subelements %mul3A_363, 0 {pack_format = #tpu.pack_format<interleaved>} : vector<32xbf16> -> vector<16xf32>
        %unpack3A_365 = tpu.unpack_subelements %mul3A_363, 1 {pack_format = #tpu.pack_format<interleaved>} : vector<32xbf16> -> vector<16xf32>
        %add3A_366 = arith.addf %add3A_336, %unpack3A_364 : vector<16xf32>
        %add3A_367 = arith.addf %add3A_337, %unpack3A_365 : vector<16xf32>
        %add3A_368 = arith.constant 1 : i32
        %add3A_369 = vector.broadcast %add3A_368 : i32 to vector<16xi32>
        %add3A_370 = arith.addi %add3A_355, %add3A_369 : vector<16xi32>
        %gather3A_371 = tpu.vector_load_idx %arg15[%add3A_196, %add3A_370] : memref<400x64xi32, #tpu.memory_space<vmem>>[vector<16xi32>, vector<16xi32>], vector<16xi32>,
        %gather3A_372 = tpu.vector_load_idx %arg17[%add3A_196, %add3A_370] : memref<400x64xi32, #tpu.memory_space<vmem>>[vector<16xi32>, vector<16xi32>], vector<16xi32>,
        %gather3A_373 = tpu.vector_load_idx %arg18[%get3A_199, %add3A_370] : memref<237x64xi32, #tpu.memory_space<vmem>>[vector<16xi32>, vector<16xi32>], vector<16xi32>,
        %bitcast3A_374 = vector.bitcast %gather3A_371 : vector<16xi32> to vector<32xbf16>
        %bitcast3A_375 = vector.bitcast %gather3A_372 : vector<16xi32> to vector<32xbf16>
        %bitcast3A_376 = vector.bitcast %gather3A_373 : vector<16xi32> to vector<32xbf16>
        %mul3A_377 = arith.mulf %bitcast3A_374, %bitcast3A_375 : vector<32xbf16>
        %mul3A_378 = arith.mulf %mul3A_377, %bitcast3A_376 : vector<32xbf16>
        %unpack3A_379 = tpu.unpack_subelements %mul3A_378, 0 {pack_format = #tpu.pack_format<interleaved>} : vector<32xbf16> -> vector<16xf32>
        %unpack3A_380 = tpu.unpack_subelements %mul3A_378, 1 {pack_format = #tpu.pack_format<interleaved>} : vector<32xbf16> -> vector<16xf32>
        %add3A_381 = arith.addf %add3A_351, %unpack3A_379 : vector<16xf32>
        %add3A_382 = arith.addf %add3A_352, %unpack3A_380 : vector<16xf32>
        %add3A_383 = arith.constant 1 : i32
        %add3A_384 = vector.broadcast %add3A_383 : i32 to vector<16xi32>
        %add3A_385 = arith.addi %add3A_370, %add3A_384 : vector<16xi32>
        %gather3A_386 = tpu.vector_load_idx %arg15[%add3A_196, %add3A_385] : memref<400x64xi32, #tpu.memory_space<vmem>>[vector<16xi32>, vector<16xi32>], vector<16xi32>,
        %gather3A_387 = tpu.vector_load_idx %arg17[%add3A_196, %add3A_385] : memref<400x64xi32, #tpu.memory_space<vmem>>[vector<16xi32>, vector<16xi32>], vector<16xi32>,
        %gather3A_388 = tpu.vector_load_idx %arg18[%get3A_199, %add3A_385] : memref<237x64xi32, #tpu.memory_space<vmem>>[vector<16xi32>, vector<16xi32>], vector<16xi32>,
        %bitcast3A_389 = vector.bitcast %gather3A_386 : vector<16xi32> to vector<32xbf16>
        %bitcast3A_390 = vector.bitcast %gather3A_387 : vector<16xi32> to vector<32xbf16>
        %bitcast3A_391 = vector.bitcast %gather3A_388 : vector<16xi32> to vector<32xbf16>
        %mul3A_392 = arith.mulf %bitcast3A_389, %bitcast3A_390 : vector<32xbf16>
        %mul3A_393 = arith.mulf %mul3A_392, %bitcast3A_391 : vector<32xbf16>
        %unpack3A_394 = tpu.unpack_subelements %mul3A_393, 0 {pack_format = #tpu.pack_format<interleaved>} : vector<32xbf16> -> vector<16xf32>
        %unpack3A_395 = tpu.unpack_subelements %mul3A_393, 1 {pack_format = #tpu.pack_format<interleaved>} : vector<32xbf16> -> vector<16xf32>
        %add3A_396 = arith.addf %add3A_366, %unpack3A_394 : vector<16xf32>
        %add3A_397 = arith.addf %add3A_367, %unpack3A_395 : vector<16xf32>
        %add3A_398 = arith.constant 1 : i32
        %add3A_399 = vector.broadcast %add3A_398 : i32 to vector<16xi32>
        %add3A_400 = arith.addi %add3A_385, %add3A_399 : vector<16xi32>
        %gather3A_401 = tpu.vector_load_idx %arg15[%add3A_196, %add3A_400] : memref<400x64xi32, #tpu.memory_space<vmem>>[vector<16xi32>, vector<16xi32>], vector<16xi32>,
        %gather3A_402 = tpu.vector_load_idx %arg17[%add3A_196, %add3A_400] : memref<400x64xi32, #tpu.memory_space<vmem>>[vector<16xi32>, vector<16xi32>], vector<16xi32>,
        %gather3A_403 = tpu.vector_load_idx %arg18[%get3A_199, %add3A_400] : memref<237x64xi32, #tpu.memory_space<vmem>>[vector<16xi32>, vector<16xi32>], vector<16xi32>,
        %bitcast3A_404 = vector.bitcast %gather3A_401 : vector<16xi32> to vector<32xbf16>
        %bitcast3A_405 = vector.bitcast %gather3A_402 : vector<16xi32> to vector<32xbf16>
        %bitcast3A_406 = vector.bitcast %gather3A_403 : vector<16xi32> to vector<32xbf16>
        %mul3A_407 = arith.mulf %bitcast3A_404, %bitcast3A_405 : vector<32xbf16>
        %mul3A_408 = arith.mulf %mul3A_407, %bitcast3A_406 : vector<32xbf16>
        %unpack3A_409 = tpu.unpack_subelements %mul3A_408, 0 {pack_format = #tpu.pack_format<interleaved>} : vector<32xbf16> -> vector<16xf32>
        %unpack3A_410 = tpu.unpack_subelements %mul3A_408, 1 {pack_format = #tpu.pack_format<interleaved>} : vector<32xbf16> -> vector<16xf32>
        %add3A_411 = arith.addf %add3A_381, %unpack3A_409 : vector<16xf32>
        %add3A_412 = arith.addf %add3A_382, %unpack3A_410 : vector<16xf32>
        %add3A_413 = arith.constant 1 : i32
        %add3A_414 = vector.broadcast %add3A_413 : i32 to vector<16xi32>
        %add3A_415 = arith.addi %add3A_400, %add3A_414 : vector<16xi32>
        %gather3A_416 = tpu.vector_load_idx %arg15[%add3A_196, %add3A_415] : memref<400x64xi32, #tpu.memory_space<vmem>>[vector<16xi32>, vector<16xi32>], vector<16xi32>,
        %gather3A_417 = tpu.vector_load_idx %arg17[%add3A_196, %add3A_415] : memref<400x64xi32, #tpu.memory_space<vmem>>[vector<16xi32>, vector<16xi32>], vector<16xi32>,
        %gather3A_418 = tpu.vector_load_idx %arg18[%get3A_199, %add3A_415] : memref<237x64xi32, #tpu.memory_space<vmem>>[vector<16xi32>, vector<16xi32>], vector<16xi32>,
        %bitcast3A_419 = vector.bitcast %gather3A_416 : vector<16xi32> to vector<32xbf16>
        %bitcast3A_420 = vector.bitcast %gather3A_417 : vector<16xi32> to vector<32xbf16>
        %bitcast3A_421 = vector.bitcast %gather3A_418 : vector<16xi32> to vector<32xbf16>
        %mul3A_422 = arith.mulf %bitcast3A_419, %bitcast3A_420 : vector<32xbf16>
        %mul3A_423 = arith.mulf %mul3A_422, %bitcast3A_421 : vector<32xbf16>
        %unpack3A_424 = tpu.unpack_subelements %mul3A_423, 0 {pack_format = #tpu.pack_format<interleaved>} : vector<32xbf16> -> vector<16xf32>
        %unpack3A_425 = tpu.unpack_subelements %mul3A_423, 1 {pack_format = #tpu.pack_format<interleaved>} : vector<32xbf16> -> vector<16xf32>
        %add3A_426 = arith.addf %add3A_396, %unpack3A_424 : vector<16xf32>
        %add3A_427 = arith.addf %add3A_397, %unpack3A_425 : vector<16xf32>
        %add3A_428 = arith.constant 1 : i32
        %add3A_429 = vector.broadcast %add3A_428 : i32 to vector<16xi32>
        %add3A_430 = arith.addi %add3A_415, %add3A_429 : vector<16xi32>
        %gather3A_431 = tpu.vector_load_idx %arg15[%add3A_196, %add3A_430] : memref<400x64xi32, #tpu.memory_space<vmem>>[vector<16xi32>, vector<16xi32>], vector<16xi32>,
        %gather3A_432 = tpu.vector_load_idx %arg17[%add3A_196, %add3A_430] : memref<400x64xi32, #tpu.memory_space<vmem>>[vector<16xi32>, vector<16xi32>], vector<16xi32>,
        %gather3A_433 = tpu.vector_load_idx %arg18[%get3A_199, %add3A_430] : memref<237x64xi32, #tpu.memory_space<vmem>>[vector<16xi32>, vector<16xi32>], vector<16xi32>,
        %bitcast3A_434 = vector.bitcast %gather3A_431 : vector<16xi32> to vector<32xbf16>
        %bitcast3A_435 = vector.bitcast %gather3A_432 : vector<16xi32> to vector<32xbf16>
        %bitcast3A_436 = vector.bitcast %gather3A_433 : vector<16xi32> to vector<32xbf16>
        %mul3A_437 = arith.mulf %bitcast3A_434, %bitcast3A_435 : vector<32xbf16>
        %mul3A_438 = arith.mulf %mul3A_437, %bitcast3A_436 : vector<32xbf16>
        %unpack3A_439 = tpu.unpack_subelements %mul3A_438, 0 {pack_format = #tpu.pack_format<interleaved>} : vector<32xbf16> -> vector<16xf32>
        %unpack3A_440 = tpu.unpack_subelements %mul3A_438, 1 {pack_format = #tpu.pack_format<interleaved>} : vector<32xbf16> -> vector<16xf32>
        %add3A_441 = arith.addf %add3A_411, %unpack3A_439 : vector<16xf32>
        %add3A_442 = arith.addf %add3A_412, %unpack3A_440 : vector<16xf32>
        %add3A_443 = arith.constant 1 : i32
        %add3A_444 = vector.broadcast %add3A_443 : i32 to vector<16xi32>
        %add3A_445 = arith.addi %add3A_430, %add3A_444 : vector<16xi32>
        %gather3A_446 = tpu.vector_load_idx %arg15[%add3A_196, %add3A_445] : memref<400x64xi32, #tpu.memory_space<vmem>>[vector<16xi32>, vector<16xi32>], vector<16xi32>,
        %gather3A_447 = tpu.vector_load_idx %arg17[%add3A_196, %add3A_445] : memref<400x64xi32, #tpu.memory_space<vmem>>[vector<16xi32>, vector<16xi32>], vector<16xi32>,
        %gather3A_448 = tpu.vector_load_idx %arg18[%get3A_199, %add3A_445] : memref<237x64xi32, #tpu.memory_space<vmem>>[vector<16xi32>, vector<16xi32>], vector<16xi32>,
        %bitcast3A_449 = vector.bitcast %gather3A_446 : vector<16xi32> to vector<32xbf16>
        %bitcast3A_450 = vector.bitcast %gather3A_447 : vector<16xi32> to vector<32xbf16>
        %bitcast3A_451 = vector.bitcast %gather3A_448 : vector<16xi32> to vector<32xbf16>
        %mul3A_452 = arith.mulf %bitcast3A_449, %bitcast3A_450 : vector<32xbf16>
        %mul3A_453 = arith.mulf %mul3A_452, %bitcast3A_451 : vector<32xbf16>
        %unpack3A_454 = tpu.unpack_subelements %mul3A_453, 0 {pack_format = #tpu.pack_format<interleaved>} : vector<32xbf16> -> vector<16xf32>
        %unpack3A_455 = tpu.unpack_subelements %mul3A_453, 1 {pack_format = #tpu.pack_format<interleaved>} : vector<32xbf16> -> vector<16xf32>
        %add3A_456 = arith.addf %add3A_426, %unpack3A_454 : vector<16xf32>
        %add3A_457 = arith.addf %add3A_427, %unpack3A_455 : vector<16xf32>
        %add3A_458 = arith.constant 1 : i32
        %add3A_459 = vector.broadcast %add3A_458 : i32 to vector<16xi32>
        %add3A_460 = arith.addi %add3A_445, %add3A_459 : vector<16xi32>
        %gather3A_461 = tpu.vector_load_idx %arg15[%add3A_196, %add3A_460] : memref<400x64xi32, #tpu.memory_space<vmem>>[vector<16xi32>, vector<16xi32>], vector<16xi32>,
        %gather3A_462 = tpu.vector_load_idx %arg17[%add3A_196, %add3A_460] : memref<400x64xi32, #tpu.memory_space<vmem>>[vector<16xi32>, vector<16xi32>], vector<16xi32>,
        %gather3A_463 = tpu.vector_load_idx %arg18[%get3A_199, %add3A_460] : memref<237x64xi32, #tpu.memory_space<vmem>>[vector<16xi32>, vector<16xi32>], vector<16xi32>,
        %bitcast3A_464 = vector.bitcast %gather3A_461 : vector<16xi32> to vector<32xbf16>
        %bitcast3A_465 = vector.bitcast %gather3A_462 : vector<16xi32> to vector<32xbf16>
        %bitcast3A_466 = vector.bitcast %gather3A_463 : vector<16xi32> to vector<32xbf16>
        %mul3A_467 = arith.mulf %bitcast3A_464, %bitcast3A_465 : vector<32xbf16>
        %mul3A_468 = arith.mulf %mul3A_467, %bitcast3A_466 : vector<32xbf16>
        %unpack3A_469 = tpu.unpack_subelements %mul3A_468, 0 {pack_format = #tpu.pack_format<interleaved>} : vector<32xbf16> -> vector<16xf32>
        %unpack3A_470 = tpu.unpack_subelements %mul3A_468, 1 {pack_format = #tpu.pack_format<interleaved>} : vector<32xbf16> -> vector<16xf32>
        %add3A_471 = arith.addf %add3A_441, %unpack3A_469 : vector<16xf32>
        %add3A_472 = arith.addf %add3A_442, %unpack3A_470 : vector<16xf32>
        %add3A_473 = arith.constant 1 : i32
        %add3A_474 = vector.broadcast %add3A_473 : i32 to vector<16xi32>
        %add3A_475 = arith.addi %add3A_460, %add3A_474 : vector<16xi32>
        %gather3A_476 = tpu.vector_load_idx %arg15[%add3A_196, %add3A_475] : memref<400x64xi32, #tpu.memory_space<vmem>>[vector<16xi32>, vector<16xi32>], vector<16xi32>,
        %gather3A_477 = tpu.vector_load_idx %arg17[%add3A_196, %add3A_475] : memref<400x64xi32, #tpu.memory_space<vmem>>[vector<16xi32>, vector<16xi32>], vector<16xi32>,
        %gather3A_478 = tpu.vector_load_idx %arg18[%get3A_199, %add3A_475] : memref<237x64xi32, #tpu.memory_space<vmem>>[vector<16xi32>, vector<16xi32>], vector<16xi32>,
        %bitcast3A_479 = vector.bitcast %gather3A_476 : vector<16xi32> to vector<32xbf16>
        %bitcast3A_480 = vector.bitcast %gather3A_477 : vector<16xi32> to vector<32xbf16>
        %bitcast3A_481 = vector.bitcast %gather3A_478 : vector<16xi32> to vector<32xbf16>
        %mul3A_482 = arith.mulf %bitcast3A_479, %bitcast3A_480 : vector<32xbf16>
        %mul3A_483 = arith.mulf %mul3A_482, %bitcast3A_481 : vector<32xbf16>
        %unpack3A_484 = tpu.unpack_subelements %mul3A_483, 0 {pack_format = #tpu.pack_format<interleaved>} : vector<32xbf16> -> vector<16xf32>
        %unpack3A_485 = tpu.unpack_subelements %mul3A_483, 1 {pack_format = #tpu.pack_format<interleaved>} : vector<32xbf16> -> vector<16xf32>
        %add3A_486 = arith.addf %add3A_456, %unpack3A_484 : vector<16xf32>
        %add3A_487 = arith.addf %add3A_457, %unpack3A_485 : vector<16xf32>
        %add3A_488 = arith.constant 1 : i32
        %add3A_489 = vector.broadcast %add3A_488 : i32 to vector<16xi32>
        %add3A_490 = arith.addi %add3A_475, %add3A_489 : vector<16xi32>
        %gather3A_491 = tpu.vector_load_idx %arg15[%add3A_196, %add3A_490] : memref<400x64xi32, #tpu.memory_space<vmem>>[vector<16xi32>, vector<16xi32>], vector<16xi32>,
        %gather3A_492 = tpu.vector_load_idx %arg17[%add3A_196, %add3A_490] : memref<400x64xi32, #tpu.memory_space<vmem>>[vector<16xi32>, vector<16xi32>], vector<16xi32>,
        %gather3A_493 = tpu.vector_load_idx %arg18[%get3A_199, %add3A_490] : memref<237x64xi32, #tpu.memory_space<vmem>>[vector<16xi32>, vector<16xi32>], vector<16xi32>,
        %bitcast3A_494 = vector.bitcast %gather3A_491 : vector<16xi32> to vector<32xbf16>
        %bitcast3A_495 = vector.bitcast %gather3A_492 : vector<16xi32> to vector<32xbf16>
        %bitcast3A_496 = vector.bitcast %gather3A_493 : vector<16xi32> to vector<32xbf16>
        %mul3A_497 = arith.mulf %bitcast3A_494, %bitcast3A_495 : vector<32xbf16>
        %mul3A_498 = arith.mulf %mul3A_497, %bitcast3A_496 : vector<32xbf16>
        %unpack3A_499 = tpu.unpack_subelements %mul3A_498, 0 {pack_format = #tpu.pack_format<interleaved>} : vector<32xbf16> -> vector<16xf32>
        %unpack3A_500 = tpu.unpack_subelements %mul3A_498, 1 {pack_format = #tpu.pack_format<interleaved>} : vector<32xbf16> -> vector<16xf32>
        %add3A_501 = arith.addf %add3A_471, %unpack3A_499 : vector<16xf32>
        %add3A_502 = arith.addf %add3A_472, %unpack3A_500 : vector<16xf32>
        %add3A_503 = arith.constant 1 : i32
        %add3A_504 = vector.broadcast %add3A_503 : i32 to vector<16xi32>
        %add3A_505 = arith.addi %add3A_490, %add3A_504 : vector<16xi32>
        %gather3A_506 = tpu.vector_load_idx %arg15[%add3A_196, %add3A_505] : memref<400x64xi32, #tpu.memory_space<vmem>>[vector<16xi32>, vector<16xi32>], vector<16xi32>,
        %gather3A_507 = tpu.vector_load_idx %arg17[%add3A_196, %add3A_505] : memref<400x64xi32, #tpu.memory_space<vmem>>[vector<16xi32>, vector<16xi32>], vector<16xi32>,
        %gather3A_508 = tpu.vector_load_idx %arg18[%get3A_199, %add3A_505] : memref<237x64xi32, #tpu.memory_space<vmem>>[vector<16xi32>, vector<16xi32>], vector<16xi32>,
        %bitcast3A_509 = vector.bitcast %gather3A_506 : vector<16xi32> to vector<32xbf16>
        %bitcast3A_510 = vector.bitcast %gather3A_507 : vector<16xi32> to vector<32xbf16>
        %bitcast3A_511 = vector.bitcast %gather3A_508 : vector<16xi32> to vector<32xbf16>
        %mul3A_512 = arith.mulf %bitcast3A_509, %bitcast3A_510 : vector<32xbf16>
        %mul3A_513 = arith.mulf %mul3A_512, %bitcast3A_511 : vector<32xbf16>
        %unpack3A_514 = tpu.unpack_subelements %mul3A_513, 0 {pack_format = #tpu.pack_format<interleaved>} : vector<32xbf16> -> vector<16xf32>
        %unpack3A_515 = tpu.unpack_subelements %mul3A_513, 1 {pack_format = #tpu.pack_format<interleaved>} : vector<32xbf16> -> vector<16xf32>
        %add3A_516 = arith.addf %add3A_486, %unpack3A_514 : vector<16xf32>
        %add3A_517 = arith.addf %add3A_487, %unpack3A_515 : vector<16xf32>
        %add3A_518 = arith.constant 1 : i32
        %add3A_519 = vector.broadcast %add3A_518 : i32 to vector<16xi32>
        %add3A_520 = arith.addi %add3A_505, %add3A_519 : vector<16xi32>
        %gather3A_521 = tpu.vector_load_idx %arg15[%add3A_196, %add3A_520] : memref<400x64xi32, #tpu.memory_space<vmem>>[vector<16xi32>, vector<16xi32>], vector<16xi32>,
        %gather3A_522 = tpu.vector_load_idx %arg17[%add3A_196, %add3A_520] : memref<400x64xi32, #tpu.memory_space<vmem>>[vector<16xi32>, vector<16xi32>], vector<16xi32>,
        %gather3A_523 = tpu.vector_load_idx %arg18[%get3A_199, %add3A_520] : memref<237x64xi32, #tpu.memory_space<vmem>>[vector<16xi32>, vector<16xi32>], vector<16xi32>,
        %bitcast3A_524 = vector.bitcast %gather3A_521 : vector<16xi32> to vector<32xbf16>
        %bitcast3A_525 = vector.bitcast %gather3A_522 : vector<16xi32> to vector<32xbf16>
        %bitcast3A_526 = vector.bitcast %gather3A_523 : vector<16xi32> to vector<32xbf16>
        %mul3A_527 = arith.mulf %bitcast3A_524, %bitcast3A_525 : vector<32xbf16>
        %mul3A_528 = arith.mulf %mul3A_527, %bitcast3A_526 : vector<32xbf16>
        %unpack3A_529 = tpu.unpack_subelements %mul3A_528, 0 {pack_format = #tpu.pack_format<interleaved>} : vector<32xbf16> -> vector<16xf32>
        %unpack3A_530 = tpu.unpack_subelements %mul3A_528, 1 {pack_format = #tpu.pack_format<interleaved>} : vector<32xbf16> -> vector<16xf32>
        %add3A_531 = arith.addf %add3A_501, %unpack3A_529 : vector<16xf32>
        %add3A_532 = arith.addf %add3A_502, %unpack3A_530 : vector<16xf32>
        %add3A_533 = arith.constant 1 : i32
        %add3A_534 = vector.broadcast %add3A_533 : i32 to vector<16xi32>
        %add3A_535 = arith.addi %add3A_520, %add3A_534 : vector<16xi32>
        %gather3A_536 = tpu.vector_load_idx %arg15[%add3A_196, %add3A_535] : memref<400x64xi32, #tpu.memory_space<vmem>>[vector<16xi32>, vector<16xi32>], vector<16xi32>,
        %gather3A_537 = tpu.vector_load_idx %arg17[%add3A_196, %add3A_535] : memref<400x64xi32, #tpu.memory_space<vmem>>[vector<16xi32>, vector<16xi32>], vector<16xi32>,
        %gather3A_538 = tpu.vector_load_idx %arg18[%get3A_199, %add3A_535] : memref<237x64xi32, #tpu.memory_space<vmem>>[vector<16xi32>, vector<16xi32>], vector<16xi32>,
        %bitcast3A_539 = vector.bitcast %gather3A_536 : vector<16xi32> to vector<32xbf16>
        %bitcast3A_540 = vector.bitcast %gather3A_537 : vector<16xi32> to vector<32xbf16>
        %bitcast3A_541 = vector.bitcast %gather3A_538 : vector<16xi32> to vector<32xbf16>
        %mul3A_542 = arith.mulf %bitcast3A_539, %bitcast3A_540 : vector<32xbf16>
        %mul3A_543 = arith.mulf %mul3A_542, %bitcast3A_541 : vector<32xbf16>
        %unpack3A_544 = tpu.unpack_subelements %mul3A_543, 0 {pack_format = #tpu.pack_format<interleaved>} : vector<32xbf16> -> vector<16xf32>
        %unpack3A_545 = tpu.unpack_subelements %mul3A_543, 1 {pack_format = #tpu.pack_format<interleaved>} : vector<32xbf16> -> vector<16xf32>
        %add3A_546 = arith.addf %add3A_516, %unpack3A_544 : vector<16xf32>
        %add3A_547 = arith.addf %add3A_517, %unpack3A_545 : vector<16xf32>
        %add3A_548 = arith.constant 1 : i32
        %add3A_549 = vector.broadcast %add3A_548 : i32 to vector<16xi32>
        %add3A_550 = arith.addi %add3A_535, %add3A_549 : vector<16xi32>
        %gather3A_551 = tpu.vector_load_idx %arg15[%add3A_196, %add3A_550] : memref<400x64xi32, #tpu.memory_space<vmem>>[vector<16xi32>, vector<16xi32>], vector<16xi32>,
        %gather3A_552 = tpu.vector_load_idx %arg17[%add3A_196, %add3A_550] : memref<400x64xi32, #tpu.memory_space<vmem>>[vector<16xi32>, vector<16xi32>], vector<16xi32>,
        %gather3A_553 = tpu.vector_load_idx %arg18[%get3A_199, %add3A_550] : memref<237x64xi32, #tpu.memory_space<vmem>>[vector<16xi32>, vector<16xi32>], vector<16xi32>,
        %bitcast3A_554 = vector.bitcast %gather3A_551 : vector<16xi32> to vector<32xbf16>
        %bitcast3A_555 = vector.bitcast %gather3A_552 : vector<16xi32> to vector<32xbf16>
        %bitcast3A_556 = vector.bitcast %gather3A_553 : vector<16xi32> to vector<32xbf16>
        %mul3A_557 = arith.mulf %bitcast3A_554, %bitcast3A_555 : vector<32xbf16>
        %mul3A_558 = arith.mulf %mul3A_557, %bitcast3A_556 : vector<32xbf16>
        %unpack3A_559 = tpu.unpack_subelements %mul3A_558, 0 {pack_format = #tpu.pack_format<interleaved>} : vector<32xbf16> -> vector<16xf32>
        %unpack3A_560 = tpu.unpack_subelements %mul3A_558, 1 {pack_format = #tpu.pack_format<interleaved>} : vector<32xbf16> -> vector<16xf32>
        %add3A_561 = arith.addf %add3A_531, %unpack3A_559 : vector<16xf32>
        %add3A_562 = arith.addf %add3A_532, %unpack3A_560 : vector<16xf32>
        %add3A_563 = arith.constant 1 : i32
        %add3A_564 = vector.broadcast %add3A_563 : i32 to vector<16xi32>
        %add3A_565 = arith.addi %add3A_550, %add3A_564 : vector<16xi32>
        %gather3A_566 = tpu.vector_load_idx %arg15[%add3A_196, %add3A_565] : memref<400x64xi32, #tpu.memory_space<vmem>>[vector<16xi32>, vector<16xi32>], vector<16xi32>,
        %gather3A_567 = tpu.vector_load_idx %arg17[%add3A_196, %add3A_565] : memref<400x64xi32, #tpu.memory_space<vmem>>[vector<16xi32>, vector<16xi32>], vector<16xi32>,
        %gather3A_568 = tpu.vector_load_idx %arg18[%get3A_199, %add3A_565] : memref<237x64xi32, #tpu.memory_space<vmem>>[vector<16xi32>, vector<16xi32>], vector<16xi32>,
        %bitcast3A_569 = vector.bitcast %gather3A_566 : vector<16xi32> to vector<32xbf16>
        %bitcast3A_570 = vector.bitcast %gather3A_567 : vector<16xi32> to vector<32xbf16>
        %bitcast3A_571 = vector.bitcast %gather3A_568 : vector<16xi32> to vector<32xbf16>
        %mul3A_572 = arith.mulf %bitcast3A_569, %bitcast3A_570 : vector<32xbf16>
        %mul3A_573 = arith.mulf %mul3A_572, %bitcast3A_571 : vector<32xbf16>
        %unpack3A_574 = tpu.unpack_subelements %mul3A_573, 0 {pack_format = #tpu.pack_format<interleaved>} : vector<32xbf16> -> vector<16xf32>
        %unpack3A_575 = tpu.unpack_subelements %mul3A_573, 1 {pack_format = #tpu.pack_format<interleaved>} : vector<32xbf16> -> vector<16xf32>
        %add3A_576 = arith.addf %add3A_546, %unpack3A_574 : vector<16xf32>
        %add3A_577 = arith.addf %add3A_547, %unpack3A_575 : vector<16xf32>
        %add3A_578 = arith.constant 1 : i32
        %add3A_579 = vector.broadcast %add3A_578 : i32 to vector<16xi32>
        %add3A_580 = arith.addi %add3A_565, %add3A_579 : vector<16xi32>
        %gather3A_581 = tpu.vector_load_idx %arg15[%add3A_196, %add3A_580] : memref<400x64xi32, #tpu.memory_space<vmem>>[vector<16xi32>, vector<16xi32>], vector<16xi32>,
        %gather3A_582 = tpu.vector_load_idx %arg17[%add3A_196, %add3A_580] : memref<400x64xi32, #tpu.memory_space<vmem>>[vector<16xi32>, vector<16xi32>], vector<16xi32>,
        %gather3A_583 = tpu.vector_load_idx %arg18[%get3A_199, %add3A_580] : memref<237x64xi32, #tpu.memory_space<vmem>>[vector<16xi32>, vector<16xi32>], vector<16xi32>,
        %bitcast3A_584 = vector.bitcast %gather3A_581 : vector<16xi32> to vector<32xbf16>
        %bitcast3A_585 = vector.bitcast %gather3A_582 : vector<16xi32> to vector<32xbf16>
        %bitcast3A_586 = vector.bitcast %gather3A_583 : vector<16xi32> to vector<32xbf16>
        %mul3A_587 = arith.mulf %bitcast3A_584, %bitcast3A_585 : vector<32xbf16>
        %mul3A_588 = arith.mulf %mul3A_587, %bitcast3A_586 : vector<32xbf16>
        %unpack3A_589 = tpu.unpack_subelements %mul3A_588, 0 {pack_format = #tpu.pack_format<interleaved>} : vector<32xbf16> -> vector<16xf32>
        %unpack3A_590 = tpu.unpack_subelements %mul3A_588, 1 {pack_format = #tpu.pack_format<interleaved>} : vector<32xbf16> -> vector<16xf32>
        %add3A_591 = arith.addf %add3A_561, %unpack3A_589 : vector<16xf32>
        %add3A_592 = arith.addf %add3A_562, %unpack3A_590 : vector<16xf32>
        %add3A_593 = arith.constant 1 : i32
        %add3A_594 = vector.broadcast %add3A_593 : i32 to vector<16xi32>
        %add3A_595 = arith.addi %add3A_580, %add3A_594 : vector<16xi32>
        %gather3A_596 = tpu.vector_load_idx %arg15[%add3A_196, %add3A_595] : memref<400x64xi32, #tpu.memory_space<vmem>>[vector<16xi32>, vector<16xi32>], vector<16xi32>,
        %gather3A_597 = tpu.vector_load_idx %arg17[%add3A_196, %add3A_595] : memref<400x64xi32, #tpu.memory_space<vmem>>[vector<16xi32>, vector<16xi32>], vector<16xi32>,
        %gather3A_598 = tpu.vector_load_idx %arg18[%get3A_199, %add3A_595] : memref<237x64xi32, #tpu.memory_space<vmem>>[vector<16xi32>, vector<16xi32>], vector<16xi32>,
        %bitcast3A_599 = vector.bitcast %gather3A_596 : vector<16xi32> to vector<32xbf16>
        %bitcast3A_600 = vector.bitcast %gather3A_597 : vector<16xi32> to vector<32xbf16>
        %bitcast3A_601 = vector.bitcast %gather3A_598 : vector<16xi32> to vector<32xbf16>
        %mul3A_602 = arith.mulf %bitcast3A_599, %bitcast3A_600 : vector<32xbf16>
        %mul3A_603 = arith.mulf %mul3A_602, %bitcast3A_601 : vector<32xbf16>
        %unpack3A_604 = tpu.unpack_subelements %mul3A_603, 0 {pack_format = #tpu.pack_format<interleaved>} : vector<32xbf16> -> vector<16xf32>
        %unpack3A_605 = tpu.unpack_subelements %mul3A_603, 1 {pack_format = #tpu.pack_format<interleaved>} : vector<32xbf16> -> vector<16xf32>
        %add3A_606 = arith.addf %add3A_576, %unpack3A_604 : vector<16xf32>
        %add3A_607 = arith.addf %add3A_577, %unpack3A_605 : vector<16xf32>
        %add3A_608 = arith.constant 1 : i32
        %add3A_609 = vector.broadcast %add3A_608 : i32 to vector<16xi32>
        %add3A_610 = arith.addi %add3A_595, %add3A_609 : vector<16xi32>
        %gather3A_611 = tpu.vector_load_idx %arg15[%add3A_196, %add3A_610] : memref<400x64xi32, #tpu.memory_space<vmem>>[vector<16xi32>, vector<16xi32>], vector<16xi32>,
        %gather3A_612 = tpu.vector_load_idx %arg17[%add3A_196, %add3A_610] : memref<400x64xi32, #tpu.memory_space<vmem>>[vector<16xi32>, vector<16xi32>], vector<16xi32>,
        %gather3A_613 = tpu.vector_load_idx %arg18[%get3A_199, %add3A_610] : memref<237x64xi32, #tpu.memory_space<vmem>>[vector<16xi32>, vector<16xi32>], vector<16xi32>,
        %bitcast3A_614 = vector.bitcast %gather3A_611 : vector<16xi32> to vector<32xbf16>
        %bitcast3A_615 = vector.bitcast %gather3A_612 : vector<16xi32> to vector<32xbf16>
        %bitcast3A_616 = vector.bitcast %gather3A_613 : vector<16xi32> to vector<32xbf16>
        %mul3A_617 = arith.mulf %bitcast3A_614, %bitcast3A_615 : vector<32xbf16>
        %mul3A_618 = arith.mulf %mul3A_617, %bitcast3A_616 : vector<32xbf16>
        %unpack3A_619 = tpu.unpack_subelements %mul3A_618, 0 {pack_format = #tpu.pack_format<interleaved>} : vector<32xbf16> -> vector<16xf32>
        %unpack3A_620 = tpu.unpack_subelements %mul3A_618, 1 {pack_format = #tpu.pack_format<interleaved>} : vector<32xbf16> -> vector<16xf32>
        %add3A_621 = arith.addf %add3A_591, %unpack3A_619 : vector<16xf32>
        %add3A_622 = arith.addf %add3A_592, %unpack3A_620 : vector<16xf32>
        %add3A_623 = arith.constant 1 : i32
        %add3A_624 = vector.broadcast %add3A_623 : i32 to vector<16xi32>
        %add3A_625 = arith.addi %add3A_610, %add3A_624 : vector<16xi32>
        %gather3A_626 = tpu.vector_load_idx %arg15[%add3A_196, %add3A_625] : memref<400x64xi32, #tpu.memory_space<vmem>>[vector<16xi32>, vector<16xi32>], vector<16xi32>,
        %gather3A_627 = tpu.vector_load_idx %arg17[%add3A_196, %add3A_625] : memref<400x64xi32, #tpu.memory_space<vmem>>[vector<16xi32>, vector<16xi32>], vector<16xi32>,
        %gather3A_628 = tpu.vector_load_idx %arg18[%get3A_199, %add3A_625] : memref<237x64xi32, #tpu.memory_space<vmem>>[vector<16xi32>, vector<16xi32>], vector<16xi32>,
        %bitcast3A_629 = vector.bitcast %gather3A_626 : vector<16xi32> to vector<32xbf16>
        %bitcast3A_630 = vector.bitcast %gather3A_627 : vector<16xi32> to vector<32xbf16>
        %bitcast3A_631 = vector.bitcast %gather3A_628 : vector<16xi32> to vector<32xbf16>
        %mul3A_632 = arith.mulf %bitcast3A_629, %bitcast3A_630 : vector<32xbf16>
        %mul3A_633 = arith.mulf %mul3A_632, %bitcast3A_631 : vector<32xbf16>
        %unpack3A_634 = tpu.unpack_subelements %mul3A_633, 0 {pack_format = #tpu.pack_format<interleaved>} : vector<32xbf16> -> vector<16xf32>
        %unpack3A_635 = tpu.unpack_subelements %mul3A_633, 1 {pack_format = #tpu.pack_format<interleaved>} : vector<32xbf16> -> vector<16xf32>
        %add3A_636 = arith.addf %add3A_606, %unpack3A_634 : vector<16xf32>
        %add3A_637 = arith.addf %add3A_607, %unpack3A_635 : vector<16xf32>
        %add3A_638 = arith.constant 1 : i32
        %add3A_639 = vector.broadcast %add3A_638 : i32 to vector<16xi32>
        %add3A_640 = arith.addi %add3A_625, %add3A_639 : vector<16xi32>
        %gather3A_641 = tpu.vector_load_idx %arg15[%add3A_196, %add3A_640] : memref<400x64xi32, #tpu.memory_space<vmem>>[vector<16xi32>, vector<16xi32>], vector<16xi32>,
        %gather3A_642 = tpu.vector_load_idx %arg17[%add3A_196, %add3A_640] : memref<400x64xi32, #tpu.memory_space<vmem>>[vector<16xi32>, vector<16xi32>], vector<16xi32>,
        %gather3A_643 = tpu.vector_load_idx %arg18[%get3A_199, %add3A_640] : memref<237x64xi32, #tpu.memory_space<vmem>>[vector<16xi32>, vector<16xi32>], vector<16xi32>,
        %bitcast3A_644 = vector.bitcast %gather3A_641 : vector<16xi32> to vector<32xbf16>
        %bitcast3A_645 = vector.bitcast %gather3A_642 : vector<16xi32> to vector<32xbf16>
        %bitcast3A_646 = vector.bitcast %gather3A_643 : vector<16xi32> to vector<32xbf16>
        %mul3A_647 = arith.mulf %bitcast3A_644, %bitcast3A_645 : vector<32xbf16>
        %mul3A_648 = arith.mulf %mul3A_647, %bitcast3A_646 : vector<32xbf16>
        %unpack3A_649 = tpu.unpack_subelements %mul3A_648, 0 {pack_format = #tpu.pack_format<interleaved>} : vector<32xbf16> -> vector<16xf32>
        %unpack3A_650 = tpu.unpack_subelements %mul3A_648, 1 {pack_format = #tpu.pack_format<interleaved>} : vector<32xbf16> -> vector<16xf32>
        %add3A_651 = arith.addf %add3A_621, %unpack3A_649 : vector<16xf32>
        %add3A_652 = arith.addf %add3A_622, %unpack3A_650 : vector<16xf32>
        %add3A_653 = arith.constant 1 : i32
        %add3A_654 = vector.broadcast %add3A_653 : i32 to vector<16xi32>
        %add3A_655 = arith.addi %add3A_640, %add3A_654 : vector<16xi32>
        %gather3A_656 = tpu.vector_load_idx %arg15[%add3A_196, %add3A_655] : memref<400x64xi32, #tpu.memory_space<vmem>>[vector<16xi32>, vector<16xi32>], vector<16xi32>,
        %gather3A_657 = tpu.vector_load_idx %arg17[%add3A_196, %add3A_655] : memref<400x64xi32, #tpu.memory_space<vmem>>[vector<16xi32>, vector<16xi32>], vector<16xi32>,
        %gather3A_658 = tpu.vector_load_idx %arg18[%get3A_199, %add3A_655] : memref<237x64xi32, #tpu.memory_space<vmem>>[vector<16xi32>, vector<16xi32>], vector<16xi32>,
        %bitcast3A_659 = vector.bitcast %gather3A_656 : vector<16xi32> to vector<32xbf16>
        %bitcast3A_660 = vector.bitcast %gather3A_657 : vector<16xi32> to vector<32xbf16>
        %bitcast3A_661 = vector.bitcast %gather3A_658 : vector<16xi32> to vector<32xbf16>
        %mul3A_662 = arith.mulf %bitcast3A_659, %bitcast3A_660 : vector<32xbf16>
        %mul3A_663 = arith.mulf %mul3A_662, %bitcast3A_661 : vector<32xbf16>
        %unpack3A_664 = tpu.unpack_subelements %mul3A_663, 0 {pack_format = #tpu.pack_format<interleaved>} : vector<32xbf16> -> vector<16xf32>
        %unpack3A_665 = tpu.unpack_subelements %mul3A_663, 1 {pack_format = #tpu.pack_format<interleaved>} : vector<32xbf16> -> vector<16xf32>
        %add3A_666 = arith.addf %add3A_636, %unpack3A_664 : vector<16xf32>
        %add3A_667 = arith.addf %add3A_637, %unpack3A_665 : vector<16xf32>
        %add3A_668 = arith.constant 1 : i32
        %add3A_669 = vector.broadcast %add3A_668 : i32 to vector<16xi32>
        %add3A_670 = arith.addi %add3A_655, %add3A_669 : vector<16xi32>
        %gather3A_671 = tpu.vector_load_idx %arg15[%add3A_196, %add3A_670] : memref<400x64xi32, #tpu.memory_space<vmem>>[vector<16xi32>, vector<16xi32>], vector<16xi32>,
        %gather3A_672 = tpu.vector_load_idx %arg17[%add3A_196, %add3A_670] : memref<400x64xi32, #tpu.memory_space<vmem>>[vector<16xi32>, vector<16xi32>], vector<16xi32>,
        %gather3A_673 = tpu.vector_load_idx %arg18[%get3A_199, %add3A_670] : memref<237x64xi32, #tpu.memory_space<vmem>>[vector<16xi32>, vector<16xi32>], vector<16xi32>,
        %bitcast3A_674 = vector.bitcast %gather3A_671 : vector<16xi32> to vector<32xbf16>
        %bitcast3A_675 = vector.bitcast %gather3A_672 : vector<16xi32> to vector<32xbf16>
        %bitcast3A_676 = vector.bitcast %gather3A_673 : vector<16xi32> to vector<32xbf16>
        %mul3A_677 = arith.mulf %bitcast3A_674, %bitcast3A_675 : vector<32xbf16>
        %mul3A_678 = arith.mulf %mul3A_677, %bitcast3A_676 : vector<32xbf16>
        %unpack3A_679 = tpu.unpack_subelements %mul3A_678, 0 {pack_format = #tpu.pack_format<interleaved>} : vector<32xbf16> -> vector<16xf32>
        %unpack3A_680 = tpu.unpack_subelements %mul3A_678, 1 {pack_format = #tpu.pack_format<interleaved>} : vector<32xbf16> -> vector<16xf32>
        %add3A_681 = arith.addf %add3A_651, %unpack3A_679 : vector<16xf32>
        %add3A_682 = arith.addf %add3A_652, %unpack3A_680 : vector<16xf32>
        %add3A_683 = arith.constant 1 : i32
        %add3A_684 = vector.broadcast %add3A_683 : i32 to vector<16xi32>
        %add3A_685 = arith.addi %add3A_670, %add3A_684 : vector<16xi32>
        %gather3A_686 = tpu.vector_load_idx %arg15[%add3A_196, %add3A_685] : memref<400x64xi32, #tpu.memory_space<vmem>>[vector<16xi32>, vector<16xi32>], vector<16xi32>,
        %gather3A_687 = tpu.vector_load_idx %arg17[%add3A_196, %add3A_685] : memref<400x64xi32, #tpu.memory_space<vmem>>[vector<16xi32>, vector<16xi32>], vector<16xi32>,
        %gather3A_688 = tpu.vector_load_idx %arg18[%get3A_199, %add3A_685] : memref<237x64xi32, #tpu.memory_space<vmem>>[vector<16xi32>, vector<16xi32>], vector<16xi32>,
        %bitcast3A_689 = vector.bitcast %gather3A_686 : vector<16xi32> to vector<32xbf16>
        %bitcast3A_690 = vector.bitcast %gather3A_687 : vector<16xi32> to vector<32xbf16>
        %bitcast3A_691 = vector.bitcast %gather3A_688 : vector<16xi32> to vector<32xbf16>
        %mul3A_692 = arith.mulf %bitcast3A_689, %bitcast3A_690 : vector<32xbf16>
        %mul3A_693 = arith.mulf %mul3A_692, %bitcast3A_691 : vector<32xbf16>
        %unpack3A_694 = tpu.unpack_subelements %mul3A_693, 0 {pack_format = #tpu.pack_format<interleaved>} : vector<32xbf16> -> vector<16xf32>
        %unpack3A_695 = tpu.unpack_subelements %mul3A_693, 1 {pack_format = #tpu.pack_format<interleaved>} : vector<32xbf16> -> vector<16xf32>
        %add3A_696 = arith.addf %add3A_666, %unpack3A_694 : vector<16xf32>
        %add3A_697 = arith.addf %add3A_667, %unpack3A_695 : vector<16xf32>
        %add3A_698 = arith.constant 1 : i32
        %add3A_699 = vector.broadcast %add3A_698 : i32 to vector<16xi32>
        %add3A_700 = arith.addi %add3A_685, %add3A_699 : vector<16xi32>
        %gather3A_701 = tpu.vector_load_idx %arg15[%add3A_196, %add3A_700] : memref<400x64xi32, #tpu.memory_space<vmem>>[vector<16xi32>, vector<16xi32>], vector<16xi32>,
        %gather3A_702 = tpu.vector_load_idx %arg17[%add3A_196, %add3A_700] : memref<400x64xi32, #tpu.memory_space<vmem>>[vector<16xi32>, vector<16xi32>], vector<16xi32>,
        %gather3A_703 = tpu.vector_load_idx %arg18[%get3A_199, %add3A_700] : memref<237x64xi32, #tpu.memory_space<vmem>>[vector<16xi32>, vector<16xi32>], vector<16xi32>,
        %bitcast3A_704 = vector.bitcast %gather3A_701 : vector<16xi32> to vector<32xbf16>
        %bitcast3A_705 = vector.bitcast %gather3A_702 : vector<16xi32> to vector<32xbf16>
        %bitcast3A_706 = vector.bitcast %gather3A_703 : vector<16xi32> to vector<32xbf16>
        %mul3A_707 = arith.mulf %bitcast3A_704, %bitcast3A_705 : vector<32xbf16>
        %mul3A_708 = arith.mulf %mul3A_707, %bitcast3A_706 : vector<32xbf16>
        %unpack3A_709 = tpu.unpack_subelements %mul3A_708, 0 {pack_format = #tpu.pack_format<interleaved>} : vector<32xbf16> -> vector<16xf32>
        %unpack3A_710 = tpu.unpack_subelements %mul3A_708, 1 {pack_format = #tpu.pack_format<interleaved>} : vector<32xbf16> -> vector<16xf32>
        %add3A_711 = arith.addf %add3A_681, %unpack3A_709 : vector<16xf32>
        %add3A_712 = arith.addf %add3A_682, %unpack3A_710 : vector<16xf32>
        %add3A_713 = arith.constant 1 : i32
        %add3A_714 = vector.broadcast %add3A_713 : i32 to vector<16xi32>
        %add3A_715 = arith.addi %add3A_700, %add3A_714 : vector<16xi32>
        %gather3A_716 = tpu.vector_load_idx %arg15[%add3A_196, %add3A_715] : memref<400x64xi32, #tpu.memory_space<vmem>>[vector<16xi32>, vector<16xi32>], vector<16xi32>,
        %gather3A_717 = tpu.vector_load_idx %arg17[%add3A_196, %add3A_715] : memref<400x64xi32, #tpu.memory_space<vmem>>[vector<16xi32>, vector<16xi32>], vector<16xi32>,
        %gather3A_718 = tpu.vector_load_idx %arg18[%get3A_199, %add3A_715] : memref<237x64xi32, #tpu.memory_space<vmem>>[vector<16xi32>, vector<16xi32>], vector<16xi32>,
        %bitcast3A_719 = vector.bitcast %gather3A_716 : vector<16xi32> to vector<32xbf16>
        %bitcast3A_720 = vector.bitcast %gather3A_717 : vector<16xi32> to vector<32xbf16>
        %bitcast3A_721 = vector.bitcast %gather3A_718 : vector<16xi32> to vector<32xbf16>
        %mul3A_722 = arith.mulf %bitcast3A_719, %bitcast3A_720 : vector<32xbf16>
        %mul3A_723 = arith.mulf %mul3A_722, %bitcast3A_721 : vector<32xbf16>
        %unpack3A_724 = tpu.unpack_subelements %mul3A_723, 0 {pack_format = #tpu.pack_format<interleaved>} : vector<32xbf16> -> vector<16xf32>
        %unpack3A_725 = tpu.unpack_subelements %mul3A_723, 1 {pack_format = #tpu.pack_format<interleaved>} : vector<32xbf16> -> vector<16xf32>
        %add3A_726 = arith.addf %add3A_696, %unpack3A_724 : vector<16xf32>
        %add3A_727 = arith.addf %add3A_697, %unpack3A_725 : vector<16xf32>
        %add3A_728 = arith.constant 1 : i32
        %add3A_729 = vector.broadcast %add3A_728 : i32 to vector<16xi32>
        %add3A_730 = arith.addi %add3A_715, %add3A_729 : vector<16xi32>
        %gather3A_731 = tpu.vector_load_idx %arg15[%add3A_196, %add3A_730] : memref<400x64xi32, #tpu.memory_space<vmem>>[vector<16xi32>, vector<16xi32>], vector<16xi32>,
        %gather3A_732 = tpu.vector_load_idx %arg17[%add3A_196, %add3A_730] : memref<400x64xi32, #tpu.memory_space<vmem>>[vector<16xi32>, vector<16xi32>], vector<16xi32>,
        %gather3A_733 = tpu.vector_load_idx %arg18[%get3A_199, %add3A_730] : memref<237x64xi32, #tpu.memory_space<vmem>>[vector<16xi32>, vector<16xi32>], vector<16xi32>,
        %bitcast3A_734 = vector.bitcast %gather3A_731 : vector<16xi32> to vector<32xbf16>
        %bitcast3A_735 = vector.bitcast %gather3A_732 : vector<16xi32> to vector<32xbf16>
        %bitcast3A_736 = vector.bitcast %gather3A_733 : vector<16xi32> to vector<32xbf16>
        %mul3A_737 = arith.mulf %bitcast3A_734, %bitcast3A_735 : vector<32xbf16>
        %mul3A_738 = arith.mulf %mul3A_737, %bitcast3A_736 : vector<32xbf16>
        %unpack3A_739 = tpu.unpack_subelements %mul3A_738, 0 {pack_format = #tpu.pack_format<interleaved>} : vector<32xbf16> -> vector<16xf32>
        %unpack3A_740 = tpu.unpack_subelements %mul3A_738, 1 {pack_format = #tpu.pack_format<interleaved>} : vector<32xbf16> -> vector<16xf32>
        %add3A_741 = arith.addf %add3A_711, %unpack3A_739 : vector<16xf32>
        %add3A_742 = arith.addf %add3A_712, %unpack3A_740 : vector<16xf32>
        %add3A_743 = arith.constant 1 : i32
        %add3A_744 = vector.broadcast %add3A_743 : i32 to vector<16xi32>
        %add3A_745 = arith.addi %add3A_730, %add3A_744 : vector<16xi32>
        %gather3A_746 = tpu.vector_load_idx %arg15[%add3A_196, %add3A_745] : memref<400x64xi32, #tpu.memory_space<vmem>>[vector<16xi32>, vector<16xi32>], vector<16xi32>,
        %gather3A_747 = tpu.vector_load_idx %arg17[%add3A_196, %add3A_745] : memref<400x64xi32, #tpu.memory_space<vmem>>[vector<16xi32>, vector<16xi32>], vector<16xi32>,
        %gather3A_748 = tpu.vector_load_idx %arg18[%get3A_199, %add3A_745] : memref<237x64xi32, #tpu.memory_space<vmem>>[vector<16xi32>, vector<16xi32>], vector<16xi32>,
        %bitcast3A_749 = vector.bitcast %gather3A_746 : vector<16xi32> to vector<32xbf16>
        %bitcast3A_750 = vector.bitcast %gather3A_747 : vector<16xi32> to vector<32xbf16>
        %bitcast3A_751 = vector.bitcast %gather3A_748 : vector<16xi32> to vector<32xbf16>
        %mul3A_752 = arith.mulf %bitcast3A_749, %bitcast3A_750 : vector<32xbf16>
        %mul3A_753 = arith.mulf %mul3A_752, %bitcast3A_751 : vector<32xbf16>
        %unpack3A_754 = tpu.unpack_subelements %mul3A_753, 0 {pack_format = #tpu.pack_format<interleaved>} : vector<32xbf16> -> vector<16xf32>
        %unpack3A_755 = tpu.unpack_subelements %mul3A_753, 1 {pack_format = #tpu.pack_format<interleaved>} : vector<32xbf16> -> vector<16xf32>
        %add3A_756 = arith.addf %add3A_726, %unpack3A_754 : vector<16xf32>
        %add3A_757 = arith.addf %add3A_727, %unpack3A_755 : vector<16xf32>
        %add3A_758 = arith.constant 1 : i32
        %add3A_759 = vector.broadcast %add3A_758 : i32 to vector<16xi32>
        %add3A_760 = arith.addi %add3A_745, %add3A_759 : vector<16xi32>
        %gather3A_761 = tpu.vector_load_idx %arg15[%add3A_196, %add3A_760] : memref<400x64xi32, #tpu.memory_space<vmem>>[vector<16xi32>, vector<16xi32>], vector<16xi32>,
        %gather3A_762 = tpu.vector_load_idx %arg17[%add3A_196, %add3A_760] : memref<400x64xi32, #tpu.memory_space<vmem>>[vector<16xi32>, vector<16xi32>], vector<16xi32>,
        %gather3A_763 = tpu.vector_load_idx %arg18[%get3A_199, %add3A_760] : memref<237x64xi32, #tpu.memory_space<vmem>>[vector<16xi32>, vector<16xi32>], vector<16xi32>,
        %bitcast3A_764 = vector.bitcast %gather3A_761 : vector<16xi32> to vector<32xbf16>
        %bitcast3A_765 = vector.bitcast %gather3A_762 : vector<16xi32> to vector<32xbf16>
        %bitcast3A_766 = vector.bitcast %gather3A_763 : vector<16xi32> to vector<32xbf16>
        %mul3A_767 = arith.mulf %bitcast3A_764, %bitcast3A_765 : vector<32xbf16>
        %mul3A_768 = arith.mulf %mul3A_767, %bitcast3A_766 : vector<32xbf16>
        %unpack3A_769 = tpu.unpack_subelements %mul3A_768, 0 {pack_format = #tpu.pack_format<interleaved>} : vector<32xbf16> -> vector<16xf32>
        %unpack3A_770 = tpu.unpack_subelements %mul3A_768, 1 {pack_format = #tpu.pack_format<interleaved>} : vector<32xbf16> -> vector<16xf32>
        %add3A_771 = arith.addf %add3A_741, %unpack3A_769 : vector<16xf32>
        %add3A_772 = arith.addf %add3A_742, %unpack3A_770 : vector<16xf32>
        %add3A_773 = arith.constant 1 : i32
        %add3A_774 = vector.broadcast %add3A_773 : i32 to vector<16xi32>
        %add3A_775 = arith.addi %add3A_760, %add3A_774 : vector<16xi32>
        %gather3A_776 = tpu.vector_load_idx %arg15[%add3A_196, %add3A_775] : memref<400x64xi32, #tpu.memory_space<vmem>>[vector<16xi32>, vector<16xi32>], vector<16xi32>,
        %gather3A_777 = tpu.vector_load_idx %arg17[%add3A_196, %add3A_775] : memref<400x64xi32, #tpu.memory_space<vmem>>[vector<16xi32>, vector<16xi32>], vector<16xi32>,
        %gather3A_778 = tpu.vector_load_idx %arg18[%get3A_199, %add3A_775] : memref<237x64xi32, #tpu.memory_space<vmem>>[vector<16xi32>, vector<16xi32>], vector<16xi32>,
        %bitcast3A_779 = vector.bitcast %gather3A_776 : vector<16xi32> to vector<32xbf16>
        %bitcast3A_780 = vector.bitcast %gather3A_777 : vector<16xi32> to vector<32xbf16>
        %bitcast3A_781 = vector.bitcast %gather3A_778 : vector<16xi32> to vector<32xbf16>
        %mul3A_782 = arith.mulf %bitcast3A_779, %bitcast3A_780 : vector<32xbf16>
        %mul3A_783 = arith.mulf %mul3A_782, %bitcast3A_781 : vector<32xbf16>
        %unpack3A_784 = tpu.unpack_subelements %mul3A_783, 0 {pack_format = #tpu.pack_format<interleaved>} : vector<32xbf16> -> vector<16xf32>
        %unpack3A_785 = tpu.unpack_subelements %mul3A_783, 1 {pack_format = #tpu.pack_format<interleaved>} : vector<32xbf16> -> vector<16xf32>
        %add3A_786 = arith.addf %add3A_756, %unpack3A_784 : vector<16xf32>
        %add3A_787 = arith.addf %add3A_757, %unpack3A_785 : vector<16xf32>
        %add3A_788 = arith.constant 1 : i32
        %add3A_789 = vector.broadcast %add3A_788 : i32 to vector<16xi32>
        %add3A_790 = arith.addi %add3A_775, %add3A_789 : vector<16xi32>
        %gather3A_791 = tpu.vector_load_idx %arg15[%add3A_196, %add3A_790] : memref<400x64xi32, #tpu.memory_space<vmem>>[vector<16xi32>, vector<16xi32>], vector<16xi32>,
        %gather3A_792 = tpu.vector_load_idx %arg17[%add3A_196, %add3A_790] : memref<400x64xi32, #tpu.memory_space<vmem>>[vector<16xi32>, vector<16xi32>], vector<16xi32>,
        %gather3A_793 = tpu.vector_load_idx %arg18[%get3A_199, %add3A_790] : memref<237x64xi32, #tpu.memory_space<vmem>>[vector<16xi32>, vector<16xi32>], vector<16xi32>,
        %bitcast3A_794 = vector.bitcast %gather3A_791 : vector<16xi32> to vector<32xbf16>
        %bitcast3A_795 = vector.bitcast %gather3A_792 : vector<16xi32> to vector<32xbf16>
        %bitcast3A_796 = vector.bitcast %gather3A_793 : vector<16xi32> to vector<32xbf16>
        %mul3A_797 = arith.mulf %bitcast3A_794, %bitcast3A_795 : vector<32xbf16>
        %mul3A_798 = arith.mulf %mul3A_797, %bitcast3A_796 : vector<32xbf16>
        %unpack3A_799 = tpu.unpack_subelements %mul3A_798, 0 {pack_format = #tpu.pack_format<interleaved>} : vector<32xbf16> -> vector<16xf32>
        %unpack3A_800 = tpu.unpack_subelements %mul3A_798, 1 {pack_format = #tpu.pack_format<interleaved>} : vector<32xbf16> -> vector<16xf32>
        %add3A_801 = arith.addf %add3A_771, %unpack3A_799 : vector<16xf32>
        %add3A_802 = arith.addf %add3A_772, %unpack3A_800 : vector<16xf32>
        %add3A_803 = arith.constant 1 : i32
        %add3A_804 = vector.broadcast %add3A_803 : i32 to vector<16xi32>
        %add3A_805 = arith.addi %add3A_790, %add3A_804 : vector<16xi32>
        %gather3A_806 = tpu.vector_load_idx %arg15[%add3A_196, %add3A_805] : memref<400x64xi32, #tpu.memory_space<vmem>>[vector<16xi32>, vector<16xi32>], vector<16xi32>,
        %gather3A_807 = tpu.vector_load_idx %arg17[%add3A_196, %add3A_805] : memref<400x64xi32, #tpu.memory_space<vmem>>[vector<16xi32>, vector<16xi32>], vector<16xi32>,
        %gather3A_808 = tpu.vector_load_idx %arg18[%get3A_199, %add3A_805] : memref<237x64xi32, #tpu.memory_space<vmem>>[vector<16xi32>, vector<16xi32>], vector<16xi32>,
        %bitcast3A_809 = vector.bitcast %gather3A_806 : vector<16xi32> to vector<32xbf16>
        %bitcast3A_810 = vector.bitcast %gather3A_807 : vector<16xi32> to vector<32xbf16>
        %bitcast3A_811 = vector.bitcast %gather3A_808 : vector<16xi32> to vector<32xbf16>
        %mul3A_812 = arith.mulf %bitcast3A_809, %bitcast3A_810 : vector<32xbf16>
        %mul3A_813 = arith.mulf %mul3A_812, %bitcast3A_811 : vector<32xbf16>
        %unpack3A_814 = tpu.unpack_subelements %mul3A_813, 0 {pack_format = #tpu.pack_format<interleaved>} : vector<32xbf16> -> vector<16xf32>
        %unpack3A_815 = tpu.unpack_subelements %mul3A_813, 1 {pack_format = #tpu.pack_format<interleaved>} : vector<32xbf16> -> vector<16xf32>
        %add3A_816 = arith.addf %add3A_786, %unpack3A_814 : vector<16xf32>
        %add3A_817 = arith.addf %add3A_787, %unpack3A_815 : vector<16xf32>
        %add3A_818 = arith.constant 1 : i32
        %add3A_819 = vector.broadcast %add3A_818 : i32 to vector<16xi32>
        %add3A_820 = arith.addi %add3A_805, %add3A_819 : vector<16xi32>
        %gather3A_821 = tpu.vector_load_idx %arg15[%add3A_196, %add3A_820] : memref<400x64xi32, #tpu.memory_space<vmem>>[vector<16xi32>, vector<16xi32>], vector<16xi32>,
        %gather3A_822 = tpu.vector_load_idx %arg17[%add3A_196, %add3A_820] : memref<400x64xi32, #tpu.memory_space<vmem>>[vector<16xi32>, vector<16xi32>], vector<16xi32>,
        %gather3A_823 = tpu.vector_load_idx %arg18[%get3A_199, %add3A_820] : memref<237x64xi32, #tpu.memory_space<vmem>>[vector<16xi32>, vector<16xi32>], vector<16xi32>,
        %bitcast3A_824 = vector.bitcast %gather3A_821 : vector<16xi32> to vector<32xbf16>
        %bitcast3A_825 = vector.bitcast %gather3A_822 : vector<16xi32> to vector<32xbf16>
        %bitcast3A_826 = vector.bitcast %gather3A_823 : vector<16xi32> to vector<32xbf16>
        %mul3A_827 = arith.mulf %bitcast3A_824, %bitcast3A_825 : vector<32xbf16>
        %mul3A_828 = arith.mulf %mul3A_827, %bitcast3A_826 : vector<32xbf16>
        %unpack3A_829 = tpu.unpack_subelements %mul3A_828, 0 {pack_format = #tpu.pack_format<interleaved>} : vector<32xbf16> -> vector<16xf32>
        %unpack3A_830 = tpu.unpack_subelements %mul3A_828, 1 {pack_format = #tpu.pack_format<interleaved>} : vector<32xbf16> -> vector<16xf32>
        %add3A_831 = arith.addf %add3A_801, %unpack3A_829 : vector<16xf32>
        %add3A_832 = arith.addf %add3A_802, %unpack3A_830 : vector<16xf32>
        %add3A_833 = arith.constant 1 : i32
        %add3A_834 = vector.broadcast %add3A_833 : i32 to vector<16xi32>
        %add3A_835 = arith.addi %add3A_820, %add3A_834 : vector<16xi32>
        %gather3A_836 = tpu.vector_load_idx %arg15[%add3A_196, %add3A_835] : memref<400x64xi32, #tpu.memory_space<vmem>>[vector<16xi32>, vector<16xi32>], vector<16xi32>,
        %gather3A_837 = tpu.vector_load_idx %arg17[%add3A_196, %add3A_835] : memref<400x64xi32, #tpu.memory_space<vmem>>[vector<16xi32>, vector<16xi32>], vector<16xi32>,
        %gather3A_838 = tpu.vector_load_idx %arg18[%get3A_199, %add3A_835] : memref<237x64xi32, #tpu.memory_space<vmem>>[vector<16xi32>, vector<16xi32>], vector<16xi32>,
        %bitcast3A_839 = vector.bitcast %gather3A_836 : vector<16xi32> to vector<32xbf16>
        %bitcast3A_840 = vector.bitcast %gather3A_837 : vector<16xi32> to vector<32xbf16>
        %bitcast3A_841 = vector.bitcast %gather3A_838 : vector<16xi32> to vector<32xbf16>
        %mul3A_842 = arith.mulf %bitcast3A_839, %bitcast3A_840 : vector<32xbf16>
        %mul3A_843 = arith.mulf %mul3A_842, %bitcast3A_841 : vector<32xbf16>
        %unpack3A_844 = tpu.unpack_subelements %mul3A_843, 0 {pack_format = #tpu.pack_format<interleaved>} : vector<32xbf16> -> vector<16xf32>
        %unpack3A_845 = tpu.unpack_subelements %mul3A_843, 1 {pack_format = #tpu.pack_format<interleaved>} : vector<32xbf16> -> vector<16xf32>
        %add3A_846 = arith.addf %add3A_816, %unpack3A_844 : vector<16xf32>
        %add3A_847 = arith.addf %add3A_817, %unpack3A_845 : vector<16xf32>
        %add3A_848 = arith.constant 1 : i32
        %add3A_849 = vector.broadcast %add3A_848 : i32 to vector<16xi32>
        %add3A_850 = arith.addi %add3A_835, %add3A_849 : vector<16xi32>
        %gather3A_851 = tpu.vector_load_idx %arg15[%add3A_196, %add3A_850] : memref<400x64xi32, #tpu.memory_space<vmem>>[vector<16xi32>, vector<16xi32>], vector<16xi32>,
        %gather3A_852 = tpu.vector_load_idx %arg17[%add3A_196, %add3A_850] : memref<400x64xi32, #tpu.memory_space<vmem>>[vector<16xi32>, vector<16xi32>], vector<16xi32>,
        %gather3A_853 = tpu.vector_load_idx %arg18[%get3A_199, %add3A_850] : memref<237x64xi32, #tpu.memory_space<vmem>>[vector<16xi32>, vector<16xi32>], vector<16xi32>,
        %bitcast3A_854 = vector.bitcast %gather3A_851 : vector<16xi32> to vector<32xbf16>
        %bitcast3A_855 = vector.bitcast %gather3A_852 : vector<16xi32> to vector<32xbf16>
        %bitcast3A_856 = vector.bitcast %gather3A_853 : vector<16xi32> to vector<32xbf16>
        %mul3A_857 = arith.mulf %bitcast3A_854, %bitcast3A_855 : vector<32xbf16>
        %mul3A_858 = arith.mulf %mul3A_857, %bitcast3A_856 : vector<32xbf16>
        %unpack3A_859 = tpu.unpack_subelements %mul3A_858, 0 {pack_format = #tpu.pack_format<interleaved>} : vector<32xbf16> -> vector<16xf32>
        %unpack3A_860 = tpu.unpack_subelements %mul3A_858, 1 {pack_format = #tpu.pack_format<interleaved>} : vector<32xbf16> -> vector<16xf32>
        %add3A_861 = arith.addf %add3A_831, %unpack3A_859 : vector<16xf32>
        %add3A_862 = arith.addf %add3A_832, %unpack3A_860 : vector<16xf32>
        %add3A_863 = arith.constant 1 : i32
        %add3A_864 = vector.broadcast %add3A_863 : i32 to vector<16xi32>
        %add3A_865 = arith.addi %add3A_850, %add3A_864 : vector<16xi32>
        %gather3A_866 = tpu.vector_load_idx %arg15[%add3A_196, %add3A_865] : memref<400x64xi32, #tpu.memory_space<vmem>>[vector<16xi32>, vector<16xi32>], vector<16xi32>,
        %gather3A_867 = tpu.vector_load_idx %arg17[%add3A_196, %add3A_865] : memref<400x64xi32, #tpu.memory_space<vmem>>[vector<16xi32>, vector<16xi32>], vector<16xi32>,
        %gather3A_868 = tpu.vector_load_idx %arg18[%get3A_199, %add3A_865] : memref<237x64xi32, #tpu.memory_space<vmem>>[vector<16xi32>, vector<16xi32>], vector<16xi32>,
        %bitcast3A_869 = vector.bitcast %gather3A_866 : vector<16xi32> to vector<32xbf16>
        %bitcast3A_870 = vector.bitcast %gather3A_867 : vector<16xi32> to vector<32xbf16>
        %bitcast3A_871 = vector.bitcast %gather3A_868 : vector<16xi32> to vector<32xbf16>
        %mul3A_872 = arith.mulf %bitcast3A_869, %bitcast3A_870 : vector<32xbf16>
        %mul3A_873 = arith.mulf %mul3A_872, %bitcast3A_871 : vector<32xbf16>
        %unpack3A_874 = tpu.unpack_subelements %mul3A_873, 0 {pack_format = #tpu.pack_format<interleaved>} : vector<32xbf16> -> vector<16xf32>
        %unpack3A_875 = tpu.unpack_subelements %mul3A_873, 1 {pack_format = #tpu.pack_format<interleaved>} : vector<32xbf16> -> vector<16xf32>
        %add3A_876 = arith.addf %add3A_846, %unpack3A_874 : vector<16xf32>
        %add3A_877 = arith.addf %add3A_847, %unpack3A_875 : vector<16xf32>
        %add3A_878 = arith.constant 1 : i32
        %add3A_879 = vector.broadcast %add3A_878 : i32 to vector<16xi32>
        %add3A_880 = arith.addi %add3A_865, %add3A_879 : vector<16xi32>
        %gather3A_881 = tpu.vector_load_idx %arg15[%add3A_196, %add3A_880] : memref<400x64xi32, #tpu.memory_space<vmem>>[vector<16xi32>, vector<16xi32>], vector<16xi32>,
        %gather3A_882 = tpu.vector_load_idx %arg17[%add3A_196, %add3A_880] : memref<400x64xi32, #tpu.memory_space<vmem>>[vector<16xi32>, vector<16xi32>], vector<16xi32>,
        %gather3A_883 = tpu.vector_load_idx %arg18[%get3A_199, %add3A_880] : memref<237x64xi32, #tpu.memory_space<vmem>>[vector<16xi32>, vector<16xi32>], vector<16xi32>,
        %bitcast3A_884 = vector.bitcast %gather3A_881 : vector<16xi32> to vector<32xbf16>
        %bitcast3A_885 = vector.bitcast %gather3A_882 : vector<16xi32> to vector<32xbf16>
        %bitcast3A_886 = vector.bitcast %gather3A_883 : vector<16xi32> to vector<32xbf16>
        %mul3A_887 = arith.mulf %bitcast3A_884, %bitcast3A_885 : vector<32xbf16>
        %mul3A_888 = arith.mulf %mul3A_887, %bitcast3A_886 : vector<32xbf16>
        %unpack3A_889 = tpu.unpack_subelements %mul3A_888, 0 {pack_format = #tpu.pack_format<interleaved>} : vector<32xbf16> -> vector<16xf32>
        %unpack3A_890 = tpu.unpack_subelements %mul3A_888, 1 {pack_format = #tpu.pack_format<interleaved>} : vector<32xbf16> -> vector<16xf32>
        %add3A_891 = arith.addf %add3A_861, %unpack3A_889 : vector<16xf32>
        %add3A_892 = arith.addf %add3A_862, %unpack3A_890 : vector<16xf32>
        %add3A_893 = arith.constant 1 : i32
        %add3A_894 = vector.broadcast %add3A_893 : i32 to vector<16xi32>
        %add3A_895 = arith.addi %add3A_880, %add3A_894 : vector<16xi32>
        %gather3A_896 = tpu.vector_load_idx %arg15[%add3A_196, %add3A_895] : memref<400x64xi32, #tpu.memory_space<vmem>>[vector<16xi32>, vector<16xi32>], vector<16xi32>,
        %gather3A_897 = tpu.vector_load_idx %arg17[%add3A_196, %add3A_895] : memref<400x64xi32, #tpu.memory_space<vmem>>[vector<16xi32>, vector<16xi32>], vector<16xi32>,
        %gather3A_898 = tpu.vector_load_idx %arg18[%get3A_199, %add3A_895] : memref<237x64xi32, #tpu.memory_space<vmem>>[vector<16xi32>, vector<16xi32>], vector<16xi32>,
        %bitcast3A_899 = vector.bitcast %gather3A_896 : vector<16xi32> to vector<32xbf16>
        %bitcast3A_900 = vector.bitcast %gather3A_897 : vector<16xi32> to vector<32xbf16>
        %bitcast3A_901 = vector.bitcast %gather3A_898 : vector<16xi32> to vector<32xbf16>
        %mul3A_902 = arith.mulf %bitcast3A_899, %bitcast3A_900 : vector<32xbf16>
        %mul3A_903 = arith.mulf %mul3A_902, %bitcast3A_901 : vector<32xbf16>
        %unpack3A_904 = tpu.unpack_subelements %mul3A_903, 0 {pack_format = #tpu.pack_format<interleaved>} : vector<32xbf16> -> vector<16xf32>
        %unpack3A_905 = tpu.unpack_subelements %mul3A_903, 1 {pack_format = #tpu.pack_format<interleaved>} : vector<32xbf16> -> vector<16xf32>
        %add3A_906 = arith.addf %add3A_876, %unpack3A_904 : vector<16xf32>
        %add3A_907 = arith.addf %add3A_877, %unpack3A_905 : vector<16xf32>
        %add3A_908 = arith.constant 1 : i32
        %add3A_909 = vector.broadcast %add3A_908 : i32 to vector<16xi32>
        %add3A_910 = arith.addi %add3A_895, %add3A_909 : vector<16xi32>
        %gather3A_911 = tpu.vector_load_idx %arg15[%add3A_196, %add3A_910] : memref<400x64xi32, #tpu.memory_space<vmem>>[vector<16xi32>, vector<16xi32>], vector<16xi32>,
        %gather3A_912 = tpu.vector_load_idx %arg17[%add3A_196, %add3A_910] : memref<400x64xi32, #tpu.memory_space<vmem>>[vector<16xi32>, vector<16xi32>], vector<16xi32>,
        %gather3A_913 = tpu.vector_load_idx %arg18[%get3A_199, %add3A_910] : memref<237x64xi32, #tpu.memory_space<vmem>>[vector<16xi32>, vector<16xi32>], vector<16xi32>,
        %bitcast3A_914 = vector.bitcast %gather3A_911 : vector<16xi32> to vector<32xbf16>
        %bitcast3A_915 = vector.bitcast %gather3A_912 : vector<16xi32> to vector<32xbf16>
        %bitcast3A_916 = vector.bitcast %gather3A_913 : vector<16xi32> to vector<32xbf16>
        %mul3A_917 = arith.mulf %bitcast3A_914, %bitcast3A_915 : vector<32xbf16>
        %mul3A_918 = arith.mulf %mul3A_917, %bitcast3A_916 : vector<32xbf16>
        %unpack3A_919 = tpu.unpack_subelements %mul3A_918, 0 {pack_format = #tpu.pack_format<interleaved>} : vector<32xbf16> -> vector<16xf32>
        %unpack3A_920 = tpu.unpack_subelements %mul3A_918, 1 {pack_format = #tpu.pack_format<interleaved>} : vector<32xbf16> -> vector<16xf32>
        %add3A_921 = arith.addf %add3A_891, %unpack3A_919 : vector<16xf32>
        %add3A_922 = arith.addf %add3A_892, %unpack3A_920 : vector<16xf32>
        %add3A_923 = arith.constant 1 : i32
        %add3A_924 = vector.broadcast %add3A_923 : i32 to vector<16xi32>
        %add3A_925 = arith.addi %add3A_910, %add3A_924 : vector<16xi32>
        %gather3A_926 = tpu.vector_load_idx %arg15[%add3A_196, %add3A_925] : memref<400x64xi32, #tpu.memory_space<vmem>>[vector<16xi32>, vector<16xi32>], vector<16xi32>,
        %gather3A_927 = tpu.vector_load_idx %arg17[%add3A_196, %add3A_925] : memref<400x64xi32, #tpu.memory_space<vmem>>[vector<16xi32>, vector<16xi32>], vector<16xi32>,
        %gather3A_928 = tpu.vector_load_idx %arg18[%get3A_199, %add3A_925] : memref<237x64xi32, #tpu.memory_space<vmem>>[vector<16xi32>, vector<16xi32>], vector<16xi32>,
        %bitcast3A_929 = vector.bitcast %gather3A_926 : vector<16xi32> to vector<32xbf16>
        %bitcast3A_930 = vector.bitcast %gather3A_927 : vector<16xi32> to vector<32xbf16>
        %bitcast3A_931 = vector.bitcast %gather3A_928 : vector<16xi32> to vector<32xbf16>
        %mul3A_932 = arith.mulf %bitcast3A_929, %bitcast3A_930 : vector<32xbf16>
        %mul3A_933 = arith.mulf %mul3A_932, %bitcast3A_931 : vector<32xbf16>
        %unpack3A_934 = tpu.unpack_subelements %mul3A_933, 0 {pack_format = #tpu.pack_format<interleaved>} : vector<32xbf16> -> vector<16xf32>
        %unpack3A_935 = tpu.unpack_subelements %mul3A_933, 1 {pack_format = #tpu.pack_format<interleaved>} : vector<32xbf16> -> vector<16xf32>
        %add3A_936 = arith.addf %add3A_906, %unpack3A_934 : vector<16xf32>
        %add3A_937 = arith.addf %add3A_907, %unpack3A_935 : vector<16xf32>
        %add3A_938 = arith.constant 1 : i32
        %add3A_939 = vector.broadcast %add3A_938 : i32 to vector<16xi32>
        %add3A_940 = arith.addi %add3A_925, %add3A_939 : vector<16xi32>
        %gather3A_941 = tpu.vector_load_idx %arg15[%add3A_196, %add3A_940] : memref<400x64xi32, #tpu.memory_space<vmem>>[vector<16xi32>, vector<16xi32>], vector<16xi32>,
        %gather3A_942 = tpu.vector_load_idx %arg17[%add3A_196, %add3A_940] : memref<400x64xi32, #tpu.memory_space<vmem>>[vector<16xi32>, vector<16xi32>], vector<16xi32>,
        %gather3A_943 = tpu.vector_load_idx %arg18[%get3A_199, %add3A_940] : memref<237x64xi32, #tpu.memory_space<vmem>>[vector<16xi32>, vector<16xi32>], vector<16xi32>,
        %bitcast3A_944 = vector.bitcast %gather3A_941 : vector<16xi32> to vector<32xbf16>
        %bitcast3A_945 = vector.bitcast %gather3A_942 : vector<16xi32> to vector<32xbf16>
        %bitcast3A_946 = vector.bitcast %gather3A_943 : vector<16xi32> to vector<32xbf16>
        %mul3A_947 = arith.mulf %bitcast3A_944, %bitcast3A_945 : vector<32xbf16>
        %mul3A_948 = arith.mulf %mul3A_947, %bitcast3A_946 : vector<32xbf16>
        %unpack3A_949 = tpu.unpack_subelements %mul3A_948, 0 {pack_format = #tpu.pack_format<interleaved>} : vector<32xbf16> -> vector<16xf32>
        %unpack3A_950 = tpu.unpack_subelements %mul3A_948, 1 {pack_format = #tpu.pack_format<interleaved>} : vector<32xbf16> -> vector<16xf32>
        %add3A_951 = arith.addf %add3A_921, %unpack3A_949 : vector<16xf32>
        %add3A_952 = arith.addf %add3A_922, %unpack3A_950 : vector<16xf32>
        %add3A_953 = arith.constant 1 : i32
        %add3A_954 = vector.broadcast %add3A_953 : i32 to vector<16xi32>
        %add3A_955 = arith.addi %add3A_940, %add3A_954 : vector<16xi32>
        %gather3A_956 = tpu.vector_load_idx %arg15[%add3A_196, %add3A_955] : memref<400x64xi32, #tpu.memory_space<vmem>>[vector<16xi32>, vector<16xi32>], vector<16xi32>,
        %gather3A_957 = tpu.vector_load_idx %arg17[%add3A_196, %add3A_955] : memref<400x64xi32, #tpu.memory_space<vmem>>[vector<16xi32>, vector<16xi32>], vector<16xi32>,
        %gather3A_958 = tpu.vector_load_idx %arg18[%get3A_199, %add3A_955] : memref<237x64xi32, #tpu.memory_space<vmem>>[vector<16xi32>, vector<16xi32>], vector<16xi32>,
        %bitcast3A_959 = vector.bitcast %gather3A_956 : vector<16xi32> to vector<32xbf16>
        %bitcast3A_960 = vector.bitcast %gather3A_957 : vector<16xi32> to vector<32xbf16>
        %bitcast3A_961 = vector.bitcast %gather3A_958 : vector<16xi32> to vector<32xbf16>
        %mul3A_962 = arith.mulf %bitcast3A_959, %bitcast3A_960 : vector<32xbf16>
        %mul3A_963 = arith.mulf %mul3A_962, %bitcast3A_961 : vector<32xbf16>
        %unpack3A_964 = tpu.unpack_subelements %mul3A_963, 0 {pack_format = #tpu.pack_format<interleaved>} : vector<32xbf16> -> vector<16xf32>
        %unpack3A_965 = tpu.unpack_subelements %mul3A_963, 1 {pack_format = #tpu.pack_format<interleaved>} : vector<32xbf16> -> vector<16xf32>
        %add3A_966 = arith.addf %add3A_936, %unpack3A_964 : vector<16xf32>
        %add3A_967 = arith.addf %add3A_937, %unpack3A_965 : vector<16xf32>
        %add3A_968 = arith.constant 1 : i32
        %add3A_969 = vector.broadcast %add3A_968 : i32 to vector<16xi32>
        %add3A_970 = arith.addi %add3A_955, %add3A_969 : vector<16xi32>
        %gather3A_971 = tpu.vector_load_idx %arg15[%add3A_196, %add3A_970] : memref<400x64xi32, #tpu.memory_space<vmem>>[vector<16xi32>, vector<16xi32>], vector<16xi32>,
        %gather3A_972 = tpu.vector_load_idx %arg17[%add3A_196, %add3A_970] : memref<400x64xi32, #tpu.memory_space<vmem>>[vector<16xi32>, vector<16xi32>], vector<16xi32>,
        %gather3A_973 = tpu.vector_load_idx %arg18[%get3A_199, %add3A_970] : memref<237x64xi32, #tpu.memory_space<vmem>>[vector<16xi32>, vector<16xi32>], vector<16xi32>,
        %bitcast3A_974 = vector.bitcast %gather3A_971 : vector<16xi32> to vector<32xbf16>
        %bitcast3A_975 = vector.bitcast %gather3A_972 : vector<16xi32> to vector<32xbf16>
        %bitcast3A_976 = vector.bitcast %gather3A_973 : vector<16xi32> to vector<32xbf16>
        %mul3A_977 = arith.mulf %bitcast3A_974, %bitcast3A_975 : vector<32xbf16>
        %mul3A_978 = arith.mulf %mul3A_977, %bitcast3A_976 : vector<32xbf16>
        %unpack3A_979 = tpu.unpack_subelements %mul3A_978, 0 {pack_format = #tpu.pack_format<interleaved>} : vector<32xbf16> -> vector<16xf32>
        %unpack3A_980 = tpu.unpack_subelements %mul3A_978, 1 {pack_format = #tpu.pack_format<interleaved>} : vector<32xbf16> -> vector<16xf32>
        %add3A_981 = arith.addf %add3A_951, %unpack3A_979 : vector<16xf32>
        %add3A_982 = arith.addf %add3A_952, %unpack3A_980 : vector<16xf32>
        %add3A_983 = arith.constant 1 : i32
        %add3A_984 = vector.broadcast %add3A_983 : i32 to vector<16xi32>
        %add3A_985 = arith.addi %add3A_970, %add3A_984 : vector<16xi32>
        %gather3A_986 = tpu.vector_load_idx %arg15[%add3A_196, %add3A_985] : memref<400x64xi32, #tpu.memory_space<vmem>>[vector<16xi32>, vector<16xi32>], vector<16xi32>,
        %gather3A_987 = tpu.vector_load_idx %arg17[%add3A_196, %add3A_985] : memref<400x64xi32, #tpu.memory_space<vmem>>[vector<16xi32>, vector<16xi32>], vector<16xi32>,
        %gather3A_988 = tpu.vector_load_idx %arg18[%get3A_199, %add3A_985] : memref<237x64xi32, #tpu.memory_space<vmem>>[vector<16xi32>, vector<16xi32>], vector<16xi32>,
        %bitcast3A_989 = vector.bitcast %gather3A_986 : vector<16xi32> to vector<32xbf16>
        %bitcast3A_990 = vector.bitcast %gather3A_987 : vector<16xi32> to vector<32xbf16>
        %bitcast3A_991 = vector.bitcast %gather3A_988 : vector<16xi32> to vector<32xbf16>
        %mul3A_992 = arith.mulf %bitcast3A_989, %bitcast3A_990 : vector<32xbf16>
        %mul3A_993 = arith.mulf %mul3A_992, %bitcast3A_991 : vector<32xbf16>
        %unpack3A_994 = tpu.unpack_subelements %mul3A_993, 0 {pack_format = #tpu.pack_format<interleaved>} : vector<32xbf16> -> vector<16xf32>
        %unpack3A_995 = tpu.unpack_subelements %mul3A_993, 1 {pack_format = #tpu.pack_format<interleaved>} : vector<32xbf16> -> vector<16xf32>
        %add3A_996 = arith.addf %add3A_966, %unpack3A_994 : vector<16xf32>
        %add3A_997 = arith.addf %add3A_967, %unpack3A_995 : vector<16xf32>
        %add3A_998 = arith.constant 1 : i32
        %add3A_999 = vector.broadcast %add3A_998 : i32 to vector<16xi32>
        %add3A_1000 = arith.addi %add3A_985, %add3A_999 : vector<16xi32>
        %gather3A_1001 = tpu.vector_load_idx %arg15[%add3A_196, %add3A_1000] : memref<400x64xi32, #tpu.memory_space<vmem>>[vector<16xi32>, vector<16xi32>], vector<16xi32>,
        %gather3A_1002 = tpu.vector_load_idx %arg17[%add3A_196, %add3A_1000] : memref<400x64xi32, #tpu.memory_space<vmem>>[vector<16xi32>, vector<16xi32>], vector<16xi32>,
        %gather3A_1003 = tpu.vector_load_idx %arg18[%get3A_199, %add3A_1000] : memref<237x64xi32, #tpu.memory_space<vmem>>[vector<16xi32>, vector<16xi32>], vector<16xi32>,
        %bitcast3A_1004 = vector.bitcast %gather3A_1001 : vector<16xi32> to vector<32xbf16>
        %bitcast3A_1005 = vector.bitcast %gather3A_1002 : vector<16xi32> to vector<32xbf16>
        %bitcast3A_1006 = vector.bitcast %gather3A_1003 : vector<16xi32> to vector<32xbf16>
        %mul3A_1007 = arith.mulf %bitcast3A_1004, %bitcast3A_1005 : vector<32xbf16>
        %mul3A_1008 = arith.mulf %mul3A_1007, %bitcast3A_1006 : vector<32xbf16>
        %unpack3A_1009 = tpu.unpack_subelements %mul3A_1008, 0 {pack_format = #tpu.pack_format<interleaved>} : vector<32xbf16> -> vector<16xf32>
        %unpack3A_1010 = tpu.unpack_subelements %mul3A_1008, 1 {pack_format = #tpu.pack_format<interleaved>} : vector<32xbf16> -> vector<16xf32>
        %add3A_1011 = arith.addf %add3A_981, %unpack3A_1009 : vector<16xf32>
        %add3A_1012 = arith.addf %add3A_982, %unpack3A_1010 : vector<16xf32>
        %add3A_1013 = arith.constant 1 : i32
        %add3A_1014 = vector.broadcast %add3A_1013 : i32 to vector<16xi32>
        %add3A_1015 = arith.addi %add3A_1000, %add3A_1014 : vector<16xi32>
        %gather3A_1016 = tpu.vector_load_idx %arg15[%add3A_196, %add3A_1015] : memref<400x64xi32, #tpu.memory_space<vmem>>[vector<16xi32>, vector<16xi32>], vector<16xi32>,
        %gather3A_1017 = tpu.vector_load_idx %arg17[%add3A_196, %add3A_1015] : memref<400x64xi32, #tpu.memory_space<vmem>>[vector<16xi32>, vector<16xi32>], vector<16xi32>,
        %gather3A_1018 = tpu.vector_load_idx %arg18[%get3A_199, %add3A_1015] : memref<237x64xi32, #tpu.memory_space<vmem>>[vector<16xi32>, vector<16xi32>], vector<16xi32>,
        %bitcast3A_1019 = vector.bitcast %gather3A_1016 : vector<16xi32> to vector<32xbf16>
        %bitcast3A_1020 = vector.bitcast %gather3A_1017 : vector<16xi32> to vector<32xbf16>
        %bitcast3A_1021 = vector.bitcast %gather3A_1018 : vector<16xi32> to vector<32xbf16>
        %mul3A_1022 = arith.mulf %bitcast3A_1019, %bitcast3A_1020 : vector<32xbf16>
        %mul3A_1023 = arith.mulf %mul3A_1022, %bitcast3A_1021 : vector<32xbf16>
        %unpack3A_1024 = tpu.unpack_subelements %mul3A_1023, 0 {pack_format = #tpu.pack_format<interleaved>} : vector<32xbf16> -> vector<16xf32>
        %unpack3A_1025 = tpu.unpack_subelements %mul3A_1023, 1 {pack_format = #tpu.pack_format<interleaved>} : vector<32xbf16> -> vector<16xf32>
        %add3A_1026 = arith.addf %add3A_996, %unpack3A_1024 : vector<16xf32>
        %add3A_1027 = arith.addf %add3A_997, %unpack3A_1025 : vector<16xf32>
        %add3A_1028 = arith.constant 1 : i32
        %add3A_1029 = vector.broadcast %add3A_1028 : i32 to vector<16xi32>
        %add3A_1030 = arith.addi %add3A_1015, %add3A_1029 : vector<16xi32>
        %gather3A_1031 = tpu.vector_load_idx %arg15[%add3A_196, %add3A_1030] : memref<400x64xi32, #tpu.memory_space<vmem>>[vector<16xi32>, vector<16xi32>], vector<16xi32>,
        %gather3A_1032 = tpu.vector_load_idx %arg17[%add3A_196, %add3A_1030] : memref<400x64xi32, #tpu.memory_space<vmem>>[vector<16xi32>, vector<16xi32>], vector<16xi32>,
        %gather3A_1033 = tpu.vector_load_idx %arg18[%get3A_199, %add3A_1030] : memref<237x64xi32, #tpu.memory_space<vmem>>[vector<16xi32>, vector<16xi32>], vector<16xi32>,
        %bitcast3A_1034 = vector.bitcast %gather3A_1031 : vector<16xi32> to vector<32xbf16>
        %bitcast3A_1035 = vector.bitcast %gather3A_1032 : vector<16xi32> to vector<32xbf16>
        %bitcast3A_1036 = vector.bitcast %gather3A_1033 : vector<16xi32> to vector<32xbf16>
        %mul3A_1037 = arith.mulf %bitcast3A_1034, %bitcast3A_1035 : vector<32xbf16>
        %mul3A_1038 = arith.mulf %mul3A_1037, %bitcast3A_1036 : vector<32xbf16>
        %unpack3A_1039 = tpu.unpack_subelements %mul3A_1038, 0 {pack_format = #tpu.pack_format<interleaved>} : vector<32xbf16> -> vector<16xf32>
        %unpack3A_1040 = tpu.unpack_subelements %mul3A_1038, 1 {pack_format = #tpu.pack_format<interleaved>} : vector<32xbf16> -> vector<16xf32>
        %add3A_1041 = arith.addf %add3A_1011, %unpack3A_1039 : vector<16xf32>
        %add3A_1042 = arith.addf %add3A_1012, %unpack3A_1040 : vector<16xf32>
        %add3A_1043 = arith.constant 1 : i32
        %add3A_1044 = vector.broadcast %add3A_1043 : i32 to vector<16xi32>
        %add3A_1045 = arith.addi %add3A_1030, %add3A_1044 : vector<16xi32>
        %gather3A_1046 = tpu.vector_load_idx %arg15[%add3A_196, %add3A_1045] : memref<400x64xi32, #tpu.memory_space<vmem>>[vector<16xi32>, vector<16xi32>], vector<16xi32>,
        %gather3A_1047 = tpu.vector_load_idx %arg17[%add3A_196, %add3A_1045] : memref<400x64xi32, #tpu.memory_space<vmem>>[vector<16xi32>, vector<16xi32>], vector<16xi32>,
        %gather3A_1048 = tpu.vector_load_idx %arg18[%get3A_199, %add3A_1045] : memref<237x64xi32, #tpu.memory_space<vmem>>[vector<16xi32>, vector<16xi32>], vector<16xi32>,
        %bitcast3A_1049 = vector.bitcast %gather3A_1046 : vector<16xi32> to vector<32xbf16>
        %bitcast3A_1050 = vector.bitcast %gather3A_1047 : vector<16xi32> to vector<32xbf16>
        %bitcast3A_1051 = vector.bitcast %gather3A_1048 : vector<16xi32> to vector<32xbf16>
        %mul3A_1052 = arith.mulf %bitcast3A_1049, %bitcast3A_1050 : vector<32xbf16>
        %mul3A_1053 = arith.mulf %mul3A_1052, %bitcast3A_1051 : vector<32xbf16>
        %unpack3A_1054 = tpu.unpack_subelements %mul3A_1053, 0 {pack_format = #tpu.pack_format<interleaved>} : vector<32xbf16> -> vector<16xf32>
        %unpack3A_1055 = tpu.unpack_subelements %mul3A_1053, 1 {pack_format = #tpu.pack_format<interleaved>} : vector<32xbf16> -> vector<16xf32>
        %add3A_1056 = arith.addf %add3A_1026, %unpack3A_1054 : vector<16xf32>
        %add3A_1057 = arith.addf %add3A_1027, %unpack3A_1055 : vector<16xf32>
        %add3A_1058 = arith.constant 1 : i32
        %add3A_1059 = vector.broadcast %add3A_1058 : i32 to vector<16xi32>
        %add3A_1060 = arith.addi %add3A_1045, %add3A_1059 : vector<16xi32>
        %gather3A_1061 = tpu.vector_load_idx %arg15[%add3A_196, %add3A_1060] : memref<400x64xi32, #tpu.memory_space<vmem>>[vector<16xi32>, vector<16xi32>], vector<16xi32>,
        %gather3A_1062 = tpu.vector_load_idx %arg17[%add3A_196, %add3A_1060] : memref<400x64xi32, #tpu.memory_space<vmem>>[vector<16xi32>, vector<16xi32>], vector<16xi32>,
        %gather3A_1063 = tpu.vector_load_idx %arg18[%get3A_199, %add3A_1060] : memref<237x64xi32, #tpu.memory_space<vmem>>[vector<16xi32>, vector<16xi32>], vector<16xi32>,
        %bitcast3A_1064 = vector.bitcast %gather3A_1061 : vector<16xi32> to vector<32xbf16>
        %bitcast3A_1065 = vector.bitcast %gather3A_1062 : vector<16xi32> to vector<32xbf16>
        %bitcast3A_1066 = vector.bitcast %gather3A_1063 : vector<16xi32> to vector<32xbf16>
        %mul3A_1067 = arith.mulf %bitcast3A_1064, %bitcast3A_1065 : vector<32xbf16>
        %mul3A_1068 = arith.mulf %mul3A_1067, %bitcast3A_1066 : vector<32xbf16>
        %unpack3A_1069 = tpu.unpack_subelements %mul3A_1068, 0 {pack_format = #tpu.pack_format<interleaved>} : vector<32xbf16> -> vector<16xf32>
        %unpack3A_1070 = tpu.unpack_subelements %mul3A_1068, 1 {pack_format = #tpu.pack_format<interleaved>} : vector<32xbf16> -> vector<16xf32>
        %add3A_1071 = arith.addf %add3A_1041, %unpack3A_1069 : vector<16xf32>
        %add3A_1072 = arith.addf %add3A_1042, %unpack3A_1070 : vector<16xf32>
        %add3A_1073 = arith.constant 1 : i32
        %add3A_1074 = vector.broadcast %add3A_1073 : i32 to vector<16xi32>
        %add3A_1075 = arith.addi %add3A_1060, %add3A_1074 : vector<16xi32>
        %gather3A_1076 = tpu.vector_load_idx %arg15[%add3A_196, %add3A_1075] : memref<400x64xi32, #tpu.memory_space<vmem>>[vector<16xi32>, vector<16xi32>], vector<16xi32>,
        %gather3A_1077 = tpu.vector_load_idx %arg17[%add3A_196, %add3A_1075] : memref<400x64xi32, #tpu.memory_space<vmem>>[vector<16xi32>, vector<16xi32>], vector<16xi32>,
        %gather3A_1078 = tpu.vector_load_idx %arg18[%get3A_199, %add3A_1075] : memref<237x64xi32, #tpu.memory_space<vmem>>[vector<16xi32>, vector<16xi32>], vector<16xi32>,
        %bitcast3A_1079 = vector.bitcast %gather3A_1076 : vector<16xi32> to vector<32xbf16>
        %bitcast3A_1080 = vector.bitcast %gather3A_1077 : vector<16xi32> to vector<32xbf16>
        %bitcast3A_1081 = vector.bitcast %gather3A_1078 : vector<16xi32> to vector<32xbf16>
        %mul3A_1082 = arith.mulf %bitcast3A_1079, %bitcast3A_1080 : vector<32xbf16>
        %mul3A_1083 = arith.mulf %mul3A_1082, %bitcast3A_1081 : vector<32xbf16>
        %unpack3A_1084 = tpu.unpack_subelements %mul3A_1083, 0 {pack_format = #tpu.pack_format<interleaved>} : vector<32xbf16> -> vector<16xf32>
        %unpack3A_1085 = tpu.unpack_subelements %mul3A_1083, 1 {pack_format = #tpu.pack_format<interleaved>} : vector<32xbf16> -> vector<16xf32>
        %add3A_1086 = arith.addf %add3A_1056, %unpack3A_1084 : vector<16xf32>
        %add3A_1087 = arith.addf %add3A_1057, %unpack3A_1085 : vector<16xf32>
        %add3A_1088 = arith.constant 1 : i32
        %add3A_1089 = vector.broadcast %add3A_1088 : i32 to vector<16xi32>
        %add3A_1090 = arith.addi %add3A_1075, %add3A_1089 : vector<16xi32>
        %gather3A_1091 = tpu.vector_load_idx %arg15[%add3A_196, %add3A_1090] : memref<400x64xi32, #tpu.memory_space<vmem>>[vector<16xi32>, vector<16xi32>], vector<16xi32>,
        %gather3A_1092 = tpu.vector_load_idx %arg17[%add3A_196, %add3A_1090] : memref<400x64xi32, #tpu.memory_space<vmem>>[vector<16xi32>, vector<16xi32>], vector<16xi32>,
        %gather3A_1093 = tpu.vector_load_idx %arg18[%get3A_199, %add3A_1090] : memref<237x64xi32, #tpu.memory_space<vmem>>[vector<16xi32>, vector<16xi32>], vector<16xi32>,
        %bitcast3A_1094 = vector.bitcast %gather3A_1091 : vector<16xi32> to vector<32xbf16>
        %bitcast3A_1095 = vector.bitcast %gather3A_1092 : vector<16xi32> to vector<32xbf16>
        %bitcast3A_1096 = vector.bitcast %gather3A_1093 : vector<16xi32> to vector<32xbf16>
        %mul3A_1097 = arith.mulf %bitcast3A_1094, %bitcast3A_1095 : vector<32xbf16>
        %mul3A_1098 = arith.mulf %mul3A_1097, %bitcast3A_1096 : vector<32xbf16>
        %unpack3A_1099 = tpu.unpack_subelements %mul3A_1098, 0 {pack_format = #tpu.pack_format<interleaved>} : vector<32xbf16> -> vector<16xf32>
        %unpack3A_1100 = tpu.unpack_subelements %mul3A_1098, 1 {pack_format = #tpu.pack_format<interleaved>} : vector<32xbf16> -> vector<16xf32>
        %add3A_1101 = arith.addf %add3A_1071, %unpack3A_1099 : vector<16xf32>
        %add3A_1102 = arith.addf %add3A_1072, %unpack3A_1100 : vector<16xf32>
        %add3A_1103 = arith.constant 1 : i32
        %add3A_1104 = vector.broadcast %add3A_1103 : i32 to vector<16xi32>
        %add3A_1105 = arith.addi %add3A_1090, %add3A_1104 : vector<16xi32>
        %gather3A_1106 = tpu.vector_load_idx %arg15[%add3A_196, %add3A_1105] : memref<400x64xi32, #tpu.memory_space<vmem>>[vector<16xi32>, vector<16xi32>], vector<16xi32>,
        %gather3A_1107 = tpu.vector_load_idx %arg17[%add3A_196, %add3A_1105] : memref<400x64xi32, #tpu.memory_space<vmem>>[vector<16xi32>, vector<16xi32>], vector<16xi32>,
        %gather3A_1108 = tpu.vector_load_idx %arg18[%get3A_199, %add3A_1105] : memref<237x64xi32, #tpu.memory_space<vmem>>[vector<16xi32>, vector<16xi32>], vector<16xi32>,
        %bitcast3A_1109 = vector.bitcast %gather3A_1106 : vector<16xi32> to vector<32xbf16>
        %bitcast3A_1110 = vector.bitcast %gather3A_1107 : vector<16xi32> to vector<32xbf16>
        %bitcast3A_1111 = vector.bitcast %gather3A_1108 : vector<16xi32> to vector<32xbf16>
        %mul3A_1112 = arith.mulf %bitcast3A_1109, %bitcast3A_1110 : vector<32xbf16>
        %mul3A_1113 = arith.mulf %mul3A_1112, %bitcast3A_1111 : vector<32xbf16>
        %unpack3A_1114 = tpu.unpack_subelements %mul3A_1113, 0 {pack_format = #tpu.pack_format<interleaved>} : vector<32xbf16> -> vector<16xf32>
        %unpack3A_1115 = tpu.unpack_subelements %mul3A_1113, 1 {pack_format = #tpu.pack_format<interleaved>} : vector<32xbf16> -> vector<16xf32>
        %add3A_1116 = arith.addf %add3A_1086, %unpack3A_1114 : vector<16xf32>
        %add3A_1117 = arith.addf %add3A_1087, %unpack3A_1115 : vector<16xf32>
        %add3A_1118 = arith.constant 1 : i32
        %add3A_1119 = vector.broadcast %add3A_1118 : i32 to vector<16xi32>
        %add3A_1120 = arith.addi %add3A_1105, %add3A_1119 : vector<16xi32>
        %gather3A_1121 = tpu.vector_load_idx %arg15[%add3A_196, %add3A_1120] : memref<400x64xi32, #tpu.memory_space<vmem>>[vector<16xi32>, vector<16xi32>], vector<16xi32>,
        %gather3A_1122 = tpu.vector_load_idx %arg17[%add3A_196, %add3A_1120] : memref<400x64xi32, #tpu.memory_space<vmem>>[vector<16xi32>, vector<16xi32>], vector<16xi32>,
        %gather3A_1123 = tpu.vector_load_idx %arg18[%get3A_199, %add3A_1120] : memref<237x64xi32, #tpu.memory_space<vmem>>[vector<16xi32>, vector<16xi32>], vector<16xi32>,
        %bitcast3A_1124 = vector.bitcast %gather3A_1121 : vector<16xi32> to vector<32xbf16>
        %bitcast3A_1125 = vector.bitcast %gather3A_1122 : vector<16xi32> to vector<32xbf16>
        %bitcast3A_1126 = vector.bitcast %gather3A_1123 : vector<16xi32> to vector<32xbf16>
        %mul3A_1127 = arith.mulf %bitcast3A_1124, %bitcast3A_1125 : vector<32xbf16>
        %mul3A_1128 = arith.mulf %mul3A_1127, %bitcast3A_1126 : vector<32xbf16>
        %unpack3A_1129 = tpu.unpack_subelements %mul3A_1128, 0 {pack_format = #tpu.pack_format<interleaved>} : vector<32xbf16> -> vector<16xf32>
        %unpack3A_1130 = tpu.unpack_subelements %mul3A_1128, 1 {pack_format = #tpu.pack_format<interleaved>} : vector<32xbf16> -> vector<16xf32>
        %add3A_1131 = arith.addf %add3A_1101, %unpack3A_1129 : vector<16xf32>
        %add3A_1132 = arith.addf %add3A_1102, %unpack3A_1130 : vector<16xf32>
        %add3A_1133 = arith.constant 1 : i32
        %add3A_1134 = vector.broadcast %add3A_1133 : i32 to vector<16xi32>
        %add3A_1135 = arith.addi %add3A_1120, %add3A_1134 : vector<16xi32>
        %gather3A_1136 = tpu.vector_load_idx %arg15[%add3A_196, %add3A_1135] : memref<400x64xi32, #tpu.memory_space<vmem>>[vector<16xi32>, vector<16xi32>], vector<16xi32>,
        %gather3A_1137 = tpu.vector_load_idx %arg17[%add3A_196, %add3A_1135] : memref<400x64xi32, #tpu.memory_space<vmem>>[vector<16xi32>, vector<16xi32>], vector<16xi32>,
        %gather3A_1138 = tpu.vector_load_idx %arg18[%get3A_199, %add3A_1135] : memref<237x64xi32, #tpu.memory_space<vmem>>[vector<16xi32>, vector<16xi32>], vector<16xi32>,
        %bitcast3A_1139 = vector.bitcast %gather3A_1136 : vector<16xi32> to vector<32xbf16>
        %bitcast3A_1140 = vector.bitcast %gather3A_1137 : vector<16xi32> to vector<32xbf16>
        %bitcast3A_1141 = vector.bitcast %gather3A_1138 : vector<16xi32> to vector<32xbf16>
        %mul3A_1142 = arith.mulf %bitcast3A_1139, %bitcast3A_1140 : vector<32xbf16>
        %mul3A_1143 = arith.mulf %mul3A_1142, %bitcast3A_1141 : vector<32xbf16>
        %unpack3A_1144 = tpu.unpack_subelements %mul3A_1143, 0 {pack_format = #tpu.pack_format<interleaved>} : vector<32xbf16> -> vector<16xf32>
        %unpack3A_1145 = tpu.unpack_subelements %mul3A_1143, 1 {pack_format = #tpu.pack_format<interleaved>} : vector<32xbf16> -> vector<16xf32>
        %add3A_1146 = arith.addf %add3A_1116, %unpack3A_1144 : vector<16xf32>
        %add3A_1147 = arith.addf %add3A_1117, %unpack3A_1145 : vector<16xf32>
        %add3A_1148 = arith.constant 1 : i32
        %add3A_1149 = vector.broadcast %add3A_1148 : i32 to vector<16xi32>
        %add3A_1150 = arith.addi %add3A_1135, %add3A_1149 : vector<16xi32>
        %gather3A_1151 = tpu.vector_load_idx %arg15[%add3A_196, %add3A_1150] : memref<400x64xi32, #tpu.memory_space<vmem>>[vector<16xi32>, vector<16xi32>], vector<16xi32>,
        %gather3A_1152 = tpu.vector_load_idx %arg17[%add3A_196, %add3A_1150] : memref<400x64xi32, #tpu.memory_space<vmem>>[vector<16xi32>, vector<16xi32>], vector<16xi32>,
        %gather3A_1153 = tpu.vector_load_idx %arg18[%get3A_199, %add3A_1150] : memref<237x64xi32, #tpu.memory_space<vmem>>[vector<16xi32>, vector<16xi32>], vector<16xi32>,
        %bitcast3A_1154 = vector.bitcast %gather3A_1151 : vector<16xi32> to vector<32xbf16>
        %bitcast3A_1155 = vector.bitcast %gather3A_1152 : vector<16xi32> to vector<32xbf16>
        %bitcast3A_1156 = vector.bitcast %gather3A_1153 : vector<16xi32> to vector<32xbf16>
        %mul3A_1157 = arith.mulf %bitcast3A_1154, %bitcast3A_1155 : vector<32xbf16>
        %mul3A_1158 = arith.mulf %mul3A_1157, %bitcast3A_1156 : vector<32xbf16>
        %unpack3A_1159 = tpu.unpack_subelements %mul3A_1158, 0 {pack_format = #tpu.pack_format<interleaved>} : vector<32xbf16> -> vector<16xf32>
        %unpack3A_1160 = tpu.unpack_subelements %mul3A_1158, 1 {pack_format = #tpu.pack_format<interleaved>} : vector<32xbf16> -> vector<16xf32>
        %add3A_1161 = arith.addf %add3A_1131, %unpack3A_1159 : vector<16xf32>
        %add3A_1162 = arith.addf %add3A_1132, %unpack3A_1160 : vector<16xf32>
        %add3A_1163 = arith.constant 1 : i32
        %add3A_1164 = vector.broadcast %add3A_1163 : i32 to vector<16xi32>
        %add3A_1165 = arith.addi %add3A_1150, %add3A_1164 : vector<16xi32>
        %add3A_1166 = arith.addf %add3A_1146, %add3A_1147 : vector<16xf32>
        %add3A_1167 = arith.addf %add3A_1161, %add3A_1162 : vector<16xf32>
        %add3A_1168 = arith.addf %add3A_1166, %add3A_1167 : vector<16xf32>
        %mul3A_1169 = arith.constant 16 : i32
        %mul3A_1170 = arith.muli %scan3A_191, %mul3A_1169 : i32
        %swap3A = arith.index_cast %mul3A_1170 : i32 to index
        %swap3A_1171 = tpu.vector_load %arg20[%swap3A] {strides = array<i32>} : memref<400xf32, #tpu.memory_space<vmem>>, vector<16xf32>,
        tpu.vector_store %arg20[%swap3A], %add3A_1168 {strides = array<i32>} : memref<400xf32, #tpu.memory_space<vmem>>, vector<16xf32>,
        %scan3A_1172 = arith.constant 0 : i32
        scf.yield %scan3A_1172 : i32
      }
      %scan3A_175 = arith.constant 25 : i32
      %add3A_176 = arith.constant 1 : i32
      %add3A_177 = arith.addi %mul3A_77, %add3A_176 : i32
      %mul3A_178 = arith.constant 400 : i32
      %mul3A_179 = arith.muli %add3A_177, %mul3A_178 : i32
      %add3A_180 = arith.addi %mul3A_2, %mul3A_179 : i32
      %dma_start3A_181 = tpu.memref_slice %arg7[%add3A_180] : memref<320000xf32, #tpu.memory_space<hbm>> -> memref<400xf32, #tpu.memory_space<hbm>>
      %dma_start3A_182 = tpu.memref_slice %arg7[%add3A_180] : memref<320000xf32, #tpu.memory_space<hbm>> -> memref<400xf32, #tpu.memory_space<hbm>>
      tpu.enqueue_dma source(%arg20 : memref<400xf32, #tpu.memory_space<vmem>>) target(%dma_start3A_182 : memref<400xf32, #tpu.memory_space<hbm>>) target_semaphore(%arg28 : memref<!tpu.dma_semaphore, #tpu.memory_space<semaphore_mem>>)
      %add3A_183 = arith.constant 3 : i32
      %add3A_184 = arith.addi %mul3A_77, %add3A_183 : i32
      %le3A_185 = arith.constant 24 : i32
      %le3A_186 = arith.cmpi sle, %add3A_184, %le3A_185 : i32
      %convert_element_type3A_187 = arith.extui %le3A_186 : i1 to i32
      %cond3A_188 = arith.constant 0 : i32
      %cond3A_189 = arith.cmpi ne, %convert_element_type3A_187, %cond3A_188 : i32
      scf.if %cond3A_189 {
        %add3A_191 = arith.constant 3 : i32
        %add3A_192 = arith.addi %mul3A_77, %add3A_191 : i32
        %mul3A_193 = arith.constant 400 : i32
        %mul3A_194 = arith.muli %add3A_192, %mul3A_193 : i32
        %add3A_195 = arith.addi %mul3A_2, %mul3A_194 : i32
        %dma_start3A_196 = tpu.memref_slice %arg4[%add3A_195] : memref<320000xi32, #tpu.memory_space<hbm>> -> memref<400xi32, #tpu.memory_space<hbm>>
        %dma_start3A_197 = tpu.memref_slice %arg4[%add3A_195] : memref<320000xi32, #tpu.memory_space<hbm>> -> memref<400xi32, #tpu.memory_space<hbm>>
        tpu.enqueue_dma source(%dma_start3A_197 : memref<400xi32, #tpu.memory_space<hbm>>) target(%arg13 : memref<400xi32, #tpu.memory_space<vmem>>) target_semaphore(%arg24 : memref<!tpu.dma_semaphore, #tpu.memory_space<semaphore_mem>>)
      } else {
      }
      %scan3A_190 = arith.constant 0 : i32
      scf.yield %scan3A_190 : i32
    }
    %scan3A_40 = arith.constant 12 : i32
    %dma_wait3A_41 = arith.constant 0 : i32
    %dma_wait3A_42 = arith.constant 0 : i32
    %dma_wait3A_43 = tpu.memref_slice %arg5[%dma_wait3A_41, %dma_wait3A_42] : memref<10000x64xi32, #tpu.memory_space<hbm>> -> memref<10000x64xi32, #tpu.memory_space<hbm>>
    tpu.wait_indirect_dma semaphore(%arg25 : memref<!tpu.dma_semaphore, #tpu.memory_space<semaphore_mem>>) src(%dma_wait3A_43 : memref<10000x64xi32, #tpu.memory_space<hbm>>) dst(%arg14 : memref<400x64xi32, #tpu.memory_space<vmem>>)
    %dma_wait3A_44 = arith.constant 0 : i32
    %dma_wait3A_45 = arith.constant 0 : i32
    %dma_wait3A_46 = tpu.memref_slice %arg5[%dma_wait3A_44, %dma_wait3A_45] : memref<10000x64xi32, #tpu.memory_space<hbm>> -> memref<10000x64xi32, #tpu.memory_space<hbm>>
    tpu.wait_indirect_dma semaphore(%arg25 : memref<!tpu.dma_semaphore, #tpu.memory_space<semaphore_mem>>) src(%dma_wait3A_46 : memref<10000x64xi32, #tpu.memory_space<hbm>>) dst(%arg16 : memref<400x64xi32, #tpu.memory_space<vmem>>)
    %dma_wait3A_47 = arith.constant 0 : i32
    %dma_wait3A_48 = tpu.memref_slice %arg7[%dma_wait3A_47] : memref<320000xf32, #tpu.memory_space<hbm>> -> memref<400xf32, #tpu.memory_space<hbm>>
    %dma_wait3A_49 = arith.constant 0 : i32
    %dma_wait3A_50 = tpu.memref_slice %arg7[%dma_wait3A_49] : memref<320000xf32, #tpu.memory_space<hbm>> -> memref<400xf32, #tpu.memory_space<hbm>>
    tpu.wait_dma2 semaphore(%arg27 : memref<!tpu.dma_semaphore, #tpu.memory_space<semaphore_mem>>) src(%arg19 : memref<400xf32, #tpu.memory_space<vmem>>) dst(%dma_wait3A_50 : memref<400xf32, #tpu.memory_space<hbm>>)
    %dma_wait3A_51 = arith.constant 0 : i32
    %dma_wait3A_52 = tpu.memref_slice %arg4[%dma_wait3A_51] : memref<320000xi32, #tpu.memory_space<hbm>> -> memref<400xi32, #tpu.memory_space<hbm>>
    %dma_wait3A_53 = arith.constant 0 : i32
    %dma_wait3A_54 = tpu.memref_slice %arg4[%dma_wait3A_53] : memref<320000xi32, #tpu.memory_space<hbm>> -> memref<400xi32, #tpu.memory_space<hbm>>
    tpu.wait_dma2 semaphore(%arg23 : memref<!tpu.dma_semaphore, #tpu.memory_space<semaphore_mem>>) src(%dma_wait3A_54 : memref<400xi32, #tpu.memory_space<hbm>>) dst(%arg12 : memref<400xi32, #tpu.memory_space<vmem>>)
    %scan3A_55 = arith.constant 0 : i32
    %scan3A_56 = arith.constant 0 : i32
    %scan3A_57 = arith.constant 25 : i32
    %scan3A_58 = arith.addi %scan3A_56, %scan3A_57 : i32
    %scan3A_59 = arith.constant 1 : i32
    %scan3A_60 = scf.for %scan3A_74 = %scan3A_56 to %scan3A_58 step %scan3A_59 iter_args(%scan3A_75 = %scan3A_55) -> (i32)  : i32 {
      %iota3A = tpu.iota {dimensions = array<i32: 0>} : vector<16xi32>
      %mul3A_76 = arith.constant 16 : i32
      %mul3A_77 = arith.muli %scan3A_74, %mul3A_76 : i32
      %add3A_78 = vector.broadcast %mul3A_77 : i32 to vector<16xi32>
      %add3A_79 = arith.addi %iota3A, %add3A_78 : vector<16xi32>
      %mul3A_80 = arith.constant 16 : i32
      %mul3A_81 = arith.muli %scan3A_74, %mul3A_80 : i32
      %get3A = arith.index_cast %mul3A_81 : i32 to index
      %get3A_82 = tpu.vector_load %arg12[%get3A] {strides = array<i32>} : memref<400xi32, #tpu.memory_space<vmem>>, vector<16xi32>,
      %broadcast_in_dim3A = arith.constant 0 : i32
      %broadcast_in_dim3A_83 = vector.broadcast %broadcast_in_dim3A : i32 to vector<16xi32>
      %broadcast_in_dim3A_84 = arith.constant 0.000000e+00 : f32
      %broadcast_in_dim3A_85 = vector.broadcast %broadcast_in_dim3A_84 : f32 to vector<16xf32>
      %broadcast_in_dim3A_86 = arith.constant 0.000000e+00 : f32
      %broadcast_in_dim3A_87 = vector.broadcast %broadcast_in_dim3A_86 : f32 to vector<16xf32>
      %broadcast_in_dim3A_88 = arith.constant 0.000000e+00 : f32
      %broadcast_in_dim3A_89 = vector.broadcast %broadcast_in_dim3A_88 : f32 to vector<16xf32>
      %broadcast_in_dim3A_90 = arith.constant 0.000000e+00 : f32
      %broadcast_in_dim3A_91 = vector.broadcast %broadcast_in_dim3A_90 : f32 to vector<16xf32>
      %gather3A = tpu.vector_load_idx %arg14[%add3A_79, %broadcast_in_dim3A_83] : memref<400x64xi32, #tpu.memory_space<vmem>>[vector<16xi32>, vector<16xi32>], vector<16xi32>,
      %gather3A_92 = tpu.vector_load_idx %arg16[%add3A_79, %broadcast_in_dim3A_83] : memref<400x64xi32, #tpu.memory_space<vmem>>[vector<16xi32>, vector<16xi32>], vector<16xi32>,
      %gather3A_93 = tpu.vector_load_idx %arg18[%get3A_82, %broadcast_in_dim3A_83] : memref<237x64xi32, #tpu.memory_space<vmem>>[vector<16xi32>, vector<16xi32>], vector<16xi32>,
      %bitcast3A = vector.bitcast %gather3A : vector<16xi32> to vector<32xbf16>
      %bitcast3A_94 = vector.bitcast %gather3A_92 : vector<16xi32> to vector<32xbf16>
      %bitcast3A_95 = vector.bitcast %gather3A_93 : vector<16xi32> to vector<32xbf16>
      %mul3A_96 = arith.mulf %bitcast3A, %bitcast3A_94 : vector<32xbf16>
      %mul3A_97 = arith.mulf %mul3A_96, %bitcast3A_95 : vector<32xbf16>
      %unpack3A = tpu.unpack_subelements %mul3A_97, 0 {pack_format = #tpu.pack_format<interleaved>} : vector<32xbf16> -> vector<16xf32>
      %unpack3A_98 = tpu.unpack_subelements %mul3A_97, 1 {pack_format = #tpu.pack_format<interleaved>} : vector<32xbf16> -> vector<16xf32>
      %add3A_99 = arith.addf %broadcast_in_dim3A_85, %unpack3A : vector<16xf32>
      %add3A_100 = arith.addf %broadcast_in_dim3A_87, %unpack3A_98 : vector<16xf32>
      %add3A_101 = arith.constant 1 : i32
      %add3A_102 = vector.broadcast %add3A_101 : i32 to vector<16xi32>
      %add3A_103 = arith.addi %broadcast_in_dim3A_83, %add3A_102 : vector<16xi32>
      %gather3A_104 = tpu.vector_load_idx %arg14[%add3A_79, %add3A_103] : memref<400x64xi32, #tpu.memory_space<vmem>>[vector<16xi32>, vector<16xi32>], vector<16xi32>,
      %gather3A_105 = tpu.vector_load_idx %arg16[%add3A_79, %add3A_103] : memref<400x64xi32, #tpu.memory_space<vmem>>[vector<16xi32>, vector<16xi32>], vector<16xi32>,
      %gather3A_106 = tpu.vector_load_idx %arg18[%get3A_82, %add3A_103] : memref<237x64xi32, #tpu.memory_space<vmem>>[vector<16xi32>, vector<16xi32>], vector<16xi32>,
      %bitcast3A_107 = vector.bitcast %gather3A_104 : vector<16xi32> to vector<32xbf16>
      %bitcast3A_108 = vector.bitcast %gather3A_105 : vector<16xi32> to vector<32xbf16>
      %bitcast3A_109 = vector.bitcast %gather3A_106 : vector<16xi32> to vector<32xbf16>
      %mul3A_110 = arith.mulf %bitcast3A_107, %bitcast3A_108 : vector<32xbf16>
      %mul3A_111 = arith.mulf %mul3A_110, %bitcast3A_109 : vector<32xbf16>
      %unpack3A_112 = tpu.unpack_subelements %mul3A_111, 0 {pack_format = #tpu.pack_format<interleaved>} : vector<32xbf16> -> vector<16xf32>
      %unpack3A_113 = tpu.unpack_subelements %mul3A_111, 1 {pack_format = #tpu.pack_format<interleaved>} : vector<32xbf16> -> vector<16xf32>
      %add3A_114 = arith.addf %broadcast_in_dim3A_89, %unpack3A_112 : vector<16xf32>
      %add3A_115 = arith.addf %broadcast_in_dim3A_91, %unpack3A_113 : vector<16xf32>
      %add3A_116 = arith.constant 1 : i32
      %add3A_117 = vector.broadcast %add3A_116 : i32 to vector<16xi32>
      %add3A_118 = arith.addi %add3A_103, %add3A_117 : vector<16xi32>
      %gather3A_119 = tpu.vector_load_idx %arg14[%add3A_79, %add3A_118] : memref<400x64xi32, #tpu.memory_space<vmem>>[vector<16xi32>, vector<16xi32>], vector<16xi32>,
      %gather3A_120 = tpu.vector_load_idx %arg16[%add3A_79, %add3A_118] : memref<400x64xi32, #tpu.memory_space<vmem>>[vector<16xi32>, vector<16xi32>], vector<16xi32>,
      %gather3A_121 = tpu.vector_load_idx %arg18[%get3A_82, %add3A_118] : memref<237x64xi32, #tpu.memory_space<vmem>>[vector<16xi32>, vector<16xi32>], vector<16xi32>,
      %bitcast3A_122 = vector.bitcast %gather3A_119 : vector<16xi32> to vector<32xbf16>
      %bitcast3A_123 = vector.bitcast %gather3A_120 : vector<16xi32> to vector<32xbf16>
      %bitcast3A_124 = vector.bitcast %gather3A_121 : vector<16xi32> to vector<32xbf16>
      %mul3A_125 = arith.mulf %bitcast3A_122, %bitcast3A_123 : vector<32xbf16>
      %mul3A_126 = arith.mulf %mul3A_125, %bitcast3A_124 : vector<32xbf16>
      %unpack3A_127 = tpu.unpack_subelements %mul3A_126, 0 {pack_format = #tpu.pack_format<interleaved>} : vector<32xbf16> -> vector<16xf32>
      %unpack3A_128 = tpu.unpack_subelements %mul3A_126, 1 {pack_format = #tpu.pack_format<interleaved>} : vector<32xbf16> -> vector<16xf32>
      %add3A_129 = arith.addf %add3A_99, %unpack3A_127 : vector<16xf32>
      %add3A_130 = arith.addf %add3A_100, %unpack3A_128 : vector<16xf32>
      %add3A_131 = arith.constant 1 : i32
      %add3A_132 = vector.broadcast %add3A_131 : i32 to vector<16xi32>
      %add3A_133 = arith.addi %add3A_118, %add3A_132 : vector<16xi32>
      %gather3A_134 = tpu.vector_load_idx %arg14[%add3A_79, %add3A_133] : memref<400x64xi32, #tpu.memory_space<vmem>>[vector<16xi32>, vector<16xi32>], vector<16xi32>,
      %gather3A_135 = tpu.vector_load_idx %arg16[%add3A_79, %add3A_133] : memref<400x64xi32, #tpu.memory_space<vmem>>[vector<16xi32>, vector<16xi32>], vector<16xi32>,
      %gather3A_136 = tpu.vector_load_idx %arg18[%get3A_82, %add3A_133] : memref<237x64xi32, #tpu.memory_space<vmem>>[vector<16xi32>, vector<16xi32>], vector<16xi32>,
      %bitcast3A_137 = vector.bitcast %gather3A_134 : vector<16xi32> to vector<32xbf16>
      %bitcast3A_138 = vector.bitcast %gather3A_135 : vector<16xi32> to vector<32xbf16>
      %bitcast3A_139 = vector.bitcast %gather3A_136 : vector<16xi32> to vector<32xbf16>
      %mul3A_140 = arith.mulf %bitcast3A_137, %bitcast3A_138 : vector<32xbf16>
      %mul3A_141 = arith.mulf %mul3A_140, %bitcast3A_139 : vector<32xbf16>
      %unpack3A_142 = tpu.unpack_subelements %mul3A_141, 0 {pack_format = #tpu.pack_format<interleaved>} : vector<32xbf16> -> vector<16xf32>
      %unpack3A_143 = tpu.unpack_subelements %mul3A_141, 1 {pack_format = #tpu.pack_format<interleaved>} : vector<32xbf16> -> vector<16xf32>
      %add3A_144 = arith.addf %add3A_114, %unpack3A_142 : vector<16xf32>
      %add3A_145 = arith.addf %add3A_115, %unpack3A_143 : vector<16xf32>
      %add3A_146 = arith.constant 1 : i32
      %add3A_147 = vector.broadcast %add3A_146 : i32 to vector<16xi32>
      %add3A_148 = arith.addi %add3A_133, %add3A_147 : vector<16xi32>
      %gather3A_149 = tpu.vector_load_idx %arg14[%add3A_79, %add3A_148] : memref<400x64xi32, #tpu.memory_space<vmem>>[vector<16xi32>, vector<16xi32>], vector<16xi32>,
      %gather3A_150 = tpu.vector_load_idx %arg16[%add3A_79, %add3A_148] : memref<400x64xi32, #tpu.memory_space<vmem>>[vector<16xi32>, vector<16xi32>], vector<16xi32>,
      %gather3A_151 = tpu.vector_load_idx %arg18[%get3A_82, %add3A_148] : memref<237x64xi32, #tpu.memory_space<vmem>>[vector<16xi32>, vector<16xi32>], vector<16xi32>,
      %bitcast3A_152 = vector.bitcast %gather3A_149 : vector<16xi32> to vector<32xbf16>
      %bitcast3A_153 = vector.bitcast %gather3A_150 : vector<16xi32> to vector<32xbf16>
      %bitcast3A_154 = vector.bitcast %gather3A_151 : vector<16xi32> to vector<32xbf16>
      %mul3A_155 = arith.mulf %bitcast3A_152, %bitcast3A_153 : vector<32xbf16>
      %mul3A_156 = arith.mulf %mul3A_155, %bitcast3A_154 : vector<32xbf16>
      %unpack3A_157 = tpu.unpack_subelements %mul3A_156, 0 {pack_format = #tpu.pack_format<interleaved>} : vector<32xbf16> -> vector<16xf32>
      %unpack3A_158 = tpu.unpack_subelements %mul3A_156, 1 {pack_format = #tpu.pack_format<interleaved>} : vector<32xbf16> -> vector<16xf32>
      %add3A_159 = arith.addf %add3A_129, %unpack3A_157 : vector<16xf32>
      %add3A_160 = arith.addf %add3A_130, %unpack3A_158 : vector<16xf32>
      %add3A_161 = arith.constant 1 : i32
      %add3A_162 = vector.broadcast %add3A_161 : i32 to vector<16xi32>
      %add3A_163 = arith.addi %add3A_148, %add3A_162 : vector<16xi32>
      %gather3A_164 = tpu.vector_load_idx %arg14[%add3A_79, %add3A_163] : memref<400x64xi32, #tpu.memory_space<vmem>>[vector<16xi32>, vector<16xi32>], vector<16xi32>,
      %gather3A_165 = tpu.vector_load_idx %arg16[%add3A_79, %add3A_163] : memref<400x64xi32, #tpu.memory_space<vmem>>[vector<16xi32>, vector<16xi32>], vector<16xi32>,
      %gather3A_166 = tpu.vector_load_idx %arg18[%get3A_82, %add3A_163] : memref<237x64xi32, #tpu.memory_space<vmem>>[vector<16xi32>, vector<16xi32>], vector<16xi32>,
      %bitcast3A_167 = vector.bitcast %gather3A_164 : vector<16xi32> to vector<32xbf16>
      %bitcast3A_168 = vector.bitcast %gather3A_165 : vector<16xi32> to vector<32xbf16>
      %bitcast3A_169 = vector.bitcast %gather3A_166 : vector<16xi32> to vector<32xbf16>
      %mul3A_170 = arith.mulf %bitcast3A_167, %bitcast3A_168 : vector<32xbf16>
      %mul3A_171 = arith.mulf %mul3A_170, %bitcast3A_169 : vector<32xbf16>
      %unpack3A_172 = tpu.unpack_subelements %mul3A_171, 0 {pack_format = #tpu.pack_format<interleaved>} : vector<32xbf16> -> vector<16xf32>
      %unpack3A_173 = tpu.unpack_subelements %mul3A_171, 1 {pack_format = #tpu.pack_format<interleaved>} : vector<32xbf16> -> vector<16xf32>
      %add3A_174 = arith.addf %add3A_144, %unpack3A_172 : vector<16xf32>
      %add3A_175 = arith.addf %add3A_145, %unpack3A_173 : vector<16xf32>
      %add3A_176 = arith.constant 1 : i32
      %add3A_177 = vector.broadcast %add3A_176 : i32 to vector<16xi32>
      %add3A_178 = arith.addi %add3A_163, %add3A_177 : vector<16xi32>
      %gather3A_179 = tpu.vector_load_idx %arg14[%add3A_79, %add3A_178] : memref<400x64xi32, #tpu.memory_space<vmem>>[vector<16xi32>, vector<16xi32>], vector<16xi32>,
      %gather3A_180 = tpu.vector_load_idx %arg16[%add3A_79, %add3A_178] : memref<400x64xi32, #tpu.memory_space<vmem>>[vector<16xi32>, vector<16xi32>], vector<16xi32>,
      %gather3A_181 = tpu.vector_load_idx %arg18[%get3A_82, %add3A_178] : memref<237x64xi32, #tpu.memory_space<vmem>>[vector<16xi32>, vector<16xi32>], vector<16xi32>,
      %bitcast3A_182 = vector.bitcast %gather3A_179 : vector<16xi32> to vector<32xbf16>
      %bitcast3A_183 = vector.bitcast %gather3A_180 : vector<16xi32> to vector<32xbf16>
      %bitcast3A_184 = vector.bitcast %gather3A_181 : vector<16xi32> to vector<32xbf16>
      %mul3A_185 = arith.mulf %bitcast3A_182, %bitcast3A_183 : vector<32xbf16>
      %mul3A_186 = arith.mulf %mul3A_185, %bitcast3A_184 : vector<32xbf16>
      %unpack3A_187 = tpu.unpack_subelements %mul3A_186, 0 {pack_format = #tpu.pack_format<interleaved>} : vector<32xbf16> -> vector<16xf32>
      %unpack3A_188 = tpu.unpack_subelements %mul3A_186, 1 {pack_format = #tpu.pack_format<interleaved>} : vector<32xbf16> -> vector<16xf32>
      %add3A_189 = arith.addf %add3A_159, %unpack3A_187 : vector<16xf32>
      %add3A_190 = arith.addf %add3A_160, %unpack3A_188 : vector<16xf32>
      %add3A_191 = arith.constant 1 : i32
      %add3A_192 = vector.broadcast %add3A_191 : i32 to vector<16xi32>
      %add3A_193 = arith.addi %add3A_178, %add3A_192 : vector<16xi32>
      %gather3A_194 = tpu.vector_load_idx %arg14[%add3A_79, %add3A_193] : memref<400x64xi32, #tpu.memory_space<vmem>>[vector<16xi32>, vector<16xi32>], vector<16xi32>,
      %gather3A_195 = tpu.vector_load_idx %arg16[%add3A_79, %add3A_193] : memref<400x64xi32, #tpu.memory_space<vmem>>[vector<16xi32>, vector<16xi32>], vector<16xi32>,
      %gather3A_196 = tpu.vector_load_idx %arg18[%get3A_82, %add3A_193] : memref<237x64xi32, #tpu.memory_space<vmem>>[vector<16xi32>, vector<16xi32>], vector<16xi32>,
      %bitcast3A_197 = vector.bitcast %gather3A_194 : vector<16xi32> to vector<32xbf16>
      %bitcast3A_198 = vector.bitcast %gather3A_195 : vector<16xi32> to vector<32xbf16>
      %bitcast3A_199 = vector.bitcast %gather3A_196 : vector<16xi32> to vector<32xbf16>
      %mul3A_200 = arith.mulf %bitcast3A_197, %bitcast3A_198 : vector<32xbf16>
      %mul3A_201 = arith.mulf %mul3A_200, %bitcast3A_199 : vector<32xbf16>
      %unpack3A_202 = tpu.unpack_subelements %mul3A_201, 0 {pack_format = #tpu.pack_format<interleaved>} : vector<32xbf16> -> vector<16xf32>
      %unpack3A_203 = tpu.unpack_subelements %mul3A_201, 1 {pack_format = #tpu.pack_format<interleaved>} : vector<32xbf16> -> vector<16xf32>
      %add3A_204 = arith.addf %add3A_174, %unpack3A_202 : vector<16xf32>
      %add3A_205 = arith.addf %add3A_175, %unpack3A_203 : vector<16xf32>
      %add3A_206 = arith.constant 1 : i32
      %add3A_207 = vector.broadcast %add3A_206 : i32 to vector<16xi32>
      %add3A_208 = arith.addi %add3A_193, %add3A_207 : vector<16xi32>
      %gather3A_209 = tpu.vector_load_idx %arg14[%add3A_79, %add3A_208] : memref<400x64xi32, #tpu.memory_space<vmem>>[vector<16xi32>, vector<16xi32>], vector<16xi32>,
      %gather3A_210 = tpu.vector_load_idx %arg16[%add3A_79, %add3A_208] : memref<400x64xi32, #tpu.memory_space<vmem>>[vector<16xi32>, vector<16xi32>], vector<16xi32>,
      %gather3A_211 = tpu.vector_load_idx %arg18[%get3A_82, %add3A_208] : memref<237x64xi32, #tpu.memory_space<vmem>>[vector<16xi32>, vector<16xi32>], vector<16xi32>,
      %bitcast3A_212 = vector.bitcast %gather3A_209 : vector<16xi32> to vector<32xbf16>
      %bitcast3A_213 = vector.bitcast %gather3A_210 : vector<16xi32> to vector<32xbf16>
      %bitcast3A_214 = vector.bitcast %gather3A_211 : vector<16xi32> to vector<32xbf16>
      %mul3A_215 = arith.mulf %bitcast3A_212, %bitcast3A_213 : vector<32xbf16>
      %mul3A_216 = arith.mulf %mul3A_215, %bitcast3A_214 : vector<32xbf16>
      %unpack3A_217 = tpu.unpack_subelements %mul3A_216, 0 {pack_format = #tpu.pack_format<interleaved>} : vector<32xbf16> -> vector<16xf32>
      %unpack3A_218 = tpu.unpack_subelements %mul3A_216, 1 {pack_format = #tpu.pack_format<interleaved>} : vector<32xbf16> -> vector<16xf32>
      %add3A_219 = arith.addf %add3A_189, %unpack3A_217 : vector<16xf32>
      %add3A_220 = arith.addf %add3A_190, %unpack3A_218 : vector<16xf32>
      %add3A_221 = arith.constant 1 : i32
      %add3A_222 = vector.broadcast %add3A_221 : i32 to vector<16xi32>
      %add3A_223 = arith.addi %add3A_208, %add3A_222 : vector<16xi32>
      %gather3A_224 = tpu.vector_load_idx %arg14[%add3A_79, %add3A_223] : memref<400x64xi32, #tpu.memory_space<vmem>>[vector<16xi32>, vector<16xi32>], vector<16xi32>,
      %gather3A_225 = tpu.vector_load_idx %arg16[%add3A_79, %add3A_223] : memref<400x64xi32, #tpu.memory_space<vmem>>[vector<16xi32>, vector<16xi32>], vector<16xi32>,
      %gather3A_226 = tpu.vector_load_idx %arg18[%get3A_82, %add3A_223] : memref<237x64xi32, #tpu.memory_space<vmem>>[vector<16xi32>, vector<16xi32>], vector<16xi32>,
      %bitcast3A_227 = vector.bitcast %gather3A_224 : vector<16xi32> to vector<32xbf16>
      %bitcast3A_228 = vector.bitcast %gather3A_225 : vector<16xi32> to vector<32xbf16>
      %bitcast3A_229 = vector.bitcast %gather3A_226 : vector<16xi32> to vector<32xbf16>
      %mul3A_230 = arith.mulf %bitcast3A_227, %bitcast3A_228 : vector<32xbf16>
      %mul3A_231 = arith.mulf %mul3A_230, %bitcast3A_229 : vector<32xbf16>
      %unpack3A_232 = tpu.unpack_subelements %mul3A_231, 0 {pack_format = #tpu.pack_format<interleaved>} : vector<32xbf16> -> vector<16xf32>
      %unpack3A_233 = tpu.unpack_subelements %mul3A_231, 1 {pack_format = #tpu.pack_format<interleaved>} : vector<32xbf16> -> vector<16xf32>
      %add3A_234 = arith.addf %add3A_204, %unpack3A_232 : vector<16xf32>
      %add3A_235 = arith.addf %add3A_205, %unpack3A_233 : vector<16xf32>
      %add3A_236 = arith.constant 1 : i32
      %add3A_237 = vector.broadcast %add3A_236 : i32 to vector<16xi32>
      %add3A_238 = arith.addi %add3A_223, %add3A_237 : vector<16xi32>
      %gather3A_239 = tpu.vector_load_idx %arg14[%add3A_79, %add3A_238] : memref<400x64xi32, #tpu.memory_space<vmem>>[vector<16xi32>, vector<16xi32>], vector<16xi32>,
      %gather3A_240 = tpu.vector_load_idx %arg16[%add3A_79, %add3A_238] : memref<400x64xi32, #tpu.memory_space<vmem>>[vector<16xi32>, vector<16xi32>], vector<16xi32>,
      %gather3A_241 = tpu.vector_load_idx %arg18[%get3A_82, %add3A_238] : memref<237x64xi32, #tpu.memory_space<vmem>>[vector<16xi32>, vector<16xi32>], vector<16xi32>,
      %bitcast3A_242 = vector.bitcast %gather3A_239 : vector<16xi32> to vector<32xbf16>
      %bitcast3A_243 = vector.bitcast %gather3A_240 : vector<16xi32> to vector<32xbf16>
      %bitcast3A_244 = vector.bitcast %gather3A_241 : vector<16xi32> to vector<32xbf16>
      %mul3A_245 = arith.mulf %bitcast3A_242, %bitcast3A_243 : vector<32xbf16>
      %mul3A_246 = arith.mulf %mul3A_245, %bitcast3A_244 : vector<32xbf16>
      %unpack3A_247 = tpu.unpack_subelements %mul3A_246, 0 {pack_format = #tpu.pack_format<interleaved>} : vector<32xbf16> -> vector<16xf32>
      %unpack3A_248 = tpu.unpack_subelements %mul3A_246, 1 {pack_format = #tpu.pack_format<interleaved>} : vector<32xbf16> -> vector<16xf32>
      %add3A_249 = arith.addf %add3A_219, %unpack3A_247 : vector<16xf32>
      %add3A_250 = arith.addf %add3A_220, %unpack3A_248 : vector<16xf32>
      %add3A_251 = arith.constant 1 : i32
      %add3A_252 = vector.broadcast %add3A_251 : i32 to vector<16xi32>
      %add3A_253 = arith.addi %add3A_238, %add3A_252 : vector<16xi32>
      %gather3A_254 = tpu.vector_load_idx %arg14[%add3A_79, %add3A_253] : memref<400x64xi32, #tpu.memory_space<vmem>>[vector<16xi32>, vector<16xi32>], vector<16xi32>,
      %gather3A_255 = tpu.vector_load_idx %arg16[%add3A_79, %add3A_253] : memref<400x64xi32, #tpu.memory_space<vmem>>[vector<16xi32>, vector<16xi32>], vector<16xi32>,
      %gather3A_256 = tpu.vector_load_idx %arg18[%get3A_82, %add3A_253] : memref<237x64xi32, #tpu.memory_space<vmem>>[vector<16xi32>, vector<16xi32>], vector<16xi32>,
      %bitcast3A_257 = vector.bitcast %gather3A_254 : vector<16xi32> to vector<32xbf16>
      %bitcast3A_258 = vector.bitcast %gather3A_255 : vector<16xi32> to vector<32xbf16>
      %bitcast3A_259 = vector.bitcast %gather3A_256 : vector<16xi32> to vector<32xbf16>
      %mul3A_260 = arith.mulf %bitcast3A_257, %bitcast3A_258 : vector<32xbf16>
      %mul3A_261 = arith.mulf %mul3A_260, %bitcast3A_259 : vector<32xbf16>
      %unpack3A_262 = tpu.unpack_subelements %mul3A_261, 0 {pack_format = #tpu.pack_format<interleaved>} : vector<32xbf16> -> vector<16xf32>
      %unpack3A_263 = tpu.unpack_subelements %mul3A_261, 1 {pack_format = #tpu.pack_format<interleaved>} : vector<32xbf16> -> vector<16xf32>
      %add3A_264 = arith.addf %add3A_234, %unpack3A_262 : vector<16xf32>
      %add3A_265 = arith.addf %add3A_235, %unpack3A_263 : vector<16xf32>
      %add3A_266 = arith.constant 1 : i32
      %add3A_267 = vector.broadcast %add3A_266 : i32 to vector<16xi32>
      %add3A_268 = arith.addi %add3A_253, %add3A_267 : vector<16xi32>
      %gather3A_269 = tpu.vector_load_idx %arg14[%add3A_79, %add3A_268] : memref<400x64xi32, #tpu.memory_space<vmem>>[vector<16xi32>, vector<16xi32>], vector<16xi32>,
      %gather3A_270 = tpu.vector_load_idx %arg16[%add3A_79, %add3A_268] : memref<400x64xi32, #tpu.memory_space<vmem>>[vector<16xi32>, vector<16xi32>], vector<16xi32>,
      %gather3A_271 = tpu.vector_load_idx %arg18[%get3A_82, %add3A_268] : memref<237x64xi32, #tpu.memory_space<vmem>>[vector<16xi32>, vector<16xi32>], vector<16xi32>,
      %bitcast3A_272 = vector.bitcast %gather3A_269 : vector<16xi32> to vector<32xbf16>
      %bitcast3A_273 = vector.bitcast %gather3A_270 : vector<16xi32> to vector<32xbf16>
      %bitcast3A_274 = vector.bitcast %gather3A_271 : vector<16xi32> to vector<32xbf16>
      %mul3A_275 = arith.mulf %bitcast3A_272, %bitcast3A_273 : vector<32xbf16>
      %mul3A_276 = arith.mulf %mul3A_275, %bitcast3A_274 : vector<32xbf16>
      %unpack3A_277 = tpu.unpack_subelements %mul3A_276, 0 {pack_format = #tpu.pack_format<interleaved>} : vector<32xbf16> -> vector<16xf32>
      %unpack3A_278 = tpu.unpack_subelements %mul3A_276, 1 {pack_format = #tpu.pack_format<interleaved>} : vector<32xbf16> -> vector<16xf32>
      %add3A_279 = arith.addf %add3A_249, %unpack3A_277 : vector<16xf32>
      %add3A_280 = arith.addf %add3A_250, %unpack3A_278 : vector<16xf32>
      %add3A_281 = arith.constant 1 : i32
      %add3A_282 = vector.broadcast %add3A_281 : i32 to vector<16xi32>
      %add3A_283 = arith.addi %add3A_268, %add3A_282 : vector<16xi32>
      %gather3A_284 = tpu.vector_load_idx %arg14[%add3A_79, %add3A_283] : memref<400x64xi32, #tpu.memory_space<vmem>>[vector<16xi32>, vector<16xi32>], vector<16xi32>,
      %gather3A_285 = tpu.vector_load_idx %arg16[%add3A_79, %add3A_283] : memref<400x64xi32, #tpu.memory_space<vmem>>[vector<16xi32>, vector<16xi32>], vector<16xi32>,
      %gather3A_286 = tpu.vector_load_idx %arg18[%get3A_82, %add3A_283] : memref<237x64xi32, #tpu.memory_space<vmem>>[vector<16xi32>, vector<16xi32>], vector<16xi32>,
      %bitcast3A_287 = vector.bitcast %gather3A_284 : vector<16xi32> to vector<32xbf16>
      %bitcast3A_288 = vector.bitcast %gather3A_285 : vector<16xi32> to vector<32xbf16>
      %bitcast3A_289 = vector.bitcast %gather3A_286 : vector<16xi32> to vector<32xbf16>
      %mul3A_290 = arith.mulf %bitcast3A_287, %bitcast3A_288 : vector<32xbf16>
      %mul3A_291 = arith.mulf %mul3A_290, %bitcast3A_289 : vector<32xbf16>
      %unpack3A_292 = tpu.unpack_subelements %mul3A_291, 0 {pack_format = #tpu.pack_format<interleaved>} : vector<32xbf16> -> vector<16xf32>
      %unpack3A_293 = tpu.unpack_subelements %mul3A_291, 1 {pack_format = #tpu.pack_format<interleaved>} : vector<32xbf16> -> vector<16xf32>
      %add3A_294 = arith.addf %add3A_264, %unpack3A_292 : vector<16xf32>
      %add3A_295 = arith.addf %add3A_265, %unpack3A_293 : vector<16xf32>
      %add3A_296 = arith.constant 1 : i32
      %add3A_297 = vector.broadcast %add3A_296 : i32 to vector<16xi32>
      %add3A_298 = arith.addi %add3A_283, %add3A_297 : vector<16xi32>
      %gather3A_299 = tpu.vector_load_idx %arg14[%add3A_79, %add3A_298] : memref<400x64xi32, #tpu.memory_space<vmem>>[vector<16xi32>, vector<16xi32>], vector<16xi32>,
      %gather3A_300 = tpu.vector_load_idx %arg16[%add3A_79, %add3A_298] : memref<400x64xi32, #tpu.memory_space<vmem>>[vector<16xi32>, vector<16xi32>], vector<16xi32>,
      %gather3A_301 = tpu.vector_load_idx %arg18[%get3A_82, %add3A_298] : memref<237x64xi32, #tpu.memory_space<vmem>>[vector<16xi32>, vector<16xi32>], vector<16xi32>,
      %bitcast3A_302 = vector.bitcast %gather3A_299 : vector<16xi32> to vector<32xbf16>
      %bitcast3A_303 = vector.bitcast %gather3A_300 : vector<16xi32> to vector<32xbf16>
      %bitcast3A_304 = vector.bitcast %gather3A_301 : vector<16xi32> to vector<32xbf16>
      %mul3A_305 = arith.mulf %bitcast3A_302, %bitcast3A_303 : vector<32xbf16>
      %mul3A_306 = arith.mulf %mul3A_305, %bitcast3A_304 : vector<32xbf16>
      %unpack3A_307 = tpu.unpack_subelements %mul3A_306, 0 {pack_format = #tpu.pack_format<interleaved>} : vector<32xbf16> -> vector<16xf32>
      %unpack3A_308 = tpu.unpack_subelements %mul3A_306, 1 {pack_format = #tpu.pack_format<interleaved>} : vector<32xbf16> -> vector<16xf32>
      %add3A_309 = arith.addf %add3A_279, %unpack3A_307 : vector<16xf32>
      %add3A_310 = arith.addf %add3A_280, %unpack3A_308 : vector<16xf32>
      %add3A_311 = arith.constant 1 : i32
      %add3A_312 = vector.broadcast %add3A_311 : i32 to vector<16xi32>
      %add3A_313 = arith.addi %add3A_298, %add3A_312 : vector<16xi32>
      %gather3A_314 = tpu.vector_load_idx %arg14[%add3A_79, %add3A_313] : memref<400x64xi32, #tpu.memory_space<vmem>>[vector<16xi32>, vector<16xi32>], vector<16xi32>,
      %gather3A_315 = tpu.vector_load_idx %arg16[%add3A_79, %add3A_313] : memref<400x64xi32, #tpu.memory_space<vmem>>[vector<16xi32>, vector<16xi32>], vector<16xi32>,
      %gather3A_316 = tpu.vector_load_idx %arg18[%get3A_82, %add3A_313] : memref<237x64xi32, #tpu.memory_space<vmem>>[vector<16xi32>, vector<16xi32>], vector<16xi32>,
      %bitcast3A_317 = vector.bitcast %gather3A_314 : vector<16xi32> to vector<32xbf16>
      %bitcast3A_318 = vector.bitcast %gather3A_315 : vector<16xi32> to vector<32xbf16>
      %bitcast3A_319 = vector.bitcast %gather3A_316 : vector<16xi32> to vector<32xbf16>
      %mul3A_320 = arith.mulf %bitcast3A_317, %bitcast3A_318 : vector<32xbf16>
      %mul3A_321 = arith.mulf %mul3A_320, %bitcast3A_319 : vector<32xbf16>
      %unpack3A_322 = tpu.unpack_subelements %mul3A_321, 0 {pack_format = #tpu.pack_format<interleaved>} : vector<32xbf16> -> vector<16xf32>
      %unpack3A_323 = tpu.unpack_subelements %mul3A_321, 1 {pack_format = #tpu.pack_format<interleaved>} : vector<32xbf16> -> vector<16xf32>
      %add3A_324 = arith.addf %add3A_294, %unpack3A_322 : vector<16xf32>
      %add3A_325 = arith.addf %add3A_295, %unpack3A_323 : vector<16xf32>
      %add3A_326 = arith.constant 1 : i32
      %add3A_327 = vector.broadcast %add3A_326 : i32 to vector<16xi32>
      %add3A_328 = arith.addi %add3A_313, %add3A_327 : vector<16xi32>
      %gather3A_329 = tpu.vector_load_idx %arg14[%add3A_79, %add3A_328] : memref<400x64xi32, #tpu.memory_space<vmem>>[vector<16xi32>, vector<16xi32>], vector<16xi32>,
      %gather3A_330 = tpu.vector_load_idx %arg16[%add3A_79, %add3A_328] : memref<400x64xi32, #tpu.memory_space<vmem>>[vector<16xi32>, vector<16xi32>], vector<16xi32>,
      %gather3A_331 = tpu.vector_load_idx %arg18[%get3A_82, %add3A_328] : memref<237x64xi32, #tpu.memory_space<vmem>>[vector<16xi32>, vector<16xi32>], vector<16xi32>,
      %bitcast3A_332 = vector.bitcast %gather3A_329 : vector<16xi32> to vector<32xbf16>
      %bitcast3A_333 = vector.bitcast %gather3A_330 : vector<16xi32> to vector<32xbf16>
      %bitcast3A_334 = vector.bitcast %gather3A_331 : vector<16xi32> to vector<32xbf16>
      %mul3A_335 = arith.mulf %bitcast3A_332, %bitcast3A_333 : vector<32xbf16>
      %mul3A_336 = arith.mulf %mul3A_335, %bitcast3A_334 : vector<32xbf16>
      %unpack3A_337 = tpu.unpack_subelements %mul3A_336, 0 {pack_format = #tpu.pack_format<interleaved>} : vector<32xbf16> -> vector<16xf32>
      %unpack3A_338 = tpu.unpack_subelements %mul3A_336, 1 {pack_format = #tpu.pack_format<interleaved>} : vector<32xbf16> -> vector<16xf32>
      %add3A_339 = arith.addf %add3A_309, %unpack3A_337 : vector<16xf32>
      %add3A_340 = arith.addf %add3A_310, %unpack3A_338 : vector<16xf32>
      %add3A_341 = arith.constant 1 : i32
      %add3A_342 = vector.broadcast %add3A_341 : i32 to vector<16xi32>
      %add3A_343 = arith.addi %add3A_328, %add3A_342 : vector<16xi32>
      %gather3A_344 = tpu.vector_load_idx %arg14[%add3A_79, %add3A_343] : memref<400x64xi32, #tpu.memory_space<vmem>>[vector<16xi32>, vector<16xi32>], vector<16xi32>,
      %gather3A_345 = tpu.vector_load_idx %arg16[%add3A_79, %add3A_343] : memref<400x64xi32, #tpu.memory_space<vmem>>[vector<16xi32>, vector<16xi32>], vector<16xi32>,
      %gather3A_346 = tpu.vector_load_idx %arg18[%get3A_82, %add3A_343] : memref<237x64xi32, #tpu.memory_space<vmem>>[vector<16xi32>, vector<16xi32>], vector<16xi32>,
      %bitcast3A_347 = vector.bitcast %gather3A_344 : vector<16xi32> to vector<32xbf16>
      %bitcast3A_348 = vector.bitcast %gather3A_345 : vector<16xi32> to vector<32xbf16>
      %bitcast3A_349 = vector.bitcast %gather3A_346 : vector<16xi32> to vector<32xbf16>
      %mul3A_350 = arith.mulf %bitcast3A_347, %bitcast3A_348 : vector<32xbf16>
      %mul3A_351 = arith.mulf %mul3A_350, %bitcast3A_349 : vector<32xbf16>
      %unpack3A_352 = tpu.unpack_subelements %mul3A_351, 0 {pack_format = #tpu.pack_format<interleaved>} : vector<32xbf16> -> vector<16xf32>
      %unpack3A_353 = tpu.unpack_subelements %mul3A_351, 1 {pack_format = #tpu.pack_format<interleaved>} : vector<32xbf16> -> vector<16xf32>
      %add3A_354 = arith.addf %add3A_324, %unpack3A_352 : vector<16xf32>
      %add3A_355 = arith.addf %add3A_325, %unpack3A_353 : vector<16xf32>
      %add3A_356 = arith.constant 1 : i32
      %add3A_357 = vector.broadcast %add3A_356 : i32 to vector<16xi32>
      %add3A_358 = arith.addi %add3A_343, %add3A_357 : vector<16xi32>
      %gather3A_359 = tpu.vector_load_idx %arg14[%add3A_79, %add3A_358] : memref<400x64xi32, #tpu.memory_space<vmem>>[vector<16xi32>, vector<16xi32>], vector<16xi32>,
      %gather3A_360 = tpu.vector_load_idx %arg16[%add3A_79, %add3A_358] : memref<400x64xi32, #tpu.memory_space<vmem>>[vector<16xi32>, vector<16xi32>], vector<16xi32>,
      %gather3A_361 = tpu.vector_load_idx %arg18[%get3A_82, %add3A_358] : memref<237x64xi32, #tpu.memory_space<vmem>>[vector<16xi32>, vector<16xi32>], vector<16xi32>,
      %bitcast3A_362 = vector.bitcast %gather3A_359 : vector<16xi32> to vector<32xbf16>
      %bitcast3A_363 = vector.bitcast %gather3A_360 : vector<16xi32> to vector<32xbf16>
      %bitcast3A_364 = vector.bitcast %gather3A_361 : vector<16xi32> to vector<32xbf16>
      %mul3A_365 = arith.mulf %bitcast3A_362, %bitcast3A_363 : vector<32xbf16>
      %mul3A_366 = arith.mulf %mul3A_365, %bitcast3A_364 : vector<32xbf16>
      %unpack3A_367 = tpu.unpack_subelements %mul3A_366, 0 {pack_format = #tpu.pack_format<interleaved>} : vector<32xbf16> -> vector<16xf32>
      %unpack3A_368 = tpu.unpack_subelements %mul3A_366, 1 {pack_format = #tpu.pack_format<interleaved>} : vector<32xbf16> -> vector<16xf32>
      %add3A_369 = arith.addf %add3A_339, %unpack3A_367 : vector<16xf32>
      %add3A_370 = arith.addf %add3A_340, %unpack3A_368 : vector<16xf32>
      %add3A_371 = arith.constant 1 : i32
      %add3A_372 = vector.broadcast %add3A_371 : i32 to vector<16xi32>
      %add3A_373 = arith.addi %add3A_358, %add3A_372 : vector<16xi32>
      %gather3A_374 = tpu.vector_load_idx %arg14[%add3A_79, %add3A_373] : memref<400x64xi32, #tpu.memory_space<vmem>>[vector<16xi32>, vector<16xi32>], vector<16xi32>,
      %gather3A_375 = tpu.vector_load_idx %arg16[%add3A_79, %add3A_373] : memref<400x64xi32, #tpu.memory_space<vmem>>[vector<16xi32>, vector<16xi32>], vector<16xi32>,
      %gather3A_376 = tpu.vector_load_idx %arg18[%get3A_82, %add3A_373] : memref<237x64xi32, #tpu.memory_space<vmem>>[vector<16xi32>, vector<16xi32>], vector<16xi32>,
      %bitcast3A_377 = vector.bitcast %gather3A_374 : vector<16xi32> to vector<32xbf16>
      %bitcast3A_378 = vector.bitcast %gather3A_375 : vector<16xi32> to vector<32xbf16>
      %bitcast3A_379 = vector.bitcast %gather3A_376 : vector<16xi32> to vector<32xbf16>
      %mul3A_380 = arith.mulf %bitcast3A_377, %bitcast3A_378 : vector<32xbf16>
      %mul3A_381 = arith.mulf %mul3A_380, %bitcast3A_379 : vector<32xbf16>
      %unpack3A_382 = tpu.unpack_subelements %mul3A_381, 0 {pack_format = #tpu.pack_format<interleaved>} : vector<32xbf16> -> vector<16xf32>
      %unpack3A_383 = tpu.unpack_subelements %mul3A_381, 1 {pack_format = #tpu.pack_format<interleaved>} : vector<32xbf16> -> vector<16xf32>
      %add3A_384 = arith.addf %add3A_354, %unpack3A_382 : vector<16xf32>
      %add3A_385 = arith.addf %add3A_355, %unpack3A_383 : vector<16xf32>
      %add3A_386 = arith.constant 1 : i32
      %add3A_387 = vector.broadcast %add3A_386 : i32 to vector<16xi32>
      %add3A_388 = arith.addi %add3A_373, %add3A_387 : vector<16xi32>
      %gather3A_389 = tpu.vector_load_idx %arg14[%add3A_79, %add3A_388] : memref<400x64xi32, #tpu.memory_space<vmem>>[vector<16xi32>, vector<16xi32>], vector<16xi32>,
      %gather3A_390 = tpu.vector_load_idx %arg16[%add3A_79, %add3A_388] : memref<400x64xi32, #tpu.memory_space<vmem>>[vector<16xi32>, vector<16xi32>], vector<16xi32>,
      %gather3A_391 = tpu.vector_load_idx %arg18[%get3A_82, %add3A_388] : memref<237x64xi32, #tpu.memory_space<vmem>>[vector<16xi32>, vector<16xi32>], vector<16xi32>,
      %bitcast3A_392 = vector.bitcast %gather3A_389 : vector<16xi32> to vector<32xbf16>
      %bitcast3A_393 = vector.bitcast %gather3A_390 : vector<16xi32> to vector<32xbf16>
      %bitcast3A_394 = vector.bitcast %gather3A_391 : vector<16xi32> to vector<32xbf16>
      %mul3A_395 = arith.mulf %bitcast3A_392, %bitcast3A_393 : vector<32xbf16>
      %mul3A_396 = arith.mulf %mul3A_395, %bitcast3A_394 : vector<32xbf16>
      %unpack3A_397 = tpu.unpack_subelements %mul3A_396, 0 {pack_format = #tpu.pack_format<interleaved>} : vector<32xbf16> -> vector<16xf32>
      %unpack3A_398 = tpu.unpack_subelements %mul3A_396, 1 {pack_format = #tpu.pack_format<interleaved>} : vector<32xbf16> -> vector<16xf32>
      %add3A_399 = arith.addf %add3A_369, %unpack3A_397 : vector<16xf32>
      %add3A_400 = arith.addf %add3A_370, %unpack3A_398 : vector<16xf32>
      %add3A_401 = arith.constant 1 : i32
      %add3A_402 = vector.broadcast %add3A_401 : i32 to vector<16xi32>
      %add3A_403 = arith.addi %add3A_388, %add3A_402 : vector<16xi32>
      %gather3A_404 = tpu.vector_load_idx %arg14[%add3A_79, %add3A_403] : memref<400x64xi32, #tpu.memory_space<vmem>>[vector<16xi32>, vector<16xi32>], vector<16xi32>,
      %gather3A_405 = tpu.vector_load_idx %arg16[%add3A_79, %add3A_403] : memref<400x64xi32, #tpu.memory_space<vmem>>[vector<16xi32>, vector<16xi32>], vector<16xi32>,
      %gather3A_406 = tpu.vector_load_idx %arg18[%get3A_82, %add3A_403] : memref<237x64xi32, #tpu.memory_space<vmem>>[vector<16xi32>, vector<16xi32>], vector<16xi32>,
      %bitcast3A_407 = vector.bitcast %gather3A_404 : vector<16xi32> to vector<32xbf16>
      %bitcast3A_408 = vector.bitcast %gather3A_405 : vector<16xi32> to vector<32xbf16>
      %bitcast3A_409 = vector.bitcast %gather3A_406 : vector<16xi32> to vector<32xbf16>
      %mul3A_410 = arith.mulf %bitcast3A_407, %bitcast3A_408 : vector<32xbf16>
      %mul3A_411 = arith.mulf %mul3A_410, %bitcast3A_409 : vector<32xbf16>
      %unpack3A_412 = tpu.unpack_subelements %mul3A_411, 0 {pack_format = #tpu.pack_format<interleaved>} : vector<32xbf16> -> vector<16xf32>
      %unpack3A_413 = tpu.unpack_subelements %mul3A_411, 1 {pack_format = #tpu.pack_format<interleaved>} : vector<32xbf16> -> vector<16xf32>
      %add3A_414 = arith.addf %add3A_384, %unpack3A_412 : vector<16xf32>
      %add3A_415 = arith.addf %add3A_385, %unpack3A_413 : vector<16xf32>
      %add3A_416 = arith.constant 1 : i32
      %add3A_417 = vector.broadcast %add3A_416 : i32 to vector<16xi32>
      %add3A_418 = arith.addi %add3A_403, %add3A_417 : vector<16xi32>
      %gather3A_419 = tpu.vector_load_idx %arg14[%add3A_79, %add3A_418] : memref<400x64xi32, #tpu.memory_space<vmem>>[vector<16xi32>, vector<16xi32>], vector<16xi32>,
      %gather3A_420 = tpu.vector_load_idx %arg16[%add3A_79, %add3A_418] : memref<400x64xi32, #tpu.memory_space<vmem>>[vector<16xi32>, vector<16xi32>], vector<16xi32>,
      %gather3A_421 = tpu.vector_load_idx %arg18[%get3A_82, %add3A_418] : memref<237x64xi32, #tpu.memory_space<vmem>>[vector<16xi32>, vector<16xi32>], vector<16xi32>,
      %bitcast3A_422 = vector.bitcast %gather3A_419 : vector<16xi32> to vector<32xbf16>
      %bitcast3A_423 = vector.bitcast %gather3A_420 : vector<16xi32> to vector<32xbf16>
      %bitcast3A_424 = vector.bitcast %gather3A_421 : vector<16xi32> to vector<32xbf16>
      %mul3A_425 = arith.mulf %bitcast3A_422, %bitcast3A_423 : vector<32xbf16>
      %mul3A_426 = arith.mulf %mul3A_425, %bitcast3A_424 : vector<32xbf16>
      %unpack3A_427 = tpu.unpack_subelements %mul3A_426, 0 {pack_format = #tpu.pack_format<interleaved>} : vector<32xbf16> -> vector<16xf32>
      %unpack3A_428 = tpu.unpack_subelements %mul3A_426, 1 {pack_format = #tpu.pack_format<interleaved>} : vector<32xbf16> -> vector<16xf32>
      %add3A_429 = arith.addf %add3A_399, %unpack3A_427 : vector<16xf32>
      %add3A_430 = arith.addf %add3A_400, %unpack3A_428 : vector<16xf32>
      %add3A_431 = arith.constant 1 : i32
      %add3A_432 = vector.broadcast %add3A_431 : i32 to vector<16xi32>
      %add3A_433 = arith.addi %add3A_418, %add3A_432 : vector<16xi32>
      %gather3A_434 = tpu.vector_load_idx %arg14[%add3A_79, %add3A_433] : memref<400x64xi32, #tpu.memory_space<vmem>>[vector<16xi32>, vector<16xi32>], vector<16xi32>,
      %gather3A_435 = tpu.vector_load_idx %arg16[%add3A_79, %add3A_433] : memref<400x64xi32, #tpu.memory_space<vmem>>[vector<16xi32>, vector<16xi32>], vector<16xi32>,
      %gather3A_436 = tpu.vector_load_idx %arg18[%get3A_82, %add3A_433] : memref<237x64xi32, #tpu.memory_space<vmem>>[vector<16xi32>, vector<16xi32>], vector<16xi32>,
      %bitcast3A_437 = vector.bitcast %gather3A_434 : vector<16xi32> to vector<32xbf16>
      %bitcast3A_438 = vector.bitcast %gather3A_435 : vector<16xi32> to vector<32xbf16>
      %bitcast3A_439 = vector.bitcast %gather3A_436 : vector<16xi32> to vector<32xbf16>
      %mul3A_440 = arith.mulf %bitcast3A_437, %bitcast3A_438 : vector<32xbf16>
      %mul3A_441 = arith.mulf %mul3A_440, %bitcast3A_439 : vector<32xbf16>
      %unpack3A_442 = tpu.unpack_subelements %mul3A_441, 0 {pack_format = #tpu.pack_format<interleaved>} : vector<32xbf16> -> vector<16xf32>
      %unpack3A_443 = tpu.unpack_subelements %mul3A_441, 1 {pack_format = #tpu.pack_format<interleaved>} : vector<32xbf16> -> vector<16xf32>
      %add3A_444 = arith.addf %add3A_414, %unpack3A_442 : vector<16xf32>
      %add3A_445 = arith.addf %add3A_415, %unpack3A_443 : vector<16xf32>
      %add3A_446 = arith.constant 1 : i32
      %add3A_447 = vector.broadcast %add3A_446 : i32 to vector<16xi32>
      %add3A_448 = arith.addi %add3A_433, %add3A_447 : vector<16xi32>
      %gather3A_449 = tpu.vector_load_idx %arg14[%add3A_79, %add3A_448] : memref<400x64xi32, #tpu.memory_space<vmem>>[vector<16xi32>, vector<16xi32>], vector<16xi32>,
      %gather3A_450 = tpu.vector_load_idx %arg16[%add3A_79, %add3A_448] : memref<400x64xi32, #tpu.memory_space<vmem>>[vector<16xi32>, vector<16xi32>], vector<16xi32>,
      %gather3A_451 = tpu.vector_load_idx %arg18[%get3A_82, %add3A_448] : memref<237x64xi32, #tpu.memory_space<vmem>>[vector<16xi32>, vector<16xi32>], vector<16xi32>,
      %bitcast3A_452 = vector.bitcast %gather3A_449 : vector<16xi32> to vector<32xbf16>
      %bitcast3A_453 = vector.bitcast %gather3A_450 : vector<16xi32> to vector<32xbf16>
      %bitcast3A_454 = vector.bitcast %gather3A_451 : vector<16xi32> to vector<32xbf16>
      %mul3A_455 = arith.mulf %bitcast3A_452, %bitcast3A_453 : vector<32xbf16>
      %mul3A_456 = arith.mulf %mul3A_455, %bitcast3A_454 : vector<32xbf16>
      %unpack3A_457 = tpu.unpack_subelements %mul3A_456, 0 {pack_format = #tpu.pack_format<interleaved>} : vector<32xbf16> -> vector<16xf32>
      %unpack3A_458 = tpu.unpack_subelements %mul3A_456, 1 {pack_format = #tpu.pack_format<interleaved>} : vector<32xbf16> -> vector<16xf32>
      %add3A_459 = arith.addf %add3A_429, %unpack3A_457 : vector<16xf32>
      %add3A_460 = arith.addf %add3A_430, %unpack3A_458 : vector<16xf32>
      %add3A_461 = arith.constant 1 : i32
      %add3A_462 = vector.broadcast %add3A_461 : i32 to vector<16xi32>
      %add3A_463 = arith.addi %add3A_448, %add3A_462 : vector<16xi32>
      %gather3A_464 = tpu.vector_load_idx %arg14[%add3A_79, %add3A_463] : memref<400x64xi32, #tpu.memory_space<vmem>>[vector<16xi32>, vector<16xi32>], vector<16xi32>,
      %gather3A_465 = tpu.vector_load_idx %arg16[%add3A_79, %add3A_463] : memref<400x64xi32, #tpu.memory_space<vmem>>[vector<16xi32>, vector<16xi32>], vector<16xi32>,
      %gather3A_466 = tpu.vector_load_idx %arg18[%get3A_82, %add3A_463] : memref<237x64xi32, #tpu.memory_space<vmem>>[vector<16xi32>, vector<16xi32>], vector<16xi32>,
      %bitcast3A_467 = vector.bitcast %gather3A_464 : vector<16xi32> to vector<32xbf16>
      %bitcast3A_468 = vector.bitcast %gather3A_465 : vector<16xi32> to vector<32xbf16>
      %bitcast3A_469 = vector.bitcast %gather3A_466 : vector<16xi32> to vector<32xbf16>
      %mul3A_470 = arith.mulf %bitcast3A_467, %bitcast3A_468 : vector<32xbf16>
      %mul3A_471 = arith.mulf %mul3A_470, %bitcast3A_469 : vector<32xbf16>
      %unpack3A_472 = tpu.unpack_subelements %mul3A_471, 0 {pack_format = #tpu.pack_format<interleaved>} : vector<32xbf16> -> vector<16xf32>
      %unpack3A_473 = tpu.unpack_subelements %mul3A_471, 1 {pack_format = #tpu.pack_format<interleaved>} : vector<32xbf16> -> vector<16xf32>
      %add3A_474 = arith.addf %add3A_444, %unpack3A_472 : vector<16xf32>
      %add3A_475 = arith.addf %add3A_445, %unpack3A_473 : vector<16xf32>
      %add3A_476 = arith.constant 1 : i32
      %add3A_477 = vector.broadcast %add3A_476 : i32 to vector<16xi32>
      %add3A_478 = arith.addi %add3A_463, %add3A_477 : vector<16xi32>
      %gather3A_479 = tpu.vector_load_idx %arg14[%add3A_79, %add3A_478] : memref<400x64xi32, #tpu.memory_space<vmem>>[vector<16xi32>, vector<16xi32>], vector<16xi32>,
      %gather3A_480 = tpu.vector_load_idx %arg16[%add3A_79, %add3A_478] : memref<400x64xi32, #tpu.memory_space<vmem>>[vector<16xi32>, vector<16xi32>], vector<16xi32>,
      %gather3A_481 = tpu.vector_load_idx %arg18[%get3A_82, %add3A_478] : memref<237x64xi32, #tpu.memory_space<vmem>>[vector<16xi32>, vector<16xi32>], vector<16xi32>,
      %bitcast3A_482 = vector.bitcast %gather3A_479 : vector<16xi32> to vector<32xbf16>
      %bitcast3A_483 = vector.bitcast %gather3A_480 : vector<16xi32> to vector<32xbf16>
      %bitcast3A_484 = vector.bitcast %gather3A_481 : vector<16xi32> to vector<32xbf16>
      %mul3A_485 = arith.mulf %bitcast3A_482, %bitcast3A_483 : vector<32xbf16>
      %mul3A_486 = arith.mulf %mul3A_485, %bitcast3A_484 : vector<32xbf16>
      %unpack3A_487 = tpu.unpack_subelements %mul3A_486, 0 {pack_format = #tpu.pack_format<interleaved>} : vector<32xbf16> -> vector<16xf32>
      %unpack3A_488 = tpu.unpack_subelements %mul3A_486, 1 {pack_format = #tpu.pack_format<interleaved>} : vector<32xbf16> -> vector<16xf32>
      %add3A_489 = arith.addf %add3A_459, %unpack3A_487 : vector<16xf32>
      %add3A_490 = arith.addf %add3A_460, %unpack3A_488 : vector<16xf32>
      %add3A_491 = arith.constant 1 : i32
      %add3A_492 = vector.broadcast %add3A_491 : i32 to vector<16xi32>
      %add3A_493 = arith.addi %add3A_478, %add3A_492 : vector<16xi32>
      %gather3A_494 = tpu.vector_load_idx %arg14[%add3A_79, %add3A_493] : memref<400x64xi32, #tpu.memory_space<vmem>>[vector<16xi32>, vector<16xi32>], vector<16xi32>,
      %gather3A_495 = tpu.vector_load_idx %arg16[%add3A_79, %add3A_493] : memref<400x64xi32, #tpu.memory_space<vmem>>[vector<16xi32>, vector<16xi32>], vector<16xi32>,
      %gather3A_496 = tpu.vector_load_idx %arg18[%get3A_82, %add3A_493] : memref<237x64xi32, #tpu.memory_space<vmem>>[vector<16xi32>, vector<16xi32>], vector<16xi32>,
      %bitcast3A_497 = vector.bitcast %gather3A_494 : vector<16xi32> to vector<32xbf16>
      %bitcast3A_498 = vector.bitcast %gather3A_495 : vector<16xi32> to vector<32xbf16>
      %bitcast3A_499 = vector.bitcast %gather3A_496 : vector<16xi32> to vector<32xbf16>
      %mul3A_500 = arith.mulf %bitcast3A_497, %bitcast3A_498 : vector<32xbf16>
      %mul3A_501 = arith.mulf %mul3A_500, %bitcast3A_499 : vector<32xbf16>
      %unpack3A_502 = tpu.unpack_subelements %mul3A_501, 0 {pack_format = #tpu.pack_format<interleaved>} : vector<32xbf16> -> vector<16xf32>
      %unpack3A_503 = tpu.unpack_subelements %mul3A_501, 1 {pack_format = #tpu.pack_format<interleaved>} : vector<32xbf16> -> vector<16xf32>
      %add3A_504 = arith.addf %add3A_474, %unpack3A_502 : vector<16xf32>
      %add3A_505 = arith.addf %add3A_475, %unpack3A_503 : vector<16xf32>
      %add3A_506 = arith.constant 1 : i32
      %add3A_507 = vector.broadcast %add3A_506 : i32 to vector<16xi32>
      %add3A_508 = arith.addi %add3A_493, %add3A_507 : vector<16xi32>
      %gather3A_509 = tpu.vector_load_idx %arg14[%add3A_79, %add3A_508] : memref<400x64xi32, #tpu.memory_space<vmem>>[vector<16xi32>, vector<16xi32>], vector<16xi32>,
      %gather3A_510 = tpu.vector_load_idx %arg16[%add3A_79, %add3A_508] : memref<400x64xi32, #tpu.memory_space<vmem>>[vector<16xi32>, vector<16xi32>], vector<16xi32>,
      %gather3A_511 = tpu.vector_load_idx %arg18[%get3A_82, %add3A_508] : memref<237x64xi32, #tpu.memory_space<vmem>>[vector<16xi32>, vector<16xi32>], vector<16xi32>,
      %bitcast3A_512 = vector.bitcast %gather3A_509 : vector<16xi32> to vector<32xbf16>
      %bitcast3A_513 = vector.bitcast %gather3A_510 : vector<16xi32> to vector<32xbf16>
      %bitcast3A_514 = vector.bitcast %gather3A_511 : vector<16xi32> to vector<32xbf16>
      %mul3A_515 = arith.mulf %bitcast3A_512, %bitcast3A_513 : vector<32xbf16>
      %mul3A_516 = arith.mulf %mul3A_515, %bitcast3A_514 : vector<32xbf16>
      %unpack3A_517 = tpu.unpack_subelements %mul3A_516, 0 {pack_format = #tpu.pack_format<interleaved>} : vector<32xbf16> -> vector<16xf32>
      %unpack3A_518 = tpu.unpack_subelements %mul3A_516, 1 {pack_format = #tpu.pack_format<interleaved>} : vector<32xbf16> -> vector<16xf32>
      %add3A_519 = arith.addf %add3A_489, %unpack3A_517 : vector<16xf32>
      %add3A_520 = arith.addf %add3A_490, %unpack3A_518 : vector<16xf32>
      %add3A_521 = arith.constant 1 : i32
      %add3A_522 = vector.broadcast %add3A_521 : i32 to vector<16xi32>
      %add3A_523 = arith.addi %add3A_508, %add3A_522 : vector<16xi32>
      %gather3A_524 = tpu.vector_load_idx %arg14[%add3A_79, %add3A_523] : memref<400x64xi32, #tpu.memory_space<vmem>>[vector<16xi32>, vector<16xi32>], vector<16xi32>,
      %gather3A_525 = tpu.vector_load_idx %arg16[%add3A_79, %add3A_523] : memref<400x64xi32, #tpu.memory_space<vmem>>[vector<16xi32>, vector<16xi32>], vector<16xi32>,
      %gather3A_526 = tpu.vector_load_idx %arg18[%get3A_82, %add3A_523] : memref<237x64xi32, #tpu.memory_space<vmem>>[vector<16xi32>, vector<16xi32>], vector<16xi32>,
      %bitcast3A_527 = vector.bitcast %gather3A_524 : vector<16xi32> to vector<32xbf16>
      %bitcast3A_528 = vector.bitcast %gather3A_525 : vector<16xi32> to vector<32xbf16>
      %bitcast3A_529 = vector.bitcast %gather3A_526 : vector<16xi32> to vector<32xbf16>
      %mul3A_530 = arith.mulf %bitcast3A_527, %bitcast3A_528 : vector<32xbf16>
      %mul3A_531 = arith.mulf %mul3A_530, %bitcast3A_529 : vector<32xbf16>
      %unpack3A_532 = tpu.unpack_subelements %mul3A_531, 0 {pack_format = #tpu.pack_format<interleaved>} : vector<32xbf16> -> vector<16xf32>
      %unpack3A_533 = tpu.unpack_subelements %mul3A_531, 1 {pack_format = #tpu.pack_format<interleaved>} : vector<32xbf16> -> vector<16xf32>
      %add3A_534 = arith.addf %add3A_504, %unpack3A_532 : vector<16xf32>
      %add3A_535 = arith.addf %add3A_505, %unpack3A_533 : vector<16xf32>
      %add3A_536 = arith.constant 1 : i32
      %add3A_537 = vector.broadcast %add3A_536 : i32 to vector<16xi32>
      %add3A_538 = arith.addi %add3A_523, %add3A_537 : vector<16xi32>
      %gather3A_539 = tpu.vector_load_idx %arg14[%add3A_79, %add3A_538] : memref<400x64xi32, #tpu.memory_space<vmem>>[vector<16xi32>, vector<16xi32>], vector<16xi32>,
      %gather3A_540 = tpu.vector_load_idx %arg16[%add3A_79, %add3A_538] : memref<400x64xi32, #tpu.memory_space<vmem>>[vector<16xi32>, vector<16xi32>], vector<16xi32>,
      %gather3A_541 = tpu.vector_load_idx %arg18[%get3A_82, %add3A_538] : memref<237x64xi32, #tpu.memory_space<vmem>>[vector<16xi32>, vector<16xi32>], vector<16xi32>,
      %bitcast3A_542 = vector.bitcast %gather3A_539 : vector<16xi32> to vector<32xbf16>
      %bitcast3A_543 = vector.bitcast %gather3A_540 : vector<16xi32> to vector<32xbf16>
      %bitcast3A_544 = vector.bitcast %gather3A_541 : vector<16xi32> to vector<32xbf16>
      %mul3A_545 = arith.mulf %bitcast3A_542, %bitcast3A_543 : vector<32xbf16>
      %mul3A_546 = arith.mulf %mul3A_545, %bitcast3A_544 : vector<32xbf16>
      %unpack3A_547 = tpu.unpack_subelements %mul3A_546, 0 {pack_format = #tpu.pack_format<interleaved>} : vector<32xbf16> -> vector<16xf32>
      %unpack3A_548 = tpu.unpack_subelements %mul3A_546, 1 {pack_format = #tpu.pack_format<interleaved>} : vector<32xbf16> -> vector<16xf32>
      %add3A_549 = arith.addf %add3A_519, %unpack3A_547 : vector<16xf32>
      %add3A_550 = arith.addf %add3A_520, %unpack3A_548 : vector<16xf32>
      %add3A_551 = arith.constant 1 : i32
      %add3A_552 = vector.broadcast %add3A_551 : i32 to vector<16xi32>
      %add3A_553 = arith.addi %add3A_538, %add3A_552 : vector<16xi32>
      %gather3A_554 = tpu.vector_load_idx %arg14[%add3A_79, %add3A_553] : memref<400x64xi32, #tpu.memory_space<vmem>>[vector<16xi32>, vector<16xi32>], vector<16xi32>,
      %gather3A_555 = tpu.vector_load_idx %arg16[%add3A_79, %add3A_553] : memref<400x64xi32, #tpu.memory_space<vmem>>[vector<16xi32>, vector<16xi32>], vector<16xi32>,
      %gather3A_556 = tpu.vector_load_idx %arg18[%get3A_82, %add3A_553] : memref<237x64xi32, #tpu.memory_space<vmem>>[vector<16xi32>, vector<16xi32>], vector<16xi32>,
      %bitcast3A_557 = vector.bitcast %gather3A_554 : vector<16xi32> to vector<32xbf16>
      %bitcast3A_558 = vector.bitcast %gather3A_555 : vector<16xi32> to vector<32xbf16>
      %bitcast3A_559 = vector.bitcast %gather3A_556 : vector<16xi32> to vector<32xbf16>
      %mul3A_560 = arith.mulf %bitcast3A_557, %bitcast3A_558 : vector<32xbf16>
      %mul3A_561 = arith.mulf %mul3A_560, %bitcast3A_559 : vector<32xbf16>
      %unpack3A_562 = tpu.unpack_subelements %mul3A_561, 0 {pack_format = #tpu.pack_format<interleaved>} : vector<32xbf16> -> vector<16xf32>
      %unpack3A_563 = tpu.unpack_subelements %mul3A_561, 1 {pack_format = #tpu.pack_format<interleaved>} : vector<32xbf16> -> vector<16xf32>
      %add3A_564 = arith.addf %add3A_534, %unpack3A_562 : vector<16xf32>
      %add3A_565 = arith.addf %add3A_535, %unpack3A_563 : vector<16xf32>
      %add3A_566 = arith.constant 1 : i32
      %add3A_567 = vector.broadcast %add3A_566 : i32 to vector<16xi32>
      %add3A_568 = arith.addi %add3A_553, %add3A_567 : vector<16xi32>
      %gather3A_569 = tpu.vector_load_idx %arg14[%add3A_79, %add3A_568] : memref<400x64xi32, #tpu.memory_space<vmem>>[vector<16xi32>, vector<16xi32>], vector<16xi32>,
      %gather3A_570 = tpu.vector_load_idx %arg16[%add3A_79, %add3A_568] : memref<400x64xi32, #tpu.memory_space<vmem>>[vector<16xi32>, vector<16xi32>], vector<16xi32>,
      %gather3A_571 = tpu.vector_load_idx %arg18[%get3A_82, %add3A_568] : memref<237x64xi32, #tpu.memory_space<vmem>>[vector<16xi32>, vector<16xi32>], vector<16xi32>,
      %bitcast3A_572 = vector.bitcast %gather3A_569 : vector<16xi32> to vector<32xbf16>
      %bitcast3A_573 = vector.bitcast %gather3A_570 : vector<16xi32> to vector<32xbf16>
      %bitcast3A_574 = vector.bitcast %gather3A_571 : vector<16xi32> to vector<32xbf16>
      %mul3A_575 = arith.mulf %bitcast3A_572, %bitcast3A_573 : vector<32xbf16>
      %mul3A_576 = arith.mulf %mul3A_575, %bitcast3A_574 : vector<32xbf16>
      %unpack3A_577 = tpu.unpack_subelements %mul3A_576, 0 {pack_format = #tpu.pack_format<interleaved>} : vector<32xbf16> -> vector<16xf32>
      %unpack3A_578 = tpu.unpack_subelements %mul3A_576, 1 {pack_format = #tpu.pack_format<interleaved>} : vector<32xbf16> -> vector<16xf32>
      %add3A_579 = arith.addf %add3A_549, %unpack3A_577 : vector<16xf32>
      %add3A_580 = arith.addf %add3A_550, %unpack3A_578 : vector<16xf32>
      %add3A_581 = arith.constant 1 : i32
      %add3A_582 = vector.broadcast %add3A_581 : i32 to vector<16xi32>
      %add3A_583 = arith.addi %add3A_568, %add3A_582 : vector<16xi32>
      %gather3A_584 = tpu.vector_load_idx %arg14[%add3A_79, %add3A_583] : memref<400x64xi32, #tpu.memory_space<vmem>>[vector<16xi32>, vector<16xi32>], vector<16xi32>,
      %gather3A_585 = tpu.vector_load_idx %arg16[%add3A_79, %add3A_583] : memref<400x64xi32, #tpu.memory_space<vmem>>[vector<16xi32>, vector<16xi32>], vector<16xi32>,
      %gather3A_586 = tpu.vector_load_idx %arg18[%get3A_82, %add3A_583] : memref<237x64xi32, #tpu.memory_space<vmem>>[vector<16xi32>, vector<16xi32>], vector<16xi32>,
      %bitcast3A_587 = vector.bitcast %gather3A_584 : vector<16xi32> to vector<32xbf16>
      %bitcast3A_588 = vector.bitcast %gather3A_585 : vector<16xi32> to vector<32xbf16>
      %bitcast3A_589 = vector.bitcast %gather3A_586 : vector<16xi32> to vector<32xbf16>
      %mul3A_590 = arith.mulf %bitcast3A_587, %bitcast3A_588 : vector<32xbf16>
      %mul3A_591 = arith.mulf %mul3A_590, %bitcast3A_589 : vector<32xbf16>
      %unpack3A_592 = tpu.unpack_subelements %mul3A_591, 0 {pack_format = #tpu.pack_format<interleaved>} : vector<32xbf16> -> vector<16xf32>
      %unpack3A_593 = tpu.unpack_subelements %mul3A_591, 1 {pack_format = #tpu.pack_format<interleaved>} : vector<32xbf16> -> vector<16xf32>
      %add3A_594 = arith.addf %add3A_564, %unpack3A_592 : vector<16xf32>
      %add3A_595 = arith.addf %add3A_565, %unpack3A_593 : vector<16xf32>
      %add3A_596 = arith.constant 1 : i32
      %add3A_597 = vector.broadcast %add3A_596 : i32 to vector<16xi32>
      %add3A_598 = arith.addi %add3A_583, %add3A_597 : vector<16xi32>
      %gather3A_599 = tpu.vector_load_idx %arg14[%add3A_79, %add3A_598] : memref<400x64xi32, #tpu.memory_space<vmem>>[vector<16xi32>, vector<16xi32>], vector<16xi32>,
      %gather3A_600 = tpu.vector_load_idx %arg16[%add3A_79, %add3A_598] : memref<400x64xi32, #tpu.memory_space<vmem>>[vector<16xi32>, vector<16xi32>], vector<16xi32>,
      %gather3A_601 = tpu.vector_load_idx %arg18[%get3A_82, %add3A_598] : memref<237x64xi32, #tpu.memory_space<vmem>>[vector<16xi32>, vector<16xi32>], vector<16xi32>,
      %bitcast3A_602 = vector.bitcast %gather3A_599 : vector<16xi32> to vector<32xbf16>
      %bitcast3A_603 = vector.bitcast %gather3A_600 : vector<16xi32> to vector<32xbf16>
      %bitcast3A_604 = vector.bitcast %gather3A_601 : vector<16xi32> to vector<32xbf16>
      %mul3A_605 = arith.mulf %bitcast3A_602, %bitcast3A_603 : vector<32xbf16>
      %mul3A_606 = arith.mulf %mul3A_605, %bitcast3A_604 : vector<32xbf16>
      %unpack3A_607 = tpu.unpack_subelements %mul3A_606, 0 {pack_format = #tpu.pack_format<interleaved>} : vector<32xbf16> -> vector<16xf32>
      %unpack3A_608 = tpu.unpack_subelements %mul3A_606, 1 {pack_format = #tpu.pack_format<interleaved>} : vector<32xbf16> -> vector<16xf32>
      %add3A_609 = arith.addf %add3A_579, %unpack3A_607 : vector<16xf32>
      %add3A_610 = arith.addf %add3A_580, %unpack3A_608 : vector<16xf32>
      %add3A_611 = arith.constant 1 : i32
      %add3A_612 = vector.broadcast %add3A_611 : i32 to vector<16xi32>
      %add3A_613 = arith.addi %add3A_598, %add3A_612 : vector<16xi32>
      %gather3A_614 = tpu.vector_load_idx %arg14[%add3A_79, %add3A_613] : memref<400x64xi32, #tpu.memory_space<vmem>>[vector<16xi32>, vector<16xi32>], vector<16xi32>,
      %gather3A_615 = tpu.vector_load_idx %arg16[%add3A_79, %add3A_613] : memref<400x64xi32, #tpu.memory_space<vmem>>[vector<16xi32>, vector<16xi32>], vector<16xi32>,
      %gather3A_616 = tpu.vector_load_idx %arg18[%get3A_82, %add3A_613] : memref<237x64xi32, #tpu.memory_space<vmem>>[vector<16xi32>, vector<16xi32>], vector<16xi32>,
      %bitcast3A_617 = vector.bitcast %gather3A_614 : vector<16xi32> to vector<32xbf16>
      %bitcast3A_618 = vector.bitcast %gather3A_615 : vector<16xi32> to vector<32xbf16>
      %bitcast3A_619 = vector.bitcast %gather3A_616 : vector<16xi32> to vector<32xbf16>
      %mul3A_620 = arith.mulf %bitcast3A_617, %bitcast3A_618 : vector<32xbf16>
      %mul3A_621 = arith.mulf %mul3A_620, %bitcast3A_619 : vector<32xbf16>
      %unpack3A_622 = tpu.unpack_subelements %mul3A_621, 0 {pack_format = #tpu.pack_format<interleaved>} : vector<32xbf16> -> vector<16xf32>
      %unpack3A_623 = tpu.unpack_subelements %mul3A_621, 1 {pack_format = #tpu.pack_format<interleaved>} : vector<32xbf16> -> vector<16xf32>
      %add3A_624 = arith.addf %add3A_594, %unpack3A_622 : vector<16xf32>
      %add3A_625 = arith.addf %add3A_595, %unpack3A_623 : vector<16xf32>
      %add3A_626 = arith.constant 1 : i32
      %add3A_627 = vector.broadcast %add3A_626 : i32 to vector<16xi32>
      %add3A_628 = arith.addi %add3A_613, %add3A_627 : vector<16xi32>
      %gather3A_629 = tpu.vector_load_idx %arg14[%add3A_79, %add3A_628] : memref<400x64xi32, #tpu.memory_space<vmem>>[vector<16xi32>, vector<16xi32>], vector<16xi32>,
      %gather3A_630 = tpu.vector_load_idx %arg16[%add3A_79, %add3A_628] : memref<400x64xi32, #tpu.memory_space<vmem>>[vector<16xi32>, vector<16xi32>], vector<16xi32>,
      %gather3A_631 = tpu.vector_load_idx %arg18[%get3A_82, %add3A_628] : memref<237x64xi32, #tpu.memory_space<vmem>>[vector<16xi32>, vector<16xi32>], vector<16xi32>,
      %bitcast3A_632 = vector.bitcast %gather3A_629 : vector<16xi32> to vector<32xbf16>
      %bitcast3A_633 = vector.bitcast %gather3A_630 : vector<16xi32> to vector<32xbf16>
      %bitcast3A_634 = vector.bitcast %gather3A_631 : vector<16xi32> to vector<32xbf16>
      %mul3A_635 = arith.mulf %bitcast3A_632, %bitcast3A_633 : vector<32xbf16>
      %mul3A_636 = arith.mulf %mul3A_635, %bitcast3A_634 : vector<32xbf16>
      %unpack3A_637 = tpu.unpack_subelements %mul3A_636, 0 {pack_format = #tpu.pack_format<interleaved>} : vector<32xbf16> -> vector<16xf32>
      %unpack3A_638 = tpu.unpack_subelements %mul3A_636, 1 {pack_format = #tpu.pack_format<interleaved>} : vector<32xbf16> -> vector<16xf32>
      %add3A_639 = arith.addf %add3A_609, %unpack3A_637 : vector<16xf32>
      %add3A_640 = arith.addf %add3A_610, %unpack3A_638 : vector<16xf32>
      %add3A_641 = arith.constant 1 : i32
      %add3A_642 = vector.broadcast %add3A_641 : i32 to vector<16xi32>
      %add3A_643 = arith.addi %add3A_628, %add3A_642 : vector<16xi32>
      %gather3A_644 = tpu.vector_load_idx %arg14[%add3A_79, %add3A_643] : memref<400x64xi32, #tpu.memory_space<vmem>>[vector<16xi32>, vector<16xi32>], vector<16xi32>,
      %gather3A_645 = tpu.vector_load_idx %arg16[%add3A_79, %add3A_643] : memref<400x64xi32, #tpu.memory_space<vmem>>[vector<16xi32>, vector<16xi32>], vector<16xi32>,
      %gather3A_646 = tpu.vector_load_idx %arg18[%get3A_82, %add3A_643] : memref<237x64xi32, #tpu.memory_space<vmem>>[vector<16xi32>, vector<16xi32>], vector<16xi32>,
      %bitcast3A_647 = vector.bitcast %gather3A_644 : vector<16xi32> to vector<32xbf16>
      %bitcast3A_648 = vector.bitcast %gather3A_645 : vector<16xi32> to vector<32xbf16>
      %bitcast3A_649 = vector.bitcast %gather3A_646 : vector<16xi32> to vector<32xbf16>
      %mul3A_650 = arith.mulf %bitcast3A_647, %bitcast3A_648 : vector<32xbf16>
      %mul3A_651 = arith.mulf %mul3A_650, %bitcast3A_649 : vector<32xbf16>
      %unpack3A_652 = tpu.unpack_subelements %mul3A_651, 0 {pack_format = #tpu.pack_format<interleaved>} : vector<32xbf16> -> vector<16xf32>
      %unpack3A_653 = tpu.unpack_subelements %mul3A_651, 1 {pack_format = #tpu.pack_format<interleaved>} : vector<32xbf16> -> vector<16xf32>
      %add3A_654 = arith.addf %add3A_624, %unpack3A_652 : vector<16xf32>
      %add3A_655 = arith.addf %add3A_625, %unpack3A_653 : vector<16xf32>
      %add3A_656 = arith.constant 1 : i32
      %add3A_657 = vector.broadcast %add3A_656 : i32 to vector<16xi32>
      %add3A_658 = arith.addi %add3A_643, %add3A_657 : vector<16xi32>
      %gather3A_659 = tpu.vector_load_idx %arg14[%add3A_79, %add3A_658] : memref<400x64xi32, #tpu.memory_space<vmem>>[vector<16xi32>, vector<16xi32>], vector<16xi32>,
      %gather3A_660 = tpu.vector_load_idx %arg16[%add3A_79, %add3A_658] : memref<400x64xi32, #tpu.memory_space<vmem>>[vector<16xi32>, vector<16xi32>], vector<16xi32>,
      %gather3A_661 = tpu.vector_load_idx %arg18[%get3A_82, %add3A_658] : memref<237x64xi32, #tpu.memory_space<vmem>>[vector<16xi32>, vector<16xi32>], vector<16xi32>,
      %bitcast3A_662 = vector.bitcast %gather3A_659 : vector<16xi32> to vector<32xbf16>
      %bitcast3A_663 = vector.bitcast %gather3A_660 : vector<16xi32> to vector<32xbf16>
      %bitcast3A_664 = vector.bitcast %gather3A_661 : vector<16xi32> to vector<32xbf16>
      %mul3A_665 = arith.mulf %bitcast3A_662, %bitcast3A_663 : vector<32xbf16>
      %mul3A_666 = arith.mulf %mul3A_665, %bitcast3A_664 : vector<32xbf16>
      %unpack3A_667 = tpu.unpack_subelements %mul3A_666, 0 {pack_format = #tpu.pack_format<interleaved>} : vector<32xbf16> -> vector<16xf32>
      %unpack3A_668 = tpu.unpack_subelements %mul3A_666, 1 {pack_format = #tpu.pack_format<interleaved>} : vector<32xbf16> -> vector<16xf32>
      %add3A_669 = arith.addf %add3A_639, %unpack3A_667 : vector<16xf32>
      %add3A_670 = arith.addf %add3A_640, %unpack3A_668 : vector<16xf32>
      %add3A_671 = arith.constant 1 : i32
      %add3A_672 = vector.broadcast %add3A_671 : i32 to vector<16xi32>
      %add3A_673 = arith.addi %add3A_658, %add3A_672 : vector<16xi32>
      %gather3A_674 = tpu.vector_load_idx %arg14[%add3A_79, %add3A_673] : memref<400x64xi32, #tpu.memory_space<vmem>>[vector<16xi32>, vector<16xi32>], vector<16xi32>,
      %gather3A_675 = tpu.vector_load_idx %arg16[%add3A_79, %add3A_673] : memref<400x64xi32, #tpu.memory_space<vmem>>[vector<16xi32>, vector<16xi32>], vector<16xi32>,
      %gather3A_676 = tpu.vector_load_idx %arg18[%get3A_82, %add3A_673] : memref<237x64xi32, #tpu.memory_space<vmem>>[vector<16xi32>, vector<16xi32>], vector<16xi32>,
      %bitcast3A_677 = vector.bitcast %gather3A_674 : vector<16xi32> to vector<32xbf16>
      %bitcast3A_678 = vector.bitcast %gather3A_675 : vector<16xi32> to vector<32xbf16>
      %bitcast3A_679 = vector.bitcast %gather3A_676 : vector<16xi32> to vector<32xbf16>
      %mul3A_680 = arith.mulf %bitcast3A_677, %bitcast3A_678 : vector<32xbf16>
      %mul3A_681 = arith.mulf %mul3A_680, %bitcast3A_679 : vector<32xbf16>
      %unpack3A_682 = tpu.unpack_subelements %mul3A_681, 0 {pack_format = #tpu.pack_format<interleaved>} : vector<32xbf16> -> vector<16xf32>
      %unpack3A_683 = tpu.unpack_subelements %mul3A_681, 1 {pack_format = #tpu.pack_format<interleaved>} : vector<32xbf16> -> vector<16xf32>
      %add3A_684 = arith.addf %add3A_654, %unpack3A_682 : vector<16xf32>
      %add3A_685 = arith.addf %add3A_655, %unpack3A_683 : vector<16xf32>
      %add3A_686 = arith.constant 1 : i32
      %add3A_687 = vector.broadcast %add3A_686 : i32 to vector<16xi32>
      %add3A_688 = arith.addi %add3A_673, %add3A_687 : vector<16xi32>
      %gather3A_689 = tpu.vector_load_idx %arg14[%add3A_79, %add3A_688] : memref<400x64xi32, #tpu.memory_space<vmem>>[vector<16xi32>, vector<16xi32>], vector<16xi32>,
      %gather3A_690 = tpu.vector_load_idx %arg16[%add3A_79, %add3A_688] : memref<400x64xi32, #tpu.memory_space<vmem>>[vector<16xi32>, vector<16xi32>], vector<16xi32>,
      %gather3A_691 = tpu.vector_load_idx %arg18[%get3A_82, %add3A_688] : memref<237x64xi32, #tpu.memory_space<vmem>>[vector<16xi32>, vector<16xi32>], vector<16xi32>,
      %bitcast3A_692 = vector.bitcast %gather3A_689 : vector<16xi32> to vector<32xbf16>
      %bitcast3A_693 = vector.bitcast %gather3A_690 : vector<16xi32> to vector<32xbf16>
      %bitcast3A_694 = vector.bitcast %gather3A_691 : vector<16xi32> to vector<32xbf16>
      %mul3A_695 = arith.mulf %bitcast3A_692, %bitcast3A_693 : vector<32xbf16>
      %mul3A_696 = arith.mulf %mul3A_695, %bitcast3A_694 : vector<32xbf16>
      %unpack3A_697 = tpu.unpack_subelements %mul3A_696, 0 {pack_format = #tpu.pack_format<interleaved>} : vector<32xbf16> -> vector<16xf32>
      %unpack3A_698 = tpu.unpack_subelements %mul3A_696, 1 {pack_format = #tpu.pack_format<interleaved>} : vector<32xbf16> -> vector<16xf32>
      %add3A_699 = arith.addf %add3A_669, %unpack3A_697 : vector<16xf32>
      %add3A_700 = arith.addf %add3A_670, %unpack3A_698 : vector<16xf32>
      %add3A_701 = arith.constant 1 : i32
      %add3A_702 = vector.broadcast %add3A_701 : i32 to vector<16xi32>
      %add3A_703 = arith.addi %add3A_688, %add3A_702 : vector<16xi32>
      %gather3A_704 = tpu.vector_load_idx %arg14[%add3A_79, %add3A_703] : memref<400x64xi32, #tpu.memory_space<vmem>>[vector<16xi32>, vector<16xi32>], vector<16xi32>,
      %gather3A_705 = tpu.vector_load_idx %arg16[%add3A_79, %add3A_703] : memref<400x64xi32, #tpu.memory_space<vmem>>[vector<16xi32>, vector<16xi32>], vector<16xi32>,
      %gather3A_706 = tpu.vector_load_idx %arg18[%get3A_82, %add3A_703] : memref<237x64xi32, #tpu.memory_space<vmem>>[vector<16xi32>, vector<16xi32>], vector<16xi32>,
      %bitcast3A_707 = vector.bitcast %gather3A_704 : vector<16xi32> to vector<32xbf16>
      %bitcast3A_708 = vector.bitcast %gather3A_705 : vector<16xi32> to vector<32xbf16>
      %bitcast3A_709 = vector.bitcast %gather3A_706 : vector<16xi32> to vector<32xbf16>
      %mul3A_710 = arith.mulf %bitcast3A_707, %bitcast3A_708 : vector<32xbf16>
      %mul3A_711 = arith.mulf %mul3A_710, %bitcast3A_709 : vector<32xbf16>
      %unpack3A_712 = tpu.unpack_subelements %mul3A_711, 0 {pack_format = #tpu.pack_format<interleaved>} : vector<32xbf16> -> vector<16xf32>
      %unpack3A_713 = tpu.unpack_subelements %mul3A_711, 1 {pack_format = #tpu.pack_format<interleaved>} : vector<32xbf16> -> vector<16xf32>
      %add3A_714 = arith.addf %add3A_684, %unpack3A_712 : vector<16xf32>
      %add3A_715 = arith.addf %add3A_685, %unpack3A_713 : vector<16xf32>
      %add3A_716 = arith.constant 1 : i32
      %add3A_717 = vector.broadcast %add3A_716 : i32 to vector<16xi32>
      %add3A_718 = arith.addi %add3A_703, %add3A_717 : vector<16xi32>
      %gather3A_719 = tpu.vector_load_idx %arg14[%add3A_79, %add3A_718] : memref<400x64xi32, #tpu.memory_space<vmem>>[vector<16xi32>, vector<16xi32>], vector<16xi32>,
      %gather3A_720 = tpu.vector_load_idx %arg16[%add3A_79, %add3A_718] : memref<400x64xi32, #tpu.memory_space<vmem>>[vector<16xi32>, vector<16xi32>], vector<16xi32>,
      %gather3A_721 = tpu.vector_load_idx %arg18[%get3A_82, %add3A_718] : memref<237x64xi32, #tpu.memory_space<vmem>>[vector<16xi32>, vector<16xi32>], vector<16xi32>,
      %bitcast3A_722 = vector.bitcast %gather3A_719 : vector<16xi32> to vector<32xbf16>
      %bitcast3A_723 = vector.bitcast %gather3A_720 : vector<16xi32> to vector<32xbf16>
      %bitcast3A_724 = vector.bitcast %gather3A_721 : vector<16xi32> to vector<32xbf16>
      %mul3A_725 = arith.mulf %bitcast3A_722, %bitcast3A_723 : vector<32xbf16>
      %mul3A_726 = arith.mulf %mul3A_725, %bitcast3A_724 : vector<32xbf16>
      %unpack3A_727 = tpu.unpack_subelements %mul3A_726, 0 {pack_format = #tpu.pack_format<interleaved>} : vector<32xbf16> -> vector<16xf32>
      %unpack3A_728 = tpu.unpack_subelements %mul3A_726, 1 {pack_format = #tpu.pack_format<interleaved>} : vector<32xbf16> -> vector<16xf32>
      %add3A_729 = arith.addf %add3A_699, %unpack3A_727 : vector<16xf32>
      %add3A_730 = arith.addf %add3A_700, %unpack3A_728 : vector<16xf32>
      %add3A_731 = arith.constant 1 : i32
      %add3A_732 = vector.broadcast %add3A_731 : i32 to vector<16xi32>
      %add3A_733 = arith.addi %add3A_718, %add3A_732 : vector<16xi32>
      %gather3A_734 = tpu.vector_load_idx %arg14[%add3A_79, %add3A_733] : memref<400x64xi32, #tpu.memory_space<vmem>>[vector<16xi32>, vector<16xi32>], vector<16xi32>,
      %gather3A_735 = tpu.vector_load_idx %arg16[%add3A_79, %add3A_733] : memref<400x64xi32, #tpu.memory_space<vmem>>[vector<16xi32>, vector<16xi32>], vector<16xi32>,
      %gather3A_736 = tpu.vector_load_idx %arg18[%get3A_82, %add3A_733] : memref<237x64xi32, #tpu.memory_space<vmem>>[vector<16xi32>, vector<16xi32>], vector<16xi32>,
      %bitcast3A_737 = vector.bitcast %gather3A_734 : vector<16xi32> to vector<32xbf16>
      %bitcast3A_738 = vector.bitcast %gather3A_735 : vector<16xi32> to vector<32xbf16>
      %bitcast3A_739 = vector.bitcast %gather3A_736 : vector<16xi32> to vector<32xbf16>
      %mul3A_740 = arith.mulf %bitcast3A_737, %bitcast3A_738 : vector<32xbf16>
      %mul3A_741 = arith.mulf %mul3A_740, %bitcast3A_739 : vector<32xbf16>
      %unpack3A_742 = tpu.unpack_subelements %mul3A_741, 0 {pack_format = #tpu.pack_format<interleaved>} : vector<32xbf16> -> vector<16xf32>
      %unpack3A_743 = tpu.unpack_subelements %mul3A_741, 1 {pack_format = #tpu.pack_format<interleaved>} : vector<32xbf16> -> vector<16xf32>
      %add3A_744 = arith.addf %add3A_714, %unpack3A_742 : vector<16xf32>
      %add3A_745 = arith.addf %add3A_715, %unpack3A_743 : vector<16xf32>
      %add3A_746 = arith.constant 1 : i32
      %add3A_747 = vector.broadcast %add3A_746 : i32 to vector<16xi32>
      %add3A_748 = arith.addi %add3A_733, %add3A_747 : vector<16xi32>
      %gather3A_749 = tpu.vector_load_idx %arg14[%add3A_79, %add3A_748] : memref<400x64xi32, #tpu.memory_space<vmem>>[vector<16xi32>, vector<16xi32>], vector<16xi32>,
      %gather3A_750 = tpu.vector_load_idx %arg16[%add3A_79, %add3A_748] : memref<400x64xi32, #tpu.memory_space<vmem>>[vector<16xi32>, vector<16xi32>], vector<16xi32>,
      %gather3A_751 = tpu.vector_load_idx %arg18[%get3A_82, %add3A_748] : memref<237x64xi32, #tpu.memory_space<vmem>>[vector<16xi32>, vector<16xi32>], vector<16xi32>,
      %bitcast3A_752 = vector.bitcast %gather3A_749 : vector<16xi32> to vector<32xbf16>
      %bitcast3A_753 = vector.bitcast %gather3A_750 : vector<16xi32> to vector<32xbf16>
      %bitcast3A_754 = vector.bitcast %gather3A_751 : vector<16xi32> to vector<32xbf16>
      %mul3A_755 = arith.mulf %bitcast3A_752, %bitcast3A_753 : vector<32xbf16>
      %mul3A_756 = arith.mulf %mul3A_755, %bitcast3A_754 : vector<32xbf16>
      %unpack3A_757 = tpu.unpack_subelements %mul3A_756, 0 {pack_format = #tpu.pack_format<interleaved>} : vector<32xbf16> -> vector<16xf32>
      %unpack3A_758 = tpu.unpack_subelements %mul3A_756, 1 {pack_format = #tpu.pack_format<interleaved>} : vector<32xbf16> -> vector<16xf32>
      %add3A_759 = arith.addf %add3A_729, %unpack3A_757 : vector<16xf32>
      %add3A_760 = arith.addf %add3A_730, %unpack3A_758 : vector<16xf32>
      %add3A_761 = arith.constant 1 : i32
      %add3A_762 = vector.broadcast %add3A_761 : i32 to vector<16xi32>
      %add3A_763 = arith.addi %add3A_748, %add3A_762 : vector<16xi32>
      %gather3A_764 = tpu.vector_load_idx %arg14[%add3A_79, %add3A_763] : memref<400x64xi32, #tpu.memory_space<vmem>>[vector<16xi32>, vector<16xi32>], vector<16xi32>,
      %gather3A_765 = tpu.vector_load_idx %arg16[%add3A_79, %add3A_763] : memref<400x64xi32, #tpu.memory_space<vmem>>[vector<16xi32>, vector<16xi32>], vector<16xi32>,
      %gather3A_766 = tpu.vector_load_idx %arg18[%get3A_82, %add3A_763] : memref<237x64xi32, #tpu.memory_space<vmem>>[vector<16xi32>, vector<16xi32>], vector<16xi32>,
      %bitcast3A_767 = vector.bitcast %gather3A_764 : vector<16xi32> to vector<32xbf16>
      %bitcast3A_768 = vector.bitcast %gather3A_765 : vector<16xi32> to vector<32xbf16>
      %bitcast3A_769 = vector.bitcast %gather3A_766 : vector<16xi32> to vector<32xbf16>
      %mul3A_770 = arith.mulf %bitcast3A_767, %bitcast3A_768 : vector<32xbf16>
      %mul3A_771 = arith.mulf %mul3A_770, %bitcast3A_769 : vector<32xbf16>
      %unpack3A_772 = tpu.unpack_subelements %mul3A_771, 0 {pack_format = #tpu.pack_format<interleaved>} : vector<32xbf16> -> vector<16xf32>
      %unpack3A_773 = tpu.unpack_subelements %mul3A_771, 1 {pack_format = #tpu.pack_format<interleaved>} : vector<32xbf16> -> vector<16xf32>
      %add3A_774 = arith.addf %add3A_744, %unpack3A_772 : vector<16xf32>
      %add3A_775 = arith.addf %add3A_745, %unpack3A_773 : vector<16xf32>
      %add3A_776 = arith.constant 1 : i32
      %add3A_777 = vector.broadcast %add3A_776 : i32 to vector<16xi32>
      %add3A_778 = arith.addi %add3A_763, %add3A_777 : vector<16xi32>
      %gather3A_779 = tpu.vector_load_idx %arg14[%add3A_79, %add3A_778] : memref<400x64xi32, #tpu.memory_space<vmem>>[vector<16xi32>, vector<16xi32>], vector<16xi32>,
      %gather3A_780 = tpu.vector_load_idx %arg16[%add3A_79, %add3A_778] : memref<400x64xi32, #tpu.memory_space<vmem>>[vector<16xi32>, vector<16xi32>], vector<16xi32>,
      %gather3A_781 = tpu.vector_load_idx %arg18[%get3A_82, %add3A_778] : memref<237x64xi32, #tpu.memory_space<vmem>>[vector<16xi32>, vector<16xi32>], vector<16xi32>,
      %bitcast3A_782 = vector.bitcast %gather3A_779 : vector<16xi32> to vector<32xbf16>
      %bitcast3A_783 = vector.bitcast %gather3A_780 : vector<16xi32> to vector<32xbf16>
      %bitcast3A_784 = vector.bitcast %gather3A_781 : vector<16xi32> to vector<32xbf16>
      %mul3A_785 = arith.mulf %bitcast3A_782, %bitcast3A_783 : vector<32xbf16>
      %mul3A_786 = arith.mulf %mul3A_785, %bitcast3A_784 : vector<32xbf16>
      %unpack3A_787 = tpu.unpack_subelements %mul3A_786, 0 {pack_format = #tpu.pack_format<interleaved>} : vector<32xbf16> -> vector<16xf32>
      %unpack3A_788 = tpu.unpack_subelements %mul3A_786, 1 {pack_format = #tpu.pack_format<interleaved>} : vector<32xbf16> -> vector<16xf32>
      %add3A_789 = arith.addf %add3A_759, %unpack3A_787 : vector<16xf32>
      %add3A_790 = arith.addf %add3A_760, %unpack3A_788 : vector<16xf32>
      %add3A_791 = arith.constant 1 : i32
      %add3A_792 = vector.broadcast %add3A_791 : i32 to vector<16xi32>
      %add3A_793 = arith.addi %add3A_778, %add3A_792 : vector<16xi32>
      %gather3A_794 = tpu.vector_load_idx %arg14[%add3A_79, %add3A_793] : memref<400x64xi32, #tpu.memory_space<vmem>>[vector<16xi32>, vector<16xi32>], vector<16xi32>,
      %gather3A_795 = tpu.vector_load_idx %arg16[%add3A_79, %add3A_793] : memref<400x64xi32, #tpu.memory_space<vmem>>[vector<16xi32>, vector<16xi32>], vector<16xi32>,
      %gather3A_796 = tpu.vector_load_idx %arg18[%get3A_82, %add3A_793] : memref<237x64xi32, #tpu.memory_space<vmem>>[vector<16xi32>, vector<16xi32>], vector<16xi32>,
      %bitcast3A_797 = vector.bitcast %gather3A_794 : vector<16xi32> to vector<32xbf16>
      %bitcast3A_798 = vector.bitcast %gather3A_795 : vector<16xi32> to vector<32xbf16>
      %bitcast3A_799 = vector.bitcast %gather3A_796 : vector<16xi32> to vector<32xbf16>
      %mul3A_800 = arith.mulf %bitcast3A_797, %bitcast3A_798 : vector<32xbf16>
      %mul3A_801 = arith.mulf %mul3A_800, %bitcast3A_799 : vector<32xbf16>
      %unpack3A_802 = tpu.unpack_subelements %mul3A_801, 0 {pack_format = #tpu.pack_format<interleaved>} : vector<32xbf16> -> vector<16xf32>
      %unpack3A_803 = tpu.unpack_subelements %mul3A_801, 1 {pack_format = #tpu.pack_format<interleaved>} : vector<32xbf16> -> vector<16xf32>
      %add3A_804 = arith.addf %add3A_774, %unpack3A_802 : vector<16xf32>
      %add3A_805 = arith.addf %add3A_775, %unpack3A_803 : vector<16xf32>
      %add3A_806 = arith.constant 1 : i32
      %add3A_807 = vector.broadcast %add3A_806 : i32 to vector<16xi32>
      %add3A_808 = arith.addi %add3A_793, %add3A_807 : vector<16xi32>
      %gather3A_809 = tpu.vector_load_idx %arg14[%add3A_79, %add3A_808] : memref<400x64xi32, #tpu.memory_space<vmem>>[vector<16xi32>, vector<16xi32>], vector<16xi32>,
      %gather3A_810 = tpu.vector_load_idx %arg16[%add3A_79, %add3A_808] : memref<400x64xi32, #tpu.memory_space<vmem>>[vector<16xi32>, vector<16xi32>], vector<16xi32>,
      %gather3A_811 = tpu.vector_load_idx %arg18[%get3A_82, %add3A_808] : memref<237x64xi32, #tpu.memory_space<vmem>>[vector<16xi32>, vector<16xi32>], vector<16xi32>,
      %bitcast3A_812 = vector.bitcast %gather3A_809 : vector<16xi32> to vector<32xbf16>
      %bitcast3A_813 = vector.bitcast %gather3A_810 : vector<16xi32> to vector<32xbf16>
      %bitcast3A_814 = vector.bitcast %gather3A_811 : vector<16xi32> to vector<32xbf16>
      %mul3A_815 = arith.mulf %bitcast3A_812, %bitcast3A_813 : vector<32xbf16>
      %mul3A_816 = arith.mulf %mul3A_815, %bitcast3A_814 : vector<32xbf16>
      %unpack3A_817 = tpu.unpack_subelements %mul3A_816, 0 {pack_format = #tpu.pack_format<interleaved>} : vector<32xbf16> -> vector<16xf32>
      %unpack3A_818 = tpu.unpack_subelements %mul3A_816, 1 {pack_format = #tpu.pack_format<interleaved>} : vector<32xbf16> -> vector<16xf32>
      %add3A_819 = arith.addf %add3A_789, %unpack3A_817 : vector<16xf32>
      %add3A_820 = arith.addf %add3A_790, %unpack3A_818 : vector<16xf32>
      %add3A_821 = arith.constant 1 : i32
      %add3A_822 = vector.broadcast %add3A_821 : i32 to vector<16xi32>
      %add3A_823 = arith.addi %add3A_808, %add3A_822 : vector<16xi32>
      %gather3A_824 = tpu.vector_load_idx %arg14[%add3A_79, %add3A_823] : memref<400x64xi32, #tpu.memory_space<vmem>>[vector<16xi32>, vector<16xi32>], vector<16xi32>,
      %gather3A_825 = tpu.vector_load_idx %arg16[%add3A_79, %add3A_823] : memref<400x64xi32, #tpu.memory_space<vmem>>[vector<16xi32>, vector<16xi32>], vector<16xi32>,
      %gather3A_826 = tpu.vector_load_idx %arg18[%get3A_82, %add3A_823] : memref<237x64xi32, #tpu.memory_space<vmem>>[vector<16xi32>, vector<16xi32>], vector<16xi32>,
      %bitcast3A_827 = vector.bitcast %gather3A_824 : vector<16xi32> to vector<32xbf16>
      %bitcast3A_828 = vector.bitcast %gather3A_825 : vector<16xi32> to vector<32xbf16>
      %bitcast3A_829 = vector.bitcast %gather3A_826 : vector<16xi32> to vector<32xbf16>
      %mul3A_830 = arith.mulf %bitcast3A_827, %bitcast3A_828 : vector<32xbf16>
      %mul3A_831 = arith.mulf %mul3A_830, %bitcast3A_829 : vector<32xbf16>
      %unpack3A_832 = tpu.unpack_subelements %mul3A_831, 0 {pack_format = #tpu.pack_format<interleaved>} : vector<32xbf16> -> vector<16xf32>
      %unpack3A_833 = tpu.unpack_subelements %mul3A_831, 1 {pack_format = #tpu.pack_format<interleaved>} : vector<32xbf16> -> vector<16xf32>
      %add3A_834 = arith.addf %add3A_804, %unpack3A_832 : vector<16xf32>
      %add3A_835 = arith.addf %add3A_805, %unpack3A_833 : vector<16xf32>
      %add3A_836 = arith.constant 1 : i32
      %add3A_837 = vector.broadcast %add3A_836 : i32 to vector<16xi32>
      %add3A_838 = arith.addi %add3A_823, %add3A_837 : vector<16xi32>
      %gather3A_839 = tpu.vector_load_idx %arg14[%add3A_79, %add3A_838] : memref<400x64xi32, #tpu.memory_space<vmem>>[vector<16xi32>, vector<16xi32>], vector<16xi32>,
      %gather3A_840 = tpu.vector_load_idx %arg16[%add3A_79, %add3A_838] : memref<400x64xi32, #tpu.memory_space<vmem>>[vector<16xi32>, vector<16xi32>], vector<16xi32>,
      %gather3A_841 = tpu.vector_load_idx %arg18[%get3A_82, %add3A_838] : memref<237x64xi32, #tpu.memory_space<vmem>>[vector<16xi32>, vector<16xi32>], vector<16xi32>,
      %bitcast3A_842 = vector.bitcast %gather3A_839 : vector<16xi32> to vector<32xbf16>
      %bitcast3A_843 = vector.bitcast %gather3A_840 : vector<16xi32> to vector<32xbf16>
      %bitcast3A_844 = vector.bitcast %gather3A_841 : vector<16xi32> to vector<32xbf16>
      %mul3A_845 = arith.mulf %bitcast3A_842, %bitcast3A_843 : vector<32xbf16>
      %mul3A_846 = arith.mulf %mul3A_845, %bitcast3A_844 : vector<32xbf16>
      %unpack3A_847 = tpu.unpack_subelements %mul3A_846, 0 {pack_format = #tpu.pack_format<interleaved>} : vector<32xbf16> -> vector<16xf32>
      %unpack3A_848 = tpu.unpack_subelements %mul3A_846, 1 {pack_format = #tpu.pack_format<interleaved>} : vector<32xbf16> -> vector<16xf32>
      %add3A_849 = arith.addf %add3A_819, %unpack3A_847 : vector<16xf32>
      %add3A_850 = arith.addf %add3A_820, %unpack3A_848 : vector<16xf32>
      %add3A_851 = arith.constant 1 : i32
      %add3A_852 = vector.broadcast %add3A_851 : i32 to vector<16xi32>
      %add3A_853 = arith.addi %add3A_838, %add3A_852 : vector<16xi32>
      %gather3A_854 = tpu.vector_load_idx %arg14[%add3A_79, %add3A_853] : memref<400x64xi32, #tpu.memory_space<vmem>>[vector<16xi32>, vector<16xi32>], vector<16xi32>,
      %gather3A_855 = tpu.vector_load_idx %arg16[%add3A_79, %add3A_853] : memref<400x64xi32, #tpu.memory_space<vmem>>[vector<16xi32>, vector<16xi32>], vector<16xi32>,
      %gather3A_856 = tpu.vector_load_idx %arg18[%get3A_82, %add3A_853] : memref<237x64xi32, #tpu.memory_space<vmem>>[vector<16xi32>, vector<16xi32>], vector<16xi32>,
      %bitcast3A_857 = vector.bitcast %gather3A_854 : vector<16xi32> to vector<32xbf16>
      %bitcast3A_858 = vector.bitcast %gather3A_855 : vector<16xi32> to vector<32xbf16>
      %bitcast3A_859 = vector.bitcast %gather3A_856 : vector<16xi32> to vector<32xbf16>
      %mul3A_860 = arith.mulf %bitcast3A_857, %bitcast3A_858 : vector<32xbf16>
      %mul3A_861 = arith.mulf %mul3A_860, %bitcast3A_859 : vector<32xbf16>
      %unpack3A_862 = tpu.unpack_subelements %mul3A_861, 0 {pack_format = #tpu.pack_format<interleaved>} : vector<32xbf16> -> vector<16xf32>
      %unpack3A_863 = tpu.unpack_subelements %mul3A_861, 1 {pack_format = #tpu.pack_format<interleaved>} : vector<32xbf16> -> vector<16xf32>
      %add3A_864 = arith.addf %add3A_834, %unpack3A_862 : vector<16xf32>
      %add3A_865 = arith.addf %add3A_835, %unpack3A_863 : vector<16xf32>
      %add3A_866 = arith.constant 1 : i32
      %add3A_867 = vector.broadcast %add3A_866 : i32 to vector<16xi32>
      %add3A_868 = arith.addi %add3A_853, %add3A_867 : vector<16xi32>
      %gather3A_869 = tpu.vector_load_idx %arg14[%add3A_79, %add3A_868] : memref<400x64xi32, #tpu.memory_space<vmem>>[vector<16xi32>, vector<16xi32>], vector<16xi32>,
      %gather3A_870 = tpu.vector_load_idx %arg16[%add3A_79, %add3A_868] : memref<400x64xi32, #tpu.memory_space<vmem>>[vector<16xi32>, vector<16xi32>], vector<16xi32>,
      %gather3A_871 = tpu.vector_load_idx %arg18[%get3A_82, %add3A_868] : memref<237x64xi32, #tpu.memory_space<vmem>>[vector<16xi32>, vector<16xi32>], vector<16xi32>,
      %bitcast3A_872 = vector.bitcast %gather3A_869 : vector<16xi32> to vector<32xbf16>
      %bitcast3A_873 = vector.bitcast %gather3A_870 : vector<16xi32> to vector<32xbf16>
      %bitcast3A_874 = vector.bitcast %gather3A_871 : vector<16xi32> to vector<32xbf16>
      %mul3A_875 = arith.mulf %bitcast3A_872, %bitcast3A_873 : vector<32xbf16>
      %mul3A_876 = arith.mulf %mul3A_875, %bitcast3A_874 : vector<32xbf16>
      %unpack3A_877 = tpu.unpack_subelements %mul3A_876, 0 {pack_format = #tpu.pack_format<interleaved>} : vector<32xbf16> -> vector<16xf32>
      %unpack3A_878 = tpu.unpack_subelements %mul3A_876, 1 {pack_format = #tpu.pack_format<interleaved>} : vector<32xbf16> -> vector<16xf32>
      %add3A_879 = arith.addf %add3A_849, %unpack3A_877 : vector<16xf32>
      %add3A_880 = arith.addf %add3A_850, %unpack3A_878 : vector<16xf32>
      %add3A_881 = arith.constant 1 : i32
      %add3A_882 = vector.broadcast %add3A_881 : i32 to vector<16xi32>
      %add3A_883 = arith.addi %add3A_868, %add3A_882 : vector<16xi32>
      %gather3A_884 = tpu.vector_load_idx %arg14[%add3A_79, %add3A_883] : memref<400x64xi32, #tpu.memory_space<vmem>>[vector<16xi32>, vector<16xi32>], vector<16xi32>,
      %gather3A_885 = tpu.vector_load_idx %arg16[%add3A_79, %add3A_883] : memref<400x64xi32, #tpu.memory_space<vmem>>[vector<16xi32>, vector<16xi32>], vector<16xi32>,
      %gather3A_886 = tpu.vector_load_idx %arg18[%get3A_82, %add3A_883] : memref<237x64xi32, #tpu.memory_space<vmem>>[vector<16xi32>, vector<16xi32>], vector<16xi32>,
      %bitcast3A_887 = vector.bitcast %gather3A_884 : vector<16xi32> to vector<32xbf16>
      %bitcast3A_888 = vector.bitcast %gather3A_885 : vector<16xi32> to vector<32xbf16>
      %bitcast3A_889 = vector.bitcast %gather3A_886 : vector<16xi32> to vector<32xbf16>
      %mul3A_890 = arith.mulf %bitcast3A_887, %bitcast3A_888 : vector<32xbf16>
      %mul3A_891 = arith.mulf %mul3A_890, %bitcast3A_889 : vector<32xbf16>
      %unpack3A_892 = tpu.unpack_subelements %mul3A_891, 0 {pack_format = #tpu.pack_format<interleaved>} : vector<32xbf16> -> vector<16xf32>
      %unpack3A_893 = tpu.unpack_subelements %mul3A_891, 1 {pack_format = #tpu.pack_format<interleaved>} : vector<32xbf16> -> vector<16xf32>
      %add3A_894 = arith.addf %add3A_864, %unpack3A_892 : vector<16xf32>
      %add3A_895 = arith.addf %add3A_865, %unpack3A_893 : vector<16xf32>
      %add3A_896 = arith.constant 1 : i32
      %add3A_897 = vector.broadcast %add3A_896 : i32 to vector<16xi32>
      %add3A_898 = arith.addi %add3A_883, %add3A_897 : vector<16xi32>
      %gather3A_899 = tpu.vector_load_idx %arg14[%add3A_79, %add3A_898] : memref<400x64xi32, #tpu.memory_space<vmem>>[vector<16xi32>, vector<16xi32>], vector<16xi32>,
      %gather3A_900 = tpu.vector_load_idx %arg16[%add3A_79, %add3A_898] : memref<400x64xi32, #tpu.memory_space<vmem>>[vector<16xi32>, vector<16xi32>], vector<16xi32>,
      %gather3A_901 = tpu.vector_load_idx %arg18[%get3A_82, %add3A_898] : memref<237x64xi32, #tpu.memory_space<vmem>>[vector<16xi32>, vector<16xi32>], vector<16xi32>,
      %bitcast3A_902 = vector.bitcast %gather3A_899 : vector<16xi32> to vector<32xbf16>
      %bitcast3A_903 = vector.bitcast %gather3A_900 : vector<16xi32> to vector<32xbf16>
      %bitcast3A_904 = vector.bitcast %gather3A_901 : vector<16xi32> to vector<32xbf16>
      %mul3A_905 = arith.mulf %bitcast3A_902, %bitcast3A_903 : vector<32xbf16>
      %mul3A_906 = arith.mulf %mul3A_905, %bitcast3A_904 : vector<32xbf16>
      %unpack3A_907 = tpu.unpack_subelements %mul3A_906, 0 {pack_format = #tpu.pack_format<interleaved>} : vector<32xbf16> -> vector<16xf32>
      %unpack3A_908 = tpu.unpack_subelements %mul3A_906, 1 {pack_format = #tpu.pack_format<interleaved>} : vector<32xbf16> -> vector<16xf32>
      %add3A_909 = arith.addf %add3A_879, %unpack3A_907 : vector<16xf32>
      %add3A_910 = arith.addf %add3A_880, %unpack3A_908 : vector<16xf32>
      %add3A_911 = arith.constant 1 : i32
      %add3A_912 = vector.broadcast %add3A_911 : i32 to vector<16xi32>
      %add3A_913 = arith.addi %add3A_898, %add3A_912 : vector<16xi32>
      %gather3A_914 = tpu.vector_load_idx %arg14[%add3A_79, %add3A_913] : memref<400x64xi32, #tpu.memory_space<vmem>>[vector<16xi32>, vector<16xi32>], vector<16xi32>,
      %gather3A_915 = tpu.vector_load_idx %arg16[%add3A_79, %add3A_913] : memref<400x64xi32, #tpu.memory_space<vmem>>[vector<16xi32>, vector<16xi32>], vector<16xi32>,
      %gather3A_916 = tpu.vector_load_idx %arg18[%get3A_82, %add3A_913] : memref<237x64xi32, #tpu.memory_space<vmem>>[vector<16xi32>, vector<16xi32>], vector<16xi32>,
      %bitcast3A_917 = vector.bitcast %gather3A_914 : vector<16xi32> to vector<32xbf16>
      %bitcast3A_918 = vector.bitcast %gather3A_915 : vector<16xi32> to vector<32xbf16>
      %bitcast3A_919 = vector.bitcast %gather3A_916 : vector<16xi32> to vector<32xbf16>
      %mul3A_920 = arith.mulf %bitcast3A_917, %bitcast3A_918 : vector<32xbf16>
      %mul3A_921 = arith.mulf %mul3A_920, %bitcast3A_919 : vector<32xbf16>
      %unpack3A_922 = tpu.unpack_subelements %mul3A_921, 0 {pack_format = #tpu.pack_format<interleaved>} : vector<32xbf16> -> vector<16xf32>
      %unpack3A_923 = tpu.unpack_subelements %mul3A_921, 1 {pack_format = #tpu.pack_format<interleaved>} : vector<32xbf16> -> vector<16xf32>
      %add3A_924 = arith.addf %add3A_894, %unpack3A_922 : vector<16xf32>
      %add3A_925 = arith.addf %add3A_895, %unpack3A_923 : vector<16xf32>
      %add3A_926 = arith.constant 1 : i32
      %add3A_927 = vector.broadcast %add3A_926 : i32 to vector<16xi32>
      %add3A_928 = arith.addi %add3A_913, %add3A_927 : vector<16xi32>
      %gather3A_929 = tpu.vector_load_idx %arg14[%add3A_79, %add3A_928] : memref<400x64xi32, #tpu.memory_space<vmem>>[vector<16xi32>, vector<16xi32>], vector<16xi32>,
      %gather3A_930 = tpu.vector_load_idx %arg16[%add3A_79, %add3A_928] : memref<400x64xi32, #tpu.memory_space<vmem>>[vector<16xi32>, vector<16xi32>], vector<16xi32>,
      %gather3A_931 = tpu.vector_load_idx %arg18[%get3A_82, %add3A_928] : memref<237x64xi32, #tpu.memory_space<vmem>>[vector<16xi32>, vector<16xi32>], vector<16xi32>,
      %bitcast3A_932 = vector.bitcast %gather3A_929 : vector<16xi32> to vector<32xbf16>
      %bitcast3A_933 = vector.bitcast %gather3A_930 : vector<16xi32> to vector<32xbf16>
      %bitcast3A_934 = vector.bitcast %gather3A_931 : vector<16xi32> to vector<32xbf16>
      %mul3A_935 = arith.mulf %bitcast3A_932, %bitcast3A_933 : vector<32xbf16>
      %mul3A_936 = arith.mulf %mul3A_935, %bitcast3A_934 : vector<32xbf16>
      %unpack3A_937 = tpu.unpack_subelements %mul3A_936, 0 {pack_format = #tpu.pack_format<interleaved>} : vector<32xbf16> -> vector<16xf32>
      %unpack3A_938 = tpu.unpack_subelements %mul3A_936, 1 {pack_format = #tpu.pack_format<interleaved>} : vector<32xbf16> -> vector<16xf32>
      %add3A_939 = arith.addf %add3A_909, %unpack3A_937 : vector<16xf32>
      %add3A_940 = arith.addf %add3A_910, %unpack3A_938 : vector<16xf32>
      %add3A_941 = arith.constant 1 : i32
      %add3A_942 = vector.broadcast %add3A_941 : i32 to vector<16xi32>
      %add3A_943 = arith.addi %add3A_928, %add3A_942 : vector<16xi32>
      %gather3A_944 = tpu.vector_load_idx %arg14[%add3A_79, %add3A_943] : memref<400x64xi32, #tpu.memory_space<vmem>>[vector<16xi32>, vector<16xi32>], vector<16xi32>,
      %gather3A_945 = tpu.vector_load_idx %arg16[%add3A_79, %add3A_943] : memref<400x64xi32, #tpu.memory_space<vmem>>[vector<16xi32>, vector<16xi32>], vector<16xi32>,
      %gather3A_946 = tpu.vector_load_idx %arg18[%get3A_82, %add3A_943] : memref<237x64xi32, #tpu.memory_space<vmem>>[vector<16xi32>, vector<16xi32>], vector<16xi32>,
      %bitcast3A_947 = vector.bitcast %gather3A_944 : vector<16xi32> to vector<32xbf16>
      %bitcast3A_948 = vector.bitcast %gather3A_945 : vector<16xi32> to vector<32xbf16>
      %bitcast3A_949 = vector.bitcast %gather3A_946 : vector<16xi32> to vector<32xbf16>
      %mul3A_950 = arith.mulf %bitcast3A_947, %bitcast3A_948 : vector<32xbf16>
      %mul3A_951 = arith.mulf %mul3A_950, %bitcast3A_949 : vector<32xbf16>
      %unpack3A_952 = tpu.unpack_subelements %mul3A_951, 0 {pack_format = #tpu.pack_format<interleaved>} : vector<32xbf16> -> vector<16xf32>
      %unpack3A_953 = tpu.unpack_subelements %mul3A_951, 1 {pack_format = #tpu.pack_format<interleaved>} : vector<32xbf16> -> vector<16xf32>
      %add3A_954 = arith.addf %add3A_924, %unpack3A_952 : vector<16xf32>
      %add3A_955 = arith.addf %add3A_925, %unpack3A_953 : vector<16xf32>
      %add3A_956 = arith.constant 1 : i32
      %add3A_957 = vector.broadcast %add3A_956 : i32 to vector<16xi32>
      %add3A_958 = arith.addi %add3A_943, %add3A_957 : vector<16xi32>
      %gather3A_959 = tpu.vector_load_idx %arg14[%add3A_79, %add3A_958] : memref<400x64xi32, #tpu.memory_space<vmem>>[vector<16xi32>, vector<16xi32>], vector<16xi32>,
      %gather3A_960 = tpu.vector_load_idx %arg16[%add3A_79, %add3A_958] : memref<400x64xi32, #tpu.memory_space<vmem>>[vector<16xi32>, vector<16xi32>], vector<16xi32>,
      %gather3A_961 = tpu.vector_load_idx %arg18[%get3A_82, %add3A_958] : memref<237x64xi32, #tpu.memory_space<vmem>>[vector<16xi32>, vector<16xi32>], vector<16xi32>,
      %bitcast3A_962 = vector.bitcast %gather3A_959 : vector<16xi32> to vector<32xbf16>
      %bitcast3A_963 = vector.bitcast %gather3A_960 : vector<16xi32> to vector<32xbf16>
      %bitcast3A_964 = vector.bitcast %gather3A_961 : vector<16xi32> to vector<32xbf16>
      %mul3A_965 = arith.mulf %bitcast3A_962, %bitcast3A_963 : vector<32xbf16>
      %mul3A_966 = arith.mulf %mul3A_965, %bitcast3A_964 : vector<32xbf16>
      %unpack3A_967 = tpu.unpack_subelements %mul3A_966, 0 {pack_format = #tpu.pack_format<interleaved>} : vector<32xbf16> -> vector<16xf32>
      %unpack3A_968 = tpu.unpack_subelements %mul3A_966, 1 {pack_format = #tpu.pack_format<interleaved>} : vector<32xbf16> -> vector<16xf32>
      %add3A_969 = arith.addf %add3A_939, %unpack3A_967 : vector<16xf32>
      %add3A_970 = arith.addf %add3A_940, %unpack3A_968 : vector<16xf32>
      %add3A_971 = arith.constant 1 : i32
      %add3A_972 = vector.broadcast %add3A_971 : i32 to vector<16xi32>
      %add3A_973 = arith.addi %add3A_958, %add3A_972 : vector<16xi32>
      %gather3A_974 = tpu.vector_load_idx %arg14[%add3A_79, %add3A_973] : memref<400x64xi32, #tpu.memory_space<vmem>>[vector<16xi32>, vector<16xi32>], vector<16xi32>,
      %gather3A_975 = tpu.vector_load_idx %arg16[%add3A_79, %add3A_973] : memref<400x64xi32, #tpu.memory_space<vmem>>[vector<16xi32>, vector<16xi32>], vector<16xi32>,
      %gather3A_976 = tpu.vector_load_idx %arg18[%get3A_82, %add3A_973] : memref<237x64xi32, #tpu.memory_space<vmem>>[vector<16xi32>, vector<16xi32>], vector<16xi32>,
      %bitcast3A_977 = vector.bitcast %gather3A_974 : vector<16xi32> to vector<32xbf16>
      %bitcast3A_978 = vector.bitcast %gather3A_975 : vector<16xi32> to vector<32xbf16>
      %bitcast3A_979 = vector.bitcast %gather3A_976 : vector<16xi32> to vector<32xbf16>
      %mul3A_980 = arith.mulf %bitcast3A_977, %bitcast3A_978 : vector<32xbf16>
      %mul3A_981 = arith.mulf %mul3A_980, %bitcast3A_979 : vector<32xbf16>
      %unpack3A_982 = tpu.unpack_subelements %mul3A_981, 0 {pack_format = #tpu.pack_format<interleaved>} : vector<32xbf16> -> vector<16xf32>
      %unpack3A_983 = tpu.unpack_subelements %mul3A_981, 1 {pack_format = #tpu.pack_format<interleaved>} : vector<32xbf16> -> vector<16xf32>
      %add3A_984 = arith.addf %add3A_954, %unpack3A_982 : vector<16xf32>
      %add3A_985 = arith.addf %add3A_955, %unpack3A_983 : vector<16xf32>
      %add3A_986 = arith.constant 1 : i32
      %add3A_987 = vector.broadcast %add3A_986 : i32 to vector<16xi32>
      %add3A_988 = arith.addi %add3A_973, %add3A_987 : vector<16xi32>
      %gather3A_989 = tpu.vector_load_idx %arg14[%add3A_79, %add3A_988] : memref<400x64xi32, #tpu.memory_space<vmem>>[vector<16xi32>, vector<16xi32>], vector<16xi32>,
      %gather3A_990 = tpu.vector_load_idx %arg16[%add3A_79, %add3A_988] : memref<400x64xi32, #tpu.memory_space<vmem>>[vector<16xi32>, vector<16xi32>], vector<16xi32>,
      %gather3A_991 = tpu.vector_load_idx %arg18[%get3A_82, %add3A_988] : memref<237x64xi32, #tpu.memory_space<vmem>>[vector<16xi32>, vector<16xi32>], vector<16xi32>,
      %bitcast3A_992 = vector.bitcast %gather3A_989 : vector<16xi32> to vector<32xbf16>
      %bitcast3A_993 = vector.bitcast %gather3A_990 : vector<16xi32> to vector<32xbf16>
      %bitcast3A_994 = vector.bitcast %gather3A_991 : vector<16xi32> to vector<32xbf16>
      %mul3A_995 = arith.mulf %bitcast3A_992, %bitcast3A_993 : vector<32xbf16>
      %mul3A_996 = arith.mulf %mul3A_995, %bitcast3A_994 : vector<32xbf16>
      %unpack3A_997 = tpu.unpack_subelements %mul3A_996, 0 {pack_format = #tpu.pack_format<interleaved>} : vector<32xbf16> -> vector<16xf32>
      %unpack3A_998 = tpu.unpack_subelements %mul3A_996, 1 {pack_format = #tpu.pack_format<interleaved>} : vector<32xbf16> -> vector<16xf32>
      %add3A_999 = arith.addf %add3A_969, %unpack3A_997 : vector<16xf32>
      %add3A_1000 = arith.addf %add3A_970, %unpack3A_998 : vector<16xf32>
      %add3A_1001 = arith.constant 1 : i32
      %add3A_1002 = vector.broadcast %add3A_1001 : i32 to vector<16xi32>
      %add3A_1003 = arith.addi %add3A_988, %add3A_1002 : vector<16xi32>
      %gather3A_1004 = tpu.vector_load_idx %arg14[%add3A_79, %add3A_1003] : memref<400x64xi32, #tpu.memory_space<vmem>>[vector<16xi32>, vector<16xi32>], vector<16xi32>,
      %gather3A_1005 = tpu.vector_load_idx %arg16[%add3A_79, %add3A_1003] : memref<400x64xi32, #tpu.memory_space<vmem>>[vector<16xi32>, vector<16xi32>], vector<16xi32>,
      %gather3A_1006 = tpu.vector_load_idx %arg18[%get3A_82, %add3A_1003] : memref<237x64xi32, #tpu.memory_space<vmem>>[vector<16xi32>, vector<16xi32>], vector<16xi32>,
      %bitcast3A_1007 = vector.bitcast %gather3A_1004 : vector<16xi32> to vector<32xbf16>
      %bitcast3A_1008 = vector.bitcast %gather3A_1005 : vector<16xi32> to vector<32xbf16>
      %bitcast3A_1009 = vector.bitcast %gather3A_1006 : vector<16xi32> to vector<32xbf16>
      %mul3A_1010 = arith.mulf %bitcast3A_1007, %bitcast3A_1008 : vector<32xbf16>
      %mul3A_1011 = arith.mulf %mul3A_1010, %bitcast3A_1009 : vector<32xbf16>
      %unpack3A_1012 = tpu.unpack_subelements %mul3A_1011, 0 {pack_format = #tpu.pack_format<interleaved>} : vector<32xbf16> -> vector<16xf32>
      %unpack3A_1013 = tpu.unpack_subelements %mul3A_1011, 1 {pack_format = #tpu.pack_format<interleaved>} : vector<32xbf16> -> vector<16xf32>
      %add3A_1014 = arith.addf %add3A_984, %unpack3A_1012 : vector<16xf32>
      %add3A_1015 = arith.addf %add3A_985, %unpack3A_1013 : vector<16xf32>
      %add3A_1016 = arith.constant 1 : i32
      %add3A_1017 = vector.broadcast %add3A_1016 : i32 to vector<16xi32>
      %add3A_1018 = arith.addi %add3A_1003, %add3A_1017 : vector<16xi32>
      %gather3A_1019 = tpu.vector_load_idx %arg14[%add3A_79, %add3A_1018] : memref<400x64xi32, #tpu.memory_space<vmem>>[vector<16xi32>, vector<16xi32>], vector<16xi32>,
      %gather3A_1020 = tpu.vector_load_idx %arg16[%add3A_79, %add3A_1018] : memref<400x64xi32, #tpu.memory_space<vmem>>[vector<16xi32>, vector<16xi32>], vector<16xi32>,
      %gather3A_1021 = tpu.vector_load_idx %arg18[%get3A_82, %add3A_1018] : memref<237x64xi32, #tpu.memory_space<vmem>>[vector<16xi32>, vector<16xi32>], vector<16xi32>,
      %bitcast3A_1022 = vector.bitcast %gather3A_1019 : vector<16xi32> to vector<32xbf16>
      %bitcast3A_1023 = vector.bitcast %gather3A_1020 : vector<16xi32> to vector<32xbf16>
      %bitcast3A_1024 = vector.bitcast %gather3A_1021 : vector<16xi32> to vector<32xbf16>
      %mul3A_1025 = arith.mulf %bitcast3A_1022, %bitcast3A_1023 : vector<32xbf16>
      %mul3A_1026 = arith.mulf %mul3A_1025, %bitcast3A_1024 : vector<32xbf16>
      %unpack3A_1027 = tpu.unpack_subelements %mul3A_1026, 0 {pack_format = #tpu.pack_format<interleaved>} : vector<32xbf16> -> vector<16xf32>
      %unpack3A_1028 = tpu.unpack_subelements %mul3A_1026, 1 {pack_format = #tpu.pack_format<interleaved>} : vector<32xbf16> -> vector<16xf32>
      %add3A_1029 = arith.addf %add3A_999, %unpack3A_1027 : vector<16xf32>
      %add3A_1030 = arith.addf %add3A_1000, %unpack3A_1028 : vector<16xf32>
      %add3A_1031 = arith.constant 1 : i32
      %add3A_1032 = vector.broadcast %add3A_1031 : i32 to vector<16xi32>
      %add3A_1033 = arith.addi %add3A_1018, %add3A_1032 : vector<16xi32>
      %gather3A_1034 = tpu.vector_load_idx %arg14[%add3A_79, %add3A_1033] : memref<400x64xi32, #tpu.memory_space<vmem>>[vector<16xi32>, vector<16xi32>], vector<16xi32>,
      %gather3A_1035 = tpu.vector_load_idx %arg16[%add3A_79, %add3A_1033] : memref<400x64xi32, #tpu.memory_space<vmem>>[vector<16xi32>, vector<16xi32>], vector<16xi32>,
      %gather3A_1036 = tpu.vector_load_idx %arg18[%get3A_82, %add3A_1033] : memref<237x64xi32, #tpu.memory_space<vmem>>[vector<16xi32>, vector<16xi32>], vector<16xi32>,
      %bitcast3A_1037 = vector.bitcast %gather3A_1034 : vector<16xi32> to vector<32xbf16>
      %bitcast3A_1038 = vector.bitcast %gather3A_1035 : vector<16xi32> to vector<32xbf16>
      %bitcast3A_1039 = vector.bitcast %gather3A_1036 : vector<16xi32> to vector<32xbf16>
      %mul3A_1040 = arith.mulf %bitcast3A_1037, %bitcast3A_1038 : vector<32xbf16>
      %mul3A_1041 = arith.mulf %mul3A_1040, %bitcast3A_1039 : vector<32xbf16>
      %unpack3A_1042 = tpu.unpack_subelements %mul3A_1041, 0 {pack_format = #tpu.pack_format<interleaved>} : vector<32xbf16> -> vector<16xf32>
      %unpack3A_1043 = tpu.unpack_subelements %mul3A_1041, 1 {pack_format = #tpu.pack_format<interleaved>} : vector<32xbf16> -> vector<16xf32>
      %add3A_1044 = arith.addf %add3A_1014, %unpack3A_1042 : vector<16xf32>
      %add3A_1045 = arith.addf %add3A_1015, %unpack3A_1043 : vector<16xf32>
      %add3A_1046 = arith.constant 1 : i32
      %add3A_1047 = vector.broadcast %add3A_1046 : i32 to vector<16xi32>
      %add3A_1048 = arith.addi %add3A_1033, %add3A_1047 : vector<16xi32>
      %add3A_1049 = arith.addf %add3A_1029, %add3A_1030 : vector<16xf32>
      %add3A_1050 = arith.addf %add3A_1044, %add3A_1045 : vector<16xf32>
      %add3A_1051 = arith.addf %add3A_1049, %add3A_1050 : vector<16xf32>
      %mul3A_1052 = arith.constant 16 : i32
      %mul3A_1053 = arith.muli %scan3A_74, %mul3A_1052 : i32
      %swap3A = arith.index_cast %mul3A_1053 : i32 to index
      %swap3A_1054 = tpu.vector_load %arg19[%swap3A] {strides = array<i32>} : memref<400xf32, #tpu.memory_space<vmem>>, vector<16xf32>,
      tpu.vector_store %arg19[%swap3A], %add3A_1051 {strides = array<i32>} : memref<400xf32, #tpu.memory_space<vmem>>, vector<16xf32>,
      %scan3A_1055 = arith.constant 0 : i32
      scf.yield %scan3A_1055 : i32
    }
    %scan3A_61 = arith.constant 25 : i32
    %add3A_62 = arith.constant 9600 : i32
    %add3A_63 = arith.addi %mul3A_2, %add3A_62 : i32
    %dma_start3A_64 = tpu.memref_slice %arg7[%add3A_63] : memref<320000xf32, #tpu.memory_space<hbm>> -> memref<400xf32, #tpu.memory_space<hbm>>
    %dma_start3A_65 = tpu.memref_slice %arg7[%add3A_63] : memref<320000xf32, #tpu.memory_space<hbm>> -> memref<400xf32, #tpu.memory_space<hbm>>
    tpu.enqueue_dma source(%arg19 : memref<400xf32, #tpu.memory_space<vmem>>) target(%dma_start3A_65 : memref<400xf32, #tpu.memory_space<hbm>>) target_semaphore(%arg27 : memref<!tpu.dma_semaphore, #tpu.memory_space<semaphore_mem>>)
    %dma_wait3A_66 = arith.constant 0 : i32
    %dma_wait3A_67 = tpu.memref_slice %arg7[%dma_wait3A_66] : memref<320000xf32, #tpu.memory_space<hbm>> -> memref<400xf32, #tpu.memory_space<hbm>>
    %dma_wait3A_68 = arith.constant 0 : i32
    %dma_wait3A_69 = tpu.memref_slice %arg7[%dma_wait3A_68] : memref<320000xf32, #tpu.memory_space<hbm>> -> memref<400xf32, #tpu.memory_space<hbm>>
    tpu.wait_dma2 semaphore(%arg27 : memref<!tpu.dma_semaphore, #tpu.memory_space<semaphore_mem>>) src(%arg19 : memref<400xf32, #tpu.memory_space<vmem>>) dst(%dma_wait3A_69 : memref<400xf32, #tpu.memory_space<hbm>>)
    %dma_wait3A_70 = arith.constant 0 : i32
    %dma_wait3A_71 = tpu.memref_slice %arg7[%dma_wait3A_70] : memref<320000xf32, #tpu.memory_space<hbm>> -> memref<400xf32, #tpu.memory_space<hbm>>
    %dma_wait3A_72 = arith.constant 0 : i32
    %dma_wait3A_73 = tpu.memref_slice %arg7[%dma_wait3A_72] : memref<320000xf32, #tpu.memory_space<hbm>> -> memref<400xf32, #tpu.memory_space<hbm>>
    tpu.wait_dma2 semaphore(%arg28 : memref<!tpu.dma_semaphore, #tpu.memory_space<semaphore_mem>>) src(%arg20 : memref<400xf32, #tpu.memory_space<vmem>>) dst(%dma_wait3A_73 : memref<400xf32, #tpu.memory_space<hbm>>)
    return
  }
}

</mosaic_0001>

<sc_bundles>
// kernel: kernel.3.cloned.1.call-start
scs
__scs_entry_jumppad:
0x0: {  	(pc) =	sbr.rel $0x88, $3  }
0x1: {  	(tag) =	ssettag $0x0;
	lr =	simm.s32 $0x1  }
0x2: {  	[smem:$0x3F9D] =	sst lr;
	_ =	strace $0xD0000000  }
0x3: {  	_ = 	snop  }
0x4: {  	_ = 	snop  }
0x5: {  	_ = 	snop  }
0x6: {  	_ = 	snop  }
0x7: {  	_ = 	snop  }
__scs_overlays_trampoline_lowered:
0x8: {  	[smem:$0x3FAC] =	sst s0  }
0x9: {  	[smem:$0x3FAD] =	sst s1  }
0xa: {  	[smem:$0x3FAE] =	sst s2  }
0xb: {  	[smem:$0x3FAF] =	sst s3  }
0xc: {  	[smem:$0x3FB0] =	sst s4  }
0xd: {  	[smem:$0x3FB1] =	sst s5  }
0xe: {  	[smem:$0x3FB2] =	sst s6  }
0xf: {  	[smem:$0x3FB3] =	sst s7  }
0x10: {  	[smem:$0x3FB4] =	sst s8  }
0x11: {  	[smem:$0x3FB5] =	sst s9;
	s0 =	simm.s32 @!p0 $0x0  }
0x12: {  	s1 =	sld [smem:$0x3F9B];
	s0 =	simm.s32 @p0 $0x1  }
0x13: {  	[smem:$0x3FB6] =	sst s0;
	s0 =	simm.s32 @!p1 $0x0  }
0x14: {  	s2 =	sld [smem:$0x3F9A];
	s0 =	simm.s32 @p1 $0x1  }
0x15: {  	[smem:$0x3FB7] =	sst s0;
	s0 =	simm.s32 @!p2 $0x0  }
0x16: {  	s3 =	sld [smem:$0x3FDB];
	s0 =	simm.s32 @p2 $0x1  }
0x17: {  	s4 =	simm.s32 $0x1BF5;
	[smem:$0x3FB9] =	sst s0  }
0x18: {  	s0 =	sld [smem:$0x3F9C];
	_ =	swait.ge [sflag:s4], $0x0  }
0x19: {  	s7 =	sld [smem:$0x3F9D]  }
0x1a: {  	s8 =	sadd.s32 $0xFFFFE003, lr  }
0x1b: {  	s9 =	sadd.s32 $0xFFFFFEF7, lr;
	s5 =	simm.s32 $0xFFFFFFFF;
	p2 =	slt.u32 s8, $0xFFFFF086  }
0x1c: {  	p1 =	slt.u32 s9, $0xF7A;
	s5 =	simm.s32 @!p2 $0x0  }
0x1d: {  	s5 =	simm.s32 @p1 $0x1;
	p0 =	seq.s32 s7, s2  }
0x1e: {  	s7 =	smul.u32 @!p0 $0xF7A, s2;
	p2 =	seq.s32 @!p0 s5, $0x0  }
0x1f: {  	s9 =	smul.u32 $0xF7A, s1;
	s8 =	simm.s32 @!p0 $0x1BF5;
	p2 =	por !p2, p0  }
0x20: {  	[sflag:s8] =	ssyncset.s32 @!p0 $0xFFFFF086;
	s6 =	sadd.s32 @!p0 s3, s7;
	s7 =	simm.s32 @!p0 $0x108  }
0x21: {  	s3 =	sadd.s32 s3, s9;
	s6 =	sadd.s32 @!p0 $0x88, s6;
	s7 =	simm.s32 @p2 $0x1082  }
0x22: {  	[simem:s7], [sflag:s8] =	dma.local @!p0 [hbm:s6], $0xF7A  }
0x23: {  	s9 =	sor.u32 $0xD0000000, s2;
	s6 =	simm.s32 $0x108;
	_ =	swait.ge @!p0 [sflag:s8], $0x0  }
0x24: {  	s3 =	sadd.s32 $0x88, s3;
	s6 =	simm.s32 @!p1 $0x1082;
	[sflag:s4] =	ssyncset.s32 $0xFFFFF086  }
0x25: {  	[simem:s6], [sflag:s4] =	dma.local [hbm:s3], $0xF7A  }
0x26: {  	[smem:$0x3F9D] =	sst s1;
	(tag) =	ssettag s2;
	_ =	strace s9  }
0x27: {  	s1 =	sld [smem:$0x3FAD]  }
0x28: {  	s2 =	sld [smem:$0x3FAE]  }
0x29: {  	s4 =	sld [smem:$0x3FB0]  }
0x2a: {  	p0 =	seq.s32 s5, $0x0;
	s5 =	sld [smem:$0x3FB1]  }
0x2b: {  	s6 =	sld [smem:$0x3FB2]  }
0x2c: {  	s7 =	sld [smem:$0x3FB3]  }
0x2d: {  	s3 =	simm.s32 $0x108;
	s8 =	sld [smem:$0x3FB4]  }
0x2e: {  	s3 =	simm.s32 @!p0 $0x1082;
	s9 =	sld [smem:$0x3FB5]  }
0x2f: {  	lr =	sadd.s32 s0, s3;
	s0 =	sld [smem:$0x3FAC]  }
0x30: {  	s3 =	sld [smem:$0x3FAF]  }
0x31: {  	[smem:$0x3FB8] =	sst s10  }
0x32: {  	s10 =	sld [smem:$0x3FB6];
	_ =	sdelay $0x3  }
0x33: {  	p0 =	seq.s32 s10, $0x1;
	s10 =	sld [smem:$0x3FB8];
	_ =	sdelay $0x3  }
0x34: {  	[smem:$0x3FB8] =	sst s10  }
0x35: {  	s10 =	sld [smem:$0x3FB7];
	_ =	sdelay $0x3  }
0x36: {  	p1 =	seq.s32 s10, $0x1;
	s10 =	sld [smem:$0x3FB8];
	_ =	sdelay $0x3  }
0x37: {  	[smem:$0x3FB8] =	sst s10  }
0x38: {  	s10 =	sld [smem:$0x3FB9]  }
0x39: {  	_ = 	snop;
	(pc) =	sbr.ind lr, $3  }
0x3a: {  	_ = 	snop  }
0x3b: {  	_ = 	snop  }
0x3c: {  	p2 =	seq.s32 s10, $0x1;
	s10 =	sld [smem:$0x3FB8]  }
0x3d: {  	_ =	shalt  }
0x3e: {  	_ =	shalt  }
0x3f: {  	_ =	shalt  }
0x40: {  	_ =	shalt  }
0x41: {  	_ =	shalt  }
0x42: {  	_ =	shalt  }
0x43: {  	_ =	shalt  }
0x44: {  	_ =	shalt  }
0x45: {  	_ =	shalt  }
0x46: {  	_ =	shalt  }
0x47: {  	_ =	shalt  }
0x48: {  	_ =	shalt  }
0x49: {  	_ =	shalt  }
0x4a: {  	_ =	shalt  }
0x4b: {  	_ =	shalt  }
0x4c: {  	_ =	shalt  }
0x4d: {  	_ =	shalt  }
0x4e: {  	_ =	shalt  }
0x4f: {  	_ =	shalt  }
0x50: {  	_ =	shalt  }
0x51: {  	_ =	shalt  }
0x52: {  	_ =	shalt  }
0x53: {  	_ =	shalt  }
0x54: {  	_ =	shalt  }
0x55: {  	_ =	shalt  }
0x56: {  	_ =	shalt  }
0x57: {  	_ =	shalt  }
0x58: {  	_ =	shalt  }
0x59: {  	_ =	shalt  }
0x5a: {  	_ =	shalt  }
0x5b: {  	_ =	shalt  }
0x5c: {  	_ =	shalt  }
0x5d: {  	_ =	shalt  }
0x5e: {  	_ =	shalt  }
0x5f: {  	_ =	shalt  }
0x60: {  	_ =	shalt  }
0x61: {  	_ =	shalt  }
0x62: {  	_ =	shalt  }
0x63: {  	_ =	shalt  }
0x64: {  	_ =	shalt  }
0x65: {  	_ =	shalt  }
0x66: {  	_ =	shalt  }
0x67: {  	_ =	shalt  }
0x68: {  	_ =	shalt  }
0x69: {  	_ =	shalt  }
0x6a: {  	_ =	shalt  }
0x6b: {  	_ =	shalt  }
0x6c: {  	_ =	shalt  }
0x6d: {  	_ =	shalt  }
0x6e: {  	_ =	shalt  }
0x6f: {  	_ =	shalt  }
0x70: {  	_ =	shalt  }
0x71: {  	_ =	shalt  }
0x72: {  	_ =	shalt  }
0x73: {  	_ =	shalt  }
0x74: {  	_ =	shalt  }
0x75: {  	_ =	shalt  }
0x76: {  	_ =	shalt  }
0x77: {  	_ =	shalt  }
0x78: {  	_ =	shalt  }
0x79: {  	_ =	shalt  }
0x7a: {  	_ =	shalt  }
0x7b: {  	_ =	shalt  }
0x7c: {  	_ =	shalt  }
0x7d: {  	_ =	shalt  }
0x7e: {  	_ =	shalt  }
0x7f: {  	_ =	shalt  }
0x80: {  	_ =	shalt  }
0x81: {  	_ =	shalt  }
0x82: {  	_ =	shalt  }
0x83: {  	_ =	shalt  }
0x84: {  	_ =	shalt  }
0x85: {  	_ =	shalt  }
0x86: {  	_ =	shalt  }
0x87: {  	_ =	shalt  }
.Lfunc_end0:
.L_simem_size_0:
called_computation_lowered:
.L_overlay_start_0:
0x88: {  	s2 =	sld [smem:$0x3FD9]  }
0x89: {  	s3 =	sld [smem:$0x3FFE];
	_ =	sdelay $0x1  }
0x8a: {  	s1 =	srdreg.scid  }
0x8b: {  	s0 =	sand.u32 $0x1, s1  }
0x8c: {  	s17 =	sshll.u32 s0, $0xA;
	s2 =	sadd.s32 s3, s2  }
0x8d: {  	s2 =	sadd.s32 s2, s17  }
0x8e: {  	[smem:$0x3FC4] =	sst s2  }
0x8f: {  	_ = 	snop  }
0x90: {  	s2 =	sld [smem:$0x3FC8]  }
0x91: {  	s18 =	sld [smem:$0x3FD0];
	(tm) =	ssettm $0x1  }
0x92: {  	s4 =	sld [smem:$0x3FFB];
	_ =	sdelay $0x3  }
0x93: {  	_ =	strace s4  }
0x94: {  	s4 =	sld [smem:$0x3FFC];
	_ =	sdelay $0x3  }
0x95: {  	_ =	strace s4  }
0x96: {  	s4 =	sld [smem:$0x3FFD];
	_ =	sdelay $0x3  }
0x97: {  	_ =	strace s4  }
0x98: {  	_ =	strace $0x8FFFFFFF  }
0x99: {  	s19 =	sld [smem:$0x3FDB];
	_ =	sdelay $0x1  }
0x9a: {  	s5 =	simm.s32 $_scs_section_size  }
0x9b: {  	s6 =	simm.s32 $_size__tile_overlayer_lowered;
	s7 =	simm.s32 $_tile_overlayer_lowered  }
0x9c: {  	s22 =	simm.s32 $0x1BFF;
	s21 =	sshll.u32 s7, $0x1;
	s4 =	sadd.s32 s5, s19  }
0x9d: {  	s8 =	simm.s32 $0x0;
	s20 =	sshll.u32 s6, $0x1;
	s6 =	sadd.s32 s21, s4  }
0x9e: {  	[timem:s8], [sflag:s22] =	dma.local [hbm:s6], s20  }
0x9f: {  	_ =	swait.ge [sflag:s22], s20  }
0xa0: {  	s5 =	ssub.s32 $0x0, s20;
	[sflag:s22] =	ssyncset.done $0x0  }
0xa1: {  	[sflag:s22] =	ssyncadd.s32 s5;
	_ =	sdelay $0x1  }
0xa2: {  	s23 =	simm.s32 $0x1B8B  }
0xa3: {  	_ =	swait.ge [sflag:s23], $0x1  }
0xa4: {  	[sflag:s23] =	ssyncset.done $0x0  }
0xa5: {  	s25 =	simm.s32 $0x1B8E;
	s24 =	sld [smem:$0x3FFE];
	[sflag:s23] =	ssyncadd.s32 $0xFFFFFFFF  }
0xa6: {  	s26 =	simm.s32 $execute0_lowered;
	[smem:$0x3FD2] =	sst s25  }
0xa7: {  	s6 =	sshll.u32 s26, $0x1;
	_ =	strace $0x80000046;
	[dreg:$0x1] =	wrdreg $0xFFFFFFFF  }
0xa8: {  	s28 =	simm.s32 $_size_execute0_lowered;
	s4 =	sadd.s32 s4, s6;
	[dreg:$0x0] =	wrdreg $0x0  }
0xa9: {  	s6 =	sshll.u32 s28, $0x1;
	[dreg:$0x2] =	wrdreg s4  }
0xaa: {  	[dreg:$0x3] =	wrdreg s6  }
0xab: {  	[dreg:$0x4] =	wrdreg $0xC0  }
0xac: {  	_ =	task [dreg:s8], $0x5FFFF  }
0xad: {  	[dreg:$0x1] =	wrdreg $0xFFFFFFFF  }
0xae: {  	[dreg:$0x0] =	wrdreg $0x60  }
0xaf: {  	[dreg:$0x2] =	wrdreg s24  }
0xb0: {  	[dreg:$0x3] =	wrdreg s2  }
0xb1: {  	[dreg:$0x4] =	wrdreg s18  }
0xb2: {  	[dreg:$0x5] =	wrdreg $0x9  }
0xb3: {  	_ =	task.clear_ibuf [dreg:s8], $0x6FFFF;
	_ =	strace $0x90000046  }
0xb4: {  	s29 =	simm.s32 $0x9;
	_ =	strace $0x80000048  }
0xb5: {  	_ =	swait.ge [sflag:s29], $0x1  }
0xb6: {  	[sflag:s29] =	ssyncadd.s32 $0xFFFFFFFF  }
0xb7: {  	_ =	strace $0x90000048  }
0xb8: {  	_ =	sfence  }
0xb9: {  	s30 =	sld [smem:$0x0];
	_ =	sdelay $0x2  }
0xba: {  	s31 =	sshll.u32 s1, $0xD;
	s1 =	sshrl.u32 s1, $0x2  }
0xbb: {  	s3 =	sand.u32 $0x4000, s31;
	s1 =	sadd.s32 s1, s30  }
0xbc: {  	s0 =	sor.u32 s3, s0;
	s1 =	sshll.u32 s1, $0x11  }
0xbd: {  	s0 =	sor.u32 s1, s0  }
0xbe: {  	s0 =	sadd.s32 $0x8F2B, s0  }
0xbf: {  	[sflag:s0] =	ssyncadd.remote.s32 $0x1  }
0xc0: {  	_ =	sfence.sel $0xFFFF  }
0xc1: {  	[dreg:$0x0] =	wrdreg $0xFFFFFFFF;
	(pc) =	sbr.abs _section_cstart, $3  }
0xc2: {  	[dreg:$0x1] =	wrdreg $0xFFFFFFFF  }
0xc3: {  	_ =	task.clear_ibuf [dreg:s8], $0x2FFFF;
	_ =	strace $0x9FFFFFFF  }
0xc4: {  	(tm) =	ssettm $0x7FFFFFFF  }
0xc5: {  	_ =	shalt  }
tec
execute0_lowered:
.L_overlay_start_1:
0x0: {  	(tag) =	ssettag $0x1  }
0x1: {  	s1 =	rddreg [dreg:$0x0]  }
0x2: {  	s2 =	rddreg [dreg:$0x1]  }
0x3: {  	s4 =	rddreg [dreg:$0x2];
	s5 =	simm.s32 $0x0;
	s0 =	srdreg.scid  }
0x4: {  	s3 =	stileid.u32;
	s28 =	simm.s32 $0x1;
	s29 =	simm.s32 $0x960  }
0x5: {  	s30 =	simm.s32 $0xD160;
	s31 =	simm.s32 $0x2;
	s12 =	simm.s32 $0x1D4A0  }
0x6: {  	s13 =	simm.s32 $0x6;
	s14 =	simm.s32 $0x4;
	s18 =	simm.s32 $0x8  }
0x7: {  	s16 =	simm.s32 $0x0;
	[smem:$0x7FF] =	sst s5;
	s0 =	sand.u32 $0x1, s0  }
0x8: {  	s3 =	sshll.u32 s3, $0x1;
	s6 =	sadd.s32 $0x9E00, s1;
	s8 =	sadd.s32 $0x13C00, s1  }
0x9: {  	s20 =	sadd.s32 $0x27600, s1;
	s3 =	sor.u32 s0, s3;
	s0 =	ssub.s32 $0x2, s0  }
0xa: {  	_ =	strace $0x80000047;
	s7 =	smul.u32 $0x2710, s3;
	s21 =	sshrl.u32 s0, $0x1  }
0xb: {  	[dreg:$0x4] =	wrdreg s20;
	s20 =	simm.s32 $0x19960;
	s0 =	ssub.s32 s0, s21  }
0xc: {  	s22 =	sshrl.u32 s7, $0x3;
	s10 =	sadd.s32 $0x190, s7;
	s0 =	smax.u32 s0, $0x1  }
0xd: {  	s17 =	sadd.s32 $0x320, s7;
	s9 =	sadd.s32 s6, s22;
	[dreg:$0xc] =	wrdreg s0  }
0xe: {  	s23 =	sadd.s32 s1, s22;
	s24 =	sshrl.u32 s10, $0x3;
	[dreg:$0x5] =	wrdreg s9  }
0xf: {  	s11 =	sadd.s32 s2, s22;
	s3 =	sadd.s32 s4, s22;
	[dreg:$0x6] =	wrdreg s23  }
0x10: {  	s22 =	simm.s32 $0x320;
	[dreg:$0x7] =	wrdreg s11;
	s25 =	sadd.s32 s6, s24  }
0x11: {  	s0 =	simm.s32 $0x6D60;
	s26 =	sadd.s32 s1, s24;
	[dreg:$0x8] =	wrdreg s25  }
0x12: {  	s9 =	sadd.s32 s2, s24;
	s3 =	sadd.s32 $0x4B0, s3;
	[dreg:$0x9] =	wrdreg s26  }
0x13: {  	v0 =	vlaneseq.u32;
	s24 =	simm.s32 $0x190;
	s11 =	simm.s32 $0x3;
	[dreg:$0xa] =	wrdreg s9  }
0x14: {  	v0 =	vmul.u32 $0x40, v0;
	[dreg:$0xb] =	wrdreg s3;
	s3 =	simm.s32 $0x13560;
	s9 =	simm.s32 $0x5  }
.LBB2_1:
0x15: {  	[dreg:$0xd] =	wrdreg s16  }
0x16: {  	s15 =	rddreg [dreg:$0x4];
	s19 =	simm.s32 $0x9  }
0x17: {  	[tilespmem:s20], [sflag:$0x9] =	stream.linear.gather [hbm4b:s15+s5], $0x3B40, $0x38;
	[tilespmem:$0x1D7C0] =	vst v63  }
0x18: {  	_ =	swait.ge [sflag:s19], $0x3B40  }
0x19: {  	[sflag:s19] =	ssyncset.done $0x0  }
0x1a: {  	s21 =	rddreg [dreg:$0x5];
	[sflag:s19] =	ssyncadd.s32 $0xFFFFC4C0  }
0x1b: {  	[tilespmem:s5], [sflag:$0x1] =	stream.linear.gather [hbm4b:s21+s5], $0x190, $0x38;
	[tilespmem:$0x1D7C0] =	vst v63  }
0x1c: {  	s23 =	rddreg [dreg:$0x6]  }
0x1d: {  	[tilespmem:s22], [sflag:$0x1] =	stream.linear.gather [hbm4b:s23+s5], $0x190, $0x38;
	[tilespmem:$0x1D7C0] =	vst v63  }
0x1e: {  	s26 =	simm.s32 $0x640;
	s25 =	rddreg [dreg:$0x7]  }
0x1f: {  	[tilespmem:s26], [sflag:$0x3] =	stream.linear.gather [hbm4b:s25+s5], $0x190, $0x38;
	[tilespmem:$0x1D7C0] =	vst v63  }
0x20: {  	s19 =	rddreg [dreg:$0x8]  }
0x21: {  	[tilespmem:s24], [sflag:$0x2] =	stream.linear.gather [hbm4b:s19+s5], $0x190, $0x38;
	[tilespmem:$0x1D7C0] =	vst v63  }
0x22: {  	s21 =	rddreg [dreg:$0x9];
	s23 =	simm.s32 $0x4B0  }
0x23: {  	[tilespmem:s23], [sflag:$0x2] =	stream.linear.gather [hbm4b:s21+s5], $0x190, $0x38;
	[tilespmem:$0x1D7C0] =	vst v63  }
0x24: {  	s25 =	rddreg [dreg:$0xa];
	s26 =	simm.s32 $0x7D0  }
0x25: {  	[tilespmem:s26], [sflag:$0x4] =	stream.linear.gather [hbm4b:s25+s5], $0x190, $0x38;
	[tilespmem:$0x1D7C0] =	vst v63  }
0x26: {  	_ =	swait.ge [sflag:s28], $0x190  }
0x27: {  	[sflag:s28] =	ssyncset.done $0x0  }
0x28: {  	[sflag:s28] =	ssyncadd.s32 $0xFFFFFE70  }
0x29: {  	_ =	swait.ge [sflag:s28], $0x190  }
0x2a: {  	[sflag:s28] =	ssyncset.done $0x0  }
0x2b: {  	[sflag:s28] =	ssyncadd.s32 $0xFFFFFE70  }
0x2c: {  	[tilespmem:s29], [sflag:$0x5] =	stream.indirect.gather [hbm4b:s8+s24], $0x40, s5, s24, $0xb8;
	[tilespmem:$0x1D7C0] =	vst v63  }
0x2d: {  	s21 =	simm.s32 $0x0  }
0x2e: {  	[tilespmem:s30], [sflag:$0x5] =	stream.indirect.gather [hbm4b:s8+s24], $0x40, s22, s24, $0xb8;
	[tilespmem:$0x1D7C0] =	vst v63  }
.LBB2_2:
0x2f: {  	_ =	swait.ge [sflag:s31], $0x190  }
0x30: {  	[sflag:s31] =	ssyncset.done $0x0  }
0x31: {  	[sflag:s31] =	ssyncadd.s32 $0xFFFFFE70  }
0x32: {  	_ =	swait.ge [sflag:s31], $0x190  }
0x33: {  	[sflag:s31] =	ssyncset.done $0x0  }
0x34: {  	[sflag:s31] =	ssyncadd.s32 $0xFFFFFE70  }
0x35: {  	[tilespmem:s0], [sflag:$0x6] =	stream.indirect.gather [hbm4b:s8+s24], $0x40, s24, s24, $0xb8;
	[tilespmem:$0x1D7C0] =	vst v63  }
0x36: {  	s15 =	simm.s32 $0x4B0  }
0x37: {  	[tilespmem:s3], [sflag:$0x6] =	stream.indirect.gather [hbm4b:s8+s24], $0x40, s15, s24, $0xb8;
	[tilespmem:$0x1D7C0] =	vst v63  }
0x38: {  	_ =	swait.ge [sflag:s9], $0x6400  }
0x39: {  	s16 =	smul.u32 $0x320, s21;
	[sflag:s9] =	ssyncset.done $0x0  }
0x3a: {  	[sflag:s9] =	ssyncadd.s32 $0xFFFF9C00  }
0x3b: {  	s25 =	sadd.s32 s16, s17;
	_ =	swait.ge [sflag:s9], $0x6400  }
0x3c: {  	s19 =	sshrl.u32 s25, $0x3;
	[sflag:s9] =	ssyncset.done $0x0  }
0x3d: {  	p0 =	seq.s32 s21, $0x0;
	s15 =	sadd.s32 s6, s19;
	[sflag:s9] =	ssyncadd.s32 $0xFFFF9C00  }
0x3e: {  	[tilespmem:s5], [sflag:$0x1] =	stream.linear.gather [hbm4b:s15+s5], $0x190, $0x38;
	[tilespmem:$0x1D7C0] =	vst v63  }
0x3f: {  	s26 =	sadd.s32 s1, s19;
	s15 =	simm.s32 @!p0 $0x7  }
0x40: {  	[tilespmem:s22], [sflag:$0x1] =	stream.linear.gather [hbm4b:s26+s5], $0x190, $0x38;
	[tilespmem:$0x1D7C0] =	vst v63  }
0x41: {  	_ =	swait.ge @!p0 [sflag:s15], $0x190  }
0x42: {  	[sflag:s15] =	ssyncset.done @!p0 $0x0  }
0x43: {  	[sflag:s15] =	ssyncadd.s32 @!p0 $0xFFFFFE70  }
0x44: {  	_ =	swait.ge [sflag:s11], $0x190  }
0x45: {  	s23 =	simm.s32 $0x640;
	s25 =	simm.s32 $0x1D4A0;
	[sflag:s11] =	ssyncset.done $0x0  }
0x46: {  	s26 =	sshll.u32 s21, $0x1;
	s15 =	simm.s32 $0x0;
	[sflag:s11] =	ssyncadd.s32 $0xFFFFFE70  }
.LBB2_3:
0x47: {  	v2 =	vmov s15  }
0x48: {  	v2 =	vshll.u32 v2, $0x6  }
0x49: {  	v2 =	vor.u32 v0, v2;
	_ =	sdelay $0x1  }
0x4a: {  	v3 =	vor.u32 $0x1, v2;
	_ =	sdelay $0x1  }
0x4b: {  	v1 =	vld [tilespmem:s23+$0x0];
	v7 =	vor.u32 $0x2, v2  }
0x4c: {  	v4 =	vld.idx.msk [tilespmem:v2+s29+$0x0], $0xffff  }
0x4d: {  	v11 =	vor.u32 $0x3, v2;
	v6 =	vld.idx.msk [tilespmem:v2+s30+$0x0], $0xffff  }
0x4e: {  	v9 =	vld.idx.msk [tilespmem:v3+s29+$0x0], $0xffff  }
0x4f: {  	v14 =	vor.u32 $0x4, v2;
	v3 =	vld.idx.msk [tilespmem:v3+s30+$0x0], $0xffff  }
0x50: {  	v12 =	vld.idx.msk [tilespmem:v7+s29+$0x0], $0xffff  }
0x51: {  	v17 =	vor.u32 $0x5, v2;
	v7 =	vld.idx.msk [tilespmem:v7+s30+$0x0], $0xffff  }
0x52: {  	v15 =	vld.idx.msk [tilespmem:v11+s29+$0x0], $0xffff  }
0x53: {  	v20 =	vor.u32 $0x6, v2;
	v11 =	vld.idx.msk [tilespmem:v11+s30+$0x0], $0xffff  }
0x54: {  	v18 =	vld.idx.msk [tilespmem:v14+s29+$0x0], $0xffff  }
0x55: {  	v31 =	vor.u32 $0x7, v2;
	v14 =	vld.idx.msk [tilespmem:v14+s30+$0x0], $0xffff  }
0x56: {  	v29 =	vld.idx.msk [tilespmem:v17+s29+$0x0], $0xffff  }
0x57: {  	v35 =	vor.u32 $0x8, v2;
	v30 =	vld.idx.msk [tilespmem:v17+s30+$0x0], $0xffff  }
0x58: {  	v22 =	vld.idx.msk [tilespmem:v20+s29+$0x0], $0xffff  }
0x59: {  	v40 =	vor.u32 $0x9, v2;
	v34 =	vld.idx.msk [tilespmem:v20+s30+$0x0], $0xffff  }
0x5a: {  	v46 =	vor.u32 $0xA, v2;
	v24 =	vld.idx.msk [tilespmem:v31+s29+$0x0], $0xffff  }
0x5b: {  	v39 =	vld.idx.msk [tilespmem:v31+s30+$0x0], $0xffff  }
0x5c: {  	v52 =	vor.u32 $0xB, v2;
	v44 =	vld.idx.msk [tilespmem:v35+s29+$0x0], $0xffff  }
0x5d: {  	v1 =	vshll.u32 v1, $0x6;
	v45 =	vld.idx.msk [tilespmem:v35+s30+$0x0], $0xffff  }
0x5e: {  	v5 =	vor.u32 $0x1, v1;
	v50 =	vld.idx.msk [tilespmem:v40+s29+$0x0], $0xffff  }
0x5f: {  	v10 =	vor.u32 $0x2, v1;
	v56 =	vld.idx.msk [tilespmem:v46+s29+$0x0], $0xffff  }
0x60: {  	v13 =	vor.u32 $0x3, v1;
	v20 =	vld.idx.msk [tilespmem:v46+s30+$0x0], $0xffff  }
0x61: {  	v16 =	vor.u32 $0x4, v1;
	v62 =	vld.idx.msk [tilespmem:v52+s29+$0x0], $0xffff  }
0x62: {  	v19 =	vor.u32 $0x5, v1;
	v8 =	vld.idx.msk [tilespmem:v1+s20+$0x0], $0xffff  }
0x63: {  	v21 =	vor.u32 $0x6, v1;
	v5 =	vld.idx.msk [tilespmem:v5+s20+$0x0], $0xffff  }
0x64: {  	v23 =	vor.u32 $0x7, v1;
	v10 =	vld.idx.msk [tilespmem:v10+s20+$0x0], $0xffff  }
0x65: {  	v25 =	vor.u32 $0x8, v1;
	v13 =	vld.idx.msk [tilespmem:v13+s20+$0x0], $0xffff  }
0x66: {  	v26 =	vor.u32 $0x9, v1;
	v28 =	vld.idx.msk [tilespmem:v16+s20+$0x0], $0xffff  }
0x67: {  	v51 =	vor.u32 $0xA, v1;
	v32 =	vld.idx.msk [tilespmem:v19+s20+$0x0], $0xffff  }
0x68: {  	v36 =	vld.idx.msk [tilespmem:v21+s20+$0x0], $0xffff  }
0x69: {  	v42 =	vld.idx.msk [tilespmem:v23+s20+$0x0], $0xffff  }
0x6a: {  	v57 =	vor.u32 $0xB, v1;
	v48 =	vld.idx.msk [tilespmem:v25+s20+$0x0], $0xffff;
	v4 =	vmul.bf16 v6, v4  }
0x6b: {  	v58 =	vor.u32 $0xC, v2;
	v54 =	vld.idx.msk [tilespmem:v26+s20+$0x0], $0xffff;
	v3 =	vmul.bf16 v3, v9;
	v7 =	vmul.bf16 v7, v12  }
0x6c: {  	v35 =	vor.u32 $0xE, v2;
	v60 =	vld.idx.msk [tilespmem:v51+s20+$0x0], $0xffff;
	v38 =	vmul.bf16 v11, v15;
	v14 =	vmul.bf16 v14, v18  }
0x6d: {  	v16 =	vld.idx.msk [tilespmem:v52+s30+$0x0], $0xffff;
	v11 =	vmul.bf16 v39, v24;
	v4 =	vmul.bf16 v8, v4  }
0x6e: {  	v63 =	vor.u32 $0xC, v1;
	v15 =	vld.idx.msk [tilespmem:v40+s30+$0x0], $0xffff;
	v8 =	vmul.bf16 v30, v29;
	v3 =	vmul.bf16 v5, v3  }
0x6f: {  	v30 =	vld.idx.msk [tilespmem:v57+s20+$0x0], $0xffff;
	v7 =	vmul.bf16 v10, v7;
	v6 =	vmul.bf16 v28, v14;
	v28 =	vor.u32 $0xD, v2  }
0x70: {  	v10 =	vmul.bf16 v13, v38;
	v5 =	vmul.bf16 v34, v22;
	v34 =	vld.idx.msk [tilespmem:v58+s30+$0x0], $0xffff  }
0x71: {  	v40 =	vor.u32 $0xE, v1;
	v11 =	vmul.bf16 v42, v11;
	v13 =	vmul.bf16 v45, v44;
	v45 =	vld.idx.msk [tilespmem:v35+s29+$0x0], $0xffff  }
0x72: {  	v42 =	vor.u32 $0xF, v2;
	v8 =	vmul.bf16 v32, v8;
	v32 =	vld.idx.msk [tilespmem:v58+s29+$0x0], $0xffff;
	v37 =	vunpack.i.u.bf16.f32 v3  }
0x73: {  	v33 =	vunpack.i.u.bf16.f32 v4;
	v41 =	vadd.f32 $0.0e+00, v37;
	v37 =	vld.idx.msk [tilespmem:v63+s20+$0x0], $0xffff  }
0x74: {  	v46 =	vor.u32 $0xF, v1;
	v19 =	vadd.f32 $0.0e+00, v33;
	v49 =	vunpack.i.u.bf16.f32 v10;
	v39 =	vld.idx.msk [tilespmem:v28+s29+$0x0], $0xffff  }
0x75: {  	v43 =	vunpack.i.u.bf16.f32 v7;
	v33 =	vor.u32 $0xD, v1;
	v53 =	vadd.f32 v49, v41;
	v41 =	vld.idx.msk [tilespmem:v28+s30+$0x0], $0xffff  }
0x76: {  	v52 =	vor.u32 $0x10, v1;
	v9 =	vmul.bf16 v20, v56;
	v47 =	vadd.f32 v43, v19;
	v49 =	vld.idx.msk [tilespmem:v40+s20+$0x0], $0xffff  }
0x77: {  	v55 =	vunpack.i.u.bf16.f32 v6;
	v13 =	vmul.bf16 v48, v13;
	v48 =	vor.u32 $0x10, v2;
	v51 =	vld.idx.msk [tilespmem:v42+s29+$0x0], $0xffff  }
0x78: {  	v4 =	vunpack.i.l.bf16.f32 v4;
	v58 =	vor.u32 $0x11, v1;
	v59 =	vadd.f32 v55, v47;
	v47 =	vld.idx.msk [tilespmem:v35+s30+$0x0], $0xffff  }
0x79: {  	v4 =	vadd.f32 $0.0e+00, v4;
	v3 =	vunpack.i.l.bf16.f32 v3;
	v14 =	vmul.bf16 v15, v50;
	v55 =	vld.idx.msk [tilespmem:v46+s20+$0x0], $0xffff  }
0x7a: {  	v7 =	vunpack.i.l.bf16.f32 v7;
	v5 =	vmul.bf16 v36, v5;
	v61 =	vunpack.i.u.bf16.f32 v8;
	v43 =	vld.idx.msk [tilespmem:v33+s20+$0x0], $0xffff  }
0x7b: {  	v14 =	vmul.bf16 v54, v14;
	v54 =	vor.u32 $0x11, v2;
	v29 =	vadd.f32 v61, v53;
	v53 =	vld.idx.msk [tilespmem:v42+s30+$0x0], $0xffff  }
0x7c: {  	v3 =	vadd.f32 $0.0e+00, v3;
	v4 =	vadd.f32 v7, v4;
	v57 =	vld.idx.msk [tilespmem:v48+s29+$0x0], $0xffff  }
0x7d: {  	v31 =	vunpack.i.u.bf16.f32 v5;
	v7 =	vmul.bf16 v60, v9;
	v60 =	vor.u32 $0x12, v2;
	v61 =	vld.idx.msk [tilespmem:v52+s20+$0x0], $0xffff  }
0x7e: {  	v12 =	vmul.bf16 v16, v62;
	v10 =	vunpack.i.l.bf16.f32 v10;
	v36 =	vadd.f32 v31, v59;
	v59 =	vld.idx.msk [tilespmem:v48+s30+$0x0], $0xffff  }
0x7f: {  	v38 =	vunpack.i.u.bf16.f32 v11;
	v3 =	vadd.f32 v10, v3;
	v28 =	vor.u32 $0x12, v1;
	v31 =	vld.idx.msk [tilespmem:v58+s20+$0x0], $0xffff  }
0x80: {  	v8 =	vunpack.i.l.bf16.f32 v8;
	v10 =	vmul.bf16 v30, v12;
	v30 =	vor.u32 $0x13, v2;
	v63 =	vld.idx.msk [tilespmem:v54+s29+$0x0], $0xffff  }
0x81: {  	v3 =	vadd.f32 v8, v3;
	v8 =	vadd.f32 v38, v29;
	v29 =	vld.idx.msk [tilespmem:v54+s30+$0x0], $0xffff  }
0x82: {  	v18 =	vmul.bf16 v34, v32;
	v34 =	vor.u32 $0x13, v1;
	v33 =	vld.idx.msk [tilespmem:v60+s29+$0x0], $0xffff  }
0x83: {  	v6 =	vunpack.i.l.bf16.f32 v6;
	v42 =	vor.u32 $0x15, v2;
	v35 =	vld.idx.msk [tilespmem:v60+s30+$0x0], $0xffff  }
0x84: {  	v4 =	vadd.f32 v6, v4;
	v6 =	vmul.bf16 v37, v18;
	v37 =	vld.idx.msk [tilespmem:v28+s20+$0x0], $0xffff  }
0x85: {  	v40 =	vor.u32 $0x14, v1;
	v15 =	vmul.bf16 v41, v39;
	v39 =	vld.idx.msk [tilespmem:v30+s29+$0x0], $0xffff  }
0x86: {  	v11 =	vunpack.i.l.bf16.f32 v11;
	v5 =	vunpack.i.l.bf16.f32 v5;
	v48 =	vor.u32 $0x16, v2;
	v41 =	vld.idx.msk [tilespmem:v30+s30+$0x0], $0xffff  }
0x87: {  	v46 =	vor.u32 $0x15, v1;
	v3 =	vadd.f32 v11, v3;
	v11 =	vmul.bf16 v43, v15;
	v43 =	vld.idx.msk [tilespmem:v34+s20+$0x0], $0xffff  }
0x88: {  	v4 =	vadd.f32 v5, v4;
	v17 =	vmul.bf16 v47, v45;
	v9 =	vmul.bf16 v53, v51;
	v51 =	vld.idx.msk [tilespmem:v42+s29+$0x0], $0xffff  }
0x89: {  	v44 =	vunpack.i.u.bf16.f32 v13;
	v13 =	vunpack.i.l.bf16.f32 v13;
	v54 =	vor.u32 $0x17, v2;
	v53 =	vld.idx.msk [tilespmem:v42+s30+$0x0], $0xffff  }
0x8a: {  	v4 =	vadd.f32 v13, v4;
	v13 =	vmul.bf16 v49, v17;
	v49 =	vld.idx.msk [tilespmem:v40+s20+$0x0], $0xffff  }
0x8b: {  	v60 =	vor.u32 $0x18, v2;
	v12 =	vmul.bf16 v59, v57;
	v57 =	vld.idx.msk [tilespmem:v48+s29+$0x0], $0xffff  }
0x8c: {  	v59 =	vld.idx.msk [tilespmem:v48+s30+$0x0], $0xffff  }
0x8d: {  	v5 =	vadd.f32 v44, v36;
	v36 =	vor.u32 $0x14, v2;
	v9 =	vmul.bf16 v55, v9;
	v55 =	vld.idx.msk [tilespmem:v46+s20+$0x0], $0xffff  }
0x8e: {  	v18 =	vmul.bf16 v29, v63;
	v63 =	vld.idx.msk [tilespmem:v54+s29+$0x0], $0xffff  }
0x8f: {  	v52 =	vor.u32 $0x16, v1;
	v29 =	vld.idx.msk [tilespmem:v54+s30+$0x0], $0xffff  }
0x90: {  	v30 =	vor.u32 $0x19, v2;
	v15 =	vmul.bf16 v35, v33;
	v33 =	vld.idx.msk [tilespmem:v60+s29+$0x0], $0xffff  }
0x91: {  	v50 =	vunpack.i.u.bf16.f32 v14;
	v14 =	vunpack.i.l.bf16.f32 v14;
	v35 =	vld.idx.msk [tilespmem:v60+s30+$0x0], $0xffff  }
0x92: {  	v56 =	vunpack.i.u.bf16.f32 v7;
	v7 =	vunpack.i.l.bf16.f32 v7;
	v58 =	vor.u32 $0x17, v1;
	v45 =	vld.idx.msk [tilespmem:v36+s29+$0x0], $0xffff  }
0x93: {  	v62 =	vunpack.i.u.bf16.f32 v10;
	v28 =	vor.u32 $0x18, v1;
	v3 =	vadd.f32 v14, v3;
	v47 =	vld.idx.msk [tilespmem:v36+s30+$0x0], $0xffff  }
0x94: {  	v4 =	vadd.f32 v7, v4;
	v34 =	vor.u32 $0x19, v1;
	v7 =	vmul.bf16 v61, v12;
	v61 =	vld.idx.msk [tilespmem:v52+s20+$0x0], $0xffff  }
0x95: {  	v10 =	vunpack.i.l.bf16.f32 v10;
	v42 =	vor.u32 $0x1B, v2;
	v16 =	vmul.bf16 v41, v39;
	v39 =	vld.idx.msk [tilespmem:v30+s29+$0x0], $0xffff  }
0x96: {  	v32 =	vunpack.i.u.bf16.f32 v6;
	v6 =	vunpack.i.l.bf16.f32 v6;
	v3 =	vadd.f32 v10, v3;
	v41 =	vld.idx.msk [tilespmem:v30+s30+$0x0], $0xffff  }
0x97: {  	v48 =	vor.u32 $0x1C, v2;
	v4 =	vadd.f32 v6, v4;
	v10 =	vmul.bf16 v31, v18;
	v31 =	vld.idx.msk [tilespmem:v58+s20+$0x0], $0xffff  }
0x98: {  	v38 =	vunpack.i.u.bf16.f32 v11;
	v11 =	vunpack.i.l.bf16.f32 v11;
	v6 =	vmul.bf16 v37, v15;
	v37 =	vld.idx.msk [tilespmem:v28+s20+$0x0], $0xffff  }
0x99: {  	v46 =	vor.u32 $0x1B, v1;
	v3 =	vadd.f32 v11, v3;
	v11 =	vmul.bf16 v43, v16;
	v43 =	vld.idx.msk [tilespmem:v34+s20+$0x0], $0xffff  }
0x9a: {  	v54 =	vor.u32 $0x1D, v2;
	v12 =	vmul.bf16 v53, v51;
	v51 =	vld.idx.msk [tilespmem:v42+s29+$0x0], $0xffff  }
0x9b: {  	v53 =	vld.idx.msk [tilespmem:v42+s30+$0x0], $0xffff  }
0x9c: {  	v8 =	vadd.f32 v50, v8;
	v60 =	vor.u32 $0x1E, v2;
	v18 =	vmul.bf16 v59, v57;
	v57 =	vld.idx.msk [tilespmem:v48+s29+$0x0], $0xffff  }
0x9d: {  	v5 =	vadd.f32 v56, v5;
	v50 =	vunpack.i.u.bf16.f32 v9;
	v9 =	vunpack.i.l.bf16.f32 v9;
	v59 =	vld.idx.msk [tilespmem:v48+s30+$0x0], $0xffff  }
0x9e: {  	v36 =	vor.u32 $0x1A, v2;
	v3 =	vadd.f32 v9, v3;
	v9 =	vmul.bf16 v55, v12;
	v55 =	vld.idx.msk [tilespmem:v46+s20+$0x0], $0xffff  }
0x9f: {  	v8 =	vadd.f32 v62, v8;
	v40 =	vor.u32 $0x1A, v1;
	v15 =	vmul.bf16 v29, v63;
	v63 =	vld.idx.msk [tilespmem:v54+s29+$0x0], $0xffff  }
0xa0: {  	v5 =	vadd.f32 v32, v5;
	v44 =	vunpack.i.u.bf16.f32 v13;
	v52 =	vor.u32 $0x1C, v1;
	v29 =	vld.idx.msk [tilespmem:v54+s30+$0x0], $0xffff  }
0xa1: {  	v13 =	vunpack.i.l.bf16.f32 v13;
	v58 =	vor.u32 $0x1D, v1;
	v16 =	vmul.bf16 v35, v33;
	v33 =	vld.idx.msk [tilespmem:v60+s29+$0x0], $0xffff  }
0xa2: {  	v30 =	vor.u32 $0x1F, v2;
	v4 =	vadd.f32 v13, v4;
	v28 =	vor.u32 $0x1E, v1;
	v35 =	vld.idx.msk [tilespmem:v60+s30+$0x0], $0xffff  }
0xa3: {  	v56 =	vunpack.i.u.bf16.f32 v7;
	v7 =	vunpack.i.l.bf16.f32 v7;
	v14 =	vmul.bf16 v47, v45;
	v45 =	vld.idx.msk [tilespmem:v36+s29+$0x0], $0xffff  }
0xa4: {  	v42 =	vor.u32 $0x21, v2;
	v4 =	vadd.f32 v7, v4;
	v62 =	vunpack.i.u.bf16.f32 v10;
	v47 =	vld.idx.msk [tilespmem:v36+s30+$0x0], $0xffff  }
0xa5: {  	v10 =	vunpack.i.l.bf16.f32 v10;
	v32 =	vunpack.i.u.bf16.f32 v6;
	v7 =	vmul.bf16 v61, v18;
	v61 =	vld.idx.msk [tilespmem:v52+s20+$0x0], $0xffff  }
0xa6: {  	v6 =	vunpack.i.l.bf16.f32 v6;
	v3 =	vadd.f32 v10, v3;
	v10 =	vmul.bf16 v31, v15;
	v31 =	vld.idx.msk [tilespmem:v58+s20+$0x0], $0xffff  }
0xa7: {  	v4 =	vadd.f32 v6, v4;
	v6 =	vmul.bf16 v37, v16;
	v37 =	vld.idx.msk [tilespmem:v28+s20+$0x0], $0xffff  }
0xa8: {  	v48 =	vor.u32 $0x22, v2;
	v13 =	vmul.bf16 v49, v14;
	v49 =	vld.idx.msk [tilespmem:v40+s20+$0x0], $0xffff  }
0xa9: {  	v14 =	vmul.bf16 v41, v39;
	v39 =	vld.idx.msk [tilespmem:v30+s29+$0x0], $0xffff  }
0xaa: {  	v34 =	vor.u32 $0x1F, v1;
	v41 =	vld.idx.msk [tilespmem:v30+s30+$0x0], $0xffff  }
0xab: {  	v46 =	vor.u32 $0x21, v1;
	v17 =	vmul.bf16 v53, v51;
	v51 =	vld.idx.msk [tilespmem:v42+s29+$0x0], $0xffff  }
0xac: {  	v8 =	vadd.f32 v38, v8;
	v54 =	vor.u32 $0x23, v2;
	v53 =	vld.idx.msk [tilespmem:v42+s30+$0x0], $0xffff  }
0xad: {  	v38 =	vunpack.i.u.bf16.f32 v11;
	v11 =	vunpack.i.l.bf16.f32 v11;
	v15 =	vmul.bf16 v59, v57;
	v57 =	vld.idx.msk [tilespmem:v48+s29+$0x0], $0xffff  }
0xae: {  	v8 =	vadd.f32 v50, v8;
	v60 =	vor.u32 $0x24, v2;
	v3 =	vadd.f32 v11, v3;
	v59 =	vld.idx.msk [tilespmem:v48+s30+$0x0], $0xffff  }
0xaf: {  	v50 =	vunpack.i.u.bf16.f32 v9;
	v9 =	vunpack.i.l.bf16.f32 v9;
	v11 =	vmul.bf16 v43, v14;
	v43 =	vld.idx.msk [tilespmem:v34+s20+$0x0], $0xffff  }
0xb0: {  	v36 =	vor.u32 $0x20, v2;
	v3 =	vadd.f32 v9, v3;
	v9 =	vmul.bf16 v55, v17;
	v55 =	vld.idx.msk [tilespmem:v46+s20+$0x0], $0xffff  }
0xb1: {  	v5 =	vadd.f32 v44, v5;
	v16 =	vmul.bf16 v29, v63;
	v63 =	vld.idx.msk [tilespmem:v54+s29+$0x0], $0xffff  }
0xb2: {  	v58 =	vor.u32 $0x23, v1;
	v29 =	vld.idx.msk [tilespmem:v54+s30+$0x0], $0xffff  }
0xb3: {  	v5 =	vadd.f32 v56, v5;
	v40 =	vor.u32 $0x20, v1;
	v14 =	vmul.bf16 v35, v33;
	v33 =	vld.idx.msk [tilespmem:v60+s29+$0x0], $0xffff  }
0xb4: {  	v8 =	vadd.f32 v62, v8;
	v52 =	vor.u32 $0x22, v1;
	v30 =	vor.u32 $0x25, v2;
	v35 =	vld.idx.msk [tilespmem:v60+s30+$0x0], $0xffff  }
0xb5: {  	v42 =	vor.u32 $0x27, v2;
	v62 =	vunpack.i.u.bf16.f32 v10;
	v12 =	vmul.bf16 v47, v45;
	v45 =	vld.idx.msk [tilespmem:v36+s29+$0x0], $0xffff  }
0xb6: {  	v10 =	vunpack.i.l.bf16.f32 v10;
	v44 =	vunpack.i.u.bf16.f32 v13;
	v13 =	vunpack.i.l.bf16.f32 v13;
	v47 =	vld.idx.msk [tilespmem:v36+s30+$0x0], $0xffff  }
0xb7: {  	v4 =	vadd.f32 v13, v4;
	v3 =	vadd.f32 v10, v3;
	v10 =	vmul.bf16 v31, v16;
	v31 =	vld.idx.msk [tilespmem:v58+s20+$0x0], $0xffff  }
0xb8: {  	v56 =	vunpack.i.u.bf16.f32 v7;
	v7 =	vunpack.i.l.bf16.f32 v7;
	v12 =	vmul.bf16 v49, v12;
	v49 =	vld.idx.msk [tilespmem:v40+s20+$0x0], $0xffff  }
0xb9: {  	v48 =	vor.u32 $0x28, v2;
	v4 =	vadd.f32 v7, v4;
	v7 =	vmul.bf16 v61, v15;
	v61 =	vld.idx.msk [tilespmem:v52+s20+$0x0], $0xffff  }
0xba: {  	v8 =	vadd.f32 v38, v8;
	v13 =	vmul.bf16 v41, v39;
	v39 =	vld.idx.msk [tilespmem:v30+s29+$0x0], $0xffff  }
0xbb: {  	v5 =	vadd.f32 v32, v5;
	v28 =	vor.u32 $0x24, v1;
	v41 =	vld.idx.msk [tilespmem:v30+s30+$0x0], $0xffff  }
0xbc: {  	v8 =	vadd.f32 v50, v8;
	v34 =	vor.u32 $0x25, v1;
	v15 =	vmul.bf16 v53, v51;
	v51 =	vld.idx.msk [tilespmem:v42+s29+$0x0], $0xffff  }
0xbd: {  	v32 =	vunpack.i.u.bf16.f32 v6;
	v6 =	vunpack.i.l.bf16.f32 v6;
	v46 =	vor.u32 $0x27, v1;
	v53 =	vld.idx.msk [tilespmem:v42+s30+$0x0], $0xffff  }
0xbe: {  	v54 =	vor.u32 $0x29, v2;
	v60 =	vor.u32 $0x2A, v2;
	v16 =	vmul.bf16 v59, v57;
	v57 =	vld.idx.msk [tilespmem:v48+s29+$0x0], $0xffff  }
0xbf: {  	v5 =	vadd.f32 v44, v5;
	v38 =	vunpack.i.u.bf16.f32 v11;
	v11 =	vunpack.i.l.bf16.f32 v11;
	v59 =	vld.idx.msk [tilespmem:v48+s30+$0x0], $0xffff  }
0xc0: {  	v3 =	vadd.f32 v11, v3;
	v4 =	vadd.f32 v6, v4;
	v6 =	vmul.bf16 v37, v14;
	v37 =	vld.idx.msk [tilespmem:v28+s20+$0x0], $0xffff  }
0xc1: {  	v50 =	vunpack.i.u.bf16.f32 v9;
	v9 =	vunpack.i.l.bf16.f32 v9;
	v11 =	vmul.bf16 v43, v13;
	v43 =	vld.idx.msk [tilespmem:v34+s20+$0x0], $0xffff  }
0xc2: {  	v36 =	vor.u32 $0x26, v2;
	v3 =	vadd.f32 v9, v3;
	v9 =	vmul.bf16 v55, v15;
	v55 =	vld.idx.msk [tilespmem:v46+s20+$0x0], $0xffff  }
0xc3: {  	v8 =	vadd.f32 v62, v8;
	v14 =	vmul.bf16 v29, v63;
	v63 =	vld.idx.msk [tilespmem:v54+s29+$0x0], $0xffff  }
0xc4: {  	v58 =	vor.u32 $0x29, v1;
	v5 =	vadd.f32 v56, v5;
	v29 =	vld.idx.msk [tilespmem:v54+s30+$0x0], $0xffff  }
0xc5: {  	v8 =	vadd.f32 v38, v8;
	v40 =	vor.u32 $0x26, v1;
	v13 =	vmul.bf16 v35, v33;
	v33 =	vld.idx.msk [tilespmem:v60+s29+$0x0], $0xffff  }
0xc6: {  	v52 =	vor.u32 $0x28, v1;
	v30 =	vor.u32 $0x2B, v2;
	v42 =	vor.u32 $0x2D, v2;
	v35 =	vld.idx.msk [tilespmem:v60+s30+$0x0], $0xffff  }
0xc7: {  	v62 =	vunpack.i.u.bf16.f32 v10;
	v10 =	vunpack.i.l.bf16.f32 v10;
	v17 =	vmul.bf16 v47, v45;
	v45 =	vld.idx.msk [tilespmem:v36+s29+$0x0], $0xffff  }
0xc8: {  	v48 =	vor.u32 $0x2E, v2;
	v5 =	vadd.f32 v32, v5;
	v44 =	vunpack.i.u.bf16.f32 v12;
	v47 =	vld.idx.msk [tilespmem:v36+s30+$0x0], $0xffff  }
0xc9: {  	v12 =	vunpack.i.l.bf16.f32 v12;
	v3 =	vadd.f32 v10, v3;
	v10 =	vmul.bf16 v31, v14;
	v31 =	vld.idx.msk [tilespmem:v58+s20+$0x0], $0xffff  }
0xca: {  	v8 =	vadd.f32 v50, v8;
	v4 =	vadd.f32 v12, v4;
	v12 =	vmul.bf16 v49, v17;
	v49 =	vld.idx.msk [tilespmem:v40+s20+$0x0], $0xffff  }
0xcb: {  	v56 =	vunpack.i.u.bf16.f32 v7;
	v7 =	vunpack.i.l.bf16.f32 v7;
	v17 =	vmul.bf16 v41, v39;
	v39 =	vld.idx.msk [tilespmem:v30+s29+$0x0], $0xffff  }
0xcc: {  	v28 =	vor.u32 $0x2A, v1;
	v34 =	vor.u32 $0x2B, v1;
	v46 =	vor.u32 $0x2D, v1;
	v41 =	vld.idx.msk [tilespmem:v30+s30+$0x0], $0xffff  }
0xcd: {  	v54 =	vor.u32 $0x2F, v2;
	v4 =	vadd.f32 v7, v4;
	v7 =	vmul.bf16 v61, v16;
	v61 =	vld.idx.msk [tilespmem:v52+s20+$0x0], $0xffff  }
0xce: {  	v60 =	vor.u32 $0x30, v2;
	v36 =	vor.u32 $0x2C, v2;
	v16 =	vmul.bf16 v53, v51;
	v51 =	vld.idx.msk [tilespmem:v42+s29+$0x0], $0xffff  }
0xcf: {  	v5 =	vadd.f32 v44, v5;
	v8 =	vadd.f32 v62, v8;
	v32 =	vunpack.i.u.bf16.f32 v6;
	v53 =	vld.idx.msk [tilespmem:v42+s30+$0x0], $0xffff  }
0xd0: {  	v6 =	vunpack.i.l.bf16.f32 v6;
	v38 =	vunpack.i.u.bf16.f32 v11;
	v14 =	vmul.bf16 v59, v57;
	v57 =	vld.idx.msk [tilespmem:v48+s29+$0x0], $0xffff  }
0xd1: {  	v11 =	vunpack.i.l.bf16.f32 v11;
	v50 =	vunpack.i.u.bf16.f32 v9;
	v9 =	vunpack.i.l.bf16.f32 v9;
	v59 =	vld.idx.msk [tilespmem:v48+s30+$0x0], $0xffff  }
0xd2: {  	v58 =	vor.u32 $0x2F, v1;
	v3 =	vadd.f32 v11, v3;
	v11 =	vmul.bf16 v43, v17;
	v43 =	vld.idx.msk [tilespmem:v34+s20+$0x0], $0xffff  }
0xd3: {  	v40 =	vor.u32 $0x2C, v1;
	v30 =	vor.u32 $0x31, v2;
	v17 =	vmul.bf16 v35, v33;
	v33 =	vld.idx.msk [tilespmem:v60+s29+$0x0], $0xffff  }
0xd4: {  	v5 =	vadd.f32 v56, v5;
	v8 =	vadd.f32 v38, v8;
	v62 =	vunpack.i.u.bf16.f32 v10;
	v35 =	vld.idx.msk [tilespmem:v60+s30+$0x0], $0xffff  }
0xd5: {  	v10 =	vunpack.i.l.bf16.f32 v10;
	v4 =	vadd.f32 v6, v4;
	v6 =	vmul.bf16 v37, v13;
	v37 =	vld.idx.msk [tilespmem:v28+s20+$0x0], $0xffff  }
0xd6: {  	v52 =	vor.u32 $0x2E, v1;
	v42 =	vor.u32 $0x33, v2;
	v15 =	vmul.bf16 v47, v45;
	v45 =	vld.idx.msk [tilespmem:v36+s29+$0x0], $0xffff  }
0xd7: {  	v48 =	vor.u32 $0x34, v2;
	v44 =	vunpack.i.u.bf16.f32 v12;
	v12 =	vunpack.i.l.bf16.f32 v12;
	v47 =	vld.idx.msk [tilespmem:v36+s30+$0x0], $0xffff  }
0xd8: {  	v34 =	vor.u32 $0x31, v1;
	v3 =	vadd.f32 v9, v3;
	v9 =	vmul.bf16 v55, v16;
	v55 =	vld.idx.msk [tilespmem:v46+s20+$0x0], $0xffff  }
0xd9: {  	v60 =	vor.u32 $0x36, v2;
	v5 =	vadd.f32 v32, v5;
	v13 =	vmul.bf16 v29, v63;
	v63 =	vld.idx.msk [tilespmem:v54+s29+$0x0], $0xffff  }
0xda: {  	v8 =	vadd.f32 v50, v8;
	v56 =	vunpack.i.u.bf16.f32 v7;
	v7 =	vunpack.i.l.bf16.f32 v7;
	v29 =	vld.idx.msk [tilespmem:v54+s30+$0x0], $0xffff  }
0xdb: {  	v28 =	vor.u32 $0x30, v1;
	v4 =	vadd.f32 v12, v4;
	v12 =	vmul.bf16 v49, v15;
	v49 =	vld.idx.msk [tilespmem:v40+s20+$0x0], $0xffff  }
0xdc: {  	v36 =	vor.u32 $0x32, v2;
	v3 =	vadd.f32 v10, v3;
	v10 =	vmul.bf16 v31, v13;
	v31 =	vld.idx.msk [tilespmem:v58+s20+$0x0], $0xffff  }
0xdd: {  	v46 =	vor.u32 $0x33, v1;
	v54 =	vor.u32 $0x35, v2;
	v15 =	vmul.bf16 v41, v39;
	v39 =	vld.idx.msk [tilespmem:v30+s29+$0x0], $0xffff  }
0xde: {  	v38 =	vunpack.i.u.bf16.f32 v11;
	v11 =	vunpack.i.l.bf16.f32 v11;
	v5 =	vadd.f32 v44, v5;
	v41 =	vld.idx.msk [tilespmem:v30+s30+$0x0], $0xffff  }
0xdf: {  	v8 =	vadd.f32 v62, v8;
	v32 =	vunpack.i.u.bf16.f32 v6;
	v13 =	vmul.bf16 v59, v57;
	v57 =	vld.idx.msk [tilespmem:v48+s29+$0x0], $0xffff  }
0xe0: {  	v6 =	vunpack.i.l.bf16.f32 v6;
	v50 =	vunpack.i.u.bf16.f32 v9;
	v9 =	vunpack.i.l.bf16.f32 v9;
	v59 =	vld.idx.msk [tilespmem:v48+s30+$0x0], $0xffff  }
0xe1: {  	v40 =	vor.u32 $0x32, v1;
	v4 =	vadd.f32 v7, v4;
	v7 =	vmul.bf16 v61, v14;
	v61 =	vld.idx.msk [tilespmem:v52+s20+$0x0], $0xffff  }
0xe2: {  	v58 =	vor.u32 $0x35, v1;
	v3 =	vadd.f32 v11, v3;
	v11 =	vmul.bf16 v43, v15;
	v43 =	vld.idx.msk [tilespmem:v34+s20+$0x0], $0xffff  }
0xe3: {  	v30 =	vor.u32 $0x37, v2;
	v48 =	vor.u32 $0x3A, v2;
	v14 =	vmul.bf16 v53, v51;
	v51 =	vld.idx.msk [tilespmem:v42+s29+$0x0], $0xffff  }
0xe4: {  	v5 =	vadd.f32 v56, v5;
	v8 =	vadd.f32 v38, v8;
	v44 =	vunpack.i.u.bf16.f32 v12;
	v53 =	vld.idx.msk [tilespmem:v42+s30+$0x0], $0xffff  }
0xe5: {  	v12 =	vunpack.i.l.bf16.f32 v12;
	v62 =	vunpack.i.u.bf16.f32 v10;
	v15 =	vmul.bf16 v35, v33;
	v33 =	vld.idx.msk [tilespmem:v60+s29+$0x0], $0xffff  }
0xe6: {  	v10 =	vunpack.i.l.bf16.f32 v10;
	v52 =	vor.u32 $0x34, v1;
	v34 =	vor.u32 $0x37, v1;
	v35 =	vld.idx.msk [tilespmem:v60+s30+$0x0], $0xffff  }
0xe7: {  	v42 =	vor.u32 $0x39, v2;
	v60 =	vor.u32 $0x3C, v2;
	v16 =	vmul.bf16 v47, v45;
	v45 =	vld.idx.msk [tilespmem:v36+s29+$0x0], $0xffff  }
0xe8: {  	v47 =	vld.idx.msk [tilespmem:v36+s30+$0x0], $0xffff;
	v36 =	vor.u32 $0x38, v2;
	v4 =	vadd.f32 v6, v4;
	v5 =	vadd.f32 v32, v5  }
0xe9: {  	v3 =	vadd.f32 v9, v3;
	v8 =	vadd.f32 v50, v8;
	v56 =	vunpack.i.u.bf16.f32 v7  }
0xea: {  	v7 =	vunpack.i.l.bf16.f32 v7;
	v6 =	vmul.bf16 v37, v17;
	v37 =	vld.idx.msk [tilespmem:v28+s20+$0x0], $0xffff;
	v38 =	vunpack.i.u.bf16.f32 v11  }
0xeb: {  	v11 =	vunpack.i.l.bf16.f32 v11;
	v9 =	vmul.bf16 v55, v14;
	v17 =	vmul.bf16 v29, v63;
	v55 =	vld.idx.msk [tilespmem:v46+s20+$0x0], $0xffff  }
0xec: {  	v63 =	vld.idx.msk [tilespmem:v54+s29+$0x0], $0xffff;
	v28 =	vor.u32 $0x36, v1;
	v46 =	vor.u32 $0x39, v1;
	v4 =	vadd.f32 v12, v4  }
0xed: {  	v29 =	vld.idx.msk [tilespmem:v54+s30+$0x0], $0xffff;
	v54 =	vor.u32 $0x3B, v2;
	v5 =	vadd.f32 v44, v5;
	v3 =	vadd.f32 v10, v3  }
0xee: {  	v8 =	vadd.f32 v62, v8;
	v32 =	vunpack.i.u.bf16.f32 v6;
	v6 =	vunpack.i.l.bf16.f32 v6  }
0xef: {  	v12 =	vmul.bf16 v49, v16;
	v49 =	vld.idx.msk [tilespmem:v40+s20+$0x0], $0xffff;
	v50 =	vunpack.i.u.bf16.f32 v9;
	v9 =	vunpack.i.l.bf16.f32 v9  }
0xf0: {  	v10 =	vmul.bf16 v31, v17;
	v16 =	vmul.bf16 v41, v39;
	v31 =	vld.idx.msk [tilespmem:v58+s20+$0x0], $0xffff;
	v40 =	vor.u32 $0x38, v1  }
0xf1: {  	v39 =	vld.idx.msk [tilespmem:v30+s29+$0x0], $0xffff;
	v17 =	vmul.bf16 v59, v57;
	v58 =	vor.u32 $0x3B, v1;
	v4 =	vadd.f32 v7, v4  }
0xf2: {  	v41 =	vld.idx.msk [tilespmem:v30+s30+$0x0], $0xffff;
	v30 =	vor.u32 $0x3D, v2;
	v5 =	vadd.f32 v56, v5;
	v3 =	vadd.f32 v11, v3  }
0xf3: {  	v57 =	vld.idx.msk [tilespmem:v48+s29+$0x0], $0xffff;
	v8 =	vadd.f32 v38, v8;
	v44 =	vunpack.i.u.bf16.f32 v12;
	v12 =	vunpack.i.l.bf16.f32 v12  }
0xf4: {  	v59 =	vld.idx.msk [tilespmem:v48+s30+$0x0], $0xffff;
	v7 =	vmul.bf16 v61, v13;
	v62 =	vunpack.i.u.bf16.f32 v10;
	v11 =	vmul.bf16 v43, v16  }
0xf5: {  	v61 =	vld.idx.msk [tilespmem:v52+s20+$0x0], $0xffff;
	v10 =	vunpack.i.l.bf16.f32 v10;
	v14 =	vmul.bf16 v47, v45;
	v13 =	vmul.bf16 v53, v51  }
0xf6: {  	v43 =	vld.idx.msk [tilespmem:v34+s20+$0x0], $0xffff;
	v52 =	vor.u32 $0x3A, v1;
	v16 =	vmul.bf16 v35, v33;
	v4 =	vadd.f32 v6, v4  }
0xf7: {  	v45 =	vld.idx.msk [tilespmem:v36+s29+$0x0], $0xffff;
	v34 =	vor.u32 $0x3D, v1;
	v5 =	vadd.f32 v32, v5;
	v3 =	vadd.f32 v9, v3  }
0xf8: {  	v47 =	vld.idx.msk [tilespmem:v36+s30+$0x0], $0xffff;
	v8 =	vadd.f32 v50, v8;
	v56 =	vunpack.i.u.bf16.f32 v7;
	v7 =	vunpack.i.l.bf16.f32 v7  }
0xf9: {  	v51 =	vld.idx.msk [tilespmem:v42+s29+$0x0], $0xffff;
	v6 =	vmul.bf16 v37, v15;
	v38 =	vunpack.i.u.bf16.f32 v11;
	v11 =	vunpack.i.l.bf16.f32 v11  }
0xfa: {  	v53 =	vld.idx.msk [tilespmem:v42+s30+$0x0], $0xffff;
	v9 =	vmul.bf16 v55, v13;
	v15 =	vmul.bf16 v29, v63;
	v4 =	vadd.f32 v12, v4  }
0xfb: {  	v37 =	vld.idx.msk [tilespmem:v28+s20+$0x0], $0xffff;
	v28 =	vor.u32 $0x3C, v1;
	v5 =	vadd.f32 v44, v5;
	v3 =	vadd.f32 v10, v3  }
0xfc: {  	v8 =	vadd.f32 v62, v8;
	v32 =	vunpack.i.u.bf16.f32 v6;
	v6 =	vunpack.i.l.bf16.f32 v6  }
0xfd: {  	v12 =	vmul.bf16 v49, v14;
	v50 =	vunpack.i.u.bf16.f32 v9;
	v9 =	vunpack.i.l.bf16.f32 v9  }
0xfe: {  	v10 =	vmul.bf16 v31, v15;
	v14 =	vmul.bf16 v41, v39;
	v41 =	vor.u32 $0x3E, v1  }
0xff: {  	v15 =	vmul.bf16 v59, v57;
	v1 =	vor.u32 $0x3F, v1;
	v13 =	vmul.bf16 v47, v45  }
0x100: {  	v55 =	vld.idx.msk [tilespmem:v46+s20+$0x0], $0xffff;
	v39 =	vmul.bf16 v53, v51;
	v4 =	vadd.f32 v7, v4;
	v5 =	vadd.f32 v56, v5  }
0x101: {  	v42 =	vld.idx.msk [tilespmem:v30+s30+$0x0], $0xffff;
	v3 =	vadd.f32 v11, v3;
	v8 =	vadd.f32 v38, v8;
	v44 =	vunpack.i.u.bf16.f32 v12  }
0x102: {  	v49 =	vld.idx.msk [tilespmem:v40+s20+$0x0], $0xffff;
	v12 =	vunpack.i.l.bf16.f32 v12;
	v7 =	vmul.bf16 v61, v17;
	v61 =	vunpack.i.l.bf16.f32 v10  }
0x103: {  	v40 =	vld.idx.msk [tilespmem:v30+s29+$0x0], $0xffff;
	v10 =	vunpack.i.u.bf16.f32 v10;
	v4 =	vadd.f32 v6, v4;
	v5 =	vadd.f32 v32, v5  }
0x104: {  	v33 =	vld.idx.msk [tilespmem:v60+s29+$0x0], $0xffff;
	v11 =	vmul.bf16 v43, v14;
	v3 =	vadd.f32 v9, v3;
	v8 =	vadd.f32 v50, v8  }
0x105: {  	v62 =	vld.idx.msk [tilespmem:v52+s20+$0x0], $0xffff;
	v56 =	vunpack.i.u.bf16.f32 v7;
	v7 =	vunpack.i.l.bf16.f32 v7;
	v6 =	vmul.bf16 v37, v16  }
0x106: {  	v36 =	vld.idx.msk [tilespmem:v60+s30+$0x0], $0xffff;
	v35 =	vunpack.i.l.bf16.f32 v11;
	v37 =	vor.u32 $0x3E, v2;
	v11 =	vunpack.i.u.bf16.f32 v11  }
0x107: {  	v63 =	vld.idx.msk [tilespmem:v54+s29+$0x0], $0xffff;
	v2 =	vor.u32 $0x3F, v2;
	v9 =	vmul.bf16 v55, v39;
	v4 =	vadd.f32 v12, v4  }
0x108: {  	v29 =	vld.idx.msk [tilespmem:v54+s30+$0x0], $0xffff;
	v55 =	vmul.bf16 v42, v40;
	v5 =	vadd.f32 v44, v5;
	v3 =	vadd.f32 v61, v3  }
0x109: {  	v38 =	vld.idx.msk [tilespmem:v28+s20+$0x0], $0xffff;
	v8 =	vadd.f32 v10, v8;
	v31 =	vunpack.i.l.bf16.f32 v6;
	v6 =	vunpack.i.u.bf16.f32 v6  }
0x10a: {  	v32 =	vld.idx.msk [tilespmem:v58+s20+$0x0], $0xffff;
	v12 =	vmul.bf16 v49, v13;
	v46 =	vmul.bf16 v62, v15;
	v48 =	vunpack.i.l.bf16.f32 v9  }
0x10b: {  	v44 =	vld.idx.msk [tilespmem:v34+s20+$0x0], $0xffff;
	v9 =	vunpack.i.u.bf16.f32 v9;
	v4 =	vadd.f32 v7, v4;
	v5 =	vadd.f32 v56, v5  }
0x10c: {  	v10 =	vmul.bf16 v36, v33;
	v3 =	vadd.f32 v35, v3;
	v8 =	vadd.f32 v11, v8;
	v47 =	vld.idx.msk [tilespmem:v37+s29+$0x0], $0xffff  }
0x10d: {  	v43 =	vunpack.i.l.bf16.f32 v12;
	v45 =	vunpack.i.u.bf16.f32 v12;
	v7 =	vmul.bf16 v29, v63;
	v49 =	vld.idx.msk [tilespmem:v37+s30+$0x0], $0xffff  }
0x10e: {  	v51 =	vunpack.i.l.bf16.f32 v46;
	v53 =	vunpack.i.u.bf16.f32 v46;
	v52 =	vld.idx.msk [tilespmem:v2+s29+$0x0], $0xffff;
	v4 =	vadd.f32 v31, v4  }
0x10f: {  	v2 =	vld.idx.msk [tilespmem:v2+s30+$0x0], $0xffff;
	v5 =	vadd.f32 v6, v5;
	v3 =	vadd.f32 v48, v3;
	v7 =	vmul.bf16 v32, v7  }
0x110: {  	v50 =	vld.idx.msk [tilespmem:v41+s20+$0x0], $0xffff;
	v8 =	vadd.f32 v9, v8;
	v6 =	vmul.bf16 v38, v10;
	v58 =	vmul.bf16 v44, v55  }
0x111: {  	v1 =	vld.idx.msk [tilespmem:v1+s20+$0x0], $0xffff;
	v4 =	vadd.f32 v43, v4;
	v5 =	vadd.f32 v45, v5;
	v54 =	vunpack.i.l.bf16.f32 v7  }
0x112: {  	v7 =	vunpack.i.u.bf16.f32 v7;
	v57 =	vunpack.i.l.bf16.f32 v6;
	v6 =	vunpack.i.u.bf16.f32 v6  }
0x113: {  	v3 =	vadd.f32 v54, v3;
	v7 =	vadd.f32 v7, v8;
	v8 =	vunpack.i.l.bf16.f32 v58  }
0x114: {  	v4 =	vadd.f32 v51, v4;
	v56 =	vmul.bf16 v49, v47;
	v2 =	vmul.bf16 v2, v52  }
0x115: {  	v60 =	vunpack.i.u.bf16.f32 v58;
	v5 =	vadd.f32 v53, v5;
	v3 =	vadd.f32 v8, v3  }
0x116: {  	v4 =	vadd.f32 v57, v4;
	v59 =	vmul.bf16 v50, v56;
	v1 =	vmul.bf16 v1, v2  }
0x117: {  	v5 =	vadd.f32 v6, v5;
	v2 =	vadd.f32 v60, v7  }
0x118: {  	v61 =	vunpack.i.l.bf16.f32 v59;
	v62 =	vunpack.i.u.bf16.f32 v59;
	v63 =	vunpack.i.u.bf16.f32 v1  }
0x119: {  	v1 =	vunpack.i.l.bf16.f32 v1;
	v4 =	vadd.f32 v61, v4;
	v5 =	vadd.f32 v62, v5  }
0x11a: {  	v1 =	vadd.f32 v1, v3;
	v2 =	vadd.f32 v63, v2  }
0x11b: {  	p0 =	sne.s32 s15, $0x180  }
.Ltmp0:
0x11c: {  	v3 =	vadd.f32 v4, v5;
	v1 =	vadd.f32 v1, v2;
	(pc) =	sbr.rel @p0 .LBB2_3-.Ltmp0, $3  }
0x11d: {  	_ = 	snop  }
0x11e: {  	v1 =	vadd.f32 v1, v3;
	_ =	sdelay $0x1  }
0x11f: {  	s23 =	sadd.s32 $0x10, s23;
	s15 =	sadd.s32 $0x10, s15;
	[tilespmem:s25+$0x0] =	vst v1;
	s25 =	sadd.s32 $0x10, s25  }
0x120: {  	s15 =	sadd.s32 s7, s16  }
0x121: {  	s15 =	sshrl.u32 s15, $0x3  }
0x122: {  	s15 =	sadd.s32 s4, s15  }
0x123: {  	[hbm4b:s15+s5] =	stream.linear.scatter [tilespmem:s12], [sflag:$0x7], $0x190, $0x38;
	[tilespmem:$0x1D7C0] =	vst v63  }
0x124: {  	s23 =	sadd.s32 s2, s19;
	s25 =	simm.s32 $0x640  }
0x125: {  	[tilespmem:s25], [sflag:$0x3] =	stream.linear.gather [hbm4b:s23+s5], $0x190, $0x38;
	[tilespmem:$0x1D7C0] =	vst v63  }
0x126: {  	_ =	swait.ge [sflag:s28], $0x190  }
0x127: {  	[sflag:s28] =	ssyncset.done $0x0  }
0x128: {  	[sflag:s28] =	ssyncadd.s32 $0xFFFFFE70  }
0x129: {  	_ =	swait.ge [sflag:s28], $0x190  }
0x12a: {  	[sflag:s28] =	ssyncset.done $0x0  }
0x12b: {  	[sflag:s28] =	ssyncadd.s32 $0xFFFFFE70  }
0x12c: {  	[tilespmem:s29], [sflag:$0x5] =	stream.indirect.gather [hbm4b:s8+s24], $0x40, s5, s24, $0xb8;
	[tilespmem:$0x1D7C0] =	vst v63  }
0x12d: {  	_ = 	snop  }
0x12e: {  	[tilespmem:s30], [sflag:$0x5] =	stream.indirect.gather [hbm4b:s8+s24], $0x40, s22, s24, $0xb8;
	[tilespmem:$0x1D7C0] =	vst v63  }
0x12f: {  	s19 =	sadd.s32 $0x3, s26;
	p0 =	seq.s32 s21, $0xB;
	_ =	swait.ge [sflag:s13], $0x6400  }
0x130: {  	s15 =	smul.u32 @!p0 $0x190, s19;
	[sflag:s13] =	ssyncset.done $0x0  }
0x131: {  	[sflag:s13] =	ssyncadd.s32 $0xFFFF9C00  }
0x132: {  	s26 =	simm.s32 @!p0 $0x190;
	s15 =	sadd.s32 @!p0 s7, s15;
	_ =	swait.ge [sflag:s13], $0x6400  }
0x133: {  	p1 =	seq.s32 @!p0 s21, $0x0;
	s15 =	sshrl.u32 @!p0 s15, $0x3;
	[sflag:s13] =	ssyncset.done $0x0  }
0x134: {  	s25 =	simm.s32 @!p0 $0x0;
	s23 =	sadd.s32 @!p0 s6, s15;
	[sflag:s13] =	ssyncadd.s32 $0xFFFF9C00  }
0x135: {  	[tilespmem:s26], [sflag:$0x2] =	stream.linear.gather @!p0 [hbm4b:s23+s25], $0x190, $0x38;
	[tilespmem:$0x1D7C0] =	vst v63  }
0x136: {  	p1 =	por p0, !p1;
	s15 =	sadd.s32 @!p0 s1, s15;
	s23 =	simm.s32 @!p0 $0x4B0  }
0x137: {  	[tilespmem:s23], [sflag:$0x2] =	stream.linear.gather @!p0 [hbm4b:s15+s25], $0x190, $0x38;
	[tilespmem:$0x1D7C0] =	vst v63  }
0x138: {  	_ =	swait.ge @p1 [sflag:s18], $0x190  }
0x139: {  	[sflag:s18] =	ssyncset.done @p1 $0x0  }
0x13a: {  	[sflag:s18] =	ssyncadd.s32 @p1 $0xFFFFFE70  }
0x13b: {  	_ =	swait.ge [sflag:s14], $0x190  }
0x13c: {  	s15 =	simm.s32 $0x0;
	[sflag:s14] =	ssyncset.done $0x0  }
0x13d: {  	s23 =	simm.s32 $0x7D0;
	s25 =	simm.s32 $0x1D630;
	[sflag:s14] =	ssyncadd.s32 $0xFFFFFE70  }
.LBB2_5:
0x13e: {  	v2 =	vmov s15  }
0x13f: {  	v2 =	vshll.u32 v2, $0x6  }
0x140: {  	v2 =	vor.u32 v0, v2;
	_ =	sdelay $0x1  }
0x141: {  	v3 =	vor.u32 $0x1, v2;
	_ =	sdelay $0x1  }
0x142: {  	v1 =	vld [tilespmem:s23+$0x0];
	v7 =	vor.u32 $0x2, v2  }
0x143: {  	v4 =	vld.idx.msk [tilespmem:v2+s0+$0x0], $0xffff  }
0x144: {  	v11 =	vor.u32 $0x3, v2;
	v6 =	vld.idx.msk [tilespmem:v2+s3+$0x0], $0xffff  }
0x145: {  	v9 =	vld.idx.msk [tilespmem:v3+s0+$0x0], $0xffff  }
0x146: {  	v14 =	vor.u32 $0x4, v2;
	v3 =	vld.idx.msk [tilespmem:v3+s3+$0x0], $0xffff  }
0x147: {  	v12 =	vld.idx.msk [tilespmem:v7+s0+$0x0], $0xffff  }
0x148: {  	v17 =	vor.u32 $0x5, v2;
	v7 =	vld.idx.msk [tilespmem:v7+s3+$0x0], $0xffff  }
0x149: {  	v15 =	vld.idx.msk [tilespmem:v11+s0+$0x0], $0xffff  }
0x14a: {  	v20 =	vor.u32 $0x6, v2;
	v11 =	vld.idx.msk [tilespmem:v11+s3+$0x0], $0xffff  }
0x14b: {  	v18 =	vld.idx.msk [tilespmem:v14+s0+$0x0], $0xffff  }
0x14c: {  	v31 =	vor.u32 $0x7, v2;
	v14 =	vld.idx.msk [tilespmem:v14+s3+$0x0], $0xffff  }
0x14d: {  	v29 =	vld.idx.msk [tilespmem:v17+s0+$0x0], $0xffff  }
0x14e: {  	v35 =	vor.u32 $0x8, v2;
	v30 =	vld.idx.msk [tilespmem:v17+s3+$0x0], $0xffff  }
0x14f: {  	v22 =	vld.idx.msk [tilespmem:v20+s0+$0x0], $0xffff  }
0x150: {  	v40 =	vor.u32 $0x9, v2;
	v34 =	vld.idx.msk [tilespmem:v20+s3+$0x0], $0xffff  }
0x151: {  	v46 =	vor.u32 $0xA, v2;
	v24 =	vld.idx.msk [tilespmem:v31+s0+$0x0], $0xffff  }
0x152: {  	v39 =	vld.idx.msk [tilespmem:v31+s3+$0x0], $0xffff  }
0x153: {  	v52 =	vor.u32 $0xB, v2;
	v44 =	vld.idx.msk [tilespmem:v35+s0+$0x0], $0xffff  }
0x154: {  	v1 =	vshll.u32 v1, $0x6;
	v45 =	vld.idx.msk [tilespmem:v35+s3+$0x0], $0xffff  }
0x155: {  	v5 =	vor.u32 $0x1, v1;
	v50 =	vld.idx.msk [tilespmem:v40+s0+$0x0], $0xffff  }
0x156: {  	v10 =	vor.u32 $0x2, v1;
	v56 =	vld.idx.msk [tilespmem:v46+s0+$0x0], $0xffff  }
0x157: {  	v13 =	vor.u32 $0x3, v1;
	v20 =	vld.idx.msk [tilespmem:v46+s3+$0x0], $0xffff  }
0x158: {  	v16 =	vor.u32 $0x4, v1;
	v62 =	vld.idx.msk [tilespmem:v52+s0+$0x0], $0xffff  }
0x159: {  	v19 =	vor.u32 $0x5, v1;
	v8 =	vld.idx.msk [tilespmem:v1+s20+$0x0], $0xffff  }
0x15a: {  	v21 =	vor.u32 $0x6, v1;
	v5 =	vld.idx.msk [tilespmem:v5+s20+$0x0], $0xffff  }
0x15b: {  	v23 =	vor.u32 $0x7, v1;
	v10 =	vld.idx.msk [tilespmem:v10+s20+$0x0], $0xffff  }
0x15c: {  	v25 =	vor.u32 $0x8, v1;
	v13 =	vld.idx.msk [tilespmem:v13+s20+$0x0], $0xffff  }
0x15d: {  	v26 =	vor.u32 $0x9, v1;
	v28 =	vld.idx.msk [tilespmem:v16+s20+$0x0], $0xffff  }
0x15e: {  	v51 =	vor.u32 $0xA, v1;
	v32 =	vld.idx.msk [tilespmem:v19+s20+$0x0], $0xffff  }
0x15f: {  	v36 =	vld.idx.msk [tilespmem:v21+s20+$0x0], $0xffff  }
0x160: {  	v42 =	vld.idx.msk [tilespmem:v23+s20+$0x0], $0xffff  }
0x161: {  	v57 =	vor.u32 $0xB, v1;
	v48 =	vld.idx.msk [tilespmem:v25+s20+$0x0], $0xffff;
	v4 =	vmul.bf16 v6, v4  }
0x162: {  	v58 =	vor.u32 $0xC, v2;
	v54 =	vld.idx.msk [tilespmem:v26+s20+$0x0], $0xffff;
	v3 =	vmul.bf16 v3, v9;
	v7 =	vmul.bf16 v7, v12  }
0x163: {  	v35 =	vor.u32 $0xE, v2;
	v60 =	vld.idx.msk [tilespmem:v51+s20+$0x0], $0xffff;
	v38 =	vmul.bf16 v11, v15;
	v14 =	vmul.bf16 v14, v18  }
0x164: {  	v16 =	vld.idx.msk [tilespmem:v52+s3+$0x0], $0xffff;
	v11 =	vmul.bf16 v39, v24;
	v4 =	vmul.bf16 v8, v4  }
0x165: {  	v63 =	vor.u32 $0xC, v1;
	v15 =	vld.idx.msk [tilespmem:v40+s3+$0x0], $0xffff;
	v8 =	vmul.bf16 v30, v29;
	v3 =	vmul.bf16 v5, v3  }
0x166: {  	v30 =	vld.idx.msk [tilespmem:v57+s20+$0x0], $0xffff;
	v7 =	vmul.bf16 v10, v7;
	v6 =	vmul.bf16 v28, v14;
	v28 =	vor.u32 $0xD, v2  }
0x167: {  	v10 =	vmul.bf16 v13, v38;
	v5 =	vmul.bf16 v34, v22;
	v34 =	vld.idx.msk [tilespmem:v58+s3+$0x0], $0xffff  }
0x168: {  	v40 =	vor.u32 $0xE, v1;
	v11 =	vmul.bf16 v42, v11;
	v13 =	vmul.bf16 v45, v44;
	v45 =	vld.idx.msk [tilespmem:v35+s0+$0x0], $0xffff  }
0x169: {  	v42 =	vor.u32 $0xF, v2;
	v8 =	vmul.bf16 v32, v8;
	v32 =	vld.idx.msk [tilespmem:v58+s0+$0x0], $0xffff;
	v37 =	vunpack.i.u.bf16.f32 v3  }
0x16a: {  	v33 =	vunpack.i.u.bf16.f32 v4;
	v41 =	vadd.f32 $0.0e+00, v37;
	v37 =	vld.idx.msk [tilespmem:v63+s20+$0x0], $0xffff  }
0x16b: {  	v46 =	vor.u32 $0xF, v1;
	v19 =	vadd.f32 $0.0e+00, v33;
	v49 =	vunpack.i.u.bf16.f32 v10;
	v39 =	vld.idx.msk [tilespmem:v28+s0+$0x0], $0xffff  }
0x16c: {  	v43 =	vunpack.i.u.bf16.f32 v7;
	v33 =	vor.u32 $0xD, v1;
	v53 =	vadd.f32 v49, v41;
	v41 =	vld.idx.msk [tilespmem:v28+s3+$0x0], $0xffff  }
0x16d: {  	v52 =	vor.u32 $0x10, v1;
	v9 =	vmul.bf16 v20, v56;
	v47 =	vadd.f32 v43, v19;
	v49 =	vld.idx.msk [tilespmem:v40+s20+$0x0], $0xffff  }
0x16e: {  	v55 =	vunpack.i.u.bf16.f32 v6;
	v13 =	vmul.bf16 v48, v13;
	v48 =	vor.u32 $0x10, v2;
	v51 =	vld.idx.msk [tilespmem:v42+s0+$0x0], $0xffff  }
0x16f: {  	v4 =	vunpack.i.l.bf16.f32 v4;
	v58 =	vor.u32 $0x11, v1;
	v59 =	vadd.f32 v55, v47;
	v47 =	vld.idx.msk [tilespmem:v35+s3+$0x0], $0xffff  }
0x170: {  	v4 =	vadd.f32 $0.0e+00, v4;
	v3 =	vunpack.i.l.bf16.f32 v3;
	v14 =	vmul.bf16 v15, v50;
	v55 =	vld.idx.msk [tilespmem:v46+s20+$0x0], $0xffff  }
0x171: {  	v7 =	vunpack.i.l.bf16.f32 v7;
	v5 =	vmul.bf16 v36, v5;
	v61 =	vunpack.i.u.bf16.f32 v8;
	v43 =	vld.idx.msk [tilespmem:v33+s20+$0x0], $0xffff  }
0x172: {  	v14 =	vmul.bf16 v54, v14;
	v54 =	vor.u32 $0x11, v2;
	v29 =	vadd.f32 v61, v53;
	v53 =	vld.idx.msk [tilespmem:v42+s3+$0x0], $0xffff  }
0x173: {  	v3 =	vadd.f32 $0.0e+00, v3;
	v4 =	vadd.f32 v7, v4;
	v57 =	vld.idx.msk [tilespmem:v48+s0+$0x0], $0xffff  }
0x174: {  	v31 =	vunpack.i.u.bf16.f32 v5;
	v7 =	vmul.bf16 v60, v9;
	v60 =	vor.u32 $0x12, v2;
	v61 =	vld.idx.msk [tilespmem:v52+s20+$0x0], $0xffff  }
0x175: {  	v12 =	vmul.bf16 v16, v62;
	v10 =	vunpack.i.l.bf16.f32 v10;
	v36 =	vadd.f32 v31, v59;
	v59 =	vld.idx.msk [tilespmem:v48+s3+$0x0], $0xffff  }
0x176: {  	v38 =	vunpack.i.u.bf16.f32 v11;
	v3 =	vadd.f32 v10, v3;
	v28 =	vor.u32 $0x12, v1;
	v31 =	vld.idx.msk [tilespmem:v58+s20+$0x0], $0xffff  }
0x177: {  	v8 =	vunpack.i.l.bf16.f32 v8;
	v10 =	vmul.bf16 v30, v12;
	v30 =	vor.u32 $0x13, v2;
	v63 =	vld.idx.msk [tilespmem:v54+s0+$0x0], $0xffff  }
0x178: {  	v3 =	vadd.f32 v8, v3;
	v8 =	vadd.f32 v38, v29;
	v29 =	vld.idx.msk [tilespmem:v54+s3+$0x0], $0xffff  }
0x179: {  	v18 =	vmul.bf16 v34, v32;
	v34 =	vor.u32 $0x13, v1;
	v33 =	vld.idx.msk [tilespmem:v60+s0+$0x0], $0xffff  }
0x17a: {  	v6 =	vunpack.i.l.bf16.f32 v6;
	v42 =	vor.u32 $0x15, v2;
	v35 =	vld.idx.msk [tilespmem:v60+s3+$0x0], $0xffff  }
0x17b: {  	v4 =	vadd.f32 v6, v4;
	v6 =	vmul.bf16 v37, v18;
	v37 =	vld.idx.msk [tilespmem:v28+s20+$0x0], $0xffff  }
0x17c: {  	v40 =	vor.u32 $0x14, v1;
	v15 =	vmul.bf16 v41, v39;
	v39 =	vld.idx.msk [tilespmem:v30+s0+$0x0], $0xffff  }
0x17d: {  	v11 =	vunpack.i.l.bf16.f32 v11;
	v5 =	vunpack.i.l.bf16.f32 v5;
	v48 =	vor.u32 $0x16, v2;
	v41 =	vld.idx.msk [tilespmem:v30+s3+$0x0], $0xffff  }
0x17e: {  	v46 =	vor.u32 $0x15, v1;
	v3 =	vadd.f32 v11, v3;
	v11 =	vmul.bf16 v43, v15;
	v43 =	vld.idx.msk [tilespmem:v34+s20+$0x0], $0xffff  }
0x17f: {  	v4 =	vadd.f32 v5, v4;
	v17 =	vmul.bf16 v47, v45;
	v9 =	vmul.bf16 v53, v51;
	v51 =	vld.idx.msk [tilespmem:v42+s0+$0x0], $0xffff  }
0x180: {  	v44 =	vunpack.i.u.bf16.f32 v13;
	v13 =	vunpack.i.l.bf16.f32 v13;
	v54 =	vor.u32 $0x17, v2;
	v53 =	vld.idx.msk [tilespmem:v42+s3+$0x0], $0xffff  }
0x181: {  	v4 =	vadd.f32 v13, v4;
	v13 =	vmul.bf16 v49, v17;
	v49 =	vld.idx.msk [tilespmem:v40+s20+$0x0], $0xffff  }
0x182: {  	v60 =	vor.u32 $0x18, v2;
	v12 =	vmul.bf16 v59, v57;
	v57 =	vld.idx.msk [tilespmem:v48+s0+$0x0], $0xffff  }
0x183: {  	v59 =	vld.idx.msk [tilespmem:v48+s3+$0x0], $0xffff  }
0x184: {  	v5 =	vadd.f32 v44, v36;
	v36 =	vor.u32 $0x14, v2;
	v9 =	vmul.bf16 v55, v9;
	v55 =	vld.idx.msk [tilespmem:v46+s20+$0x0], $0xffff  }
0x185: {  	v18 =	vmul.bf16 v29, v63;
	v63 =	vld.idx.msk [tilespmem:v54+s0+$0x0], $0xffff  }
0x186: {  	v52 =	vor.u32 $0x16, v1;
	v29 =	vld.idx.msk [tilespmem:v54+s3+$0x0], $0xffff  }
0x187: {  	v30 =	vor.u32 $0x19, v2;
	v15 =	vmul.bf16 v35, v33;
	v33 =	vld.idx.msk [tilespmem:v60+s0+$0x0], $0xffff  }
0x188: {  	v50 =	vunpack.i.u.bf16.f32 v14;
	v14 =	vunpack.i.l.bf16.f32 v14;
	v35 =	vld.idx.msk [tilespmem:v60+s3+$0x0], $0xffff  }
0x189: {  	v56 =	vunpack.i.u.bf16.f32 v7;
	v7 =	vunpack.i.l.bf16.f32 v7;
	v58 =	vor.u32 $0x17, v1;
	v45 =	vld.idx.msk [tilespmem:v36+s0+$0x0], $0xffff  }
0x18a: {  	v62 =	vunpack.i.u.bf16.f32 v10;
	v28 =	vor.u32 $0x18, v1;
	v3 =	vadd.f32 v14, v3;
	v47 =	vld.idx.msk [tilespmem:v36+s3+$0x0], $0xffff  }
0x18b: {  	v4 =	vadd.f32 v7, v4;
	v34 =	vor.u32 $0x19, v1;
	v7 =	vmul.bf16 v61, v12;
	v61 =	vld.idx.msk [tilespmem:v52+s20+$0x0], $0xffff  }
0x18c: {  	v10 =	vunpack.i.l.bf16.f32 v10;
	v42 =	vor.u32 $0x1B, v2;
	v16 =	vmul.bf16 v41, v39;
	v39 =	vld.idx.msk [tilespmem:v30+s0+$0x0], $0xffff  }
0x18d: {  	v32 =	vunpack.i.u.bf16.f32 v6;
	v6 =	vunpack.i.l.bf16.f32 v6;
	v3 =	vadd.f32 v10, v3;
	v41 =	vld.idx.msk [tilespmem:v30+s3+$0x0], $0xffff  }
0x18e: {  	v48 =	vor.u32 $0x1C, v2;
	v4 =	vadd.f32 v6, v4;
	v10 =	vmul.bf16 v31, v18;
	v31 =	vld.idx.msk [tilespmem:v58+s20+$0x0], $0xffff  }
0x18f: {  	v38 =	vunpack.i.u.bf16.f32 v11;
	v11 =	vunpack.i.l.bf16.f32 v11;
	v6 =	vmul.bf16 v37, v15;
	v37 =	vld.idx.msk [tilespmem:v28+s20+$0x0], $0xffff  }
0x190: {  	v46 =	vor.u32 $0x1B, v1;
	v3 =	vadd.f32 v11, v3;
	v11 =	vmul.bf16 v43, v16;
	v43 =	vld.idx.msk [tilespmem:v34+s20+$0x0], $0xffff  }
0x191: {  	v54 =	vor.u32 $0x1D, v2;
	v12 =	vmul.bf16 v53, v51;
	v51 =	vld.idx.msk [tilespmem:v42+s0+$0x0], $0xffff  }
0x192: {  	v53 =	vld.idx.msk [tilespmem:v42+s3+$0x0], $0xffff  }
0x193: {  	v8 =	vadd.f32 v50, v8;
	v60 =	vor.u32 $0x1E, v2;
	v18 =	vmul.bf16 v59, v57;
	v57 =	vld.idx.msk [tilespmem:v48+s0+$0x0], $0xffff  }
0x194: {  	v5 =	vadd.f32 v56, v5;
	v50 =	vunpack.i.u.bf16.f32 v9;
	v9 =	vunpack.i.l.bf16.f32 v9;
	v59 =	vld.idx.msk [tilespmem:v48+s3+$0x0], $0xffff  }
0x195: {  	v36 =	vor.u32 $0x1A, v2;
	v3 =	vadd.f32 v9, v3;
	v9 =	vmul.bf16 v55, v12;
	v55 =	vld.idx.msk [tilespmem:v46+s20+$0x0], $0xffff  }
0x196: {  	v8 =	vadd.f32 v62, v8;
	v40 =	vor.u32 $0x1A, v1;
	v15 =	vmul.bf16 v29, v63;
	v63 =	vld.idx.msk [tilespmem:v54+s0+$0x0], $0xffff  }
0x197: {  	v5 =	vadd.f32 v32, v5;
	v44 =	vunpack.i.u.bf16.f32 v13;
	v52 =	vor.u32 $0x1C, v1;
	v29 =	vld.idx.msk [tilespmem:v54+s3+$0x0], $0xffff  }
0x198: {  	v13 =	vunpack.i.l.bf16.f32 v13;
	v58 =	vor.u32 $0x1D, v1;
	v16 =	vmul.bf16 v35, v33;
	v33 =	vld.idx.msk [tilespmem:v60+s0+$0x0], $0xffff  }
0x199: {  	v30 =	vor.u32 $0x1F, v2;
	v4 =	vadd.f32 v13, v4;
	v28 =	vor.u32 $0x1E, v1;
	v35 =	vld.idx.msk [tilespmem:v60+s3+$0x0], $0xffff  }
0x19a: {  	v56 =	vunpack.i.u.bf16.f32 v7;
	v7 =	vunpack.i.l.bf16.f32 v7;
	v14 =	vmul.bf16 v47, v45;
	v45 =	vld.idx.msk [tilespmem:v36+s0+$0x0], $0xffff  }
0x19b: {  	v42 =	vor.u32 $0x21, v2;
	v4 =	vadd.f32 v7, v4;
	v62 =	vunpack.i.u.bf16.f32 v10;
	v47 =	vld.idx.msk [tilespmem:v36+s3+$0x0], $0xffff  }
0x19c: {  	v10 =	vunpack.i.l.bf16.f32 v10;
	v32 =	vunpack.i.u.bf16.f32 v6;
	v7 =	vmul.bf16 v61, v18;
	v61 =	vld.idx.msk [tilespmem:v52+s20+$0x0], $0xffff  }
0x19d: {  	v6 =	vunpack.i.l.bf16.f32 v6;
	v3 =	vadd.f32 v10, v3;
	v10 =	vmul.bf16 v31, v15;
	v31 =	vld.idx.msk [tilespmem:v58+s20+$0x0], $0xffff  }
0x19e: {  	v4 =	vadd.f32 v6, v4;
	v6 =	vmul.bf16 v37, v16;
	v37 =	vld.idx.msk [tilespmem:v28+s20+$0x0], $0xffff  }
0x19f: {  	v48 =	vor.u32 $0x22, v2;
	v13 =	vmul.bf16 v49, v14;
	v49 =	vld.idx.msk [tilespmem:v40+s20+$0x0], $0xffff  }
0x1a0: {  	v14 =	vmul.bf16 v41, v39;
	v39 =	vld.idx.msk [tilespmem:v30+s0+$0x0], $0xffff  }
0x1a1: {  	v34 =	vor.u32 $0x1F, v1;
	v41 =	vld.idx.msk [tilespmem:v30+s3+$0x0], $0xffff  }
0x1a2: {  	v46 =	vor.u32 $0x21, v1;
	v17 =	vmul.bf16 v53, v51;
	v51 =	vld.idx.msk [tilespmem:v42+s0+$0x0], $0xffff  }
0x1a3: {  	v8 =	vadd.f32 v38, v8;
	v54 =	vor.u32 $0x23, v2;
	v53 =	vld.idx.msk [tilespmem:v42+s3+$0x0], $0xffff  }
0x1a4: {  	v38 =	vunpack.i.u.bf16.f32 v11;
	v11 =	vunpack.i.l.bf16.f32 v11;
	v15 =	vmul.bf16 v59, v57;
	v57 =	vld.idx.msk [tilespmem:v48+s0+$0x0], $0xffff  }
0x1a5: {  	v8 =	vadd.f32 v50, v8;
	v60 =	vor.u32 $0x24, v2;
	v3 =	vadd.f32 v11, v3;
	v59 =	vld.idx.msk [tilespmem:v48+s3+$0x0], $0xffff  }
0x1a6: {  	v50 =	vunpack.i.u.bf16.f32 v9;
	v9 =	vunpack.i.l.bf16.f32 v9;
	v11 =	vmul.bf16 v43, v14;
	v43 =	vld.idx.msk [tilespmem:v34+s20+$0x0], $0xffff  }
0x1a7: {  	v36 =	vor.u32 $0x20, v2;
	v3 =	vadd.f32 v9, v3;
	v9 =	vmul.bf16 v55, v17;
	v55 =	vld.idx.msk [tilespmem:v46+s20+$0x0], $0xffff  }
0x1a8: {  	v5 =	vadd.f32 v44, v5;
	v16 =	vmul.bf16 v29, v63;
	v63 =	vld.idx.msk [tilespmem:v54+s0+$0x0], $0xffff  }
0x1a9: {  	v58 =	vor.u32 $0x23, v1;
	v29 =	vld.idx.msk [tilespmem:v54+s3+$0x0], $0xffff  }
0x1aa: {  	v5 =	vadd.f32 v56, v5;
	v40 =	vor.u32 $0x20, v1;
	v14 =	vmul.bf16 v35, v33;
	v33 =	vld.idx.msk [tilespmem:v60+s0+$0x0], $0xffff  }
0x1ab: {  	v8 =	vadd.f32 v62, v8;
	v52 =	vor.u32 $0x22, v1;
	v30 =	vor.u32 $0x25, v2;
	v35 =	vld.idx.msk [tilespmem:v60+s3+$0x0], $0xffff  }
0x1ac: {  	v42 =	vor.u32 $0x27, v2;
	v62 =	vunpack.i.u.bf16.f32 v10;
	v12 =	vmul.bf16 v47, v45;
	v45 =	vld.idx.msk [tilespmem:v36+s0+$0x0], $0xffff  }
0x1ad: {  	v10 =	vunpack.i.l.bf16.f32 v10;
	v44 =	vunpack.i.u.bf16.f32 v13;
	v13 =	vunpack.i.l.bf16.f32 v13;
	v47 =	vld.idx.msk [tilespmem:v36+s3+$0x0], $0xffff  }
0x1ae: {  	v4 =	vadd.f32 v13, v4;
	v3 =	vadd.f32 v10, v3;
	v10 =	vmul.bf16 v31, v16;
	v31 =	vld.idx.msk [tilespmem:v58+s20+$0x0], $0xffff  }
0x1af: {  	v56 =	vunpack.i.u.bf16.f32 v7;
	v7 =	vunpack.i.l.bf16.f32 v7;
	v12 =	vmul.bf16 v49, v12;
	v49 =	vld.idx.msk [tilespmem:v40+s20+$0x0], $0xffff  }
0x1b0: {  	v48 =	vor.u32 $0x28, v2;
	v4 =	vadd.f32 v7, v4;
	v7 =	vmul.bf16 v61, v15;
	v61 =	vld.idx.msk [tilespmem:v52+s20+$0x0], $0xffff  }
0x1b1: {  	v8 =	vadd.f32 v38, v8;
	v13 =	vmul.bf16 v41, v39;
	v39 =	vld.idx.msk [tilespmem:v30+s0+$0x0], $0xffff  }
0x1b2: {  	v5 =	vadd.f32 v32, v5;
	v28 =	vor.u32 $0x24, v1;
	v41 =	vld.idx.msk [tilespmem:v30+s3+$0x0], $0xffff  }
0x1b3: {  	v8 =	vadd.f32 v50, v8;
	v34 =	vor.u32 $0x25, v1;
	v15 =	vmul.bf16 v53, v51;
	v51 =	vld.idx.msk [tilespmem:v42+s0+$0x0], $0xffff  }
0x1b4: {  	v32 =	vunpack.i.u.bf16.f32 v6;
	v6 =	vunpack.i.l.bf16.f32 v6;
	v46 =	vor.u32 $0x27, v1;
	v53 =	vld.idx.msk [tilespmem:v42+s3+$0x0], $0xffff  }
0x1b5: {  	v54 =	vor.u32 $0x29, v2;
	v60 =	vor.u32 $0x2A, v2;
	v16 =	vmul.bf16 v59, v57;
	v57 =	vld.idx.msk [tilespmem:v48+s0+$0x0], $0xffff  }
0x1b6: {  	v5 =	vadd.f32 v44, v5;
	v38 =	vunpack.i.u.bf16.f32 v11;
	v11 =	vunpack.i.l.bf16.f32 v11;
	v59 =	vld.idx.msk [tilespmem:v48+s3+$0x0], $0xffff  }
0x1b7: {  	v3 =	vadd.f32 v11, v3;
	v4 =	vadd.f32 v6, v4;
	v6 =	vmul.bf16 v37, v14;
	v37 =	vld.idx.msk [tilespmem:v28+s20+$0x0], $0xffff  }
0x1b8: {  	v50 =	vunpack.i.u.bf16.f32 v9;
	v9 =	vunpack.i.l.bf16.f32 v9;
	v11 =	vmul.bf16 v43, v13;
	v43 =	vld.idx.msk [tilespmem:v34+s20+$0x0], $0xffff  }
0x1b9: {  	v36 =	vor.u32 $0x26, v2;
	v3 =	vadd.f32 v9, v3;
	v9 =	vmul.bf16 v55, v15;
	v55 =	vld.idx.msk [tilespmem:v46+s20+$0x0], $0xffff  }
0x1ba: {  	v8 =	vadd.f32 v62, v8;
	v14 =	vmul.bf16 v29, v63;
	v63 =	vld.idx.msk [tilespmem:v54+s0+$0x0], $0xffff  }
0x1bb: {  	v58 =	vor.u32 $0x29, v1;
	v5 =	vadd.f32 v56, v5;
	v29 =	vld.idx.msk [tilespmem:v54+s3+$0x0], $0xffff  }
0x1bc: {  	v8 =	vadd.f32 v38, v8;
	v40 =	vor.u32 $0x26, v1;
	v13 =	vmul.bf16 v35, v33;
	v33 =	vld.idx.msk [tilespmem:v60+s0+$0x0], $0xffff  }
0x1bd: {  	v52 =	vor.u32 $0x28, v1;
	v30 =	vor.u32 $0x2B, v2;
	v42 =	vor.u32 $0x2D, v2;
	v35 =	vld.idx.msk [tilespmem:v60+s3+$0x0], $0xffff  }
0x1be: {  	v62 =	vunpack.i.u.bf16.f32 v10;
	v10 =	vunpack.i.l.bf16.f32 v10;
	v17 =	vmul.bf16 v47, v45;
	v45 =	vld.idx.msk [tilespmem:v36+s0+$0x0], $0xffff  }
0x1bf: {  	v48 =	vor.u32 $0x2E, v2;
	v5 =	vadd.f32 v32, v5;
	v44 =	vunpack.i.u.bf16.f32 v12;
	v47 =	vld.idx.msk [tilespmem:v36+s3+$0x0], $0xffff  }
0x1c0: {  	v12 =	vunpack.i.l.bf16.f32 v12;
	v3 =	vadd.f32 v10, v3;
	v10 =	vmul.bf16 v31, v14;
	v31 =	vld.idx.msk [tilespmem:v58+s20+$0x0], $0xffff  }
0x1c1: {  	v8 =	vadd.f32 v50, v8;
	v4 =	vadd.f32 v12, v4;
	v12 =	vmul.bf16 v49, v17;
	v49 =	vld.idx.msk [tilespmem:v40+s20+$0x0], $0xffff  }
0x1c2: {  	v56 =	vunpack.i.u.bf16.f32 v7;
	v7 =	vunpack.i.l.bf16.f32 v7;
	v17 =	vmul.bf16 v41, v39;
	v39 =	vld.idx.msk [tilespmem:v30+s0+$0x0], $0xffff  }
0x1c3: {  	v28 =	vor.u32 $0x2A, v1;
	v34 =	vor.u32 $0x2B, v1;
	v46 =	vor.u32 $0x2D, v1;
	v41 =	vld.idx.msk [tilespmem:v30+s3+$0x0], $0xffff  }
0x1c4: {  	v54 =	vor.u32 $0x2F, v2;
	v4 =	vadd.f32 v7, v4;
	v7 =	vmul.bf16 v61, v16;
	v61 =	vld.idx.msk [tilespmem:v52+s20+$0x0], $0xffff  }
0x1c5: {  	v60 =	vor.u32 $0x30, v2;
	v36 =	vor.u32 $0x2C, v2;
	v16 =	vmul.bf16 v53, v51;
	v51 =	vld.idx.msk [tilespmem:v42+s0+$0x0], $0xffff  }
0x1c6: {  	v5 =	vadd.f32 v44, v5;
	v8 =	vadd.f32 v62, v8;
	v32 =	vunpack.i.u.bf16.f32 v6;
	v53 =	vld.idx.msk [tilespmem:v42+s3+$0x0], $0xffff  }
0x1c7: {  	v6 =	vunpack.i.l.bf16.f32 v6;
	v38 =	vunpack.i.u.bf16.f32 v11;
	v14 =	vmul.bf16 v59, v57;
	v57 =	vld.idx.msk [tilespmem:v48+s0+$0x0], $0xffff  }
0x1c8: {  	v11 =	vunpack.i.l.bf16.f32 v11;
	v50 =	vunpack.i.u.bf16.f32 v9;
	v9 =	vunpack.i.l.bf16.f32 v9;
	v59 =	vld.idx.msk [tilespmem:v48+s3+$0x0], $0xffff  }
0x1c9: {  	v58 =	vor.u32 $0x2F, v1;
	v3 =	vadd.f32 v11, v3;
	v11 =	vmul.bf16 v43, v17;
	v43 =	vld.idx.msk [tilespmem:v34+s20+$0x0], $0xffff  }
0x1ca: {  	v40 =	vor.u32 $0x2C, v1;
	v30 =	vor.u32 $0x31, v2;
	v17 =	vmul.bf16 v35, v33;
	v33 =	vld.idx.msk [tilespmem:v60+s0+$0x0], $0xffff  }
0x1cb: {  	v5 =	vadd.f32 v56, v5;
	v8 =	vadd.f32 v38, v8;
	v62 =	vunpack.i.u.bf16.f32 v10;
	v35 =	vld.idx.msk [tilespmem:v60+s3+$0x0], $0xffff  }
0x1cc: {  	v10 =	vunpack.i.l.bf16.f32 v10;
	v4 =	vadd.f32 v6, v4;
	v6 =	vmul.bf16 v37, v13;
	v37 =	vld.idx.msk [tilespmem:v28+s20+$0x0], $0xffff  }
0x1cd: {  	v52 =	vor.u32 $0x2E, v1;
	v42 =	vor.u32 $0x33, v2;
	v15 =	vmul.bf16 v47, v45;
	v45 =	vld.idx.msk [tilespmem:v36+s0+$0x0], $0xffff  }
0x1ce: {  	v48 =	vor.u32 $0x34, v2;
	v44 =	vunpack.i.u.bf16.f32 v12;
	v12 =	vunpack.i.l.bf16.f32 v12;
	v47 =	vld.idx.msk [tilespmem:v36+s3+$0x0], $0xffff  }
0x1cf: {  	v34 =	vor.u32 $0x31, v1;
	v3 =	vadd.f32 v9, v3;
	v9 =	vmul.bf16 v55, v16;
	v55 =	vld.idx.msk [tilespmem:v46+s20+$0x0], $0xffff  }
0x1d0: {  	v60 =	vor.u32 $0x36, v2;
	v5 =	vadd.f32 v32, v5;
	v13 =	vmul.bf16 v29, v63;
	v63 =	vld.idx.msk [tilespmem:v54+s0+$0x0], $0xffff  }
0x1d1: {  	v8 =	vadd.f32 v50, v8;
	v56 =	vunpack.i.u.bf16.f32 v7;
	v7 =	vunpack.i.l.bf16.f32 v7;
	v29 =	vld.idx.msk [tilespmem:v54+s3+$0x0], $0xffff  }
0x1d2: {  	v28 =	vor.u32 $0x30, v1;
	v4 =	vadd.f32 v12, v4;
	v12 =	vmul.bf16 v49, v15;
	v49 =	vld.idx.msk [tilespmem:v40+s20+$0x0], $0xffff  }
0x1d3: {  	v36 =	vor.u32 $0x32, v2;
	v3 =	vadd.f32 v10, v3;
	v10 =	vmul.bf16 v31, v13;
	v31 =	vld.idx.msk [tilespmem:v58+s20+$0x0], $0xffff  }
0x1d4: {  	v46 =	vor.u32 $0x33, v1;
	v54 =	vor.u32 $0x35, v2;
	v15 =	vmul.bf16 v41, v39;
	v39 =	vld.idx.msk [tilespmem:v30+s0+$0x0], $0xffff  }
0x1d5: {  	v38 =	vunpack.i.u.bf16.f32 v11;
	v11 =	vunpack.i.l.bf16.f32 v11;
	v5 =	vadd.f32 v44, v5;
	v41 =	vld.idx.msk [tilespmem:v30+s3+$0x0], $0xffff  }
0x1d6: {  	v8 =	vadd.f32 v62, v8;
	v32 =	vunpack.i.u.bf16.f32 v6;
	v13 =	vmul.bf16 v59, v57;
	v57 =	vld.idx.msk [tilespmem:v48+s0+$0x0], $0xffff  }
0x1d7: {  	v6 =	vunpack.i.l.bf16.f32 v6;
	v50 =	vunpack.i.u.bf16.f32 v9;
	v9 =	vunpack.i.l.bf16.f32 v9;
	v59 =	vld.idx.msk [tilespmem:v48+s3+$0x0], $0xffff  }
0x1d8: {  	v40 =	vor.u32 $0x32, v1;
	v4 =	vadd.f32 v7, v4;
	v7 =	vmul.bf16 v61, v14;
	v61 =	vld.idx.msk [tilespmem:v52+s20+$0x0], $0xffff  }
0x1d9: {  	v58 =	vor.u32 $0x35, v1;
	v3 =	vadd.f32 v11, v3;
	v11 =	vmul.bf16 v43, v15;
	v43 =	vld.idx.msk [tilespmem:v34+s20+$0x0], $0xffff  }
0x1da: {  	v30 =	vor.u32 $0x37, v2;
	v48 =	vor.u32 $0x3A, v2;
	v14 =	vmul.bf16 v53, v51;
	v51 =	vld.idx.msk [tilespmem:v42+s0+$0x0], $0xffff  }
0x1db: {  	v5 =	vadd.f32 v56, v5;
	v8 =	vadd.f32 v38, v8;
	v44 =	vunpack.i.u.bf16.f32 v12;
	v53 =	vld.idx.msk [tilespmem:v42+s3+$0x0], $0xffff  }
0x1dc: {  	v12 =	vunpack.i.l.bf16.f32 v12;
	v62 =	vunpack.i.u.bf16.f32 v10;
	v15 =	vmul.bf16 v35, v33;
	v33 =	vld.idx.msk [tilespmem:v60+s0+$0x0], $0xffff  }
0x1dd: {  	v10 =	vunpack.i.l.bf16.f32 v10;
	v52 =	vor.u32 $0x34, v1;
	v34 =	vor.u32 $0x37, v1;
	v35 =	vld.idx.msk [tilespmem:v60+s3+$0x0], $0xffff  }
0x1de: {  	v42 =	vor.u32 $0x39, v2;
	v60 =	vor.u32 $0x3C, v2;
	v16 =	vmul.bf16 v47, v45;
	v45 =	vld.idx.msk [tilespmem:v36+s0+$0x0], $0xffff  }
0x1df: {  	v47 =	vld.idx.msk [tilespmem:v36+s3+$0x0], $0xffff;
	v36 =	vor.u32 $0x38, v2;
	v4 =	vadd.f32 v6, v4;
	v5 =	vadd.f32 v32, v5  }
0x1e0: {  	v3 =	vadd.f32 v9, v3;
	v8 =	vadd.f32 v50, v8;
	v56 =	vunpack.i.u.bf16.f32 v7  }
0x1e1: {  	v7 =	vunpack.i.l.bf16.f32 v7;
	v6 =	vmul.bf16 v37, v17;
	v37 =	vld.idx.msk [tilespmem:v28+s20+$0x0], $0xffff;
	v38 =	vunpack.i.u.bf16.f32 v11  }
0x1e2: {  	v11 =	vunpack.i.l.bf16.f32 v11;
	v9 =	vmul.bf16 v55, v14;
	v17 =	vmul.bf16 v29, v63;
	v55 =	vld.idx.msk [tilespmem:v46+s20+$0x0], $0xffff  }
0x1e3: {  	v63 =	vld.idx.msk [tilespmem:v54+s0+$0x0], $0xffff;
	v28 =	vor.u32 $0x36, v1;
	v46 =	vor.u32 $0x39, v1;
	v4 =	vadd.f32 v12, v4  }
0x1e4: {  	v29 =	vld.idx.msk [tilespmem:v54+s3+$0x0], $0xffff;
	v54 =	vor.u32 $0x3B, v2;
	v5 =	vadd.f32 v44, v5;
	v3 =	vadd.f32 v10, v3  }
0x1e5: {  	v8 =	vadd.f32 v62, v8;
	v32 =	vunpack.i.u.bf16.f32 v6;
	v6 =	vunpack.i.l.bf16.f32 v6  }
0x1e6: {  	v12 =	vmul.bf16 v49, v16;
	v49 =	vld.idx.msk [tilespmem:v40+s20+$0x0], $0xffff;
	v50 =	vunpack.i.u.bf16.f32 v9;
	v9 =	vunpack.i.l.bf16.f32 v9  }
0x1e7: {  	v10 =	vmul.bf16 v31, v17;
	v16 =	vmul.bf16 v41, v39;
	v31 =	vld.idx.msk [tilespmem:v58+s20+$0x0], $0xffff;
	v40 =	vor.u32 $0x38, v1  }
0x1e8: {  	v39 =	vld.idx.msk [tilespmem:v30+s0+$0x0], $0xffff;
	v17 =	vmul.bf16 v59, v57;
	v58 =	vor.u32 $0x3B, v1;
	v4 =	vadd.f32 v7, v4  }
0x1e9: {  	v41 =	vld.idx.msk [tilespmem:v30+s3+$0x0], $0xffff;
	v30 =	vor.u32 $0x3D, v2;
	v5 =	vadd.f32 v56, v5;
	v3 =	vadd.f32 v11, v3  }
0x1ea: {  	v57 =	vld.idx.msk [tilespmem:v48+s0+$0x0], $0xffff;
	v8 =	vadd.f32 v38, v8;
	v44 =	vunpack.i.u.bf16.f32 v12;
	v12 =	vunpack.i.l.bf16.f32 v12  }
0x1eb: {  	v59 =	vld.idx.msk [tilespmem:v48+s3+$0x0], $0xffff;
	v7 =	vmul.bf16 v61, v13;
	v62 =	vunpack.i.u.bf16.f32 v10;
	v11 =	vmul.bf16 v43, v16  }
0x1ec: {  	v61 =	vld.idx.msk [tilespmem:v52+s20+$0x0], $0xffff;
	v10 =	vunpack.i.l.bf16.f32 v10;
	v14 =	vmul.bf16 v47, v45;
	v13 =	vmul.bf16 v53, v51  }
0x1ed: {  	v43 =	vld.idx.msk [tilespmem:v34+s20+$0x0], $0xffff;
	v52 =	vor.u32 $0x3A, v1;
	v16 =	vmul.bf16 v35, v33;
	v4 =	vadd.f32 v6, v4  }
0x1ee: {  	v45 =	vld.idx.msk [tilespmem:v36+s0+$0x0], $0xffff;
	v34 =	vor.u32 $0x3D, v1;
	v5 =	vadd.f32 v32, v5;
	v3 =	vadd.f32 v9, v3  }
0x1ef: {  	v47 =	vld.idx.msk [tilespmem:v36+s3+$0x0], $0xffff;
	v8 =	vadd.f32 v50, v8;
	v56 =	vunpack.i.u.bf16.f32 v7;
	v7 =	vunpack.i.l.bf16.f32 v7  }
0x1f0: {  	v51 =	vld.idx.msk [tilespmem:v42+s0+$0x0], $0xffff;
	v6 =	vmul.bf16 v37, v15;
	v38 =	vunpack.i.u.bf16.f32 v11;
	v11 =	vunpack.i.l.bf16.f32 v11  }
0x1f1: {  	v53 =	vld.idx.msk [tilespmem:v42+s3+$0x0], $0xffff;
	v9 =	vmul.bf16 v55, v13;
	v15 =	vmul.bf16 v29, v63;
	v4 =	vadd.f32 v12, v4  }
0x1f2: {  	v37 =	vld.idx.msk [tilespmem:v28+s20+$0x0], $0xffff;
	v28 =	vor.u32 $0x3C, v1;
	v5 =	vadd.f32 v44, v5;
	v3 =	vadd.f32 v10, v3  }
0x1f3: {  	v8 =	vadd.f32 v62, v8;
	v32 =	vunpack.i.u.bf16.f32 v6;
	v6 =	vunpack.i.l.bf16.f32 v6  }
0x1f4: {  	v12 =	vmul.bf16 v49, v14;
	v50 =	vunpack.i.u.bf16.f32 v9;
	v9 =	vunpack.i.l.bf16.f32 v9  }
0x1f5: {  	v10 =	vmul.bf16 v31, v15;
	v14 =	vmul.bf16 v41, v39;
	v41 =	vor.u32 $0x3E, v1  }
0x1f6: {  	v15 =	vmul.bf16 v59, v57;
	v1 =	vor.u32 $0x3F, v1;
	v13 =	vmul.bf16 v47, v45  }
0x1f7: {  	v55 =	vld.idx.msk [tilespmem:v46+s20+$0x0], $0xffff;
	v39 =	vmul.bf16 v53, v51;
	v4 =	vadd.f32 v7, v4;
	v5 =	vadd.f32 v56, v5  }
0x1f8: {  	v42 =	vld.idx.msk [tilespmem:v30+s3+$0x0], $0xffff;
	v3 =	vadd.f32 v11, v3;
	v8 =	vadd.f32 v38, v8;
	v44 =	vunpack.i.u.bf16.f32 v12  }
0x1f9: {  	v49 =	vld.idx.msk [tilespmem:v40+s20+$0x0], $0xffff;
	v12 =	vunpack.i.l.bf16.f32 v12;
	v7 =	vmul.bf16 v61, v17;
	v61 =	vunpack.i.l.bf16.f32 v10  }
0x1fa: {  	v40 =	vld.idx.msk [tilespmem:v30+s0+$0x0], $0xffff;
	v10 =	vunpack.i.u.bf16.f32 v10;
	v4 =	vadd.f32 v6, v4;
	v5 =	vadd.f32 v32, v5  }
0x1fb: {  	v33 =	vld.idx.msk [tilespmem:v60+s0+$0x0], $0xffff;
	v11 =	vmul.bf16 v43, v14;
	v3 =	vadd.f32 v9, v3;
	v8 =	vadd.f32 v50, v8  }
0x1fc: {  	v62 =	vld.idx.msk [tilespmem:v52+s20+$0x0], $0xffff;
	v56 =	vunpack.i.u.bf16.f32 v7;
	v7 =	vunpack.i.l.bf16.f32 v7;
	v6 =	vmul.bf16 v37, v16  }
0x1fd: {  	v36 =	vld.idx.msk [tilespmem:v60+s3+$0x0], $0xffff;
	v35 =	vunpack.i.l.bf16.f32 v11;
	v37 =	vor.u32 $0x3E, v2;
	v11 =	vunpack.i.u.bf16.f32 v11  }
0x1fe: {  	v63 =	vld.idx.msk [tilespmem:v54+s0+$0x0], $0xffff;
	v2 =	vor.u32 $0x3F, v2;
	v9 =	vmul.bf16 v55, v39;
	v4 =	vadd.f32 v12, v4  }
0x1ff: {  	v29 =	vld.idx.msk [tilespmem:v54+s3+$0x0], $0xffff;
	v55 =	vmul.bf16 v42, v40;
	v5 =	vadd.f32 v44, v5;
	v3 =	vadd.f32 v61, v3  }
0x200: {  	v38 =	vld.idx.msk [tilespmem:v28+s20+$0x0], $0xffff;
	v8 =	vadd.f32 v10, v8;
	v31 =	vunpack.i.l.bf16.f32 v6;
	v6 =	vunpack.i.u.bf16.f32 v6  }
0x201: {  	v32 =	vld.idx.msk [tilespmem:v58+s20+$0x0], $0xffff;
	v12 =	vmul.bf16 v49, v13;
	v46 =	vmul.bf16 v62, v15;
	v48 =	vunpack.i.l.bf16.f32 v9  }
0x202: {  	v44 =	vld.idx.msk [tilespmem:v34+s20+$0x0], $0xffff;
	v9 =	vunpack.i.u.bf16.f32 v9;
	v4 =	vadd.f32 v7, v4;
	v5 =	vadd.f32 v56, v5  }
0x203: {  	v10 =	vmul.bf16 v36, v33;
	v3 =	vadd.f32 v35, v3;
	v8 =	vadd.f32 v11, v8;
	v47 =	vld.idx.msk [tilespmem:v37+s0+$0x0], $0xffff  }
0x204: {  	v43 =	vunpack.i.l.bf16.f32 v12;
	v45 =	vunpack.i.u.bf16.f32 v12;
	v7 =	vmul.bf16 v29, v63;
	v49 =	vld.idx.msk [tilespmem:v37+s3+$0x0], $0xffff  }
0x205: {  	v51 =	vunpack.i.l.bf16.f32 v46;
	v53 =	vunpack.i.u.bf16.f32 v46;
	v52 =	vld.idx.msk [tilespmem:v2+s0+$0x0], $0xffff;
	v4 =	vadd.f32 v31, v4  }
0x206: {  	v2 =	vld.idx.msk [tilespmem:v2+s3+$0x0], $0xffff;
	v5 =	vadd.f32 v6, v5;
	v3 =	vadd.f32 v48, v3;
	v7 =	vmul.bf16 v32, v7  }
0x207: {  	v50 =	vld.idx.msk [tilespmem:v41+s20+$0x0], $0xffff;
	v8 =	vadd.f32 v9, v8;
	v6 =	vmul.bf16 v38, v10;
	v58 =	vmul.bf16 v44, v55  }
0x208: {  	v1 =	vld.idx.msk [tilespmem:v1+s20+$0x0], $0xffff;
	v4 =	vadd.f32 v43, v4;
	v5 =	vadd.f32 v45, v5;
	v54 =	vunpack.i.l.bf16.f32 v7  }
0x209: {  	v7 =	vunpack.i.u.bf16.f32 v7;
	v57 =	vunpack.i.l.bf16.f32 v6;
	v6 =	vunpack.i.u.bf16.f32 v6  }
0x20a: {  	v3 =	vadd.f32 v54, v3;
	v7 =	vadd.f32 v7, v8;
	v8 =	vunpack.i.l.bf16.f32 v58  }
0x20b: {  	v4 =	vadd.f32 v51, v4;
	v56 =	vmul.bf16 v49, v47;
	v2 =	vmul.bf16 v2, v52  }
0x20c: {  	v60 =	vunpack.i.u.bf16.f32 v58;
	v5 =	vadd.f32 v53, v5;
	v3 =	vadd.f32 v8, v3  }
0x20d: {  	v4 =	vadd.f32 v57, v4;
	v59 =	vmul.bf16 v50, v56;
	v1 =	vmul.bf16 v1, v2  }
0x20e: {  	v5 =	vadd.f32 v6, v5;
	v2 =	vadd.f32 v60, v7  }
0x20f: {  	v61 =	vunpack.i.l.bf16.f32 v59;
	v62 =	vunpack.i.u.bf16.f32 v59;
	v63 =	vunpack.i.u.bf16.f32 v1  }
0x210: {  	v1 =	vunpack.i.l.bf16.f32 v1;
	v4 =	vadd.f32 v61, v4;
	v5 =	vadd.f32 v62, v5  }
0x211: {  	v1 =	vadd.f32 v1, v3;
	v2 =	vadd.f32 v63, v2  }
0x212: {  	p1 =	sne.s32 s15, $0x180  }
.Ltmp1:
0x213: {  	v3 =	vadd.f32 v4, v5;
	v1 =	vadd.f32 v1, v2;
	(pc) =	sbr.rel @p1 .LBB2_5-.Ltmp1, $3  }
0x214: {  	_ = 	snop  }
0x215: {  	v1 =	vadd.f32 v1, v3;
	_ =	sdelay $0x1  }
0x216: {  	s23 =	sadd.s32 $0x10, s23;
	s15 =	sadd.s32 $0x10, s15;
	[tilespmem:s25+$0x0] =	vst v1;
	s25 =	sadd.s32 $0x10, s25  }
.Ltmp2:
0x217: {  	(pc) =	sbr.rel @p0 .LBB2_8-.Ltmp2, $4  }
0x218: {  	s15 =	sadd.s32 s16, s10  }
0x219: {  	s15 =	sshrl.u32 s15, $0x3  }
0x21a: {  	s26 =	simm.s32 $0x1D630;
	s15 =	sadd.s32 s4, s15  }
0x21b: {  	[hbm4b:s15+s5] =	stream.linear.scatter [tilespmem:s26], [sflag:$0x8], $0x190, $0x38;
	[tilespmem:$0x1D7C0] =	vst v63  }
0x21c: {  	s15 =	smul.u32 $0x190, s19  }
.Ltmp3:
0x21d: {  	_ = 	snop;
	(pc) =	sbr.rel .LBB2_2-.Ltmp3, $4  }
0x21e: {  	s15 =	sadd.s32 s7, s15  }
0x21f: {  	s15 =	sshrl.u32 s15, $0x3  }
0x220: {  	s16 =	simm.s32 $0x7D0;
	s21 =	sadd.s32 $0x1, s21;
	s15 =	sadd.s32 s2, s15  }
0x221: {  	[tilespmem:s16], [sflag:$0x4] =	stream.linear.gather [hbm4b:s15+s5], $0x190, $0x38;
	[tilespmem:$0x1D7C0] =	vst v63  }
.LBB2_8:
0x222: {  	_ =	swait.ge [sflag:s9], $0x6400  }
0x223: {  	[sflag:s9] =	ssyncset.done $0x0  }
0x224: {  	[sflag:s9] =	ssyncadd.s32 $0xFFFF9C00  }
0x225: {  	_ =	swait.ge [sflag:s9], $0x6400  }
0x226: {  	[sflag:s9] =	ssyncset.done $0x0  }
0x227: {  	s21 =	simm.s32 $0x7;
	[sflag:s9] =	ssyncadd.s32 $0xFFFF9C00  }
0x228: {  	_ =	swait.ge [sflag:s21], $0x190  }
0x229: {  	[sflag:s21] =	ssyncset.done $0x0  }
0x22a: {  	[sflag:s21] =	ssyncadd.s32 $0xFFFFFE70  }
0x22b: {  	_ =	swait.ge [sflag:s11], $0x190  }
0x22c: {  	s15 =	simm.s32 $0x0;
	[sflag:s11] =	ssyncset.done $0x0  }
0x22d: {  	s16 =	simm.s32 $0x640;
	s19 =	simm.s32 $0x1D4A0;
	[sflag:s11] =	ssyncadd.s32 $0xFFFFFE70  }
.LBB2_9:
0x22e: {  	v2 =	vmov s15  }
0x22f: {  	v2 =	vshll.u32 v2, $0x6  }
0x230: {  	v2 =	vor.u32 v0, v2;
	_ =	sdelay $0x1  }
0x231: {  	v3 =	vor.u32 $0x1, v2;
	_ =	sdelay $0x1  }
0x232: {  	v1 =	vld [tilespmem:s16+$0x0];
	v7 =	vor.u32 $0x2, v2  }
0x233: {  	v4 =	vld.idx.msk [tilespmem:v2+s29+$0x0], $0xffff  }
0x234: {  	v11 =	vor.u32 $0x3, v2;
	v6 =	vld.idx.msk [tilespmem:v2+s30+$0x0], $0xffff  }
0x235: {  	v9 =	vld.idx.msk [tilespmem:v3+s29+$0x0], $0xffff  }
0x236: {  	v14 =	vor.u32 $0x4, v2;
	v3 =	vld.idx.msk [tilespmem:v3+s30+$0x0], $0xffff  }
0x237: {  	v12 =	vld.idx.msk [tilespmem:v7+s29+$0x0], $0xffff  }
0x238: {  	v17 =	vor.u32 $0x5, v2;
	v7 =	vld.idx.msk [tilespmem:v7+s30+$0x0], $0xffff  }
0x239: {  	v15 =	vld.idx.msk [tilespmem:v11+s29+$0x0], $0xffff  }
0x23a: {  	v20 =	vor.u32 $0x6, v2;
	v11 =	vld.idx.msk [tilespmem:v11+s30+$0x0], $0xffff  }
0x23b: {  	v18 =	vld.idx.msk [tilespmem:v14+s29+$0x0], $0xffff  }
0x23c: {  	v31 =	vor.u32 $0x7, v2;
	v14 =	vld.idx.msk [tilespmem:v14+s30+$0x0], $0xffff  }
0x23d: {  	v29 =	vld.idx.msk [tilespmem:v17+s29+$0x0], $0xffff  }
0x23e: {  	v35 =	vor.u32 $0x8, v2;
	v30 =	vld.idx.msk [tilespmem:v17+s30+$0x0], $0xffff  }
0x23f: {  	v22 =	vld.idx.msk [tilespmem:v20+s29+$0x0], $0xffff  }
0x240: {  	v40 =	vor.u32 $0x9, v2;
	v34 =	vld.idx.msk [tilespmem:v20+s30+$0x0], $0xffff  }
0x241: {  	v46 =	vor.u32 $0xA, v2;
	v24 =	vld.idx.msk [tilespmem:v31+s29+$0x0], $0xffff  }
0x242: {  	v39 =	vld.idx.msk [tilespmem:v31+s30+$0x0], $0xffff  }
0x243: {  	v52 =	vor.u32 $0xB, v2;
	v44 =	vld.idx.msk [tilespmem:v35+s29+$0x0], $0xffff  }
0x244: {  	v1 =	vshll.u32 v1, $0x6;
	v45 =	vld.idx.msk [tilespmem:v35+s30+$0x0], $0xffff  }
0x245: {  	v5 =	vor.u32 $0x1, v1;
	v50 =	vld.idx.msk [tilespmem:v40+s29+$0x0], $0xffff  }
0x246: {  	v10 =	vor.u32 $0x2, v1;
	v56 =	vld.idx.msk [tilespmem:v46+s29+$0x0], $0xffff  }
0x247: {  	v13 =	vor.u32 $0x3, v1;
	v20 =	vld.idx.msk [tilespmem:v46+s30+$0x0], $0xffff  }
0x248: {  	v16 =	vor.u32 $0x4, v1;
	v62 =	vld.idx.msk [tilespmem:v52+s29+$0x0], $0xffff  }
0x249: {  	v19 =	vor.u32 $0x5, v1;
	v8 =	vld.idx.msk [tilespmem:v1+s20+$0x0], $0xffff  }
0x24a: {  	v21 =	vor.u32 $0x6, v1;
	v5 =	vld.idx.msk [tilespmem:v5+s20+$0x0], $0xffff  }
0x24b: {  	v23 =	vor.u32 $0x7, v1;
	v10 =	vld.idx.msk [tilespmem:v10+s20+$0x0], $0xffff  }
0x24c: {  	v25 =	vor.u32 $0x8, v1;
	v13 =	vld.idx.msk [tilespmem:v13+s20+$0x0], $0xffff  }
0x24d: {  	v26 =	vor.u32 $0x9, v1;
	v28 =	vld.idx.msk [tilespmem:v16+s20+$0x0], $0xffff  }
0x24e: {  	v51 =	vor.u32 $0xA, v1;
	v32 =	vld.idx.msk [tilespmem:v19+s20+$0x0], $0xffff  }
0x24f: {  	v36 =	vld.idx.msk [tilespmem:v21+s20+$0x0], $0xffff  }
0x250: {  	v42 =	vld.idx.msk [tilespmem:v23+s20+$0x0], $0xffff  }
0x251: {  	v57 =	vor.u32 $0xB, v1;
	v48 =	vld.idx.msk [tilespmem:v25+s20+$0x0], $0xffff;
	v4 =	vmul.bf16 v6, v4  }
0x252: {  	v58 =	vor.u32 $0xC, v2;
	v54 =	vld.idx.msk [tilespmem:v26+s20+$0x0], $0xffff;
	v3 =	vmul.bf16 v3, v9;
	v7 =	vmul.bf16 v7, v12  }
0x253: {  	v35 =	vor.u32 $0xE, v2;
	v60 =	vld.idx.msk [tilespmem:v51+s20+$0x0], $0xffff;
	v38 =	vmul.bf16 v11, v15;
	v14 =	vmul.bf16 v14, v18  }
0x254: {  	v16 =	vld.idx.msk [tilespmem:v52+s30+$0x0], $0xffff;
	v11 =	vmul.bf16 v39, v24;
	v4 =	vmul.bf16 v8, v4  }
0x255: {  	v63 =	vor.u32 $0xC, v1;
	v15 =	vld.idx.msk [tilespmem:v40+s30+$0x0], $0xffff;
	v8 =	vmul.bf16 v30, v29;
	v3 =	vmul.bf16 v5, v3  }
0x256: {  	v30 =	vld.idx.msk [tilespmem:v57+s20+$0x0], $0xffff;
	v7 =	vmul.bf16 v10, v7;
	v6 =	vmul.bf16 v28, v14;
	v28 =	vor.u32 $0xD, v2  }
0x257: {  	v10 =	vmul.bf16 v13, v38;
	v5 =	vmul.bf16 v34, v22;
	v34 =	vld.idx.msk [tilespmem:v58+s30+$0x0], $0xffff  }
0x258: {  	v40 =	vor.u32 $0xE, v1;
	v11 =	vmul.bf16 v42, v11;
	v13 =	vmul.bf16 v45, v44;
	v45 =	vld.idx.msk [tilespmem:v35+s29+$0x0], $0xffff  }
0x259: {  	v42 =	vor.u32 $0xF, v2;
	v8 =	vmul.bf16 v32, v8;
	v32 =	vld.idx.msk [tilespmem:v58+s29+$0x0], $0xffff;
	v37 =	vunpack.i.u.bf16.f32 v3  }
0x25a: {  	v33 =	vunpack.i.u.bf16.f32 v4;
	v41 =	vadd.f32 $0.0e+00, v37;
	v37 =	vld.idx.msk [tilespmem:v63+s20+$0x0], $0xffff  }
0x25b: {  	v46 =	vor.u32 $0xF, v1;
	v19 =	vadd.f32 $0.0e+00, v33;
	v49 =	vunpack.i.u.bf16.f32 v10;
	v39 =	vld.idx.msk [tilespmem:v28+s29+$0x0], $0xffff  }
0x25c: {  	v43 =	vunpack.i.u.bf16.f32 v7;
	v33 =	vor.u32 $0xD, v1;
	v53 =	vadd.f32 v49, v41;
	v41 =	vld.idx.msk [tilespmem:v28+s30+$0x0], $0xffff  }
0x25d: {  	v52 =	vor.u32 $0x10, v1;
	v9 =	vmul.bf16 v20, v56;
	v47 =	vadd.f32 v43, v19;
	v49 =	vld.idx.msk [tilespmem:v40+s20+$0x0], $0xffff  }
0x25e: {  	v55 =	vunpack.i.u.bf16.f32 v6;
	v13 =	vmul.bf16 v48, v13;
	v48 =	vor.u32 $0x10, v2;
	v51 =	vld.idx.msk [tilespmem:v42+s29+$0x0], $0xffff  }
0x25f: {  	v4 =	vunpack.i.l.bf16.f32 v4;
	v58 =	vor.u32 $0x11, v1;
	v59 =	vadd.f32 v55, v47;
	v47 =	vld.idx.msk [tilespmem:v35+s30+$0x0], $0xffff  }
0x260: {  	v4 =	vadd.f32 $0.0e+00, v4;
	v3 =	vunpack.i.l.bf16.f32 v3;
	v14 =	vmul.bf16 v15, v50;
	v55 =	vld.idx.msk [tilespmem:v46+s20+$0x0], $0xffff  }
0x261: {  	v7 =	vunpack.i.l.bf16.f32 v7;
	v5 =	vmul.bf16 v36, v5;
	v61 =	vunpack.i.u.bf16.f32 v8;
	v43 =	vld.idx.msk [tilespmem:v33+s20+$0x0], $0xffff  }
0x262: {  	v14 =	vmul.bf16 v54, v14;
	v54 =	vor.u32 $0x11, v2;
	v29 =	vadd.f32 v61, v53;
	v53 =	vld.idx.msk [tilespmem:v42+s30+$0x0], $0xffff  }
0x263: {  	v3 =	vadd.f32 $0.0e+00, v3;
	v4 =	vadd.f32 v7, v4;
	v57 =	vld.idx.msk [tilespmem:v48+s29+$0x0], $0xffff  }
0x264: {  	v31 =	vunpack.i.u.bf16.f32 v5;
	v7 =	vmul.bf16 v60, v9;
	v60 =	vor.u32 $0x12, v2;
	v61 =	vld.idx.msk [tilespmem:v52+s20+$0x0], $0xffff  }
0x265: {  	v12 =	vmul.bf16 v16, v62;
	v10 =	vunpack.i.l.bf16.f32 v10;
	v36 =	vadd.f32 v31, v59;
	v59 =	vld.idx.msk [tilespmem:v48+s30+$0x0], $0xffff  }
0x266: {  	v38 =	vunpack.i.u.bf16.f32 v11;
	v3 =	vadd.f32 v10, v3;
	v28 =	vor.u32 $0x12, v1;
	v31 =	vld.idx.msk [tilespmem:v58+s20+$0x0], $0xffff  }
0x267: {  	v8 =	vunpack.i.l.bf16.f32 v8;
	v10 =	vmul.bf16 v30, v12;
	v30 =	vor.u32 $0x13, v2;
	v63 =	vld.idx.msk [tilespmem:v54+s29+$0x0], $0xffff  }
0x268: {  	v3 =	vadd.f32 v8, v3;
	v8 =	vadd.f32 v38, v29;
	v29 =	vld.idx.msk [tilespmem:v54+s30+$0x0], $0xffff  }
0x269: {  	v18 =	vmul.bf16 v34, v32;
	v34 =	vor.u32 $0x13, v1;
	v33 =	vld.idx.msk [tilespmem:v60+s29+$0x0], $0xffff  }
0x26a: {  	v6 =	vunpack.i.l.bf16.f32 v6;
	v42 =	vor.u32 $0x15, v2;
	v35 =	vld.idx.msk [tilespmem:v60+s30+$0x0], $0xffff  }
0x26b: {  	v4 =	vadd.f32 v6, v4;
	v6 =	vmul.bf16 v37, v18;
	v37 =	vld.idx.msk [tilespmem:v28+s20+$0x0], $0xffff  }
0x26c: {  	v40 =	vor.u32 $0x14, v1;
	v15 =	vmul.bf16 v41, v39;
	v39 =	vld.idx.msk [tilespmem:v30+s29+$0x0], $0xffff  }
0x26d: {  	v11 =	vunpack.i.l.bf16.f32 v11;
	v5 =	vunpack.i.l.bf16.f32 v5;
	v48 =	vor.u32 $0x16, v2;
	v41 =	vld.idx.msk [tilespmem:v30+s30+$0x0], $0xffff  }
0x26e: {  	v46 =	vor.u32 $0x15, v1;
	v3 =	vadd.f32 v11, v3;
	v11 =	vmul.bf16 v43, v15;
	v43 =	vld.idx.msk [tilespmem:v34+s20+$0x0], $0xffff  }
0x26f: {  	v4 =	vadd.f32 v5, v4;
	v17 =	vmul.bf16 v47, v45;
	v9 =	vmul.bf16 v53, v51;
	v51 =	vld.idx.msk [tilespmem:v42+s29+$0x0], $0xffff  }
0x270: {  	v44 =	vunpack.i.u.bf16.f32 v13;
	v13 =	vunpack.i.l.bf16.f32 v13;
	v54 =	vor.u32 $0x17, v2;
	v53 =	vld.idx.msk [tilespmem:v42+s30+$0x0], $0xffff  }
0x271: {  	v4 =	vadd.f32 v13, v4;
	v13 =	vmul.bf16 v49, v17;
	v49 =	vld.idx.msk [tilespmem:v40+s20+$0x0], $0xffff  }
0x272: {  	v60 =	vor.u32 $0x18, v2;
	v12 =	vmul.bf16 v59, v57;
	v57 =	vld.idx.msk [tilespmem:v48+s29+$0x0], $0xffff  }
0x273: {  	v59 =	vld.idx.msk [tilespmem:v48+s30+$0x0], $0xffff  }
0x274: {  	v5 =	vadd.f32 v44, v36;
	v36 =	vor.u32 $0x14, v2;
	v9 =	vmul.bf16 v55, v9;
	v55 =	vld.idx.msk [tilespmem:v46+s20+$0x0], $0xffff  }
0x275: {  	v18 =	vmul.bf16 v29, v63;
	v63 =	vld.idx.msk [tilespmem:v54+s29+$0x0], $0xffff  }
0x276: {  	v52 =	vor.u32 $0x16, v1;
	v29 =	vld.idx.msk [tilespmem:v54+s30+$0x0], $0xffff  }
0x277: {  	v30 =	vor.u32 $0x19, v2;
	v15 =	vmul.bf16 v35, v33;
	v33 =	vld.idx.msk [tilespmem:v60+s29+$0x0], $0xffff  }
0x278: {  	v50 =	vunpack.i.u.bf16.f32 v14;
	v14 =	vunpack.i.l.bf16.f32 v14;
	v35 =	vld.idx.msk [tilespmem:v60+s30+$0x0], $0xffff  }
0x279: {  	v56 =	vunpack.i.u.bf16.f32 v7;
	v7 =	vunpack.i.l.bf16.f32 v7;
	v58 =	vor.u32 $0x17, v1;
	v45 =	vld.idx.msk [tilespmem:v36+s29+$0x0], $0xffff  }
0x27a: {  	v62 =	vunpack.i.u.bf16.f32 v10;
	v28 =	vor.u32 $0x18, v1;
	v3 =	vadd.f32 v14, v3;
	v47 =	vld.idx.msk [tilespmem:v36+s30+$0x0], $0xffff  }
0x27b: {  	v4 =	vadd.f32 v7, v4;
	v34 =	vor.u32 $0x19, v1;
	v7 =	vmul.bf16 v61, v12;
	v61 =	vld.idx.msk [tilespmem:v52+s20+$0x0], $0xffff  }
0x27c: {  	v10 =	vunpack.i.l.bf16.f32 v10;
	v42 =	vor.u32 $0x1B, v2;
	v16 =	vmul.bf16 v41, v39;
	v39 =	vld.idx.msk [tilespmem:v30+s29+$0x0], $0xffff  }
0x27d: {  	v32 =	vunpack.i.u.bf16.f32 v6;
	v6 =	vunpack.i.l.bf16.f32 v6;
	v3 =	vadd.f32 v10, v3;
	v41 =	vld.idx.msk [tilespmem:v30+s30+$0x0], $0xffff  }
0x27e: {  	v48 =	vor.u32 $0x1C, v2;
	v4 =	vadd.f32 v6, v4;
	v10 =	vmul.bf16 v31, v18;
	v31 =	vld.idx.msk [tilespmem:v58+s20+$0x0], $0xffff  }
0x27f: {  	v38 =	vunpack.i.u.bf16.f32 v11;
	v11 =	vunpack.i.l.bf16.f32 v11;
	v6 =	vmul.bf16 v37, v15;
	v37 =	vld.idx.msk [tilespmem:v28+s20+$0x0], $0xffff  }
0x280: {  	v46 =	vor.u32 $0x1B, v1;
	v3 =	vadd.f32 v11, v3;
	v11 =	vmul.bf16 v43, v16;
	v43 =	vld.idx.msk [tilespmem:v34+s20+$0x0], $0xffff  }
0x281: {  	v54 =	vor.u32 $0x1D, v2;
	v12 =	vmul.bf16 v53, v51;
	v51 =	vld.idx.msk [tilespmem:v42+s29+$0x0], $0xffff  }
0x282: {  	v53 =	vld.idx.msk [tilespmem:v42+s30+$0x0], $0xffff  }
0x283: {  	v8 =	vadd.f32 v50, v8;
	v60 =	vor.u32 $0x1E, v2;
	v18 =	vmul.bf16 v59, v57;
	v57 =	vld.idx.msk [tilespmem:v48+s29+$0x0], $0xffff  }
0x284: {  	v5 =	vadd.f32 v56, v5;
	v50 =	vunpack.i.u.bf16.f32 v9;
	v9 =	vunpack.i.l.bf16.f32 v9;
	v59 =	vld.idx.msk [tilespmem:v48+s30+$0x0], $0xffff  }
0x285: {  	v36 =	vor.u32 $0x1A, v2;
	v3 =	vadd.f32 v9, v3;
	v9 =	vmul.bf16 v55, v12;
	v55 =	vld.idx.msk [tilespmem:v46+s20+$0x0], $0xffff  }
0x286: {  	v8 =	vadd.f32 v62, v8;
	v40 =	vor.u32 $0x1A, v1;
	v15 =	vmul.bf16 v29, v63;
	v63 =	vld.idx.msk [tilespmem:v54+s29+$0x0], $0xffff  }
0x287: {  	v5 =	vadd.f32 v32, v5;
	v44 =	vunpack.i.u.bf16.f32 v13;
	v52 =	vor.u32 $0x1C, v1;
	v29 =	vld.idx.msk [tilespmem:v54+s30+$0x0], $0xffff  }
0x288: {  	v13 =	vunpack.i.l.bf16.f32 v13;
	v58 =	vor.u32 $0x1D, v1;
	v16 =	vmul.bf16 v35, v33;
	v33 =	vld.idx.msk [tilespmem:v60+s29+$0x0], $0xffff  }
0x289: {  	v30 =	vor.u32 $0x1F, v2;
	v4 =	vadd.f32 v13, v4;
	v28 =	vor.u32 $0x1E, v1;
	v35 =	vld.idx.msk [tilespmem:v60+s30+$0x0], $0xffff  }
0x28a: {  	v56 =	vunpack.i.u.bf16.f32 v7;
	v7 =	vunpack.i.l.bf16.f32 v7;
	v14 =	vmul.bf16 v47, v45;
	v45 =	vld.idx.msk [tilespmem:v36+s29+$0x0], $0xffff  }
0x28b: {  	v42 =	vor.u32 $0x21, v2;
	v4 =	vadd.f32 v7, v4;
	v62 =	vunpack.i.u.bf16.f32 v10;
	v47 =	vld.idx.msk [tilespmem:v36+s30+$0x0], $0xffff  }
0x28c: {  	v10 =	vunpack.i.l.bf16.f32 v10;
	v32 =	vunpack.i.u.bf16.f32 v6;
	v7 =	vmul.bf16 v61, v18;
	v61 =	vld.idx.msk [tilespmem:v52+s20+$0x0], $0xffff  }
0x28d: {  	v6 =	vunpack.i.l.bf16.f32 v6;
	v3 =	vadd.f32 v10, v3;
	v10 =	vmul.bf16 v31, v15;
	v31 =	vld.idx.msk [tilespmem:v58+s20+$0x0], $0xffff  }
0x28e: {  	v4 =	vadd.f32 v6, v4;
	v6 =	vmul.bf16 v37, v16;
	v37 =	vld.idx.msk [tilespmem:v28+s20+$0x0], $0xffff  }
0x28f: {  	v48 =	vor.u32 $0x22, v2;
	v13 =	vmul.bf16 v49, v14;
	v49 =	vld.idx.msk [tilespmem:v40+s20+$0x0], $0xffff  }
0x290: {  	v14 =	vmul.bf16 v41, v39;
	v39 =	vld.idx.msk [tilespmem:v30+s29+$0x0], $0xffff  }
0x291: {  	v34 =	vor.u32 $0x1F, v1;
	v41 =	vld.idx.msk [tilespmem:v30+s30+$0x0], $0xffff  }
0x292: {  	v46 =	vor.u32 $0x21, v1;
	v17 =	vmul.bf16 v53, v51;
	v51 =	vld.idx.msk [tilespmem:v42+s29+$0x0], $0xffff  }
0x293: {  	v8 =	vadd.f32 v38, v8;
	v54 =	vor.u32 $0x23, v2;
	v53 =	vld.idx.msk [tilespmem:v42+s30+$0x0], $0xffff  }
0x294: {  	v38 =	vunpack.i.u.bf16.f32 v11;
	v11 =	vunpack.i.l.bf16.f32 v11;
	v15 =	vmul.bf16 v59, v57;
	v57 =	vld.idx.msk [tilespmem:v48+s29+$0x0], $0xffff  }
0x295: {  	v8 =	vadd.f32 v50, v8;
	v60 =	vor.u32 $0x24, v2;
	v3 =	vadd.f32 v11, v3;
	v59 =	vld.idx.msk [tilespmem:v48+s30+$0x0], $0xffff  }
0x296: {  	v50 =	vunpack.i.u.bf16.f32 v9;
	v9 =	vunpack.i.l.bf16.f32 v9;
	v11 =	vmul.bf16 v43, v14;
	v43 =	vld.idx.msk [tilespmem:v34+s20+$0x0], $0xffff  }
0x297: {  	v36 =	vor.u32 $0x20, v2;
	v3 =	vadd.f32 v9, v3;
	v9 =	vmul.bf16 v55, v17;
	v55 =	vld.idx.msk [tilespmem:v46+s20+$0x0], $0xffff  }
0x298: {  	v5 =	vadd.f32 v44, v5;
	v16 =	vmul.bf16 v29, v63;
	v63 =	vld.idx.msk [tilespmem:v54+s29+$0x0], $0xffff  }
0x299: {  	v58 =	vor.u32 $0x23, v1;
	v29 =	vld.idx.msk [tilespmem:v54+s30+$0x0], $0xffff  }
0x29a: {  	v5 =	vadd.f32 v56, v5;
	v40 =	vor.u32 $0x20, v1;
	v14 =	vmul.bf16 v35, v33;
	v33 =	vld.idx.msk [tilespmem:v60+s29+$0x0], $0xffff  }
0x29b: {  	v8 =	vadd.f32 v62, v8;
	v52 =	vor.u32 $0x22, v1;
	v30 =	vor.u32 $0x25, v2;
	v35 =	vld.idx.msk [tilespmem:v60+s30+$0x0], $0xffff  }
0x29c: {  	v42 =	vor.u32 $0x27, v2;
	v62 =	vunpack.i.u.bf16.f32 v10;
	v12 =	vmul.bf16 v47, v45;
	v45 =	vld.idx.msk [tilespmem:v36+s29+$0x0], $0xffff  }
0x29d: {  	v10 =	vunpack.i.l.bf16.f32 v10;
	v44 =	vunpack.i.u.bf16.f32 v13;
	v13 =	vunpack.i.l.bf16.f32 v13;
	v47 =	vld.idx.msk [tilespmem:v36+s30+$0x0], $0xffff  }
0x29e: {  	v4 =	vadd.f32 v13, v4;
	v3 =	vadd.f32 v10, v3;
	v10 =	vmul.bf16 v31, v16;
	v31 =	vld.idx.msk [tilespmem:v58+s20+$0x0], $0xffff  }
0x29f: {  	v56 =	vunpack.i.u.bf16.f32 v7;
	v7 =	vunpack.i.l.bf16.f32 v7;
	v12 =	vmul.bf16 v49, v12;
	v49 =	vld.idx.msk [tilespmem:v40+s20+$0x0], $0xffff  }
0x2a0: {  	v48 =	vor.u32 $0x28, v2;
	v4 =	vadd.f32 v7, v4;
	v7 =	vmul.bf16 v61, v15;
	v61 =	vld.idx.msk [tilespmem:v52+s20+$0x0], $0xffff  }
0x2a1: {  	v8 =	vadd.f32 v38, v8;
	v13 =	vmul.bf16 v41, v39;
	v39 =	vld.idx.msk [tilespmem:v30+s29+$0x0], $0xffff  }
0x2a2: {  	v5 =	vadd.f32 v32, v5;
	v28 =	vor.u32 $0x24, v1;
	v41 =	vld.idx.msk [tilespmem:v30+s30+$0x0], $0xffff  }
0x2a3: {  	v8 =	vadd.f32 v50, v8;
	v34 =	vor.u32 $0x25, v1;
	v15 =	vmul.bf16 v53, v51;
	v51 =	vld.idx.msk [tilespmem:v42+s29+$0x0], $0xffff  }
0x2a4: {  	v32 =	vunpack.i.u.bf16.f32 v6;
	v6 =	vunpack.i.l.bf16.f32 v6;
	v46 =	vor.u32 $0x27, v1;
	v53 =	vld.idx.msk [tilespmem:v42+s30+$0x0], $0xffff  }
0x2a5: {  	v54 =	vor.u32 $0x29, v2;
	v60 =	vor.u32 $0x2A, v2;
	v16 =	vmul.bf16 v59, v57;
	v57 =	vld.idx.msk [tilespmem:v48+s29+$0x0], $0xffff  }
0x2a6: {  	v5 =	vadd.f32 v44, v5;
	v38 =	vunpack.i.u.bf16.f32 v11;
	v11 =	vunpack.i.l.bf16.f32 v11;
	v59 =	vld.idx.msk [tilespmem:v48+s30+$0x0], $0xffff  }
0x2a7: {  	v3 =	vadd.f32 v11, v3;
	v4 =	vadd.f32 v6, v4;
	v6 =	vmul.bf16 v37, v14;
	v37 =	vld.idx.msk [tilespmem:v28+s20+$0x0], $0xffff  }
0x2a8: {  	v50 =	vunpack.i.u.bf16.f32 v9;
	v9 =	vunpack.i.l.bf16.f32 v9;
	v11 =	vmul.bf16 v43, v13;
	v43 =	vld.idx.msk [tilespmem:v34+s20+$0x0], $0xffff  }
0x2a9: {  	v36 =	vor.u32 $0x26, v2;
	v3 =	vadd.f32 v9, v3;
	v9 =	vmul.bf16 v55, v15;
	v55 =	vld.idx.msk [tilespmem:v46+s20+$0x0], $0xffff  }
0x2aa: {  	v8 =	vadd.f32 v62, v8;
	v14 =	vmul.bf16 v29, v63;
	v63 =	vld.idx.msk [tilespmem:v54+s29+$0x0], $0xffff  }
0x2ab: {  	v58 =	vor.u32 $0x29, v1;
	v5 =	vadd.f32 v56, v5;
	v29 =	vld.idx.msk [tilespmem:v54+s30+$0x0], $0xffff  }
0x2ac: {  	v8 =	vadd.f32 v38, v8;
	v40 =	vor.u32 $0x26, v1;
	v13 =	vmul.bf16 v35, v33;
	v33 =	vld.idx.msk [tilespmem:v60+s29+$0x0], $0xffff  }
0x2ad: {  	v52 =	vor.u32 $0x28, v1;
	v30 =	vor.u32 $0x2B, v2;
	v42 =	vor.u32 $0x2D, v2;
	v35 =	vld.idx.msk [tilespmem:v60+s30+$0x0], $0xffff  }
0x2ae: {  	v62 =	vunpack.i.u.bf16.f32 v10;
	v10 =	vunpack.i.l.bf16.f32 v10;
	v17 =	vmul.bf16 v47, v45;
	v45 =	vld.idx.msk [tilespmem:v36+s29+$0x0], $0xffff  }
0x2af: {  	v48 =	vor.u32 $0x2E, v2;
	v5 =	vadd.f32 v32, v5;
	v44 =	vunpack.i.u.bf16.f32 v12;
	v47 =	vld.idx.msk [tilespmem:v36+s30+$0x0], $0xffff  }
0x2b0: {  	v12 =	vunpack.i.l.bf16.f32 v12;
	v3 =	vadd.f32 v10, v3;
	v10 =	vmul.bf16 v31, v14;
	v31 =	vld.idx.msk [tilespmem:v58+s20+$0x0], $0xffff  }
0x2b1: {  	v8 =	vadd.f32 v50, v8;
	v4 =	vadd.f32 v12, v4;
	v12 =	vmul.bf16 v49, v17;
	v49 =	vld.idx.msk [tilespmem:v40+s20+$0x0], $0xffff  }
0x2b2: {  	v56 =	vunpack.i.u.bf16.f32 v7;
	v7 =	vunpack.i.l.bf16.f32 v7;
	v17 =	vmul.bf16 v41, v39;
	v39 =	vld.idx.msk [tilespmem:v30+s29+$0x0], $0xffff  }
0x2b3: {  	v28 =	vor.u32 $0x2A, v1;
	v34 =	vor.u32 $0x2B, v1;
	v46 =	vor.u32 $0x2D, v1;
	v41 =	vld.idx.msk [tilespmem:v30+s30+$0x0], $0xffff  }
0x2b4: {  	v54 =	vor.u32 $0x2F, v2;
	v4 =	vadd.f32 v7, v4;
	v7 =	vmul.bf16 v61, v16;
	v61 =	vld.idx.msk [tilespmem:v52+s20+$0x0], $0xffff  }
0x2b5: {  	v60 =	vor.u32 $0x30, v2;
	v36 =	vor.u32 $0x2C, v2;
	v16 =	vmul.bf16 v53, v51;
	v51 =	vld.idx.msk [tilespmem:v42+s29+$0x0], $0xffff  }
0x2b6: {  	v5 =	vadd.f32 v44, v5;
	v8 =	vadd.f32 v62, v8;
	v32 =	vunpack.i.u.bf16.f32 v6;
	v53 =	vld.idx.msk [tilespmem:v42+s30+$0x0], $0xffff  }
0x2b7: {  	v6 =	vunpack.i.l.bf16.f32 v6;
	v38 =	vunpack.i.u.bf16.f32 v11;
	v14 =	vmul.bf16 v59, v57;
	v57 =	vld.idx.msk [tilespmem:v48+s29+$0x0], $0xffff  }
0x2b8: {  	v11 =	vunpack.i.l.bf16.f32 v11;
	v50 =	vunpack.i.u.bf16.f32 v9;
	v9 =	vunpack.i.l.bf16.f32 v9;
	v59 =	vld.idx.msk [tilespmem:v48+s30+$0x0], $0xffff  }
0x2b9: {  	v58 =	vor.u32 $0x2F, v1;
	v3 =	vadd.f32 v11, v3;
	v11 =	vmul.bf16 v43, v17;
	v43 =	vld.idx.msk [tilespmem:v34+s20+$0x0], $0xffff  }
0x2ba: {  	v40 =	vor.u32 $0x2C, v1;
	v30 =	vor.u32 $0x31, v2;
	v17 =	vmul.bf16 v35, v33;
	v33 =	vld.idx.msk [tilespmem:v60+s29+$0x0], $0xffff  }
0x2bb: {  	v5 =	vadd.f32 v56, v5;
	v8 =	vadd.f32 v38, v8;
	v62 =	vunpack.i.u.bf16.f32 v10;
	v35 =	vld.idx.msk [tilespmem:v60+s30+$0x0], $0xffff  }
0x2bc: {  	v10 =	vunpack.i.l.bf16.f32 v10;
	v4 =	vadd.f32 v6, v4;
	v6 =	vmul.bf16 v37, v13;
	v37 =	vld.idx.msk [tilespmem:v28+s20+$0x0], $0xffff  }
0x2bd: {  	v52 =	vor.u32 $0x2E, v1;
	v42 =	vor.u32 $0x33, v2;
	v15 =	vmul.bf16 v47, v45;
	v45 =	vld.idx.msk [tilespmem:v36+s29+$0x0], $0xffff  }
0x2be: {  	v48 =	vor.u32 $0x34, v2;
	v44 =	vunpack.i.u.bf16.f32 v12;
	v12 =	vunpack.i.l.bf16.f32 v12;
	v47 =	vld.idx.msk [tilespmem:v36+s30+$0x0], $0xffff  }
0x2bf: {  	v34 =	vor.u32 $0x31, v1;
	v3 =	vadd.f32 v9, v3;
	v9 =	vmul.bf16 v55, v16;
	v55 =	vld.idx.msk [tilespmem:v46+s20+$0x0], $0xffff  }
0x2c0: {  	v60 =	vor.u32 $0x36, v2;
	v5 =	vadd.f32 v32, v5;
	v13 =	vmul.bf16 v29, v63;
	v63 =	vld.idx.msk [tilespmem:v54+s29+$0x0], $0xffff  }
0x2c1: {  	v8 =	vadd.f32 v50, v8;
	v56 =	vunpack.i.u.bf16.f32 v7;
	v7 =	vunpack.i.l.bf16.f32 v7;
	v29 =	vld.idx.msk [tilespmem:v54+s30+$0x0], $0xffff  }
0x2c2: {  	v28 =	vor.u32 $0x30, v1;
	v4 =	vadd.f32 v12, v4;
	v12 =	vmul.bf16 v49, v15;
	v49 =	vld.idx.msk [tilespmem:v40+s20+$0x0], $0xffff  }
0x2c3: {  	v36 =	vor.u32 $0x32, v2;
	v3 =	vadd.f32 v10, v3;
	v10 =	vmul.bf16 v31, v13;
	v31 =	vld.idx.msk [tilespmem:v58+s20+$0x0], $0xffff  }
0x2c4: {  	v46 =	vor.u32 $0x33, v1;
	v54 =	vor.u32 $0x35, v2;
	v15 =	vmul.bf16 v41, v39;
	v39 =	vld.idx.msk [tilespmem:v30+s29+$0x0], $0xffff  }
0x2c5: {  	v38 =	vunpack.i.u.bf16.f32 v11;
	v11 =	vunpack.i.l.bf16.f32 v11;
	v5 =	vadd.f32 v44, v5;
	v41 =	vld.idx.msk [tilespmem:v30+s30+$0x0], $0xffff  }
0x2c6: {  	v8 =	vadd.f32 v62, v8;
	v32 =	vunpack.i.u.bf16.f32 v6;
	v13 =	vmul.bf16 v59, v57;
	v57 =	vld.idx.msk [tilespmem:v48+s29+$0x0], $0xffff  }
0x2c7: {  	v6 =	vunpack.i.l.bf16.f32 v6;
	v50 =	vunpack.i.u.bf16.f32 v9;
	v9 =	vunpack.i.l.bf16.f32 v9;
	v59 =	vld.idx.msk [tilespmem:v48+s30+$0x0], $0xffff  }
0x2c8: {  	v40 =	vor.u32 $0x32, v1;
	v4 =	vadd.f32 v7, v4;
	v7 =	vmul.bf16 v61, v14;
	v61 =	vld.idx.msk [tilespmem:v52+s20+$0x0], $0xffff  }
0x2c9: {  	v58 =	vor.u32 $0x35, v1;
	v3 =	vadd.f32 v11, v3;
	v11 =	vmul.bf16 v43, v15;
	v43 =	vld.idx.msk [tilespmem:v34+s20+$0x0], $0xffff  }
0x2ca: {  	v30 =	vor.u32 $0x37, v2;
	v48 =	vor.u32 $0x3A, v2;
	v14 =	vmul.bf16 v53, v51;
	v51 =	vld.idx.msk [tilespmem:v42+s29+$0x0], $0xffff  }
0x2cb: {  	v5 =	vadd.f32 v56, v5;
	v8 =	vadd.f32 v38, v8;
	v44 =	vunpack.i.u.bf16.f32 v12;
	v53 =	vld.idx.msk [tilespmem:v42+s30+$0x0], $0xffff  }
0x2cc: {  	v12 =	vunpack.i.l.bf16.f32 v12;
	v62 =	vunpack.i.u.bf16.f32 v10;
	v15 =	vmul.bf16 v35, v33;
	v33 =	vld.idx.msk [tilespmem:v60+s29+$0x0], $0xffff  }
0x2cd: {  	v10 =	vunpack.i.l.bf16.f32 v10;
	v52 =	vor.u32 $0x34, v1;
	v34 =	vor.u32 $0x37, v1;
	v35 =	vld.idx.msk [tilespmem:v60+s30+$0x0], $0xffff  }
0x2ce: {  	v42 =	vor.u32 $0x39, v2;
	v60 =	vor.u32 $0x3C, v2;
	v16 =	vmul.bf16 v47, v45;
	v45 =	vld.idx.msk [tilespmem:v36+s29+$0x0], $0xffff  }
0x2cf: {  	v47 =	vld.idx.msk [tilespmem:v36+s30+$0x0], $0xffff;
	v36 =	vor.u32 $0x38, v2;
	v4 =	vadd.f32 v6, v4;
	v5 =	vadd.f32 v32, v5  }
0x2d0: {  	v3 =	vadd.f32 v9, v3;
	v8 =	vadd.f32 v50, v8;
	v56 =	vunpack.i.u.bf16.f32 v7  }
0x2d1: {  	v7 =	vunpack.i.l.bf16.f32 v7;
	v6 =	vmul.bf16 v37, v17;
	v37 =	vld.idx.msk [tilespmem:v28+s20+$0x0], $0xffff;
	v38 =	vunpack.i.u.bf16.f32 v11  }
0x2d2: {  	v11 =	vunpack.i.l.bf16.f32 v11;
	v9 =	vmul.bf16 v55, v14;
	v17 =	vmul.bf16 v29, v63;
	v55 =	vld.idx.msk [tilespmem:v46+s20+$0x0], $0xffff  }
0x2d3: {  	v63 =	vld.idx.msk [tilespmem:v54+s29+$0x0], $0xffff;
	v28 =	vor.u32 $0x36, v1;
	v46 =	vor.u32 $0x39, v1;
	v4 =	vadd.f32 v12, v4  }
0x2d4: {  	v29 =	vld.idx.msk [tilespmem:v54+s30+$0x0], $0xffff;
	v54 =	vor.u32 $0x3B, v2;
	v5 =	vadd.f32 v44, v5;
	v3 =	vadd.f32 v10, v3  }
0x2d5: {  	v8 =	vadd.f32 v62, v8;
	v32 =	vunpack.i.u.bf16.f32 v6;
	v6 =	vunpack.i.l.bf16.f32 v6  }
0x2d6: {  	v12 =	vmul.bf16 v49, v16;
	v49 =	vld.idx.msk [tilespmem:v40+s20+$0x0], $0xffff;
	v50 =	vunpack.i.u.bf16.f32 v9;
	v9 =	vunpack.i.l.bf16.f32 v9  }
0x2d7: {  	v10 =	vmul.bf16 v31, v17;
	v16 =	vmul.bf16 v41, v39;
	v31 =	vld.idx.msk [tilespmem:v58+s20+$0x0], $0xffff;
	v40 =	vor.u32 $0x38, v1  }
0x2d8: {  	v39 =	vld.idx.msk [tilespmem:v30+s29+$0x0], $0xffff;
	v17 =	vmul.bf16 v59, v57;
	v58 =	vor.u32 $0x3B, v1;
	v4 =	vadd.f32 v7, v4  }
0x2d9: {  	v41 =	vld.idx.msk [tilespmem:v30+s30+$0x0], $0xffff;
	v30 =	vor.u32 $0x3D, v2;
	v5 =	vadd.f32 v56, v5;
	v3 =	vadd.f32 v11, v3  }
0x2da: {  	v57 =	vld.idx.msk [tilespmem:v48+s29+$0x0], $0xffff;
	v8 =	vadd.f32 v38, v8;
	v44 =	vunpack.i.u.bf16.f32 v12;
	v12 =	vunpack.i.l.bf16.f32 v12  }
0x2db: {  	v59 =	vld.idx.msk [tilespmem:v48+s30+$0x0], $0xffff;
	v7 =	vmul.bf16 v61, v13;
	v62 =	vunpack.i.u.bf16.f32 v10;
	v11 =	vmul.bf16 v43, v16  }
0x2dc: {  	v61 =	vld.idx.msk [tilespmem:v52+s20+$0x0], $0xffff;
	v10 =	vunpack.i.l.bf16.f32 v10;
	v14 =	vmul.bf16 v47, v45;
	v13 =	vmul.bf16 v53, v51  }
0x2dd: {  	v43 =	vld.idx.msk [tilespmem:v34+s20+$0x0], $0xffff;
	v52 =	vor.u32 $0x3A, v1;
	v16 =	vmul.bf16 v35, v33;
	v4 =	vadd.f32 v6, v4  }
0x2de: {  	v45 =	vld.idx.msk [tilespmem:v36+s29+$0x0], $0xffff;
	v34 =	vor.u32 $0x3D, v1;
	v5 =	vadd.f32 v32, v5;
	v3 =	vadd.f32 v9, v3  }
0x2df: {  	v47 =	vld.idx.msk [tilespmem:v36+s30+$0x0], $0xffff;
	v8 =	vadd.f32 v50, v8;
	v56 =	vunpack.i.u.bf16.f32 v7;
	v7 =	vunpack.i.l.bf16.f32 v7  }
0x2e0: {  	v51 =	vld.idx.msk [tilespmem:v42+s29+$0x0], $0xffff;
	v6 =	vmul.bf16 v37, v15;
	v38 =	vunpack.i.u.bf16.f32 v11;
	v11 =	vunpack.i.l.bf16.f32 v11  }
0x2e1: {  	v53 =	vld.idx.msk [tilespmem:v42+s30+$0x0], $0xffff;
	v9 =	vmul.bf16 v55, v13;
	v15 =	vmul.bf16 v29, v63;
	v4 =	vadd.f32 v12, v4  }
0x2e2: {  	v37 =	vld.idx.msk [tilespmem:v28+s20+$0x0], $0xffff;
	v28 =	vor.u32 $0x3C, v1;
	v5 =	vadd.f32 v44, v5;
	v3 =	vadd.f32 v10, v3  }
0x2e3: {  	v8 =	vadd.f32 v62, v8;
	v32 =	vunpack.i.u.bf16.f32 v6;
	v6 =	vunpack.i.l.bf16.f32 v6  }
0x2e4: {  	v12 =	vmul.bf16 v49, v14;
	v50 =	vunpack.i.u.bf16.f32 v9;
	v9 =	vunpack.i.l.bf16.f32 v9  }
0x2e5: {  	v10 =	vmul.bf16 v31, v15;
	v14 =	vmul.bf16 v41, v39;
	v41 =	vor.u32 $0x3E, v1  }
0x2e6: {  	v15 =	vmul.bf16 v59, v57;
	v1 =	vor.u32 $0x3F, v1;
	v13 =	vmul.bf16 v47, v45  }
0x2e7: {  	v55 =	vld.idx.msk [tilespmem:v46+s20+$0x0], $0xffff;
	v39 =	vmul.bf16 v53, v51;
	v4 =	vadd.f32 v7, v4;
	v5 =	vadd.f32 v56, v5  }
0x2e8: {  	v42 =	vld.idx.msk [tilespmem:v30+s30+$0x0], $0xffff;
	v3 =	vadd.f32 v11, v3;
	v8 =	vadd.f32 v38, v8;
	v44 =	vunpack.i.u.bf16.f32 v12  }
0x2e9: {  	v49 =	vld.idx.msk [tilespmem:v40+s20+$0x0], $0xffff;
	v12 =	vunpack.i.l.bf16.f32 v12;
	v7 =	vmul.bf16 v61, v17;
	v61 =	vunpack.i.l.bf16.f32 v10  }
0x2ea: {  	v40 =	vld.idx.msk [tilespmem:v30+s29+$0x0], $0xffff;
	v10 =	vunpack.i.u.bf16.f32 v10;
	v4 =	vadd.f32 v6, v4;
	v5 =	vadd.f32 v32, v5  }
0x2eb: {  	v33 =	vld.idx.msk [tilespmem:v60+s29+$0x0], $0xffff;
	v11 =	vmul.bf16 v43, v14;
	v3 =	vadd.f32 v9, v3;
	v8 =	vadd.f32 v50, v8  }
0x2ec: {  	v62 =	vld.idx.msk [tilespmem:v52+s20+$0x0], $0xffff;
	v56 =	vunpack.i.u.bf16.f32 v7;
	v7 =	vunpack.i.l.bf16.f32 v7;
	v6 =	vmul.bf16 v37, v16  }
0x2ed: {  	v36 =	vld.idx.msk [tilespmem:v60+s30+$0x0], $0xffff;
	v35 =	vunpack.i.l.bf16.f32 v11;
	v37 =	vor.u32 $0x3E, v2;
	v11 =	vunpack.i.u.bf16.f32 v11  }
0x2ee: {  	v63 =	vld.idx.msk [tilespmem:v54+s29+$0x0], $0xffff;
	v2 =	vor.u32 $0x3F, v2;
	v9 =	vmul.bf16 v55, v39;
	v4 =	vadd.f32 v12, v4  }
0x2ef: {  	v29 =	vld.idx.msk [tilespmem:v54+s30+$0x0], $0xffff;
	v55 =	vmul.bf16 v42, v40;
	v5 =	vadd.f32 v44, v5;
	v3 =	vadd.f32 v61, v3  }
0x2f0: {  	v38 =	vld.idx.msk [tilespmem:v28+s20+$0x0], $0xffff;
	v8 =	vadd.f32 v10, v8;
	v31 =	vunpack.i.l.bf16.f32 v6;
	v6 =	vunpack.i.u.bf16.f32 v6  }
0x2f1: {  	v32 =	vld.idx.msk [tilespmem:v58+s20+$0x0], $0xffff;
	v12 =	vmul.bf16 v49, v13;
	v46 =	vmul.bf16 v62, v15;
	v48 =	vunpack.i.l.bf16.f32 v9  }
0x2f2: {  	v44 =	vld.idx.msk [tilespmem:v34+s20+$0x0], $0xffff;
	v9 =	vunpack.i.u.bf16.f32 v9;
	v4 =	vadd.f32 v7, v4;
	v5 =	vadd.f32 v56, v5  }
0x2f3: {  	v10 =	vmul.bf16 v36, v33;
	v3 =	vadd.f32 v35, v3;
	v8 =	vadd.f32 v11, v8;
	v47 =	vld.idx.msk [tilespmem:v37+s29+$0x0], $0xffff  }
0x2f4: {  	v43 =	vunpack.i.l.bf16.f32 v12;
	v45 =	vunpack.i.u.bf16.f32 v12;
	v7 =	vmul.bf16 v29, v63;
	v49 =	vld.idx.msk [tilespmem:v37+s30+$0x0], $0xffff  }
0x2f5: {  	v51 =	vunpack.i.l.bf16.f32 v46;
	v53 =	vunpack.i.u.bf16.f32 v46;
	v52 =	vld.idx.msk [tilespmem:v2+s29+$0x0], $0xffff;
	v4 =	vadd.f32 v31, v4  }
0x2f6: {  	v2 =	vld.idx.msk [tilespmem:v2+s30+$0x0], $0xffff;
	v5 =	vadd.f32 v6, v5;
	v3 =	vadd.f32 v48, v3;
	v7 =	vmul.bf16 v32, v7  }
0x2f7: {  	v50 =	vld.idx.msk [tilespmem:v41+s20+$0x0], $0xffff;
	v8 =	vadd.f32 v9, v8;
	v6 =	vmul.bf16 v38, v10;
	v58 =	vmul.bf16 v44, v55  }
0x2f8: {  	v1 =	vld.idx.msk [tilespmem:v1+s20+$0x0], $0xffff;
	v4 =	vadd.f32 v43, v4;
	v5 =	vadd.f32 v45, v5;
	v54 =	vunpack.i.l.bf16.f32 v7  }
0x2f9: {  	v7 =	vunpack.i.u.bf16.f32 v7;
	v57 =	vunpack.i.l.bf16.f32 v6;
	v6 =	vunpack.i.u.bf16.f32 v6  }
0x2fa: {  	v3 =	vadd.f32 v54, v3;
	v7 =	vadd.f32 v7, v8;
	v8 =	vunpack.i.l.bf16.f32 v58  }
0x2fb: {  	v4 =	vadd.f32 v51, v4;
	v56 =	vmul.bf16 v49, v47;
	v2 =	vmul.bf16 v2, v52  }
0x2fc: {  	v60 =	vunpack.i.u.bf16.f32 v58;
	v5 =	vadd.f32 v53, v5;
	v3 =	vadd.f32 v8, v3  }
0x2fd: {  	v4 =	vadd.f32 v57, v4;
	v59 =	vmul.bf16 v50, v56;
	v1 =	vmul.bf16 v1, v2  }
0x2fe: {  	v5 =	vadd.f32 v6, v5;
	v2 =	vadd.f32 v60, v7  }
0x2ff: {  	v61 =	vunpack.i.l.bf16.f32 v59;
	v62 =	vunpack.i.u.bf16.f32 v59;
	v63 =	vunpack.i.u.bf16.f32 v1  }
0x300: {  	v1 =	vunpack.i.l.bf16.f32 v1;
	v4 =	vadd.f32 v61, v4;
	v5 =	vadd.f32 v62, v5  }
0x301: {  	v1 =	vadd.f32 v1, v3;
	v2 =	vadd.f32 v63, v2  }
0x302: {  	p0 =	sne.s32 s15, $0x180  }
.Ltmp4:
0x303: {  	v3 =	vadd.f32 v4, v5;
	v1 =	vadd.f32 v1, v2;
	(pc) =	sbr.rel @p0 .LBB2_9-.Ltmp4, $3  }
0x304: {  	_ = 	snop  }
0x305: {  	v1 =	vadd.f32 v1, v3;
	_ =	sdelay $0x1  }
0x306: {  	s16 =	sadd.s32 $0x10, s16;
	s15 =	sadd.s32 $0x10, s15;
	[tilespmem:s19+$0x0] =	vst v1;
	s19 =	sadd.s32 $0x10, s19  }
0x307: {  	s15 =	rddreg [dreg:$0xb]  }
0x308: {  	[hbm4b:s15+s5] =	stream.linear.scatter [tilespmem:s12], [sflag:$0x7], $0x190, $0x38;
	[tilespmem:$0x1D7C0] =	vst v63  }
0x309: {  	_ =	swait.ge [sflag:s21], $0x190  }
0x30a: {  	[sflag:s21] =	ssyncset.done $0x0  }
0x30b: {  	[sflag:s21] =	ssyncadd.s32 $0xFFFFFE70  }
0x30c: {  	_ =	swait.ge [sflag:s18], $0x190  }
0x30d: {  	s16 =	rddreg [dreg:$0xd]  }
0x30e: {  	s26 =	rddreg [dreg:$0xc];
	s16 =	sadd.s32 $0x1, s16  }
0x30f: {  	p0 =	sne.s32 s16, s26  }
.Ltmp5:
0x310: {  	_ = 	snop;
	(pc) =	sbr.rel @p0 .LBB2_1-.Ltmp5, $3  }
0x311: {  	_ =	sdelay $0x1  }
0x312: {  	[sflag:s18] =	ssyncset.done $0x0  }
0x313: {  	[sflag:s18] =	ssyncadd.s32 $0xFFFFFE70  }
0x314: {  	_ =	sfence.sel $0x180000  }
0x315: {  	[bflag:$0x0] =	sbarrier.arrive $0xFFFF  }
0x316: {  	_ =	strace $0x90000047  }
0x317: {  	s0 =	stileid.u32;
	[bflag:$0x2] =	sbarrier.arrive $0xFFFF  }
0x318: {  	p0 =	sne.s32 s0, $0x0;
	s0 =	rddreg [dreg:$0x3]  }
0x319: {  	s0 =	sadd.s32 @!p0 $0x100000, s0  }
0x31a: {  	[sflag:s0] =	ssyncadd.tile.s32 @!p0 $0x1;
	_ =	shalt  }
.Lfunc_end2:
_tile_overlayer_lowered:
.L_overlay_start_2:
0x31b: {  	(tag) =	ssettag $0x2  }
0x31c: {  	s0 =	rddreg [dreg:$0x0];
	s2 =	stileid.u32  }
0x31d: {  	s1 =	rddreg [dreg:$0x1];
	p0 =	sne.s32 s2, $0x0  }
0x31e: {  	s3 =	rddreg [dreg:$0x2];
	[bflag:$0x3] =	sbarrier.arrive $0xFFFF;
	s2 =	simm.s32 @!p0 $0x1C09  }
0x31f: {  	[timem:s3], [sflag:s2] =	dma.local @!p0 [hbm:s0], s1  }
0x320: {  	s0 =	simm.s32 @!p0 $0x9  }
0x321: {  	_ =	swait.ge @!p0 [sflag:s0], s1  }
0x322: {  	s1 =	ssub.s32 @!p0 $0x0, s1;
	[sflag:s0] =	ssyncset.done @!p0 $0x0  }
0x323: {  	[sflag:s0] =	ssyncadd.s32 @!p0 s1  }
0x324: {  	[bflag:$0x3] =	sbarrier.arrive $0xFFFF  }
0x325: {  	_ =	shalt  }

</sc_bundles>
